<compile_context>
chip_gen: v7x
topology: tpu7x:2x2x1
jax: 0.10.2.dev20260603
libtpu: 0.0.44.dev20260713+nightly
codegen_flags: <defaults>
</compile_context>

<pallas_src>
import functools

import jax
import jax.numpy as jnp
from jax import lax
from jax.experimental import pallas as pl
from jax.experimental.pallas import tpu as pltpu
from jax.experimental.pallas import tpu_sc as plsc

VOCAB = 1000000
EMBED_DIM = 32
BATCH = 16384
HIST = 50
NC, NS = 2, 16
NW = NC * NS
BW = BATCH // NW
BT = BW // 128
NBUF = 2

VT_TOTAL = VOCAB // 128
VT_PER_W = -(-VT_TOTAL // NW)
V_TAIL = VOCAB - VT_TOTAL * 128
PACKED_ROWS = VOCAB // 4


@functools.partial(
    pl.kernel,
    out_type=jax.ShapeDtypeStruct((PACKED_ROWS, 128), jnp.float32),
    mesh=plsc.VectorSubcoreMesh(core_axis_name="c", subcore_axis_name="s"),
    compiler_params=pltpu.CompilerParams(use_tc_tiling_on_sc=True,
                                         needs_layout_passes=False),
    scratch_types=(
        [pltpu.VMEM((NBUF, EMBED_DIM, 128), jnp.float32),
         pltpu.VMEM((NBUF, EMBED_DIM, 128), jnp.float32),
         pltpu.VMEM((V_TAIL, 128), jnp.float32)]
        + [pltpu.SemaphoreType.DMA] * (2 * NBUF)
    ),
)
def _sc_repack(tt_hbm, tail_hbm, packed_hbm, in_v, out_v, tail_v, *sems):
    isems = sems[:NBUF]
    osems = sems[NBUF:]
    wid = lax.axis_index("s") * NC + lax.axis_index("c")
    start = wid * VT_PER_W
    end = jnp.minimum(start + VT_PER_W, VT_TOTAL)
    n_my = end - start

    def in_cp(vt, b):
        return pltpu.make_async_copy(
            tt_hbm.at[:, pl.ds(vt * 128, 128)], in_v.at[b], isems[b])

    def out_cp(vt, b):
        return pltpu.make_async_copy(
            out_v.at[b], packed_hbm.at[pl.ds(vt * EMBED_DIM, EMBED_DIM), :],
            osems[b])

    lanes = lax.iota(jnp.int32, 16)

    rows_h = [lanes + 16 * h for h in range(2)]

    def transpose_block(b):
        @plsc.parallel_loop(0, EMBED_DIM, step=1, unroll=4)
        def row_body(r):
            for j in range(4):
                cols = jnp.full((16,), 4 * r + j, jnp.int32)
                for h in range(2):
                    vals = plsc.load_gather(in_v.at[b], [rows_h[h], cols])
                    out_v[b, r, pl.ds(32 * j + 16 * h, 16)] = vals

    @pl.when(n_my > 0)
    def _():
        in_cp(start, 0).start()

    def pair_body(p, carry):
        for b in range(NBUF):
            i = p * NBUF + b
            vt = start + i

            @pl.when(vt + 1 < end)
            def _():
                in_cp(vt + 1, 1 - b).start()

            @pl.when(vt < end)
            def _():
                in_cp(vt, b).wait()

                @pl.when(i >= NBUF)
                def _():
                    out_cp(vt - NBUF, b).wait()

                transpose_block(b)
                out_cp(vt, b).start()
        return carry

    lax.fori_loop(0, -(-VT_PER_W // NBUF), pair_body, 0)
    for b in range(NBUF):
        @pl.when(n_my > b)
        def _():
            out_cp(start, b).wait()

    @pl.when(wid == NW - 1)
    def _():
        pltpu.sync_copy(tail_hbm, tail_v)

        @plsc.parallel_loop(0, V_TAIL // 4, step=1, unroll=4)
        def tail_body(r):
            for k in range(8):
                rows_idx = jnp.full((16,), 4 * r + k // 2, jnp.int32)
                cols = lanes + 16 * (k % 2)
                vals = plsc.load_gather(tail_v, [rows_idx, cols])
                out_v[0, r, pl.ds(16 * k, 16)] = vals

        pltpu.sync_copy(
            out_v.at[0, pl.ds(0, V_TAIL // 4)],
            packed_hbm.at[pl.ds(VT_TOTAL * EMBED_DIM, V_TAIL // 4), :])


@functools.partial(
    pl.kernel,
    out_type=jax.ShapeDtypeStruct((HIST, EMBED_DIM // 8, BATCH // 128, 8, 128),
                                  jnp.float32),
    mesh=plsc.VectorSubcoreMesh(core_axis_name="c", subcore_axis_name="s"),
    compiler_params=pltpu.CompilerParams(use_tc_tiling_on_sc=False,
                                         needs_layout_passes=False),
    scratch_types=(
        [pltpu.VMEM((HIST, BW), jnp.int32),
         pltpu.VMEM((NBUF, BW, EMBED_DIM), jnp.float32),
         pltpu.VMEM((NBUF, EMBED_DIM // 8, BT, 8, 128), jnp.float32)]
        + [pltpu.SemaphoreType.DMA] * (2 * NBUF)
    ),
)
def _sc_gather(xt_hbm, table_hbm, out_hbm, idx_v, rows_v, tiles_v, *sems):
    gsems = sems[:NBUF]
    osems = sems[NBUF:]
    wid = lax.axis_index("s") * NC + lax.axis_index("c")
    b0 = wid * BW

    pltpu.sync_copy(xt_hbm.at[:, pl.ds(b0, BW)], idx_v)

    def gather_cp(t, b):
        return pltpu.make_async_copy(
            table_hbm.at[idx_v.at[t]], rows_v.at[b], gsems[b])

    def write_cp(t, b):
        return pltpu.make_async_copy(
            tiles_v.at[b], out_hbm.at[t, :, pl.ds(wid * BT, BT)], osems[b])

    lanes = lax.iota(jnp.int32, 16)

    rows_bg = [lanes + 16 * i for i in range(BW // 16)]

    def transpose_rows(b):
        @plsc.parallel_loop(0, EMBED_DIM, step=1, unroll=4)
        def col_body(k):
            c8 = k // 8
            cs = k % 8
            cols = jnp.full((16,), k, jnp.int32)
            for bt in range(BT):
                for g in range(8):
                    vals = plsc.load_gather(rows_v.at[b],
                                            [rows_bg[bt * 8 + g], cols])
                    tiles_v[b, c8, bt, cs, pl.ds(g * 16, 16)] = vals

    gather_cp(0, 0).start()

    def pair_body(r, carry):
        for b in range(NBUF):
            t = r * NBUF + b

            @pl.when(t + 1 < HIST)
            def _():
                gather_cp(t + 1, 1 - b).start()

            gather_cp(t, b).wait()

            @pl.when(t >= NBUF)
            def _():
                write_cp(t - NBUF, b).wait()

            transpose_rows(b)
            write_cp(t, b).start()
        return carry

    lax.fori_loop(0, HIST // NBUF, pair_body, 0)
    write_cp(HIST - 2, 0).wait()
    write_cp(HIST - 1, 1).wait()


def kernel(x, table):
    table_t = table.T
    tail = lax.slice(table, (VT_TOTAL * 128, 0), (VOCAB, EMBED_DIM))
    tail_p = jnp.pad(tail, ((0, 0), (0, 128 - EMBED_DIM)))
    packed = _sc_repack(table_t, tail_p)
    raw = _sc_gather(x.T, packed.reshape(VOCAB, EMBED_DIM))
    out = lax.transpose(raw, (2, 4, 0, 1, 3)).reshape(BATCH, HIST, EMBED_DIM)
    return out

# --- scband reference (transcript-rebuilt; emitter-appended) ---
"""Pipeline reference for scband-llembedding-88862873354642 (READ-ONLY COPY).

The authoritative reference and input builder live on the scoring server;
editing this copy changes nothing except your own understanding.
"""

import jax, jax.numpy as jnp
import numpy as np

VOCAB = 1000000
EMBED_DIM = 32
BATCH = 16384
HIST = 50

def setup_inputs(seed: int = 0) -> dict:
    key = jax.random.key(seed)
    k_idx, k_tab = jax.random.split(key)
    x = jax.random.randint(k_idx, (BATCH, HIST), 0, VOCAB, dtype=jnp.int32)
    table = jax.random.normal(k_tab, (VOCAB, EMBED_DIM), dtype=jnp.float32)
    return {"x": x, "table": table}

def reference(x, table):
    # LLEmbedding on its first call (T == 0) simply applies the wrapped
    # nn.Embedding: a plain table gather. Subsequent calls return zeros of
    # the cached shape; we model the first (meaningful) call.
    out = jnp.take(table, x, axis=0)
    return out

if __name__ == "__main__":
    import jax
    _d = setup_inputs()
    print(jax.jit(kernel)(*tuple(_d.values())))

</pallas_src>

<mosaic_0001>
#map = affine_map<(d0, d1) -> (0, 0)>
module attributes {stable_mosaic.version = 14 : i64} {
  func.func @_sc_repack(%arg0: i32, %arg1: i32, %arg2: memref<32x1000000xf32, #tpu.memory_space<hbm>>, %arg3: memref<64x128xf32, #tpu.memory_space<hbm>>, %arg4: memref<250000x128xf32, #tpu.memory_space<hbm>>, %arg5: memref<2x32x128xf32, #tpu.memory_space<vmem>>, %arg6: memref<2x32x128xf32, #tpu.memory_space<vmem>>, %arg7: memref<64x128xf32, #tpu.memory_space<vmem>>, %arg8: memref<!tpu.dma_semaphore, #tpu.memory_space<semaphore_mem>>, %arg9: memref<!tpu.dma_semaphore, #tpu.memory_space<semaphore_mem>>, %arg10: memref<!tpu.dma_semaphore, #tpu.memory_space<semaphore_mem>>, %arg11: memref<!tpu.dma_semaphore, #tpu.memory_space<semaphore_mem>>) attributes {dimension_semantics = [#tpu.dimension_semantics<core_parallel>, #tpu.dimension_semantics<subcore_parallel>], iteration_bounds = array<i64: 2, 16>, scalar_prefetch = 0 : i64, scratch_operands = 7 : i64, tpu.core_type = #tpu.core_type<sc_vector_subcore>, window_params = [{transform_indices = #map}, {transform_indices = #map}, {transform_indices = #map}]} {
    %mul3A = arith.constant 2 : i32
    %mul3A_0 = arith.muli %arg1, %mul3A : i32
    %add3A = arith.addi %mul3A_0, %arg0 : i32
    %mul3A_1 = arith.constant 245 : i32
    %mul3A_2 = arith.muli %add3A, %mul3A_1 : i32
    %add3A_3 = arith.constant 245 : i32
    %add3A_4 = arith.addi %mul3A_2, %add3A_3 : i32
    %min3A = arith.constant 7812 : i32
    %min3A_5 = arith.minsi %add3A_4, %min3A : i32
    %sub3A = arith.subi %min3A_5, %mul3A_2 : i32
    %iota3A = tpu.iota {dimensions = array<i32: 0>} : vector<16xi32>
    %add3A_6 = arith.constant 0 : i32
    %add3A_7 = vector.broadcast %add3A_6 : i32 to vector<16xi32>
    %add3A_8 = arith.addi %iota3A, %add3A_7 : vector<16xi32>
    %add3A_9 = arith.constant 16 : i32
    %add3A_10 = vector.broadcast %add3A_9 : i32 to vector<16xi32>
    %add3A_11 = arith.addi %iota3A, %add3A_10 : vector<16xi32>
    %gt3A = arith.constant 0 : i32
    %gt3A_12 = arith.cmpi sgt, %sub3A, %gt3A : i32
    %convert_element_type3A = arith.extui %gt3A_12 : i1 to i32
    %cond3A = arith.constant 0 : i32
    %cond3A_13 = arith.cmpi ne, %convert_element_type3A, %cond3A : i32
    scf.if %cond3A_13 {
      %mul3A_33 = arith.constant 128 : i32
      %mul3A_34 = arith.muli %mul3A_2, %mul3A_33 : i32
      %dma_start3A = arith.constant 0 : i32
      %dma_start3A_35 = arith.constant 0 : i32
      %dma_start3A_36 = arith.constant 0 : i32
      %dma_start3A_37 = tpu.memref_slice %arg5[%dma_start3A, %dma_start3A_35, %dma_start3A_36] : memref<2x32x128xf32, #tpu.memory_space<vmem>> -> memref<1x32x128xf32, #tpu.memory_space<vmem>>
      %dma_start3A_38 = tpu.memref_squeeze %dma_start3A_37 : memref<1x32x128xf32, #tpu.memory_space<vmem>> -> memref<32x128xf32, #tpu.memory_space<vmem>>
      %dma_start3A_39 = arith.constant 0 : i32
      %dma_start3A_40 = tpu.memref_slice %arg2[%dma_start3A_39, %mul3A_34] : memref<32x1000000xf32, #tpu.memory_space<hbm>> -> memref<32x128xf32, #tpu.memory_space<hbm>>
      %dma_start3A_41 = arith.constant 0 : i32
      %dma_start3A_42 = arith.constant 0 : i32
      %dma_start3A_43 = tpu.memref_slice %arg5[%dma_start3A, %dma_start3A_41, %dma_start3A_42] : memref<2x32x128xf32, #tpu.memory_space<vmem>> -> memref<1x32x128xf32, #tpu.memory_space<vmem>>
      %dma_start3A_44 = tpu.memref_squeeze %dma_start3A_43 : memref<1x32x128xf32, #tpu.memory_space<vmem>> -> memref<32x128xf32, #tpu.memory_space<vmem>>
      %dma_start3A_45 = arith.constant 0 : i32
      %dma_start3A_46 = tpu.memref_slice %arg2[%dma_start3A_45, %mul3A_34] : memref<32x1000000xf32, #tpu.memory_space<hbm>> -> memref<32x128xf32, #tpu.memory_space<hbm>>
      tpu.enqueue_dma source(%dma_start3A_46 : memref<32x128xf32, #tpu.memory_space<hbm>>) target(%dma_start3A_44 : memref<32x128xf32, #tpu.memory_space<vmem>>) target_semaphore(%arg8 : memref<!tpu.dma_semaphore, #tpu.memory_space<semaphore_mem>>)
    } else {
    }
    %scan3A = arith.constant 0 : i32
    %scan3A_14 = arith.constant 0 : i32
    %scan3A_15 = arith.constant 123 : i32
    %scan3A_16 = arith.addi %scan3A_14, %scan3A_15 : i32
    %scan3A_17 = arith.constant 1 : i32
    scf.for %scan3A_33 = %scan3A_14 to %scan3A_16 step %scan3A_17  : i32 {
      %mul3A_34 = arith.constant 2 : i32
      %mul3A_35 = arith.muli %scan3A_33, %mul3A_34 : i32
      %add3A_36 = arith.constant 0 : i32
      %add3A_37 = arith.addi %mul3A_35, %add3A_36 : i32
      %add3A_38 = arith.addi %mul3A_2, %add3A_37 : i32
      %add3A_39 = arith.constant 1 : i32
      %add3A_40 = arith.addi %add3A_38, %add3A_39 : i32
      %lt3A = arith.cmpi slt, %add3A_40, %min3A_5 : i32
      %convert_element_type3A_41 = arith.extui %lt3A : i1 to i32
      %cond3A_42 = arith.constant 0 : i32
      %cond3A_43 = arith.cmpi ne, %convert_element_type3A_41, %cond3A_42 : i32
      scf.if %cond3A_43 {
        %add3A_63 = arith.constant 1 : i32
        %add3A_64 = arith.addi %add3A_38, %add3A_63 : i32
        %mul3A_65 = arith.constant 128 : i32
        %mul3A_66 = arith.muli %add3A_64, %mul3A_65 : i32
        %dma_start3A = arith.constant 1 : i32
        %dma_start3A_67 = arith.constant 0 : i32
        %dma_start3A_68 = arith.constant 0 : i32
        %dma_start3A_69 = tpu.memref_slice %arg5[%dma_start3A, %dma_start3A_67, %dma_start3A_68] : memref<2x32x128xf32, #tpu.memory_space<vmem>> -> memref<1x32x128xf32, #tpu.memory_space<vmem>>
        %dma_start3A_70 = tpu.memref_squeeze %dma_start3A_69 : memref<1x32x128xf32, #tpu.memory_space<vmem>> -> memref<32x128xf32, #tpu.memory_space<vmem>>
        %dma_start3A_71 = arith.constant 0 : i32
        %dma_start3A_72 = tpu.memref_slice %arg2[%dma_start3A_71, %mul3A_66] : memref<32x1000000xf32, #tpu.memory_space<hbm>> -> memref<32x128xf32, #tpu.memory_space<hbm>>
        %dma_start3A_73 = arith.constant 0 : i32
        %dma_start3A_74 = arith.constant 0 : i32
        %dma_start3A_75 = tpu.memref_slice %arg5[%dma_start3A, %dma_start3A_73, %dma_start3A_74] : memref<2x32x128xf32, #tpu.memory_space<vmem>> -> memref<1x32x128xf32, #tpu.memory_space<vmem>>
        %dma_start3A_76 = tpu.memref_squeeze %dma_start3A_75 : memref<1x32x128xf32, #tpu.memory_space<vmem>> -> memref<32x128xf32, #tpu.memory_space<vmem>>
        %dma_start3A_77 = arith.constant 0 : i32
        %dma_start3A_78 = tpu.memref_slice %arg2[%dma_start3A_77, %mul3A_66] : memref<32x1000000xf32, #tpu.memory_space<hbm>> -> memref<32x128xf32, #tpu.memory_space<hbm>>
        tpu.enqueue_dma source(%dma_start3A_78 : memref<32x128xf32, #tpu.memory_space<hbm>>) target(%dma_start3A_76 : memref<32x128xf32, #tpu.memory_space<vmem>>) target_semaphore(%arg9 : memref<!tpu.dma_semaphore, #tpu.memory_space<semaphore_mem>>)
      } else {
      }
      %lt3A_44 = arith.cmpi slt, %add3A_38, %min3A_5 : i32
      %convert_element_type3A_45 = arith.extui %lt3A_44 : i1 to i32
      %cond3A_46 = arith.constant 0 : i32
      %cond3A_47 = arith.cmpi ne, %convert_element_type3A_45, %cond3A_46 : i32
      scf.if %cond3A_47 {
        %mul3A_63 = arith.constant 128 : i32
        %mul3A_64 = arith.muli %add3A_38, %mul3A_63 : i32
        %dma_wait3A = arith.constant 0 : i32
        %dma_wait3A_65 = arith.constant 0 : i32
        %dma_wait3A_66 = arith.constant 0 : i32
        %dma_wait3A_67 = tpu.memref_slice %arg5[%dma_wait3A, %dma_wait3A_65, %dma_wait3A_66] : memref<2x32x128xf32, #tpu.memory_space<vmem>> -> memref<1x32x128xf32, #tpu.memory_space<vmem>>
        %dma_wait3A_68 = tpu.memref_squeeze %dma_wait3A_67 : memref<1x32x128xf32, #tpu.memory_space<vmem>> -> memref<32x128xf32, #tpu.memory_space<vmem>>
        %dma_wait3A_69 = arith.constant 0 : i32
        %dma_wait3A_70 = tpu.memref_slice %arg2[%dma_wait3A_69, %mul3A_64] : memref<32x1000000xf32, #tpu.memory_space<hbm>> -> memref<32x128xf32, #tpu.memory_space<hbm>>
        %dma_wait3A_71 = arith.constant 0 : i32
        %dma_wait3A_72 = arith.constant 0 : i32
        %dma_wait3A_73 = tpu.memref_slice %arg5[%dma_wait3A, %dma_wait3A_71, %dma_wait3A_72] : memref<2x32x128xf32, #tpu.memory_space<vmem>> -> memref<1x32x128xf32, #tpu.memory_space<vmem>>
        %dma_wait3A_74 = tpu.memref_squeeze %dma_wait3A_73 : memref<1x32x128xf32, #tpu.memory_space<vmem>> -> memref<32x128xf32, #tpu.memory_space<vmem>>
        %dma_wait3A_75 = arith.constant 0 : i32
        %dma_wait3A_76 = tpu.memref_slice %arg2[%dma_wait3A_75, %mul3A_64] : memref<32x1000000xf32, #tpu.memory_space<hbm>> -> memref<32x128xf32, #tpu.memory_space<hbm>>
        tpu.wait_dma2 semaphore(%arg8 : memref<!tpu.dma_semaphore, #tpu.memory_space<semaphore_mem>>) src(%dma_wait3A_76 : memref<32x128xf32, #tpu.memory_space<hbm>>) dst(%dma_wait3A_74 : memref<32x128xf32, #tpu.memory_space<vmem>>)
        %ge3A = arith.constant 2 : i32
        %ge3A_77 = arith.cmpi sge, %add3A_37, %ge3A : i32
        %convert_element_type3A_78 = arith.extui %ge3A_77 : i1 to i32
        %cond3A_79 = arith.constant 0 : i32
        %cond3A_80 = arith.cmpi ne, %convert_element_type3A_78, %cond3A_79 : i32
        scf.if %cond3A_80 {
          %sub3A_97 = arith.constant 2 : i32
          %sub3A_98 = arith.subi %add3A_38, %sub3A_97 : i32
          %mul3A_99 = arith.constant 32 : i32
          %mul3A_100 = arith.muli %sub3A_98, %mul3A_99 : i32
          %dma_wait3A_101 = arith.constant 0 : i32
          %dma_wait3A_102 = arith.constant 0 : i32
          %dma_wait3A_103 = arith.constant 0 : i32
          %dma_wait3A_104 = tpu.memref_slice %arg6[%dma_wait3A_101, %dma_wait3A_102, %dma_wait3A_103] : memref<2x32x128xf32, #tpu.memory_space<vmem>> -> memref<1x32x128xf32, #tpu.memory_space<vmem>>
          %dma_wait3A_105 = tpu.memref_squeeze %dma_wait3A_104 : memref<1x32x128xf32, #tpu.memory_space<vmem>> -> memref<32x128xf32, #tpu.memory_space<vmem>>
          %dma_wait3A_106 = arith.constant 0 : i32
          %dma_wait3A_107 = tpu.memref_slice %arg4[%mul3A_100, %dma_wait3A_106] : memref<250000x128xf32, #tpu.memory_space<hbm>> -> memref<32x128xf32, #tpu.memory_space<hbm>>
          %dma_wait3A_108 = arith.constant 0 : i32
          %dma_wait3A_109 = tpu.memref_slice %arg4[%mul3A_100, %dma_wait3A_108] : memref<250000x128xf32, #tpu.memory_space<hbm>> -> memref<32x128xf32, #tpu.memory_space<hbm>>
          %dma_wait3A_110 = arith.constant 0 : i32
          %dma_wait3A_111 = arith.constant 0 : i32
          %dma_wait3A_112 = tpu.memref_slice %arg6[%dma_wait3A_101, %dma_wait3A_110, %dma_wait3A_111] : memref<2x32x128xf32, #tpu.memory_space<vmem>> -> memref<1x32x128xf32, #tpu.memory_space<vmem>>
          %dma_wait3A_113 = tpu.memref_squeeze %dma_wait3A_112 : memref<1x32x128xf32, #tpu.memory_space<vmem>> -> memref<32x128xf32, #tpu.memory_space<vmem>>
          tpu.wait_dma2 semaphore(%arg10 : memref<!tpu.dma_semaphore, #tpu.memory_space<semaphore_mem>>) src(%dma_wait3A_113 : memref<32x128xf32, #tpu.memory_space<vmem>>) dst(%dma_wait3A_109 : memref<32x128xf32, #tpu.memory_space<hbm>>)
        } else {
        }
        %parallel_loop3A = arith.constant 0 : i32
        %parallel_loop3A_81 = arith.constant 32 : i32
        %parallel_loop3A_82 = arith.constant 1 : i32
        scf.for %parallel_loop3A_97 = %parallel_loop3A to %parallel_loop3A_81 step %parallel_loop3A_82  : i32 {
          %parallel_loop3A_98 = arith.constant 4 : i32
          %parallel_loop3A_99 = arith.muli %parallel_loop3A_98, %parallel_loop3A_97 : i32
          %parallel_loop3A_100 = arith.constant 0 : i32
          %parallel_loop3A_101 = arith.addi %parallel_loop3A_99, %parallel_loop3A_100 : i32
          %parallel_loop3A_102 = vector.broadcast %parallel_loop3A_101 : i32 to vector<16xi32>
          %parallel_loop3A_103 = arith.constant 0 : i32
          %parallel_loop3A_104 = arith.constant 0 : i32
          %parallel_loop3A_105 = arith.constant 0 : i32
          %parallel_loop3A_106 = tpu.memref_slice %arg5[%parallel_loop3A_103, %parallel_loop3A_104, %parallel_loop3A_105] : memref<2x32x128xf32, #tpu.memory_space<vmem>> -> memref<1x32x128xf32, #tpu.memory_space<vmem>>
          %parallel_loop3A_107 = tpu.memref_squeeze %parallel_loop3A_106 : memref<1x32x128xf32, #tpu.memory_space<vmem>> -> memref<32x128xf32, #tpu.memory_space<vmem>>
          %parallel_loop3A_108 = tpu.vector_load_idx %parallel_loop3A_107[%add3A_8, %parallel_loop3A_102] : memref<32x128xf32, #tpu.memory_space<vmem>>[vector<16xi32>, vector<16xi32>], vector<16xf32>,
          %parallel_loop3A_109 = arith.constant 0 : i32
          %parallel_loop3A_110 = arith.index_cast %parallel_loop3A_109 : i32 to index
          %parallel_loop3A_111 = arith.index_cast %parallel_loop3A_97 : i32 to index
          %parallel_loop3A_112 = arith.constant 0 : index
          %parallel_loop3A_113 = tpu.vector_load %arg6[%parallel_loop3A_110, %parallel_loop3A_111, %parallel_loop3A_112] {strides = array<i32>} : memref<2x32x128xf32, #tpu.memory_space<vmem>>, vector<16xf32>,
          tpu.vector_store %arg6[%parallel_loop3A_110, %parallel_loop3A_111, %parallel_loop3A_112], %parallel_loop3A_108 {strides = array<i32>} : memref<2x32x128xf32, #tpu.memory_space<vmem>>, vector<16xf32>,
          %parallel_loop3A_114 = arith.constant 0 : i32
          %parallel_loop3A_115 = arith.constant 0 : i32
          %parallel_loop3A_116 = arith.constant 0 : i32
          %parallel_loop3A_117 = tpu.memref_slice %arg5[%parallel_loop3A_114, %parallel_loop3A_115, %parallel_loop3A_116] : memref<2x32x128xf32, #tpu.memory_space<vmem>> -> memref<1x32x128xf32, #tpu.memory_space<vmem>>
          %parallel_loop3A_118 = tpu.memref_squeeze %parallel_loop3A_117 : memref<1x32x128xf32, #tpu.memory_space<vmem>> -> memref<32x128xf32, #tpu.memory_space<vmem>>
          %parallel_loop3A_119 = tpu.vector_load_idx %parallel_loop3A_118[%add3A_11, %parallel_loop3A_102] : memref<32x128xf32, #tpu.memory_space<vmem>>[vector<16xi32>, vector<16xi32>], vector<16xf32>,
          %parallel_loop3A_120 = arith.constant 0 : i32
          %parallel_loop3A_121 = arith.index_cast %parallel_loop3A_120 : i32 to index
          %parallel_loop3A_122 = arith.index_cast %parallel_loop3A_97 : i32 to index
          %parallel_loop3A_123 = arith.constant 16 : index
          %parallel_loop3A_124 = tpu.vector_load %arg6[%parallel_loop3A_121, %parallel_loop3A_122, %parallel_loop3A_123] {strides = array<i32>} : memref<2x32x128xf32, #tpu.memory_space<vmem>>, vector<16xf32>,
          tpu.vector_store %arg6[%parallel_loop3A_121, %parallel_loop3A_122, %parallel_loop3A_123], %parallel_loop3A_119 {strides = array<i32>} : memref<2x32x128xf32, #tpu.memory_space<vmem>>, vector<16xf32>,
          %parallel_loop3A_125 = arith.constant 4 : i32
          %parallel_loop3A_126 = arith.muli %parallel_loop3A_125, %parallel_loop3A_97 : i32
          %parallel_loop3A_127 = arith.constant 1 : i32
          %parallel_loop3A_128 = arith.addi %parallel_loop3A_126, %parallel_loop3A_127 : i32
          %parallel_loop3A_129 = vector.broadcast %parallel_loop3A_128 : i32 to vector<16xi32>
          %parallel_loop3A_130 = arith.constant 0 : i32
          %parallel_loop3A_131 = arith.constant 0 : i32
          %parallel_loop3A_132 = arith.constant 0 : i32
          %parallel_loop3A_133 = tpu.memref_slice %arg5[%parallel_loop3A_130, %parallel_loop3A_131, %parallel_loop3A_132] : memref<2x32x128xf32, #tpu.memory_space<vmem>> -> memref<1x32x128xf32, #tpu.memory_space<vmem>>
          %parallel_loop3A_134 = tpu.memref_squeeze %parallel_loop3A_133 : memref<1x32x128xf32, #tpu.memory_space<vmem>> -> memref<32x128xf32, #tpu.memory_space<vmem>>
          %parallel_loop3A_135 = tpu.vector_load_idx %parallel_loop3A_134[%add3A_8, %parallel_loop3A_129] : memref<32x128xf32, #tpu.memory_space<vmem>>[vector<16xi32>, vector<16xi32>], vector<16xf32>,
          %parallel_loop3A_136 = arith.constant 0 : i32
          %parallel_loop3A_137 = arith.index_cast %parallel_loop3A_136 : i32 to index
          %parallel_loop3A_138 = arith.index_cast %parallel_loop3A_97 : i32 to index
          %parallel_loop3A_139 = arith.constant 32 : index
          %parallel_loop3A_140 = tpu.vector_load %arg6[%parallel_loop3A_137, %parallel_loop3A_138, %parallel_loop3A_139] {strides = array<i32>} : memref<2x32x128xf32, #tpu.memory_space<vmem>>, vector<16xf32>,
          tpu.vector_store %arg6[%parallel_loop3A_137, %parallel_loop3A_138, %parallel_loop3A_139], %parallel_loop3A_135 {strides = array<i32>} : memref<2x32x128xf32, #tpu.memory_space<vmem>>, vector<16xf32>,
          %parallel_loop3A_141 = arith.constant 0 : i32
          %parallel_loop3A_142 = arith.constant 0 : i32
          %parallel_loop3A_143 = arith.constant 0 : i32
          %parallel_loop3A_144 = tpu.memref_slice %arg5[%parallel_loop3A_141, %parallel_loop3A_142, %parallel_loop3A_143] : memref<2x32x128xf32, #tpu.memory_space<vmem>> -> memref<1x32x128xf32, #tpu.memory_space<vmem>>
          %parallel_loop3A_145 = tpu.memref_squeeze %parallel_loop3A_144 : memref<1x32x128xf32, #tpu.memory_space<vmem>> -> memref<32x128xf32, #tpu.memory_space<vmem>>
          %parallel_loop3A_146 = tpu.vector_load_idx %parallel_loop3A_145[%add3A_11, %parallel_loop3A_129] : memref<32x128xf32, #tpu.memory_space<vmem>>[vector<16xi32>, vector<16xi32>], vector<16xf32>,
          %parallel_loop3A_147 = arith.constant 0 : i32
          %parallel_loop3A_148 = arith.index_cast %parallel_loop3A_147 : i32 to index
          %parallel_loop3A_149 = arith.index_cast %parallel_loop3A_97 : i32 to index
          %parallel_loop3A_150 = arith.constant 48 : index
          %parallel_loop3A_151 = tpu.vector_load %arg6[%parallel_loop3A_148, %parallel_loop3A_149, %parallel_loop3A_150] {strides = array<i32>} : memref<2x32x128xf32, #tpu.memory_space<vmem>>, vector<16xf32>,
          tpu.vector_store %arg6[%parallel_loop3A_148, %parallel_loop3A_149, %parallel_loop3A_150], %parallel_loop3A_146 {strides = array<i32>} : memref<2x32x128xf32, #tpu.memory_space<vmem>>, vector<16xf32>,
          %parallel_loop3A_152 = arith.constant 4 : i32
          %parallel_loop3A_153 = arith.muli %parallel_loop3A_152, %parallel_loop3A_97 : i32
          %parallel_loop3A_154 = arith.constant 2 : i32
          %parallel_loop3A_155 = arith.addi %parallel_loop3A_153, %parallel_loop3A_154 : i32
          %parallel_loop3A_156 = vector.broadcast %parallel_loop3A_155 : i32 to vector<16xi32>
          %parallel_loop3A_157 = arith.constant 0 : i32
          %parallel_loop3A_158 = arith.constant 0 : i32
          %parallel_loop3A_159 = arith.constant 0 : i32
          %parallel_loop3A_160 = tpu.memref_slice %arg5[%parallel_loop3A_157, %parallel_loop3A_158, %parallel_loop3A_159] : memref<2x32x128xf32, #tpu.memory_space<vmem>> -> memref<1x32x128xf32, #tpu.memory_space<vmem>>
          %parallel_loop3A_161 = tpu.memref_squeeze %parallel_loop3A_160 : memref<1x32x128xf32, #tpu.memory_space<vmem>> -> memref<32x128xf32, #tpu.memory_space<vmem>>
          %parallel_loop3A_162 = tpu.vector_load_idx %parallel_loop3A_161[%add3A_8, %parallel_loop3A_156] : memref<32x128xf32, #tpu.memory_space<vmem>>[vector<16xi32>, vector<16xi32>], vector<16xf32>,
          %parallel_loop3A_163 = arith.constant 0 : i32
          %parallel_loop3A_164 = arith.index_cast %parallel_loop3A_163 : i32 to index
          %parallel_loop3A_165 = arith.index_cast %parallel_loop3A_97 : i32 to index
          %parallel_loop3A_166 = arith.constant 64 : index
          %parallel_loop3A_167 = tpu.vector_load %arg6[%parallel_loop3A_164, %parallel_loop3A_165, %parallel_loop3A_166] {strides = array<i32>} : memref<2x32x128xf32, #tpu.memory_space<vmem>>, vector<16xf32>,
          tpu.vector_store %arg6[%parallel_loop3A_164, %parallel_loop3A_165, %parallel_loop3A_166], %parallel_loop3A_162 {strides = array<i32>} : memref<2x32x128xf32, #tpu.memory_space<vmem>>, vector<16xf32>,
          %parallel_loop3A_168 = arith.constant 0 : i32
          %parallel_loop3A_169 = arith.constant 0 : i32
          %parallel_loop3A_170 = arith.constant 0 : i32
          %parallel_loop3A_171 = tpu.memref_slice %arg5[%parallel_loop3A_168, %parallel_loop3A_169, %parallel_loop3A_170] : memref<2x32x128xf32, #tpu.memory_space<vmem>> -> memref<1x32x128xf32, #tpu.memory_space<vmem>>
          %parallel_loop3A_172 = tpu.memref_squeeze %parallel_loop3A_171 : memref<1x32x128xf32, #tpu.memory_space<vmem>> -> memref<32x128xf32, #tpu.memory_space<vmem>>
          %parallel_loop3A_173 = tpu.vector_load_idx %parallel_loop3A_172[%add3A_11, %parallel_loop3A_156] : memref<32x128xf32, #tpu.memory_space<vmem>>[vector<16xi32>, vector<16xi32>], vector<16xf32>,
          %parallel_loop3A_174 = arith.constant 0 : i32
          %parallel_loop3A_175 = arith.index_cast %parallel_loop3A_174 : i32 to index
          %parallel_loop3A_176 = arith.index_cast %parallel_loop3A_97 : i32 to index
          %parallel_loop3A_177 = arith.constant 80 : index
          %parallel_loop3A_178 = tpu.vector_load %arg6[%parallel_loop3A_175, %parallel_loop3A_176, %parallel_loop3A_177] {strides = array<i32>} : memref<2x32x128xf32, #tpu.memory_space<vmem>>, vector<16xf32>,
          tpu.vector_store %arg6[%parallel_loop3A_175, %parallel_loop3A_176, %parallel_loop3A_177], %parallel_loop3A_173 {strides = array<i32>} : memref<2x32x128xf32, #tpu.memory_space<vmem>>, vector<16xf32>,
          %parallel_loop3A_179 = arith.constant 4 : i32
          %parallel_loop3A_180 = arith.muli %parallel_loop3A_179, %parallel_loop3A_97 : i32
          %parallel_loop3A_181 = arith.constant 3 : i32
          %parallel_loop3A_182 = arith.addi %parallel_loop3A_180, %parallel_loop3A_181 : i32
          %parallel_loop3A_183 = vector.broadcast %parallel_loop3A_182 : i32 to vector<16xi32>
          %parallel_loop3A_184 = arith.constant 0 : i32
          %parallel_loop3A_185 = arith.constant 0 : i32
          %parallel_loop3A_186 = arith.constant 0 : i32
          %parallel_loop3A_187 = tpu.memref_slice %arg5[%parallel_loop3A_184, %parallel_loop3A_185, %parallel_loop3A_186] : memref<2x32x128xf32, #tpu.memory_space<vmem>> -> memref<1x32x128xf32, #tpu.memory_space<vmem>>
          %parallel_loop3A_188 = tpu.memref_squeeze %parallel_loop3A_187 : memref<1x32x128xf32, #tpu.memory_space<vmem>> -> memref<32x128xf32, #tpu.memory_space<vmem>>
          %parallel_loop3A_189 = tpu.vector_load_idx %parallel_loop3A_188[%add3A_8, %parallel_loop3A_183] : memref<32x128xf32, #tpu.memory_space<vmem>>[vector<16xi32>, vector<16xi32>], vector<16xf32>,
          %parallel_loop3A_190 = arith.constant 0 : i32
          %parallel_loop3A_191 = arith.index_cast %parallel_loop3A_190 : i32 to index
          %parallel_loop3A_192 = arith.index_cast %parallel_loop3A_97 : i32 to index
          %parallel_loop3A_193 = arith.constant 96 : index
          %parallel_loop3A_194 = tpu.vector_load %arg6[%parallel_loop3A_191, %parallel_loop3A_192, %parallel_loop3A_193] {strides = array<i32>} : memref<2x32x128xf32, #tpu.memory_space<vmem>>, vector<16xf32>,
          tpu.vector_store %arg6[%parallel_loop3A_191, %parallel_loop3A_192, %parallel_loop3A_193], %parallel_loop3A_189 {strides = array<i32>} : memref<2x32x128xf32, #tpu.memory_space<vmem>>, vector<16xf32>,
          %parallel_loop3A_195 = arith.constant 0 : i32
          %parallel_loop3A_196 = arith.constant 0 : i32
          %parallel_loop3A_197 = arith.constant 0 : i32
          %parallel_loop3A_198 = tpu.memref_slice %arg5[%parallel_loop3A_195, %parallel_loop3A_196, %parallel_loop3A_197] : memref<2x32x128xf32, #tpu.memory_space<vmem>> -> memref<1x32x128xf32, #tpu.memory_space<vmem>>
          %parallel_loop3A_199 = tpu.memref_squeeze %parallel_loop3A_198 : memref<1x32x128xf32, #tpu.memory_space<vmem>> -> memref<32x128xf32, #tpu.memory_space<vmem>>
          %parallel_loop3A_200 = tpu.vector_load_idx %parallel_loop3A_199[%add3A_11, %parallel_loop3A_183] : memref<32x128xf32, #tpu.memory_space<vmem>>[vector<16xi32>, vector<16xi32>], vector<16xf32>,
          %parallel_loop3A_201 = arith.constant 0 : i32
          %parallel_loop3A_202 = arith.index_cast %parallel_loop3A_201 : i32 to index
          %parallel_loop3A_203 = arith.index_cast %parallel_loop3A_97 : i32 to index
          %parallel_loop3A_204 = arith.constant 112 : index
          %parallel_loop3A_205 = tpu.vector_load %arg6[%parallel_loop3A_202, %parallel_loop3A_203, %parallel_loop3A_204] {strides = array<i32>} : memref<2x32x128xf32, #tpu.memory_space<vmem>>, vector<16xf32>,
          tpu.vector_store %arg6[%parallel_loop3A_202, %parallel_loop3A_203, %parallel_loop3A_204], %parallel_loop3A_200 {strides = array<i32>} : memref<2x32x128xf32, #tpu.memory_space<vmem>>, vector<16xf32>,
        } {sc.loop_unroll_factor = 4 : i64, sc.parallel_access}
        %mul3A_83 = arith.constant 32 : i32
        %mul3A_84 = arith.muli %add3A_38, %mul3A_83 : i32
        %dma_start3A = arith.constant 0 : i32
        %dma_start3A_85 = arith.constant 0 : i32
        %dma_start3A_86 = arith.constant 0 : i32
        %dma_start3A_87 = tpu.memref_slice %arg6[%dma_start3A, %dma_start3A_85, %dma_start3A_86] : memref<2x32x128xf32, #tpu.memory_space<vmem>> -> memref<1x32x128xf32, #tpu.memory_space<vmem>>
        %dma_start3A_88 = tpu.memref_squeeze %dma_start3A_87 : memref<1x32x128xf32, #tpu.memory_space<vmem>> -> memref<32x128xf32, #tpu.memory_space<vmem>>
        %dma_start3A_89 = arith.constant 0 : i32
        %dma_start3A_90 = tpu.memref_slice %arg4[%mul3A_84, %dma_start3A_89] : memref<250000x128xf32, #tpu.memory_space<hbm>> -> memref<32x128xf32, #tpu.memory_space<hbm>>
        %dma_start3A_91 = arith.constant 0 : i32
        %dma_start3A_92 = tpu.memref_slice %arg4[%mul3A_84, %dma_start3A_91] : memref<250000x128xf32, #tpu.memory_space<hbm>> -> memref<32x128xf32, #tpu.memory_space<hbm>>
        %dma_start3A_93 = arith.constant 0 : i32
        %dma_start3A_94 = arith.constant 0 : i32
        %dma_start3A_95 = tpu.memref_slice %arg6[%dma_start3A, %dma_start3A_93, %dma_start3A_94] : memref<2x32x128xf32, #tpu.memory_space<vmem>> -> memref<1x32x128xf32, #tpu.memory_space<vmem>>
        %dma_start3A_96 = tpu.memref_squeeze %dma_start3A_95 : memref<1x32x128xf32, #tpu.memory_space<vmem>> -> memref<32x128xf32, #tpu.memory_space<vmem>>
        tpu.enqueue_dma source(%dma_start3A_96 : memref<32x128xf32, #tpu.memory_space<vmem>>) target(%dma_start3A_92 : memref<32x128xf32, #tpu.memory_space<hbm>>) target_semaphore(%arg10 : memref<!tpu.dma_semaphore, #tpu.memory_space<semaphore_mem>>)
      } else {
      }
      %mul3A_48 = arith.constant 2 : i32
      %mul3A_49 = arith.muli %scan3A_33, %mul3A_48 : i32
      %add3A_50 = arith.constant 1 : i32
      %add3A_51 = arith.addi %mul3A_49, %add3A_50 : i32
      %add3A_52 = arith.addi %mul3A_2, %add3A_51 : i32
      %add3A_53 = arith.constant 1 : i32
      %add3A_54 = arith.addi %add3A_52, %add3A_53 : i32
      %lt3A_55 = arith.cmpi slt, %add3A_54, %min3A_5 : i32
      %convert_element_type3A_56 = arith.extui %lt3A_55 : i1 to i32
      %cond3A_57 = arith.constant 0 : i32
      %cond3A_58 = arith.cmpi ne, %convert_element_type3A_56, %cond3A_57 : i32
      scf.if %cond3A_58 {
        %add3A_63 = arith.constant 1 : i32
        %add3A_64 = arith.addi %add3A_52, %add3A_63 : i32
        %mul3A_65 = arith.constant 128 : i32
        %mul3A_66 = arith.muli %add3A_64, %mul3A_65 : i32
        %dma_start3A = arith.constant 0 : i32
        %dma_start3A_67 = arith.constant 0 : i32
        %dma_start3A_68 = arith.constant 0 : i32
        %dma_start3A_69 = tpu.memref_slice %arg5[%dma_start3A, %dma_start3A_67, %dma_start3A_68] : memref<2x32x128xf32, #tpu.memory_space<vmem>> -> memref<1x32x128xf32, #tpu.memory_space<vmem>>
        %dma_start3A_70 = tpu.memref_squeeze %dma_start3A_69 : memref<1x32x128xf32, #tpu.memory_space<vmem>> -> memref<32x128xf32, #tpu.memory_space<vmem>>
        %dma_start3A_71 = arith.constant 0 : i32
        %dma_start3A_72 = tpu.memref_slice %arg2[%dma_start3A_71, %mul3A_66] : memref<32x1000000xf32, #tpu.memory_space<hbm>> -> memref<32x128xf32, #tpu.memory_space<hbm>>
        %dma_start3A_73 = arith.constant 0 : i32
        %dma_start3A_74 = arith.constant 0 : i32
        %dma_start3A_75 = tpu.memref_slice %arg5[%dma_start3A, %dma_start3A_73, %dma_start3A_74] : memref<2x32x128xf32, #tpu.memory_space<vmem>> -> memref<1x32x128xf32, #tpu.memory_space<vmem>>
        %dma_start3A_76 = tpu.memref_squeeze %dma_start3A_75 : memref<1x32x128xf32, #tpu.memory_space<vmem>> -> memref<32x128xf32, #tpu.memory_space<vmem>>
        %dma_start3A_77 = arith.constant 0 : i32
        %dma_start3A_78 = tpu.memref_slice %arg2[%dma_start3A_77, %mul3A_66] : memref<32x1000000xf32, #tpu.memory_space<hbm>> -> memref<32x128xf32, #tpu.memory_space<hbm>>
        tpu.enqueue_dma source(%dma_start3A_78 : memref<32x128xf32, #tpu.memory_space<hbm>>) target(%dma_start3A_76 : memref<32x128xf32, #tpu.memory_space<vmem>>) target_semaphore(%arg8 : memref<!tpu.dma_semaphore, #tpu.memory_space<semaphore_mem>>)
      } else {
      }
      %lt3A_59 = arith.cmpi slt, %add3A_52, %min3A_5 : i32
      %convert_element_type3A_60 = arith.extui %lt3A_59 : i1 to i32
      %cond3A_61 = arith.constant 0 : i32
      %cond3A_62 = arith.cmpi ne, %convert_element_type3A_60, %cond3A_61 : i32
      scf.if %cond3A_62 {
        %mul3A_63 = arith.constant 128 : i32
        %mul3A_64 = arith.muli %add3A_52, %mul3A_63 : i32
        %dma_wait3A = arith.constant 1 : i32
        %dma_wait3A_65 = arith.constant 0 : i32
        %dma_wait3A_66 = arith.constant 0 : i32
        %dma_wait3A_67 = tpu.memref_slice %arg5[%dma_wait3A, %dma_wait3A_65, %dma_wait3A_66] : memref<2x32x128xf32, #tpu.memory_space<vmem>> -> memref<1x32x128xf32, #tpu.memory_space<vmem>>
        %dma_wait3A_68 = tpu.memref_squeeze %dma_wait3A_67 : memref<1x32x128xf32, #tpu.memory_space<vmem>> -> memref<32x128xf32, #tpu.memory_space<vmem>>
        %dma_wait3A_69 = arith.constant 0 : i32
        %dma_wait3A_70 = tpu.memref_slice %arg2[%dma_wait3A_69, %mul3A_64] : memref<32x1000000xf32, #tpu.memory_space<hbm>> -> memref<32x128xf32, #tpu.memory_space<hbm>>
        %dma_wait3A_71 = arith.constant 0 : i32
        %dma_wait3A_72 = arith.constant 0 : i32
        %dma_wait3A_73 = tpu.memref_slice %arg5[%dma_wait3A, %dma_wait3A_71, %dma_wait3A_72] : memref<2x32x128xf32, #tpu.memory_space<vmem>> -> memref<1x32x128xf32, #tpu.memory_space<vmem>>
        %dma_wait3A_74 = tpu.memref_squeeze %dma_wait3A_73 : memref<1x32x128xf32, #tpu.memory_space<vmem>> -> memref<32x128xf32, #tpu.memory_space<vmem>>
        %dma_wait3A_75 = arith.constant 0 : i32
        %dma_wait3A_76 = tpu.memref_slice %arg2[%dma_wait3A_75, %mul3A_64] : memref<32x1000000xf32, #tpu.memory_space<hbm>> -> memref<32x128xf32, #tpu.memory_space<hbm>>
        tpu.wait_dma2 semaphore(%arg9 : memref<!tpu.dma_semaphore, #tpu.memory_space<semaphore_mem>>) src(%dma_wait3A_76 : memref<32x128xf32, #tpu.memory_space<hbm>>) dst(%dma_wait3A_74 : memref<32x128xf32, #tpu.memory_space<vmem>>)
        %ge3A = arith.constant 2 : i32
        %ge3A_77 = arith.cmpi sge, %add3A_51, %ge3A : i32
        %convert_element_type3A_78 = arith.extui %ge3A_77 : i1 to i32
        %cond3A_79 = arith.constant 0 : i32
        %cond3A_80 = arith.cmpi ne, %convert_element_type3A_78, %cond3A_79 : i32
        scf.if %cond3A_80 {
          %sub3A_97 = arith.constant 2 : i32
          %sub3A_98 = arith.subi %add3A_52, %sub3A_97 : i32
          %mul3A_99 = arith.constant 32 : i32
          %mul3A_100 = arith.muli %sub3A_98, %mul3A_99 : i32
          %dma_wait3A_101 = arith.constant 1 : i32
          %dma_wait3A_102 = arith.constant 0 : i32
          %dma_wait3A_103 = arith.constant 0 : i32
          %dma_wait3A_104 = tpu.memref_slice %arg6[%dma_wait3A_101, %dma_wait3A_102, %dma_wait3A_103] : memref<2x32x128xf32, #tpu.memory_space<vmem>> -> memref<1x32x128xf32, #tpu.memory_space<vmem>>
          %dma_wait3A_105 = tpu.memref_squeeze %dma_wait3A_104 : memref<1x32x128xf32, #tpu.memory_space<vmem>> -> memref<32x128xf32, #tpu.memory_space<vmem>>
          %dma_wait3A_106 = arith.constant 0 : i32
          %dma_wait3A_107 = tpu.memref_slice %arg4[%mul3A_100, %dma_wait3A_106] : memref<250000x128xf32, #tpu.memory_space<hbm>> -> memref<32x128xf32, #tpu.memory_space<hbm>>
          %dma_wait3A_108 = arith.constant 0 : i32
          %dma_wait3A_109 = tpu.memref_slice %arg4[%mul3A_100, %dma_wait3A_108] : memref<250000x128xf32, #tpu.memory_space<hbm>> -> memref<32x128xf32, #tpu.memory_space<hbm>>
          %dma_wait3A_110 = arith.constant 0 : i32
          %dma_wait3A_111 = arith.constant 0 : i32
          %dma_wait3A_112 = tpu.memref_slice %arg6[%dma_wait3A_101, %dma_wait3A_110, %dma_wait3A_111] : memref<2x32x128xf32, #tpu.memory_space<vmem>> -> memref<1x32x128xf32, #tpu.memory_space<vmem>>
          %dma_wait3A_113 = tpu.memref_squeeze %dma_wait3A_112 : memref<1x32x128xf32, #tpu.memory_space<vmem>> -> memref<32x128xf32, #tpu.memory_space<vmem>>
          tpu.wait_dma2 semaphore(%arg11 : memref<!tpu.dma_semaphore, #tpu.memory_space<semaphore_mem>>) src(%dma_wait3A_113 : memref<32x128xf32, #tpu.memory_space<vmem>>) dst(%dma_wait3A_109 : memref<32x128xf32, #tpu.memory_space<hbm>>)
        } else {
        }
        %parallel_loop3A = arith.constant 0 : i32
        %parallel_loop3A_81 = arith.constant 32 : i32
        %parallel_loop3A_82 = arith.constant 1 : i32
        scf.for %parallel_loop3A_97 = %parallel_loop3A to %parallel_loop3A_81 step %parallel_loop3A_82  : i32 {
          %parallel_loop3A_98 = arith.constant 4 : i32
          %parallel_loop3A_99 = arith.muli %parallel_loop3A_98, %parallel_loop3A_97 : i32
          %parallel_loop3A_100 = arith.constant 0 : i32
          %parallel_loop3A_101 = arith.addi %parallel_loop3A_99, %parallel_loop3A_100 : i32
          %parallel_loop3A_102 = vector.broadcast %parallel_loop3A_101 : i32 to vector<16xi32>
          %parallel_loop3A_103 = arith.constant 1 : i32
          %parallel_loop3A_104 = arith.constant 0 : i32
          %parallel_loop3A_105 = arith.constant 0 : i32
          %parallel_loop3A_106 = tpu.memref_slice %arg5[%parallel_loop3A_103, %parallel_loop3A_104, %parallel_loop3A_105] : memref<2x32x128xf32, #tpu.memory_space<vmem>> -> memref<1x32x128xf32, #tpu.memory_space<vmem>>
          %parallel_loop3A_107 = tpu.memref_squeeze %parallel_loop3A_106 : memref<1x32x128xf32, #tpu.memory_space<vmem>> -> memref<32x128xf32, #tpu.memory_space<vmem>>
          %parallel_loop3A_108 = tpu.vector_load_idx %parallel_loop3A_107[%add3A_8, %parallel_loop3A_102] : memref<32x128xf32, #tpu.memory_space<vmem>>[vector<16xi32>, vector<16xi32>], vector<16xf32>,
          %parallel_loop3A_109 = arith.constant 1 : i32
          %parallel_loop3A_110 = arith.index_cast %parallel_loop3A_109 : i32 to index
          %parallel_loop3A_111 = arith.index_cast %parallel_loop3A_97 : i32 to index
          %parallel_loop3A_112 = arith.constant 0 : index
          %parallel_loop3A_113 = tpu.vector_load %arg6[%parallel_loop3A_110, %parallel_loop3A_111, %parallel_loop3A_112] {strides = array<i32>} : memref<2x32x128xf32, #tpu.memory_space<vmem>>, vector<16xf32>,
          tpu.vector_store %arg6[%parallel_loop3A_110, %parallel_loop3A_111, %parallel_loop3A_112], %parallel_loop3A_108 {strides = array<i32>} : memref<2x32x128xf32, #tpu.memory_space<vmem>>, vector<16xf32>,
          %parallel_loop3A_114 = arith.constant 1 : i32
          %parallel_loop3A_115 = arith.constant 0 : i32
          %parallel_loop3A_116 = arith.constant 0 : i32
          %parallel_loop3A_117 = tpu.memref_slice %arg5[%parallel_loop3A_114, %parallel_loop3A_115, %parallel_loop3A_116] : memref<2x32x128xf32, #tpu.memory_space<vmem>> -> memref<1x32x128xf32, #tpu.memory_space<vmem>>
          %parallel_loop3A_118 = tpu.memref_squeeze %parallel_loop3A_117 : memref<1x32x128xf32, #tpu.memory_space<vmem>> -> memref<32x128xf32, #tpu.memory_space<vmem>>
          %parallel_loop3A_119 = tpu.vector_load_idx %parallel_loop3A_118[%add3A_11, %parallel_loop3A_102] : memref<32x128xf32, #tpu.memory_space<vmem>>[vector<16xi32>, vector<16xi32>], vector<16xf32>,
          %parallel_loop3A_120 = arith.constant 1 : i32
          %parallel_loop3A_121 = arith.index_cast %parallel_loop3A_120 : i32 to index
          %parallel_loop3A_122 = arith.index_cast %parallel_loop3A_97 : i32 to index
          %parallel_loop3A_123 = arith.constant 16 : index
          %parallel_loop3A_124 = tpu.vector_load %arg6[%parallel_loop3A_121, %parallel_loop3A_122, %parallel_loop3A_123] {strides = array<i32>} : memref<2x32x128xf32, #tpu.memory_space<vmem>>, vector<16xf32>,
          tpu.vector_store %arg6[%parallel_loop3A_121, %parallel_loop3A_122, %parallel_loop3A_123], %parallel_loop3A_119 {strides = array<i32>} : memref<2x32x128xf32, #tpu.memory_space<vmem>>, vector<16xf32>,
          %parallel_loop3A_125 = arith.constant 4 : i32
          %parallel_loop3A_126 = arith.muli %parallel_loop3A_125, %parallel_loop3A_97 : i32
          %parallel_loop3A_127 = arith.constant 1 : i32
          %parallel_loop3A_128 = arith.addi %parallel_loop3A_126, %parallel_loop3A_127 : i32
          %parallel_loop3A_129 = vector.broadcast %parallel_loop3A_128 : i32 to vector<16xi32>
          %parallel_loop3A_130 = arith.constant 1 : i32
          %parallel_loop3A_131 = arith.constant 0 : i32
          %parallel_loop3A_132 = arith.constant 0 : i32
          %parallel_loop3A_133 = tpu.memref_slice %arg5[%parallel_loop3A_130, %parallel_loop3A_131, %parallel_loop3A_132] : memref<2x32x128xf32, #tpu.memory_space<vmem>> -> memref<1x32x128xf32, #tpu.memory_space<vmem>>
          %parallel_loop3A_134 = tpu.memref_squeeze %parallel_loop3A_133 : memref<1x32x128xf32, #tpu.memory_space<vmem>> -> memref<32x128xf32, #tpu.memory_space<vmem>>
          %parallel_loop3A_135 = tpu.vector_load_idx %parallel_loop3A_134[%add3A_8, %parallel_loop3A_129] : memref<32x128xf32, #tpu.memory_space<vmem>>[vector<16xi32>, vector<16xi32>], vector<16xf32>,
          %parallel_loop3A_136 = arith.constant 1 : i32
          %parallel_loop3A_137 = arith.index_cast %parallel_loop3A_136 : i32 to index
          %parallel_loop3A_138 = arith.index_cast %parallel_loop3A_97 : i32 to index
          %parallel_loop3A_139 = arith.constant 32 : index
          %parallel_loop3A_140 = tpu.vector_load %arg6[%parallel_loop3A_137, %parallel_loop3A_138, %parallel_loop3A_139] {strides = array<i32>} : memref<2x32x128xf32, #tpu.memory_space<vmem>>, vector<16xf32>,
          tpu.vector_store %arg6[%parallel_loop3A_137, %parallel_loop3A_138, %parallel_loop3A_139], %parallel_loop3A_135 {strides = array<i32>} : memref<2x32x128xf32, #tpu.memory_space<vmem>>, vector<16xf32>,
          %parallel_loop3A_141 = arith.constant 1 : i32
          %parallel_loop3A_142 = arith.constant 0 : i32
          %parallel_loop3A_143 = arith.constant 0 : i32
          %parallel_loop3A_144 = tpu.memref_slice %arg5[%parallel_loop3A_141, %parallel_loop3A_142, %parallel_loop3A_143] : memref<2x32x128xf32, #tpu.memory_space<vmem>> -> memref<1x32x128xf32, #tpu.memory_space<vmem>>
          %parallel_loop3A_145 = tpu.memref_squeeze %parallel_loop3A_144 : memref<1x32x128xf32, #tpu.memory_space<vmem>> -> memref<32x128xf32, #tpu.memory_space<vmem>>
          %parallel_loop3A_146 = tpu.vector_load_idx %parallel_loop3A_145[%add3A_11, %parallel_loop3A_129] : memref<32x128xf32, #tpu.memory_space<vmem>>[vector<16xi32>, vector<16xi32>], vector<16xf32>,
          %parallel_loop3A_147 = arith.constant 1 : i32
          %parallel_loop3A_148 = arith.index_cast %parallel_loop3A_147 : i32 to index
          %parallel_loop3A_149 = arith.index_cast %parallel_loop3A_97 : i32 to index
          %parallel_loop3A_150 = arith.constant 48 : index
          %parallel_loop3A_151 = tpu.vector_load %arg6[%parallel_loop3A_148, %parallel_loop3A_149, %parallel_loop3A_150] {strides = array<i32>} : memref<2x32x128xf32, #tpu.memory_space<vmem>>, vector<16xf32>,
          tpu.vector_store %arg6[%parallel_loop3A_148, %parallel_loop3A_149, %parallel_loop3A_150], %parallel_loop3A_146 {strides = array<i32>} : memref<2x32x128xf32, #tpu.memory_space<vmem>>, vector<16xf32>,
          %parallel_loop3A_152 = arith.constant 4 : i32
          %parallel_loop3A_153 = arith.muli %parallel_loop3A_152, %parallel_loop3A_97 : i32
          %parallel_loop3A_154 = arith.constant 2 : i32
          %parallel_loop3A_155 = arith.addi %parallel_loop3A_153, %parallel_loop3A_154 : i32
          %parallel_loop3A_156 = vector.broadcast %parallel_loop3A_155 : i32 to vector<16xi32>
          %parallel_loop3A_157 = arith.constant 1 : i32
          %parallel_loop3A_158 = arith.constant 0 : i32
          %parallel_loop3A_159 = arith.constant 0 : i32
          %parallel_loop3A_160 = tpu.memref_slice %arg5[%parallel_loop3A_157, %parallel_loop3A_158, %parallel_loop3A_159] : memref<2x32x128xf32, #tpu.memory_space<vmem>> -> memref<1x32x128xf32, #tpu.memory_space<vmem>>
          %parallel_loop3A_161 = tpu.memref_squeeze %parallel_loop3A_160 : memref<1x32x128xf32, #tpu.memory_space<vmem>> -> memref<32x128xf32, #tpu.memory_space<vmem>>
          %parallel_loop3A_162 = tpu.vector_load_idx %parallel_loop3A_161[%add3A_8, %parallel_loop3A_156] : memref<32x128xf32, #tpu.memory_space<vmem>>[vector<16xi32>, vector<16xi32>], vector<16xf32>,
          %parallel_loop3A_163 = arith.constant 1 : i32
          %parallel_loop3A_164 = arith.index_cast %parallel_loop3A_163 : i32 to index
          %parallel_loop3A_165 = arith.index_cast %parallel_loop3A_97 : i32 to index
          %parallel_loop3A_166 = arith.constant 64 : index
          %parallel_loop3A_167 = tpu.vector_load %arg6[%parallel_loop3A_164, %parallel_loop3A_165, %parallel_loop3A_166] {strides = array<i32>} : memref<2x32x128xf32, #tpu.memory_space<vmem>>, vector<16xf32>,
          tpu.vector_store %arg6[%parallel_loop3A_164, %parallel_loop3A_165, %parallel_loop3A_166], %parallel_loop3A_162 {strides = array<i32>} : memref<2x32x128xf32, #tpu.memory_space<vmem>>, vector<16xf32>,
          %parallel_loop3A_168 = arith.constant 1 : i32
          %parallel_loop3A_169 = arith.constant 0 : i32
          %parallel_loop3A_170 = arith.constant 0 : i32
          %parallel_loop3A_171 = tpu.memref_slice %arg5[%parallel_loop3A_168, %parallel_loop3A_169, %parallel_loop3A_170] : memref<2x32x128xf32, #tpu.memory_space<vmem>> -> memref<1x32x128xf32, #tpu.memory_space<vmem>>
          %parallel_loop3A_172 = tpu.memref_squeeze %parallel_loop3A_171 : memref<1x32x128xf32, #tpu.memory_space<vmem>> -> memref<32x128xf32, #tpu.memory_space<vmem>>
          %parallel_loop3A_173 = tpu.vector_load_idx %parallel_loop3A_172[%add3A_11, %parallel_loop3A_156] : memref<32x128xf32, #tpu.memory_space<vmem>>[vector<16xi32>, vector<16xi32>], vector<16xf32>,
          %parallel_loop3A_174 = arith.constant 1 : i32
          %parallel_loop3A_175 = arith.index_cast %parallel_loop3A_174 : i32 to index
          %parallel_loop3A_176 = arith.index_cast %parallel_loop3A_97 : i32 to index
          %parallel_loop3A_177 = arith.constant 80 : index
          %parallel_loop3A_178 = tpu.vector_load %arg6[%parallel_loop3A_175, %parallel_loop3A_176, %parallel_loop3A_177] {strides = array<i32>} : memref<2x32x128xf32, #tpu.memory_space<vmem>>, vector<16xf32>,
          tpu.vector_store %arg6[%parallel_loop3A_175, %parallel_loop3A_176, %parallel_loop3A_177], %parallel_loop3A_173 {strides = array<i32>} : memref<2x32x128xf32, #tpu.memory_space<vmem>>, vector<16xf32>,
          %parallel_loop3A_179 = arith.constant 4 : i32
          %parallel_loop3A_180 = arith.muli %parallel_loop3A_179, %parallel_loop3A_97 : i32
          %parallel_loop3A_181 = arith.constant 3 : i32
          %parallel_loop3A_182 = arith.addi %parallel_loop3A_180, %parallel_loop3A_181 : i32
          %parallel_loop3A_183 = vector.broadcast %parallel_loop3A_182 : i32 to vector<16xi32>
          %parallel_loop3A_184 = arith.constant 1 : i32
          %parallel_loop3A_185 = arith.constant 0 : i32
          %parallel_loop3A_186 = arith.constant 0 : i32
          %parallel_loop3A_187 = tpu.memref_slice %arg5[%parallel_loop3A_184, %parallel_loop3A_185, %parallel_loop3A_186] : memref<2x32x128xf32, #tpu.memory_space<vmem>> -> memref<1x32x128xf32, #tpu.memory_space<vmem>>
          %parallel_loop3A_188 = tpu.memref_squeeze %parallel_loop3A_187 : memref<1x32x128xf32, #tpu.memory_space<vmem>> -> memref<32x128xf32, #tpu.memory_space<vmem>>
          %parallel_loop3A_189 = tpu.vector_load_idx %parallel_loop3A_188[%add3A_8, %parallel_loop3A_183] : memref<32x128xf32, #tpu.memory_space<vmem>>[vector<16xi32>, vector<16xi32>], vector<16xf32>,
          %parallel_loop3A_190 = arith.constant 1 : i32
          %parallel_loop3A_191 = arith.index_cast %parallel_loop3A_190 : i32 to index
          %parallel_loop3A_192 = arith.index_cast %parallel_loop3A_97 : i32 to index
          %parallel_loop3A_193 = arith.constant 96 : index
          %parallel_loop3A_194 = tpu.vector_load %arg6[%parallel_loop3A_191, %parallel_loop3A_192, %parallel_loop3A_193] {strides = array<i32>} : memref<2x32x128xf32, #tpu.memory_space<vmem>>, vector<16xf32>,
          tpu.vector_store %arg6[%parallel_loop3A_191, %parallel_loop3A_192, %parallel_loop3A_193], %parallel_loop3A_189 {strides = array<i32>} : memref<2x32x128xf32, #tpu.memory_space<vmem>>, vector<16xf32>,
          %parallel_loop3A_195 = arith.constant 1 : i32
          %parallel_loop3A_196 = arith.constant 0 : i32
          %parallel_loop3A_197 = arith.constant 0 : i32
          %parallel_loop3A_198 = tpu.memref_slice %arg5[%parallel_loop3A_195, %parallel_loop3A_196, %parallel_loop3A_197] : memref<2x32x128xf32, #tpu.memory_space<vmem>> -> memref<1x32x128xf32, #tpu.memory_space<vmem>>
          %parallel_loop3A_199 = tpu.memref_squeeze %parallel_loop3A_198 : memref<1x32x128xf32, #tpu.memory_space<vmem>> -> memref<32x128xf32, #tpu.memory_space<vmem>>
          %parallel_loop3A_200 = tpu.vector_load_idx %parallel_loop3A_199[%add3A_11, %parallel_loop3A_183] : memref<32x128xf32, #tpu.memory_space<vmem>>[vector<16xi32>, vector<16xi32>], vector<16xf32>,
          %parallel_loop3A_201 = arith.constant 1 : i32
          %parallel_loop3A_202 = arith.index_cast %parallel_loop3A_201 : i32 to index
          %parallel_loop3A_203 = arith.index_cast %parallel_loop3A_97 : i32 to index
          %parallel_loop3A_204 = arith.constant 112 : index
          %parallel_loop3A_205 = tpu.vector_load %arg6[%parallel_loop3A_202, %parallel_loop3A_203, %parallel_loop3A_204] {strides = array<i32>} : memref<2x32x128xf32, #tpu.memory_space<vmem>>, vector<16xf32>,
          tpu.vector_store %arg6[%parallel_loop3A_202, %parallel_loop3A_203, %parallel_loop3A_204], %parallel_loop3A_200 {strides = array<i32>} : memref<2x32x128xf32, #tpu.memory_space<vmem>>, vector<16xf32>,
        } {sc.loop_unroll_factor = 4 : i64, sc.parallel_access}
        %mul3A_83 = arith.constant 32 : i32
        %mul3A_84 = arith.muli %add3A_52, %mul3A_83 : i32
        %dma_start3A = arith.constant 1 : i32
        %dma_start3A_85 = arith.constant 0 : i32
        %dma_start3A_86 = arith.constant 0 : i32
        %dma_start3A_87 = tpu.memref_slice %arg6[%dma_start3A, %dma_start3A_85, %dma_start3A_86] : memref<2x32x128xf32, #tpu.memory_space<vmem>> -> memref<1x32x128xf32, #tpu.memory_space<vmem>>
        %dma_start3A_88 = tpu.memref_squeeze %dma_start3A_87 : memref<1x32x128xf32, #tpu.memory_space<vmem>> -> memref<32x128xf32, #tpu.memory_space<vmem>>
        %dma_start3A_89 = arith.constant 0 : i32
        %dma_start3A_90 = tpu.memref_slice %arg4[%mul3A_84, %dma_start3A_89] : memref<250000x128xf32, #tpu.memory_space<hbm>> -> memref<32x128xf32, #tpu.memory_space<hbm>>
        %dma_start3A_91 = arith.constant 0 : i32
        %dma_start3A_92 = tpu.memref_slice %arg4[%mul3A_84, %dma_start3A_91] : memref<250000x128xf32, #tpu.memory_space<hbm>> -> memref<32x128xf32, #tpu.memory_space<hbm>>
        %dma_start3A_93 = arith.constant 0 : i32
        %dma_start3A_94 = arith.constant 0 : i32
        %dma_start3A_95 = tpu.memref_slice %arg6[%dma_start3A, %dma_start3A_93, %dma_start3A_94] : memref<2x32x128xf32, #tpu.memory_space<vmem>> -> memref<1x32x128xf32, #tpu.memory_space<vmem>>
        %dma_start3A_96 = tpu.memref_squeeze %dma_start3A_95 : memref<1x32x128xf32, #tpu.memory_space<vmem>> -> memref<32x128xf32, #tpu.memory_space<vmem>>
        tpu.enqueue_dma source(%dma_start3A_96 : memref<32x128xf32, #tpu.memory_space<vmem>>) target(%dma_start3A_92 : memref<32x128xf32, #tpu.memory_space<hbm>>) target_semaphore(%arg11 : memref<!tpu.dma_semaphore, #tpu.memory_space<semaphore_mem>>)
      } else {
      }
    }
    %scan3A_18 = arith.constant 123 : i32
    %gt3A_19 = arith.constant 0 : i32
    %gt3A_20 = arith.cmpi sgt, %sub3A, %gt3A_19 : i32
    %convert_element_type3A_21 = arith.extui %gt3A_20 : i1 to i32
    %cond3A_22 = arith.constant 0 : i32
    %cond3A_23 = arith.cmpi ne, %convert_element_type3A_21, %cond3A_22 : i32
    scf.if %cond3A_23 {
      %mul3A_33 = arith.constant 32 : i32
      %mul3A_34 = arith.muli %mul3A_2, %mul3A_33 : i32
      %dma_wait3A = arith.constant 0 : i32
      %dma_wait3A_35 = arith.constant 0 : i32
      %dma_wait3A_36 = arith.constant 0 : i32
      %dma_wait3A_37 = tpu.memref_slice %arg6[%dma_wait3A, %dma_wait3A_35, %dma_wait3A_36] : memref<2x32x128xf32, #tpu.memory_space<vmem>> -> memref<1x32x128xf32, #tpu.memory_space<vmem>>
      %dma_wait3A_38 = tpu.memref_squeeze %dma_wait3A_37 : memref<1x32x128xf32, #tpu.memory_space<vmem>> -> memref<32x128xf32, #tpu.memory_space<vmem>>
      %dma_wait3A_39 = arith.constant 0 : i32
      %dma_wait3A_40 = tpu.memref_slice %arg4[%mul3A_34, %dma_wait3A_39] : memref<250000x128xf32, #tpu.memory_space<hbm>> -> memref<32x128xf32, #tpu.memory_space<hbm>>
      %dma_wait3A_41 = arith.constant 0 : i32
      %dma_wait3A_42 = tpu.memref_slice %arg4[%mul3A_34, %dma_wait3A_41] : memref<250000x128xf32, #tpu.memory_space<hbm>> -> memref<32x128xf32, #tpu.memory_space<hbm>>
      %dma_wait3A_43 = arith.constant 0 : i32
      %dma_wait3A_44 = arith.constant 0 : i32
      %dma_wait3A_45 = tpu.memref_slice %arg6[%dma_wait3A, %dma_wait3A_43, %dma_wait3A_44] : memref<2x32x128xf32, #tpu.memory_space<vmem>> -> memref<1x32x128xf32, #tpu.memory_space<vmem>>
      %dma_wait3A_46 = tpu.memref_squeeze %dma_wait3A_45 : memref<1x32x128xf32, #tpu.memory_space<vmem>> -> memref<32x128xf32, #tpu.memory_space<vmem>>
      tpu.wait_dma2 semaphore(%arg10 : memref<!tpu.dma_semaphore, #tpu.memory_space<semaphore_mem>>) src(%dma_wait3A_46 : memref<32x128xf32, #tpu.memory_space<vmem>>) dst(%dma_wait3A_42 : memref<32x128xf32, #tpu.memory_space<hbm>>)
    } else {
    }
    %gt3A_24 = arith.constant 1 : i32
    %gt3A_25 = arith.cmpi sgt, %sub3A, %gt3A_24 : i32
    %convert_element_type3A_26 = arith.extui %gt3A_25 : i1 to i32
    %cond3A_27 = arith.constant 0 : i32
    %cond3A_28 = arith.cmpi ne, %convert_element_type3A_26, %cond3A_27 : i32
    scf.if %cond3A_28 {
      %mul3A_33 = arith.constant 32 : i32
      %mul3A_34 = arith.muli %mul3A_2, %mul3A_33 : i32
      %dma_wait3A = arith.constant 1 : i32
      %dma_wait3A_35 = arith.constant 0 : i32
      %dma_wait3A_36 = arith.constant 0 : i32
      %dma_wait3A_37 = tpu.memref_slice %arg6[%dma_wait3A, %dma_wait3A_35, %dma_wait3A_36] : memref<2x32x128xf32, #tpu.memory_space<vmem>> -> memref<1x32x128xf32, #tpu.memory_space<vmem>>
      %dma_wait3A_38 = tpu.memref_squeeze %dma_wait3A_37 : memref<1x32x128xf32, #tpu.memory_space<vmem>> -> memref<32x128xf32, #tpu.memory_space<vmem>>
      %dma_wait3A_39 = arith.constant 0 : i32
      %dma_wait3A_40 = tpu.memref_slice %arg4[%mul3A_34, %dma_wait3A_39] : memref<250000x128xf32, #tpu.memory_space<hbm>> -> memref<32x128xf32, #tpu.memory_space<hbm>>
      %dma_wait3A_41 = arith.constant 0 : i32
      %dma_wait3A_42 = tpu.memref_slice %arg4[%mul3A_34, %dma_wait3A_41] : memref<250000x128xf32, #tpu.memory_space<hbm>> -> memref<32x128xf32, #tpu.memory_space<hbm>>
      %dma_wait3A_43 = arith.constant 0 : i32
      %dma_wait3A_44 = arith.constant 0 : i32
      %dma_wait3A_45 = tpu.memref_slice %arg6[%dma_wait3A, %dma_wait3A_43, %dma_wait3A_44] : memref<2x32x128xf32, #tpu.memory_space<vmem>> -> memref<1x32x128xf32, #tpu.memory_space<vmem>>
      %dma_wait3A_46 = tpu.memref_squeeze %dma_wait3A_45 : memref<1x32x128xf32, #tpu.memory_space<vmem>> -> memref<32x128xf32, #tpu.memory_space<vmem>>
      tpu.wait_dma2 semaphore(%arg11 : memref<!tpu.dma_semaphore, #tpu.memory_space<semaphore_mem>>) src(%dma_wait3A_46 : memref<32x128xf32, #tpu.memory_space<vmem>>) dst(%dma_wait3A_42 : memref<32x128xf32, #tpu.memory_space<hbm>>)
    } else {
    }
    %eq3A = arith.constant 31 : i32
    %eq3A_29 = arith.cmpi eq, %add3A, %eq3A : i32
    %convert_element_type3A_30 = arith.extui %eq3A_29 : i1 to i32
    %cond3A_31 = arith.constant 0 : i32
    %cond3A_32 = arith.cmpi ne, %convert_element_type3A_30, %cond3A_31 : i32
    scf.if %cond3A_32 {
      "tpu.region"() ({
        %run_scoped3A_35 = tpu.sem_alloc : memref<!tpu.dma_semaphore, #tpu.memory_space<semaphore_mem>>
        tpu.enqueue_dma source(%arg3 : memref<64x128xf32, #tpu.memory_space<hbm>>) target(%arg7 : memref<64x128xf32, #tpu.memory_space<vmem>>) target_semaphore(%run_scoped3A_35 : memref<!tpu.dma_semaphore, #tpu.memory_space<semaphore_mem>>)
        tpu.wait_dma2 semaphore(%run_scoped3A_35 : memref<!tpu.dma_semaphore, #tpu.memory_space<semaphore_mem>>) src(%arg3 : memref<64x128xf32, #tpu.memory_space<hbm>>) dst(%arg7 : memref<64x128xf32, #tpu.memory_space<vmem>>)
        tpu.yield
      }) : () -> ()
      %parallel_loop3A = arith.constant 0 : i32
      %parallel_loop3A_33 = arith.constant 16 : i32
      %parallel_loop3A_34 = arith.constant 1 : i32
      scf.for %parallel_loop3A_35 = %parallel_loop3A to %parallel_loop3A_33 step %parallel_loop3A_34  : i32 {
        %parallel_loop3A_36 = arith.constant 4 : i32
        %parallel_loop3A_37 = arith.muli %parallel_loop3A_36, %parallel_loop3A_35 : i32
        %parallel_loop3A_38 = arith.constant 0 : i32
        %parallel_loop3A_39 = arith.addi %parallel_loop3A_37, %parallel_loop3A_38 : i32
        %parallel_loop3A_40 = vector.broadcast %parallel_loop3A_39 : i32 to vector<16xi32>
        %parallel_loop3A_41 = arith.constant 0 : i32
        %parallel_loop3A_42 = vector.broadcast %parallel_loop3A_41 : i32 to vector<16xi32>
        %parallel_loop3A_43 = arith.addi %iota3A, %parallel_loop3A_42 : vector<16xi32>
        %parallel_loop3A_44 = tpu.vector_load_idx %arg7[%parallel_loop3A_40, %parallel_loop3A_43] : memref<64x128xf32, #tpu.memory_space<vmem>>[vector<16xi32>, vector<16xi32>], vector<16xf32>,
        %parallel_loop3A_45 = arith.constant 0 : i32
        %parallel_loop3A_46 = arith.index_cast %parallel_loop3A_45 : i32 to index
        %parallel_loop3A_47 = arith.index_cast %parallel_loop3A_35 : i32 to index
        %parallel_loop3A_48 = arith.constant 0 : index
        %parallel_loop3A_49 = tpu.vector_load %arg6[%parallel_loop3A_46, %parallel_loop3A_47, %parallel_loop3A_48] {strides = array<i32>} : memref<2x32x128xf32, #tpu.memory_space<vmem>>, vector<16xf32>,
        tpu.vector_store %arg6[%parallel_loop3A_46, %parallel_loop3A_47, %parallel_loop3A_48], %parallel_loop3A_44 {strides = array<i32>} : memref<2x32x128xf32, #tpu.memory_space<vmem>>, vector<16xf32>,
        %parallel_loop3A_50 = arith.constant 4 : i32
        %parallel_loop3A_51 = arith.muli %parallel_loop3A_50, %parallel_loop3A_35 : i32
        %parallel_loop3A_52 = arith.constant 0 : i32
        %parallel_loop3A_53 = arith.addi %parallel_loop3A_51, %parallel_loop3A_52 : i32
        %parallel_loop3A_54 = vector.broadcast %parallel_loop3A_53 : i32 to vector<16xi32>
        %parallel_loop3A_55 = arith.constant 16 : i32
        %parallel_loop3A_56 = vector.broadcast %parallel_loop3A_55 : i32 to vector<16xi32>
        %parallel_loop3A_57 = arith.addi %iota3A, %parallel_loop3A_56 : vector<16xi32>
        %parallel_loop3A_58 = tpu.vector_load_idx %arg7[%parallel_loop3A_54, %parallel_loop3A_57] : memref<64x128xf32, #tpu.memory_space<vmem>>[vector<16xi32>, vector<16xi32>], vector<16xf32>,
        %parallel_loop3A_59 = arith.constant 0 : i32
        %parallel_loop3A_60 = arith.index_cast %parallel_loop3A_59 : i32 to index
        %parallel_loop3A_61 = arith.index_cast %parallel_loop3A_35 : i32 to index
        %parallel_loop3A_62 = arith.constant 16 : index
        %parallel_loop3A_63 = tpu.vector_load %arg6[%parallel_loop3A_60, %parallel_loop3A_61, %parallel_loop3A_62] {strides = array<i32>} : memref<2x32x128xf32, #tpu.memory_space<vmem>>, vector<16xf32>,
        tpu.vector_store %arg6[%parallel_loop3A_60, %parallel_loop3A_61, %parallel_loop3A_62], %parallel_loop3A_58 {strides = array<i32>} : memref<2x32x128xf32, #tpu.memory_space<vmem>>, vector<16xf32>,
        %parallel_loop3A_64 = arith.constant 4 : i32
        %parallel_loop3A_65 = arith.muli %parallel_loop3A_64, %parallel_loop3A_35 : i32
        %parallel_loop3A_66 = arith.constant 1 : i32
        %parallel_loop3A_67 = arith.addi %parallel_loop3A_65, %parallel_loop3A_66 : i32
        %parallel_loop3A_68 = vector.broadcast %parallel_loop3A_67 : i32 to vector<16xi32>
        %parallel_loop3A_69 = arith.constant 0 : i32
        %parallel_loop3A_70 = vector.broadcast %parallel_loop3A_69 : i32 to vector<16xi32>
        %parallel_loop3A_71 = arith.addi %iota3A, %parallel_loop3A_70 : vector<16xi32>
        %parallel_loop3A_72 = tpu.vector_load_idx %arg7[%parallel_loop3A_68, %parallel_loop3A_71] : memref<64x128xf32, #tpu.memory_space<vmem>>[vector<16xi32>, vector<16xi32>], vector<16xf32>,
        %parallel_loop3A_73 = arith.constant 0 : i32
        %parallel_loop3A_74 = arith.index_cast %parallel_loop3A_73 : i32 to index
        %parallel_loop3A_75 = arith.index_cast %parallel_loop3A_35 : i32 to index
        %parallel_loop3A_76 = arith.constant 32 : index
        %parallel_loop3A_77 = tpu.vector_load %arg6[%parallel_loop3A_74, %parallel_loop3A_75, %parallel_loop3A_76] {strides = array<i32>} : memref<2x32x128xf32, #tpu.memory_space<vmem>>, vector<16xf32>,
        tpu.vector_store %arg6[%parallel_loop3A_74, %parallel_loop3A_75, %parallel_loop3A_76], %parallel_loop3A_72 {strides = array<i32>} : memref<2x32x128xf32, #tpu.memory_space<vmem>>, vector<16xf32>,
        %parallel_loop3A_78 = arith.constant 4 : i32
        %parallel_loop3A_79 = arith.muli %parallel_loop3A_78, %parallel_loop3A_35 : i32
        %parallel_loop3A_80 = arith.constant 1 : i32
        %parallel_loop3A_81 = arith.addi %parallel_loop3A_79, %parallel_loop3A_80 : i32
        %parallel_loop3A_82 = vector.broadcast %parallel_loop3A_81 : i32 to vector<16xi32>
        %parallel_loop3A_83 = arith.constant 16 : i32
        %parallel_loop3A_84 = vector.broadcast %parallel_loop3A_83 : i32 to vector<16xi32>
        %parallel_loop3A_85 = arith.addi %iota3A, %parallel_loop3A_84 : vector<16xi32>
        %parallel_loop3A_86 = tpu.vector_load_idx %arg7[%parallel_loop3A_82, %parallel_loop3A_85] : memref<64x128xf32, #tpu.memory_space<vmem>>[vector<16xi32>, vector<16xi32>], vector<16xf32>,
        %parallel_loop3A_87 = arith.constant 0 : i32
        %parallel_loop3A_88 = arith.index_cast %parallel_loop3A_87 : i32 to index
        %parallel_loop3A_89 = arith.index_cast %parallel_loop3A_35 : i32 to index
        %parallel_loop3A_90 = arith.constant 48 : index
        %parallel_loop3A_91 = tpu.vector_load %arg6[%parallel_loop3A_88, %parallel_loop3A_89, %parallel_loop3A_90] {strides = array<i32>} : memref<2x32x128xf32, #tpu.memory_space<vmem>>, vector<16xf32>,
        tpu.vector_store %arg6[%parallel_loop3A_88, %parallel_loop3A_89, %parallel_loop3A_90], %parallel_loop3A_86 {strides = array<i32>} : memref<2x32x128xf32, #tpu.memory_space<vmem>>, vector<16xf32>,
        %parallel_loop3A_92 = arith.constant 4 : i32
        %parallel_loop3A_93 = arith.muli %parallel_loop3A_92, %parallel_loop3A_35 : i32
        %parallel_loop3A_94 = arith.constant 2 : i32
        %parallel_loop3A_95 = arith.addi %parallel_loop3A_93, %parallel_loop3A_94 : i32
        %parallel_loop3A_96 = vector.broadcast %parallel_loop3A_95 : i32 to vector<16xi32>
        %parallel_loop3A_97 = arith.constant 0 : i32
        %parallel_loop3A_98 = vector.broadcast %parallel_loop3A_97 : i32 to vector<16xi32>
        %parallel_loop3A_99 = arith.addi %iota3A, %parallel_loop3A_98 : vector<16xi32>
        %parallel_loop3A_100 = tpu.vector_load_idx %arg7[%parallel_loop3A_96, %parallel_loop3A_99] : memref<64x128xf32, #tpu.memory_space<vmem>>[vector<16xi32>, vector<16xi32>], vector<16xf32>,
        %parallel_loop3A_101 = arith.constant 0 : i32
        %parallel_loop3A_102 = arith.index_cast %parallel_loop3A_101 : i32 to index
        %parallel_loop3A_103 = arith.index_cast %parallel_loop3A_35 : i32 to index
        %parallel_loop3A_104 = arith.constant 64 : index
        %parallel_loop3A_105 = tpu.vector_load %arg6[%parallel_loop3A_102, %parallel_loop3A_103, %parallel_loop3A_104] {strides = array<i32>} : memref<2x32x128xf32, #tpu.memory_space<vmem>>, vector<16xf32>,
        tpu.vector_store %arg6[%parallel_loop3A_102, %parallel_loop3A_103, %parallel_loop3A_104], %parallel_loop3A_100 {strides = array<i32>} : memref<2x32x128xf32, #tpu.memory_space<vmem>>, vector<16xf32>,
        %parallel_loop3A_106 = arith.constant 4 : i32
        %parallel_loop3A_107 = arith.muli %parallel_loop3A_106, %parallel_loop3A_35 : i32
        %parallel_loop3A_108 = arith.constant 2 : i32
        %parallel_loop3A_109 = arith.addi %parallel_loop3A_107, %parallel_loop3A_108 : i32
        %parallel_loop3A_110 = vector.broadcast %parallel_loop3A_109 : i32 to vector<16xi32>
        %parallel_loop3A_111 = arith.constant 16 : i32
        %parallel_loop3A_112 = vector.broadcast %parallel_loop3A_111 : i32 to vector<16xi32>
        %parallel_loop3A_113 = arith.addi %iota3A, %parallel_loop3A_112 : vector<16xi32>
        %parallel_loop3A_114 = tpu.vector_load_idx %arg7[%parallel_loop3A_110, %parallel_loop3A_113] : memref<64x128xf32, #tpu.memory_space<vmem>>[vector<16xi32>, vector<16xi32>], vector<16xf32>,
        %parallel_loop3A_115 = arith.constant 0 : i32
        %parallel_loop3A_116 = arith.index_cast %parallel_loop3A_115 : i32 to index
        %parallel_loop3A_117 = arith.index_cast %parallel_loop3A_35 : i32 to index
        %parallel_loop3A_118 = arith.constant 80 : index
        %parallel_loop3A_119 = tpu.vector_load %arg6[%parallel_loop3A_116, %parallel_loop3A_117, %parallel_loop3A_118] {strides = array<i32>} : memref<2x32x128xf32, #tpu.memory_space<vmem>>, vector<16xf32>,
        tpu.vector_store %arg6[%parallel_loop3A_116, %parallel_loop3A_117, %parallel_loop3A_118], %parallel_loop3A_114 {strides = array<i32>} : memref<2x32x128xf32, #tpu.memory_space<vmem>>, vector<16xf32>,
        %parallel_loop3A_120 = arith.constant 4 : i32
        %parallel_loop3A_121 = arith.muli %parallel_loop3A_120, %parallel_loop3A_35 : i32
        %parallel_loop3A_122 = arith.constant 3 : i32
        %parallel_loop3A_123 = arith.addi %parallel_loop3A_121, %parallel_loop3A_122 : i32
        %parallel_loop3A_124 = vector.broadcast %parallel_loop3A_123 : i32 to vector<16xi32>
        %parallel_loop3A_125 = arith.constant 0 : i32
        %parallel_loop3A_126 = vector.broadcast %parallel_loop3A_125 : i32 to vector<16xi32>
        %parallel_loop3A_127 = arith.addi %iota3A, %parallel_loop3A_126 : vector<16xi32>
        %parallel_loop3A_128 = tpu.vector_load_idx %arg7[%parallel_loop3A_124, %parallel_loop3A_127] : memref<64x128xf32, #tpu.memory_space<vmem>>[vector<16xi32>, vector<16xi32>], vector<16xf32>,
        %parallel_loop3A_129 = arith.constant 0 : i32
        %parallel_loop3A_130 = arith.index_cast %parallel_loop3A_129 : i32 to index
        %parallel_loop3A_131 = arith.index_cast %parallel_loop3A_35 : i32 to index
        %parallel_loop3A_132 = arith.constant 96 : index
        %parallel_loop3A_133 = tpu.vector_load %arg6[%parallel_loop3A_130, %parallel_loop3A_131, %parallel_loop3A_132] {strides = array<i32>} : memref<2x32x128xf32, #tpu.memory_space<vmem>>, vector<16xf32>,
        tpu.vector_store %arg6[%parallel_loop3A_130, %parallel_loop3A_131, %parallel_loop3A_132], %parallel_loop3A_128 {strides = array<i32>} : memref<2x32x128xf32, #tpu.memory_space<vmem>>, vector<16xf32>,
        %parallel_loop3A_134 = arith.constant 4 : i32
        %parallel_loop3A_135 = arith.muli %parallel_loop3A_134, %parallel_loop3A_35 : i32
        %parallel_loop3A_136 = arith.constant 3 : i32
        %parallel_loop3A_137 = arith.addi %parallel_loop3A_135, %parallel_loop3A_136 : i32
        %parallel_loop3A_138 = vector.broadcast %parallel_loop3A_137 : i32 to vector<16xi32>
        %parallel_loop3A_139 = arith.constant 16 : i32
        %parallel_loop3A_140 = vector.broadcast %parallel_loop3A_139 : i32 to vector<16xi32>
        %parallel_loop3A_141 = arith.addi %iota3A, %parallel_loop3A_140 : vector<16xi32>
        %parallel_loop3A_142 = tpu.vector_load_idx %arg7[%parallel_loop3A_138, %parallel_loop3A_141] : memref<64x128xf32, #tpu.memory_space<vmem>>[vector<16xi32>, vector<16xi32>], vector<16xf32>,
        %parallel_loop3A_143 = arith.constant 0 : i32
        %parallel_loop3A_144 = arith.index_cast %parallel_loop3A_143 : i32 to index
        %parallel_loop3A_145 = arith.index_cast %parallel_loop3A_35 : i32 to index
        %parallel_loop3A_146 = arith.constant 112 : index
        %parallel_loop3A_147 = tpu.vector_load %arg6[%parallel_loop3A_144, %parallel_loop3A_145, %parallel_loop3A_146] {strides = array<i32>} : memref<2x32x128xf32, #tpu.memory_space<vmem>>, vector<16xf32>,
        tpu.vector_store %arg6[%parallel_loop3A_144, %parallel_loop3A_145, %parallel_loop3A_146], %parallel_loop3A_142 {strides = array<i32>} : memref<2x32x128xf32, #tpu.memory_space<vmem>>, vector<16xf32>,
      } {sc.loop_unroll_factor = 4 : i64, sc.parallel_access}
      %run_scoped3A = arith.constant 0 : i32
      "tpu.region"() ({
        %run_scoped3A_35 = tpu.sem_alloc : memref<!tpu.dma_semaphore, #tpu.memory_space<semaphore_mem>>
        %dma_start3A = arith.constant 0 : i32
        %dma_start3A_36 = arith.constant 0 : i32
        %dma_start3A_37 = tpu.memref_slice %arg6[%run_scoped3A, %dma_start3A, %dma_start3A_36] : memref<2x32x128xf32, #tpu.memory_space<vmem>> -> memref<1x16x128xf32, #tpu.memory_space<vmem>>
        %dma_start3A_38 = tpu.memref_squeeze %dma_start3A_37 : memref<1x16x128xf32, #tpu.memory_space<vmem>> -> memref<16x128xf32, #tpu.memory_space<vmem>>
        %dma_start3A_39 = arith.constant 249984 : i32
        %dma_start3A_40 = arith.constant 0 : i32
        %dma_start3A_41 = tpu.memref_slice %arg4[%dma_start3A_39, %dma_start3A_40] : memref<250000x128xf32, #tpu.memory_space<hbm>> -> memref<16x128xf32, #tpu.memory_space<hbm>>
        %dma_start3A_42 = arith.constant 249984 : i32
        %dma_start3A_43 = arith.constant 0 : i32
        %dma_start3A_44 = tpu.memref_slice %arg4[%dma_start3A_42, %dma_start3A_43] : memref<250000x128xf32, #tpu.memory_space<hbm>> -> memref<16x128xf32, #tpu.memory_space<hbm>>
        %dma_start3A_45 = arith.constant 0 : i32
        %dma_start3A_46 = arith.constant 0 : i32
        %dma_start3A_47 = tpu.memref_slice %arg6[%run_scoped3A, %dma_start3A_45, %dma_start3A_46] : memref<2x32x128xf32, #tpu.memory_space<vmem>> -> memref<1x16x128xf32, #tpu.memory_space<vmem>>
        %dma_start3A_48 = tpu.memref_squeeze %dma_start3A_47 : memref<1x16x128xf32, #tpu.memory_space<vmem>> -> memref<16x128xf32, #tpu.memory_space<vmem>>
        tpu.enqueue_dma source(%dma_start3A_48 : memref<16x128xf32, #tpu.memory_space<vmem>>) target(%dma_start3A_44 : memref<16x128xf32, #tpu.memory_space<hbm>>) target_semaphore(%run_scoped3A_35 : memref<!tpu.dma_semaphore, #tpu.memory_space<semaphore_mem>>)
        %dma_wait3A = arith.constant 0 : i32
        %dma_wait3A_49 = arith.constant 0 : i32
        %dma_wait3A_50 = tpu.memref_slice %arg6[%run_scoped3A, %dma_wait3A, %dma_wait3A_49] : memref<2x32x128xf32, #tpu.memory_space<vmem>> -> memref<1x16x128xf32, #tpu.memory_space<vmem>>
        %dma_wait3A_51 = tpu.memref_squeeze %dma_wait3A_50 : memref<1x16x128xf32, #tpu.memory_space<vmem>> -> memref<16x128xf32, #tpu.memory_space<vmem>>
        %dma_wait3A_52 = arith.constant 249984 : i32
        %dma_wait3A_53 = arith.constant 0 : i32
        %dma_wait3A_54 = tpu.memref_slice %arg4[%dma_wait3A_52, %dma_wait3A_53] : memref<250000x128xf32, #tpu.memory_space<hbm>> -> memref<16x128xf32, #tpu.memory_space<hbm>>
        %dma_wait3A_55 = arith.constant 249984 : i32
        %dma_wait3A_56 = arith.constant 0 : i32
        %dma_wait3A_57 = tpu.memref_slice %arg4[%dma_wait3A_55, %dma_wait3A_56] : memref<250000x128xf32, #tpu.memory_space<hbm>> -> memref<16x128xf32, #tpu.memory_space<hbm>>
        %dma_wait3A_58 = arith.constant 0 : i32
        %dma_wait3A_59 = arith.constant 0 : i32
        %dma_wait3A_60 = tpu.memref_slice %arg6[%run_scoped3A, %dma_wait3A_58, %dma_wait3A_59] : memref<2x32x128xf32, #tpu.memory_space<vmem>> -> memref<1x16x128xf32, #tpu.memory_space<vmem>>
        %dma_wait3A_61 = tpu.memref_squeeze %dma_wait3A_60 : memref<1x16x128xf32, #tpu.memory_space<vmem>> -> memref<16x128xf32, #tpu.memory_space<vmem>>
        tpu.wait_dma2 semaphore(%run_scoped3A_35 : memref<!tpu.dma_semaphore, #tpu.memory_space<semaphore_mem>>) src(%dma_wait3A_61 : memref<16x128xf32, #tpu.memory_space<vmem>>) dst(%dma_wait3A_57 : memref<16x128xf32, #tpu.memory_space<hbm>>)
        tpu.yield
      }) : () -> ()
    } else {
    }
    return
  }
}

#map = affine_map<(d0, d1) -> (0, 0)>
#map1 = affine_map<(d0, d1) -> (0, 0, 0, 0, 0)>
module attributes {stable_mosaic.version = 14 : i64} {
  func.func @_sc_gather(%arg0: i32, %arg1: i32, %arg2: memref<50x16384xi32, #tpu.memory_space<hbm>>, %arg3: memref<1000000x32xf32, #tpu.memory_space<hbm>>, %arg4: memref<50x4x128x8x128xf32, #tpu.memory_space<hbm>>, %arg5: memref<50x512xi32, #tpu.memory_space<vmem>>, %arg6: memref<2x512x32xf32, #tpu.memory_space<vmem>>, %arg7: memref<2x4x4x8x128xf32, #tpu.memory_space<vmem>>, %arg8: memref<!tpu.dma_semaphore, #tpu.memory_space<semaphore_mem>>, %arg9: memref<!tpu.dma_semaphore, #tpu.memory_space<semaphore_mem>>, %arg10: memref<!tpu.dma_semaphore, #tpu.memory_space<semaphore_mem>>, %arg11: memref<!tpu.dma_semaphore, #tpu.memory_space<semaphore_mem>>) attributes {dimension_semantics = [#tpu.dimension_semantics<core_parallel>, #tpu.dimension_semantics<subcore_parallel>], iteration_bounds = array<i64: 2, 16>, scalar_prefetch = 0 : i64, scratch_operands = 7 : i64, tpu.core_type = #tpu.core_type<sc_vector_subcore>, window_params = [{transform_indices = #map}, {transform_indices = #map}, {transform_indices = #map1}]} {
    %mul3A = arith.constant 2 : i32
    %mul3A_0 = arith.muli %arg1, %mul3A : i32
    %add3A = arith.addi %mul3A_0, %arg0 : i32
    %mul3A_1 = arith.constant 512 : i32
    %mul3A_2 = arith.muli %add3A, %mul3A_1 : i32
    "tpu.region"() ({
      %run_scoped3A = tpu.sem_alloc : memref<!tpu.dma_semaphore, #tpu.memory_space<semaphore_mem>>
      %dma_start3A_166 = arith.constant 0 : i32
      %dma_start3A_167 = tpu.memref_slice %arg2[%dma_start3A_166, %mul3A_2] : memref<50x16384xi32, #tpu.memory_space<hbm>> -> memref<50x512xi32, #tpu.memory_space<hbm>>
      %dma_start3A_168 = arith.constant 0 : i32
      %dma_start3A_169 = tpu.memref_slice %arg2[%dma_start3A_168, %mul3A_2] : memref<50x16384xi32, #tpu.memory_space<hbm>> -> memref<50x512xi32, #tpu.memory_space<hbm>>
      tpu.enqueue_dma source(%dma_start3A_169 : memref<50x512xi32, #tpu.memory_space<hbm>>) target(%arg5 : memref<50x512xi32, #tpu.memory_space<vmem>>) target_semaphore(%run_scoped3A : memref<!tpu.dma_semaphore, #tpu.memory_space<semaphore_mem>>)
      %dma_wait3A_170 = arith.constant 0 : i32
      %dma_wait3A_171 = tpu.memref_slice %arg2[%dma_wait3A_170, %mul3A_2] : memref<50x16384xi32, #tpu.memory_space<hbm>> -> memref<50x512xi32, #tpu.memory_space<hbm>>
      %dma_wait3A_172 = arith.constant 0 : i32
      %dma_wait3A_173 = tpu.memref_slice %arg2[%dma_wait3A_172, %mul3A_2] : memref<50x16384xi32, #tpu.memory_space<hbm>> -> memref<50x512xi32, #tpu.memory_space<hbm>>
      tpu.wait_dma2 semaphore(%run_scoped3A : memref<!tpu.dma_semaphore, #tpu.memory_space<semaphore_mem>>) src(%dma_wait3A_173 : memref<50x512xi32, #tpu.memory_space<hbm>>) dst(%arg5 : memref<50x512xi32, #tpu.memory_space<vmem>>)
      tpu.yield
    }) : () -> ()
    %iota3A = tpu.iota {dimensions = array<i32: 0>} : vector<16xi32>
    %add3A_3 = arith.constant 0 : i32
    %add3A_4 = vector.broadcast %add3A_3 : i32 to vector<16xi32>
    %add3A_5 = arith.addi %iota3A, %add3A_4 : vector<16xi32>
    %add3A_6 = arith.constant 16 : i32
    %add3A_7 = vector.broadcast %add3A_6 : i32 to vector<16xi32>
    %add3A_8 = arith.addi %iota3A, %add3A_7 : vector<16xi32>
    %add3A_9 = arith.constant 32 : i32
    %add3A_10 = vector.broadcast %add3A_9 : i32 to vector<16xi32>
    %add3A_11 = arith.addi %iota3A, %add3A_10 : vector<16xi32>
    %add3A_12 = arith.constant 48 : i32
    %add3A_13 = vector.broadcast %add3A_12 : i32 to vector<16xi32>
    %add3A_14 = arith.addi %iota3A, %add3A_13 : vector<16xi32>
    %add3A_15 = arith.constant 64 : i32
    %add3A_16 = vector.broadcast %add3A_15 : i32 to vector<16xi32>
    %add3A_17 = arith.addi %iota3A, %add3A_16 : vector<16xi32>
    %add3A_18 = arith.constant 80 : i32
    %add3A_19 = vector.broadcast %add3A_18 : i32 to vector<16xi32>
    %add3A_20 = arith.addi %iota3A, %add3A_19 : vector<16xi32>
    %add3A_21 = arith.constant 96 : i32
    %add3A_22 = vector.broadcast %add3A_21 : i32 to vector<16xi32>
    %add3A_23 = arith.addi %iota3A, %add3A_22 : vector<16xi32>
    %add3A_24 = arith.constant 112 : i32
    %add3A_25 = vector.broadcast %add3A_24 : i32 to vector<16xi32>
    %add3A_26 = arith.addi %iota3A, %add3A_25 : vector<16xi32>
    %add3A_27 = arith.constant 128 : i32
    %add3A_28 = vector.broadcast %add3A_27 : i32 to vector<16xi32>
    %add3A_29 = arith.addi %iota3A, %add3A_28 : vector<16xi32>
    %add3A_30 = arith.constant 144 : i32
    %add3A_31 = vector.broadcast %add3A_30 : i32 to vector<16xi32>
    %add3A_32 = arith.addi %iota3A, %add3A_31 : vector<16xi32>
    %add3A_33 = arith.constant 160 : i32
    %add3A_34 = vector.broadcast %add3A_33 : i32 to vector<16xi32>
    %add3A_35 = arith.addi %iota3A, %add3A_34 : vector<16xi32>
    %add3A_36 = arith.constant 176 : i32
    %add3A_37 = vector.broadcast %add3A_36 : i32 to vector<16xi32>
    %add3A_38 = arith.addi %iota3A, %add3A_37 : vector<16xi32>
    %add3A_39 = arith.constant 192 : i32
    %add3A_40 = vector.broadcast %add3A_39 : i32 to vector<16xi32>
    %add3A_41 = arith.addi %iota3A, %add3A_40 : vector<16xi32>
    %add3A_42 = arith.constant 208 : i32
    %add3A_43 = vector.broadcast %add3A_42 : i32 to vector<16xi32>
    %add3A_44 = arith.addi %iota3A, %add3A_43 : vector<16xi32>
    %add3A_45 = arith.constant 224 : i32
    %add3A_46 = vector.broadcast %add3A_45 : i32 to vector<16xi32>
    %add3A_47 = arith.addi %iota3A, %add3A_46 : vector<16xi32>
    %add3A_48 = arith.constant 240 : i32
    %add3A_49 = vector.broadcast %add3A_48 : i32 to vector<16xi32>
    %add3A_50 = arith.addi %iota3A, %add3A_49 : vector<16xi32>
    %add3A_51 = arith.constant 256 : i32
    %add3A_52 = vector.broadcast %add3A_51 : i32 to vector<16xi32>
    %add3A_53 = arith.addi %iota3A, %add3A_52 : vector<16xi32>
    %add3A_54 = arith.constant 272 : i32
    %add3A_55 = vector.broadcast %add3A_54 : i32 to vector<16xi32>
    %add3A_56 = arith.addi %iota3A, %add3A_55 : vector<16xi32>
    %add3A_57 = arith.constant 288 : i32
    %add3A_58 = vector.broadcast %add3A_57 : i32 to vector<16xi32>
    %add3A_59 = arith.addi %iota3A, %add3A_58 : vector<16xi32>
    %add3A_60 = arith.constant 304 : i32
    %add3A_61 = vector.broadcast %add3A_60 : i32 to vector<16xi32>
    %add3A_62 = arith.addi %iota3A, %add3A_61 : vector<16xi32>
    %add3A_63 = arith.constant 320 : i32
    %add3A_64 = vector.broadcast %add3A_63 : i32 to vector<16xi32>
    %add3A_65 = arith.addi %iota3A, %add3A_64 : vector<16xi32>
    %add3A_66 = arith.constant 336 : i32
    %add3A_67 = vector.broadcast %add3A_66 : i32 to vector<16xi32>
    %add3A_68 = arith.addi %iota3A, %add3A_67 : vector<16xi32>
    %add3A_69 = arith.constant 352 : i32
    %add3A_70 = vector.broadcast %add3A_69 : i32 to vector<16xi32>
    %add3A_71 = arith.addi %iota3A, %add3A_70 : vector<16xi32>
    %add3A_72 = arith.constant 368 : i32
    %add3A_73 = vector.broadcast %add3A_72 : i32 to vector<16xi32>
    %add3A_74 = arith.addi %iota3A, %add3A_73 : vector<16xi32>
    %add3A_75 = arith.constant 384 : i32
    %add3A_76 = vector.broadcast %add3A_75 : i32 to vector<16xi32>
    %add3A_77 = arith.addi %iota3A, %add3A_76 : vector<16xi32>
    %add3A_78 = arith.constant 400 : i32
    %add3A_79 = vector.broadcast %add3A_78 : i32 to vector<16xi32>
    %add3A_80 = arith.addi %iota3A, %add3A_79 : vector<16xi32>
    %add3A_81 = arith.constant 416 : i32
    %add3A_82 = vector.broadcast %add3A_81 : i32 to vector<16xi32>
    %add3A_83 = arith.addi %iota3A, %add3A_82 : vector<16xi32>
    %add3A_84 = arith.constant 432 : i32
    %add3A_85 = vector.broadcast %add3A_84 : i32 to vector<16xi32>
    %add3A_86 = arith.addi %iota3A, %add3A_85 : vector<16xi32>
    %add3A_87 = arith.constant 448 : i32
    %add3A_88 = vector.broadcast %add3A_87 : i32 to vector<16xi32>
    %add3A_89 = arith.addi %iota3A, %add3A_88 : vector<16xi32>
    %add3A_90 = arith.constant 464 : i32
    %add3A_91 = vector.broadcast %add3A_90 : i32 to vector<16xi32>
    %add3A_92 = arith.addi %iota3A, %add3A_91 : vector<16xi32>
    %add3A_93 = arith.constant 480 : i32
    %add3A_94 = vector.broadcast %add3A_93 : i32 to vector<16xi32>
    %add3A_95 = arith.addi %iota3A, %add3A_94 : vector<16xi32>
    %add3A_96 = arith.constant 496 : i32
    %add3A_97 = vector.broadcast %add3A_96 : i32 to vector<16xi32>
    %add3A_98 = arith.addi %iota3A, %add3A_97 : vector<16xi32>
    %dma_start3A = arith.constant 0 : i32
    %dma_start3A_99 = arith.constant 0 : i32
    %dma_start3A_100 = arith.constant 0 : i32
    %dma_start3A_101 = arith.constant 0 : i32
    %dma_start3A_102 = tpu.memref_slice %arg6[%dma_start3A_99, %dma_start3A_100, %dma_start3A_101] : memref<2x512x32xf32, #tpu.memory_space<vmem>> -> memref<1x512x32xf32, #tpu.memory_space<vmem>>
    %dma_start3A_103 = tpu.memref_squeeze %dma_start3A_102 : memref<1x512x32xf32, #tpu.memory_space<vmem>> -> memref<512x32xf32, #tpu.memory_space<vmem>>
    %dma_start3A_104 = arith.constant 0 : i32
    %dma_start3A_105 = tpu.memref_slice %arg5[%dma_start3A, %dma_start3A_104] : memref<50x512xi32, #tpu.memory_space<vmem>> -> memref<1x512xi32, #tpu.memory_space<vmem>>
    %dma_start3A_106 = tpu.memref_squeeze %dma_start3A_105 : memref<1x512xi32, #tpu.memory_space<vmem>> -> memref<512xi32, #tpu.memory_space<vmem>>
    %dma_start3A_107 = arith.constant 0 : i32
    %dma_start3A_108 = arith.constant 0 : i32
    %dma_start3A_109 = tpu.memref_slice %arg3[%dma_start3A_107, %dma_start3A_108] : memref<1000000x32xf32, #tpu.memory_space<hbm>> -> memref<1000000x32xf32, #tpu.memory_space<hbm>>
    tpu.enqueue_indirect_dma source(%dma_start3A_109 : memref<1000000x32xf32, #tpu.memory_space<hbm>>) target(%dma_start3A_103 : memref<512x32xf32, #tpu.memory_space<vmem>>) offsets(%dma_start3A_106 : memref<512xi32, #tpu.memory_space<vmem>>) semaphore(%arg8 : memref<!tpu.dma_semaphore, #tpu.memory_space<semaphore_mem>>)
    %scan3A = arith.constant 0 : i32
    %scan3A_110 = arith.constant 0 : i32
    %scan3A_111 = arith.constant 25 : i32
    %scan3A_112 = arith.addi %scan3A_110, %scan3A_111 : i32
    %scan3A_113 = arith.constant 1 : i32
    scf.for %scan3A_166 = %scan3A_110 to %scan3A_112 step %scan3A_113  : i32 {
      %mul3A_167 = arith.constant 2 : i32
      %mul3A_168 = arith.muli %scan3A_166, %mul3A_167 : i32
      %add3A_169 = arith.constant 0 : i32
      %add3A_170 = arith.addi %mul3A_168, %add3A_169 : i32
      %add3A_171 = arith.constant 1 : i32
      %add3A_172 = arith.addi %add3A_170, %add3A_171 : i32
      %lt3A = arith.constant 50 : i32
      %lt3A_173 = arith.cmpi slt, %add3A_172, %lt3A : i32
      %convert_element_type3A = arith.extui %lt3A_173 : i1 to i32
      %cond3A = arith.constant 0 : i32
      %cond3A_174 = arith.cmpi ne, %convert_element_type3A, %cond3A : i32
      scf.if %cond3A_174 {
        %add3A_272 = arith.constant 1 : i32
        %add3A_273 = arith.addi %add3A_170, %add3A_272 : i32
        %dma_start3A_274 = arith.constant 1 : i32
        %dma_start3A_275 = arith.constant 0 : i32
        %dma_start3A_276 = arith.constant 0 : i32
        %dma_start3A_277 = tpu.memref_slice %arg6[%dma_start3A_274, %dma_start3A_275, %dma_start3A_276] : memref<2x512x32xf32, #tpu.memory_space<vmem>> -> memref<1x512x32xf32, #tpu.memory_space<vmem>>
        %dma_start3A_278 = tpu.memref_squeeze %dma_start3A_277 : memref<1x512x32xf32, #tpu.memory_space<vmem>> -> memref<512x32xf32, #tpu.memory_space<vmem>>
        %dma_start3A_279 = arith.constant 0 : i32
        %dma_start3A_280 = tpu.memref_slice %arg5[%add3A_273, %dma_start3A_279] : memref<50x512xi32, #tpu.memory_space<vmem>> -> memref<1x512xi32, #tpu.memory_space<vmem>>
        %dma_start3A_281 = tpu.memref_squeeze %dma_start3A_280 : memref<1x512xi32, #tpu.memory_space<vmem>> -> memref<512xi32, #tpu.memory_space<vmem>>
        %dma_start3A_282 = arith.constant 0 : i32
        %dma_start3A_283 = arith.constant 0 : i32
        %dma_start3A_284 = tpu.memref_slice %arg3[%dma_start3A_282, %dma_start3A_283] : memref<1000000x32xf32, #tpu.memory_space<hbm>> -> memref<1000000x32xf32, #tpu.memory_space<hbm>>
        tpu.enqueue_indirect_dma source(%dma_start3A_284 : memref<1000000x32xf32, #tpu.memory_space<hbm>>) target(%dma_start3A_278 : memref<512x32xf32, #tpu.memory_space<vmem>>) offsets(%dma_start3A_281 : memref<512xi32, #tpu.memory_space<vmem>>) semaphore(%arg9 : memref<!tpu.dma_semaphore, #tpu.memory_space<semaphore_mem>>)
      } else {
      }
      %dma_wait3A_175 = arith.constant 0 : i32
      %dma_wait3A_176 = arith.constant 0 : i32
      %dma_wait3A_177 = arith.constant 0 : i32
      %dma_wait3A_178 = tpu.memref_slice %arg6[%dma_wait3A_175, %dma_wait3A_176, %dma_wait3A_177] : memref<2x512x32xf32, #tpu.memory_space<vmem>> -> memref<1x512x32xf32, #tpu.memory_space<vmem>>
      %dma_wait3A_179 = tpu.memref_squeeze %dma_wait3A_178 : memref<1x512x32xf32, #tpu.memory_space<vmem>> -> memref<512x32xf32, #tpu.memory_space<vmem>>
      %dma_wait3A_180 = arith.constant 0 : i32
      %dma_wait3A_181 = tpu.memref_slice %arg5[%add3A_170, %dma_wait3A_180] : memref<50x512xi32, #tpu.memory_space<vmem>> -> memref<1x512xi32, #tpu.memory_space<vmem>>
      %dma_wait3A_182 = tpu.memref_squeeze %dma_wait3A_181 : memref<1x512xi32, #tpu.memory_space<vmem>> -> memref<512xi32, #tpu.memory_space<vmem>>
      %dma_wait3A_183 = arith.constant 0 : i32
      %dma_wait3A_184 = arith.constant 0 : i32
      %dma_wait3A_185 = tpu.memref_slice %arg3[%dma_wait3A_183, %dma_wait3A_184] : memref<1000000x32xf32, #tpu.memory_space<hbm>> -> memref<1000000x32xf32, #tpu.memory_space<hbm>>
      tpu.wait_indirect_dma semaphore(%arg8 : memref<!tpu.dma_semaphore, #tpu.memory_space<semaphore_mem>>) src(%dma_wait3A_185 : memref<1000000x32xf32, #tpu.memory_space<hbm>>) dst(%dma_wait3A_179 : memref<512x32xf32, #tpu.memory_space<vmem>>)
      %ge3A = arith.constant 2 : i32
      %ge3A_186 = arith.cmpi sge, %add3A_170, %ge3A : i32
      %convert_element_type3A_187 = arith.extui %ge3A_186 : i1 to i32
      %cond3A_188 = arith.constant 0 : i32
      %cond3A_189 = arith.cmpi ne, %convert_element_type3A_187, %cond3A_188 : i32
      scf.if %cond3A_189 {
        %sub3A = arith.constant 2 : i32
        %sub3A_272 = arith.subi %add3A_170, %sub3A : i32
        %mul3A_273 = arith.constant 4 : i32
        %mul3A_274 = arith.muli %add3A, %mul3A_273 : i32
        %dma_wait3A_275 = arith.constant 0 : i32
        %dma_wait3A_276 = arith.constant 0 : i32
        %dma_wait3A_277 = arith.constant 0 : i32
        %dma_wait3A_278 = arith.constant 0 : i32
        %dma_wait3A_279 = arith.constant 0 : i32
        %dma_wait3A_280 = tpu.memref_slice %arg7[%dma_wait3A_275, %dma_wait3A_276, %dma_wait3A_277, %dma_wait3A_278, %dma_wait3A_279] : memref<2x4x4x8x128xf32, #tpu.memory_space<vmem>> -> memref<1x4x4x8x128xf32, #tpu.memory_space<vmem>>
        %dma_wait3A_281 = tpu.memref_squeeze %dma_wait3A_280 : memref<1x4x4x8x128xf32, #tpu.memory_space<vmem>> -> memref<4x4x8x128xf32, #tpu.memory_space<vmem>>
        %dma_wait3A_282 = arith.constant 0 : i32
        %dma_wait3A_283 = arith.constant 0 : i32
        %dma_wait3A_284 = arith.constant 0 : i32
        %dma_wait3A_285 = tpu.memref_slice %arg4[%sub3A_272, %dma_wait3A_282, %mul3A_274, %dma_wait3A_283, %dma_wait3A_284] : memref<50x4x128x8x128xf32, #tpu.memory_space<hbm>> -> memref<1x4x4x8x128xf32, #tpu.memory_space<hbm>>
        %dma_wait3A_286 = tpu.memref_squeeze %dma_wait3A_285 : memref<1x4x4x8x128xf32, #tpu.memory_space<hbm>> -> memref<4x4x8x128xf32, #tpu.memory_space<hbm>>
        %dma_wait3A_287 = arith.constant 0 : i32
        %dma_wait3A_288 = arith.constant 0 : i32
        %dma_wait3A_289 = arith.constant 0 : i32
        %dma_wait3A_290 = tpu.memref_slice %arg4[%sub3A_272, %dma_wait3A_287, %mul3A_274, %dma_wait3A_288, %dma_wait3A_289] : memref<50x4x128x8x128xf32, #tpu.memory_space<hbm>> -> memref<1x4x4x8x128xf32, #tpu.memory_space<hbm>>
        %dma_wait3A_291 = tpu.memref_squeeze %dma_wait3A_290 : memref<1x4x4x8x128xf32, #tpu.memory_space<hbm>> -> memref<4x4x8x128xf32, #tpu.memory_space<hbm>>
        %dma_wait3A_292 = arith.constant 0 : i32
        %dma_wait3A_293 = arith.constant 0 : i32
        %dma_wait3A_294 = arith.constant 0 : i32
        %dma_wait3A_295 = arith.constant 0 : i32
        %dma_wait3A_296 = tpu.memref_slice %arg7[%dma_wait3A_275, %dma_wait3A_292, %dma_wait3A_293, %dma_wait3A_294, %dma_wait3A_295] : memref<2x4x4x8x128xf32, #tpu.memory_space<vmem>> -> memref<1x4x4x8x128xf32, #tpu.memory_space<vmem>>
        %dma_wait3A_297 = tpu.memref_squeeze %dma_wait3A_296 : memref<1x4x4x8x128xf32, #tpu.memory_space<vmem>> -> memref<4x4x8x128xf32, #tpu.memory_space<vmem>>
        tpu.wait_dma2 semaphore(%arg10 : memref<!tpu.dma_semaphore, #tpu.memory_space<semaphore_mem>>) src(%dma_wait3A_297 : memref<4x4x8x128xf32, #tpu.memory_space<vmem>>) dst(%dma_wait3A_291 : memref<4x4x8x128xf32, #tpu.memory_space<hbm>>)
      } else {
      }
      %parallel_loop3A = arith.constant 0 : i32
      %parallel_loop3A_190 = arith.constant 32 : i32
      %parallel_loop3A_191 = arith.constant 1 : i32
      scf.for %parallel_loop3A_272 = %parallel_loop3A to %parallel_loop3A_190 step %parallel_loop3A_191  : i32 {
        %parallel_loop3A_273 = arith.constant 8 : i32
        %parallel_loop3A_274 = arith.divsi %parallel_loop3A_272, %parallel_loop3A_273 : i32
        %parallel_loop3A_275 = arith.constant 0 : i32
        %parallel_loop3A_276 = arith.cmpi sgt, %parallel_loop3A_272, %parallel_loop3A_275 : i32
        %parallel_loop3A_277 = arith.extui %parallel_loop3A_276 : i1 to i32
        %parallel_loop3A_278 = arith.constant 0 : i32
        %parallel_loop3A_279 = arith.cmpi slt, %parallel_loop3A_272, %parallel_loop3A_278 : i32
        %parallel_loop3A_280 = arith.extui %parallel_loop3A_279 : i1 to i32
        %parallel_loop3A_281 = arith.subi %parallel_loop3A_277, %parallel_loop3A_280 : i32
        %parallel_loop3A_282 = arith.constant 0 : i32
        %parallel_loop3A_283 = arith.cmpi sgt, %parallel_loop3A_273, %parallel_loop3A_282 : i32
        %parallel_loop3A_284 = arith.extui %parallel_loop3A_283 : i1 to i32
        %parallel_loop3A_285 = arith.constant 0 : i32
        %parallel_loop3A_286 = arith.cmpi slt, %parallel_loop3A_273, %parallel_loop3A_285 : i32
        %parallel_loop3A_287 = arith.extui %parallel_loop3A_286 : i1 to i32
        %parallel_loop3A_288 = arith.subi %parallel_loop3A_284, %parallel_loop3A_287 : i32
        %parallel_loop3A_289 = arith.cmpi ne, %parallel_loop3A_281, %parallel_loop3A_288 : i32
        %parallel_loop3A_290 = arith.remsi %parallel_loop3A_272, %parallel_loop3A_273 : i32
        %parallel_loop3A_291 = arith.constant 0 : i32
        %parallel_loop3A_292 = arith.cmpi ne, %parallel_loop3A_290, %parallel_loop3A_291 : i32
        %parallel_loop3A_293 = arith.andi %parallel_loop3A_289, %parallel_loop3A_292 : i1
        %parallel_loop3A_294 = arith.constant 1 : i32
        %parallel_loop3A_295 = arith.subi %parallel_loop3A_274, %parallel_loop3A_294 : i32
        %parallel_loop3A_296 = arith.select %parallel_loop3A_293, %parallel_loop3A_295, %parallel_loop3A_274 : i32
        %parallel_loop3A_297 = arith.constant 8 : i32
        %parallel_loop3A_298 = arith.constant 0 : i32
        %parallel_loop3A_299 = arith.cmpi eq, %parallel_loop3A_297, %parallel_loop3A_298 : i32
        %parallel_loop3A_300 = arith.constant 1 : i32
        %parallel_loop3A_301 = arith.select %parallel_loop3A_299, %parallel_loop3A_300, %parallel_loop3A_297 : i32
        %parallel_loop3A_302 = arith.remsi %parallel_loop3A_272, %parallel_loop3A_301 : i32
        %parallel_loop3A_303 = arith.constant 0 : i32
        %parallel_loop3A_304 = arith.cmpi ne, %parallel_loop3A_302, %parallel_loop3A_303 : i32
        %parallel_loop3A_305 = arith.constant 0 : i32
        %parallel_loop3A_306 = arith.cmpi slt, %parallel_loop3A_302, %parallel_loop3A_305 : i32
        %parallel_loop3A_307 = arith.constant 0 : i32
        %parallel_loop3A_308 = arith.cmpi slt, %parallel_loop3A_301, %parallel_loop3A_307 : i32
        %parallel_loop3A_309 = arith.xori %parallel_loop3A_306, %parallel_loop3A_308 : i1
        %parallel_loop3A_310 = arith.andi %parallel_loop3A_309, %parallel_loop3A_304 : i1
        %parallel_loop3A_311 = arith.addi %parallel_loop3A_302, %parallel_loop3A_301 : i32
        %parallel_loop3A_312 = arith.select %parallel_loop3A_310, %parallel_loop3A_311, %parallel_loop3A_302 : i32
        %parallel_loop3A_313 = vector.broadcast %parallel_loop3A_272 : i32 to vector<16xi32>
        %parallel_loop3A_314 = arith.constant 0 : i32
        %parallel_loop3A_315 = arith.constant 0 : i32
        %parallel_loop3A_316 = arith.constant 0 : i32
        %parallel_loop3A_317 = tpu.memref_slice %arg6[%parallel_loop3A_314, %parallel_loop3A_315, %parallel_loop3A_316] : memref<2x512x32xf32, #tpu.memory_space<vmem>> -> memref<1x512x32xf32, #tpu.memory_space<vmem>>
        %parallel_loop3A_318 = tpu.memref_squeeze %parallel_loop3A_317 : memref<1x512x32xf32, #tpu.memory_space<vmem>> -> memref<512x32xf32, #tpu.memory_space<vmem>>
        %parallel_loop3A_319 = tpu.vector_load_idx %parallel_loop3A_318[%add3A_5, %parallel_loop3A_313] : memref<512x32xf32, #tpu.memory_space<vmem>>[vector<16xi32>, vector<16xi32>], vector<16xf32>,
        %parallel_loop3A_320 = arith.constant 0 : i32
        %parallel_loop3A_321 = arith.constant 0 : i32
        %parallel_loop3A_322 = arith.index_cast %parallel_loop3A_320 : i32 to index
        %parallel_loop3A_323 = arith.index_cast %parallel_loop3A_296 : i32 to index
        %parallel_loop3A_324 = arith.index_cast %parallel_loop3A_321 : i32 to index
        %parallel_loop3A_325 = arith.index_cast %parallel_loop3A_312 : i32 to index
        %parallel_loop3A_326 = arith.constant 0 : index
        %parallel_loop3A_327 = tpu.vector_load %arg7[%parallel_loop3A_322, %parallel_loop3A_323, %parallel_loop3A_324, %parallel_loop3A_325, %parallel_loop3A_326] {strides = array<i32>} : memref<2x4x4x8x128xf32, #tpu.memory_space<vmem>>, vector<16xf32>,
        tpu.vector_store %arg7[%parallel_loop3A_322, %parallel_loop3A_323, %parallel_loop3A_324, %parallel_loop3A_325, %parallel_loop3A_326], %parallel_loop3A_319 {strides = array<i32>} : memref<2x4x4x8x128xf32, #tpu.memory_space<vmem>>, vector<16xf32>,
        %parallel_loop3A_328 = arith.constant 0 : i32
        %parallel_loop3A_329 = arith.constant 0 : i32
        %parallel_loop3A_330 = arith.constant 0 : i32
        %parallel_loop3A_331 = tpu.memref_slice %arg6[%parallel_loop3A_328, %parallel_loop3A_329, %parallel_loop3A_330] : memref<2x512x32xf32, #tpu.memory_space<vmem>> -> memref<1x512x32xf32, #tpu.memory_space<vmem>>
        %parallel_loop3A_332 = tpu.memref_squeeze %parallel_loop3A_331 : memref<1x512x32xf32, #tpu.memory_space<vmem>> -> memref<512x32xf32, #tpu.memory_space<vmem>>
        %parallel_loop3A_333 = tpu.vector_load_idx %parallel_loop3A_332[%add3A_8, %parallel_loop3A_313] : memref<512x32xf32, #tpu.memory_space<vmem>>[vector<16xi32>, vector<16xi32>], vector<16xf32>,
        %parallel_loop3A_334 = arith.constant 0 : i32
        %parallel_loop3A_335 = arith.constant 0 : i32
        %parallel_loop3A_336 = arith.index_cast %parallel_loop3A_334 : i32 to index
        %parallel_loop3A_337 = arith.index_cast %parallel_loop3A_296 : i32 to index
        %parallel_loop3A_338 = arith.index_cast %parallel_loop3A_335 : i32 to index
        %parallel_loop3A_339 = arith.index_cast %parallel_loop3A_312 : i32 to index
        %parallel_loop3A_340 = arith.constant 16 : index
        %parallel_loop3A_341 = tpu.vector_load %arg7[%parallel_loop3A_336, %parallel_loop3A_337, %parallel_loop3A_338, %parallel_loop3A_339, %parallel_loop3A_340] {strides = array<i32>} : memref<2x4x4x8x128xf32, #tpu.memory_space<vmem>>, vector<16xf32>,
        tpu.vector_store %arg7[%parallel_loop3A_336, %parallel_loop3A_337, %parallel_loop3A_338, %parallel_loop3A_339, %parallel_loop3A_340], %parallel_loop3A_333 {strides = array<i32>} : memref<2x4x4x8x128xf32, #tpu.memory_space<vmem>>, vector<16xf32>,
        %parallel_loop3A_342 = arith.constant 0 : i32
        %parallel_loop3A_343 = arith.constant 0 : i32
        %parallel_loop3A_344 = arith.constant 0 : i32
        %parallel_loop3A_345 = tpu.memref_slice %arg6[%parallel_loop3A_342, %parallel_loop3A_343, %parallel_loop3A_344] : memref<2x512x32xf32, #tpu.memory_space<vmem>> -> memref<1x512x32xf32, #tpu.memory_space<vmem>>
        %parallel_loop3A_346 = tpu.memref_squeeze %parallel_loop3A_345 : memref<1x512x32xf32, #tpu.memory_space<vmem>> -> memref<512x32xf32, #tpu.memory_space<vmem>>
        %parallel_loop3A_347 = tpu.vector_load_idx %parallel_loop3A_346[%add3A_11, %parallel_loop3A_313] : memref<512x32xf32, #tpu.memory_space<vmem>>[vector<16xi32>, vector<16xi32>], vector<16xf32>,
        %parallel_loop3A_348 = arith.constant 0 : i32
        %parallel_loop3A_349 = arith.constant 0 : i32
        %parallel_loop3A_350 = arith.index_cast %parallel_loop3A_348 : i32 to index
        %parallel_loop3A_351 = arith.index_cast %parallel_loop3A_296 : i32 to index
        %parallel_loop3A_352 = arith.index_cast %parallel_loop3A_349 : i32 to index
        %parallel_loop3A_353 = arith.index_cast %parallel_loop3A_312 : i32 to index
        %parallel_loop3A_354 = arith.constant 32 : index
        %parallel_loop3A_355 = tpu.vector_load %arg7[%parallel_loop3A_350, %parallel_loop3A_351, %parallel_loop3A_352, %parallel_loop3A_353, %parallel_loop3A_354] {strides = array<i32>} : memref<2x4x4x8x128xf32, #tpu.memory_space<vmem>>, vector<16xf32>,
        tpu.vector_store %arg7[%parallel_loop3A_350, %parallel_loop3A_351, %parallel_loop3A_352, %parallel_loop3A_353, %parallel_loop3A_354], %parallel_loop3A_347 {strides = array<i32>} : memref<2x4x4x8x128xf32, #tpu.memory_space<vmem>>, vector<16xf32>,
        %parallel_loop3A_356 = arith.constant 0 : i32
        %parallel_loop3A_357 = arith.constant 0 : i32
        %parallel_loop3A_358 = arith.constant 0 : i32
        %parallel_loop3A_359 = tpu.memref_slice %arg6[%parallel_loop3A_356, %parallel_loop3A_357, %parallel_loop3A_358] : memref<2x512x32xf32, #tpu.memory_space<vmem>> -> memref<1x512x32xf32, #tpu.memory_space<vmem>>
        %parallel_loop3A_360 = tpu.memref_squeeze %parallel_loop3A_359 : memref<1x512x32xf32, #tpu.memory_space<vmem>> -> memref<512x32xf32, #tpu.memory_space<vmem>>
        %parallel_loop3A_361 = tpu.vector_load_idx %parallel_loop3A_360[%add3A_14, %parallel_loop3A_313] : memref<512x32xf32, #tpu.memory_space<vmem>>[vector<16xi32>, vector<16xi32>], vector<16xf32>,
        %parallel_loop3A_362 = arith.constant 0 : i32
        %parallel_loop3A_363 = arith.constant 0 : i32
        %parallel_loop3A_364 = arith.index_cast %parallel_loop3A_362 : i32 to index
        %parallel_loop3A_365 = arith.index_cast %parallel_loop3A_296 : i32 to index
        %parallel_loop3A_366 = arith.index_cast %parallel_loop3A_363 : i32 to index
        %parallel_loop3A_367 = arith.index_cast %parallel_loop3A_312 : i32 to index
        %parallel_loop3A_368 = arith.constant 48 : index
        %parallel_loop3A_369 = tpu.vector_load %arg7[%parallel_loop3A_364, %parallel_loop3A_365, %parallel_loop3A_366, %parallel_loop3A_367, %parallel_loop3A_368] {strides = array<i32>} : memref<2x4x4x8x128xf32, #tpu.memory_space<vmem>>, vector<16xf32>,
        tpu.vector_store %arg7[%parallel_loop3A_364, %parallel_loop3A_365, %parallel_loop3A_366, %parallel_loop3A_367, %parallel_loop3A_368], %parallel_loop3A_361 {strides = array<i32>} : memref<2x4x4x8x128xf32, #tpu.memory_space<vmem>>, vector<16xf32>,
        %parallel_loop3A_370 = arith.constant 0 : i32
        %parallel_loop3A_371 = arith.constant 0 : i32
        %parallel_loop3A_372 = arith.constant 0 : i32
        %parallel_loop3A_373 = tpu.memref_slice %arg6[%parallel_loop3A_370, %parallel_loop3A_371, %parallel_loop3A_372] : memref<2x512x32xf32, #tpu.memory_space<vmem>> -> memref<1x512x32xf32, #tpu.memory_space<vmem>>
        %parallel_loop3A_374 = tpu.memref_squeeze %parallel_loop3A_373 : memref<1x512x32xf32, #tpu.memory_space<vmem>> -> memref<512x32xf32, #tpu.memory_space<vmem>>
        %parallel_loop3A_375 = tpu.vector_load_idx %parallel_loop3A_374[%add3A_17, %parallel_loop3A_313] : memref<512x32xf32, #tpu.memory_space<vmem>>[vector<16xi32>, vector<16xi32>], vector<16xf32>,
        %parallel_loop3A_376 = arith.constant 0 : i32
        %parallel_loop3A_377 = arith.constant 0 : i32
        %parallel_loop3A_378 = arith.index_cast %parallel_loop3A_376 : i32 to index
        %parallel_loop3A_379 = arith.index_cast %parallel_loop3A_296 : i32 to index
        %parallel_loop3A_380 = arith.index_cast %parallel_loop3A_377 : i32 to index
        %parallel_loop3A_381 = arith.index_cast %parallel_loop3A_312 : i32 to index
        %parallel_loop3A_382 = arith.constant 64 : index
        %parallel_loop3A_383 = tpu.vector_load %arg7[%parallel_loop3A_378, %parallel_loop3A_379, %parallel_loop3A_380, %parallel_loop3A_381, %parallel_loop3A_382] {strides = array<i32>} : memref<2x4x4x8x128xf32, #tpu.memory_space<vmem>>, vector<16xf32>,
        tpu.vector_store %arg7[%parallel_loop3A_378, %parallel_loop3A_379, %parallel_loop3A_380, %parallel_loop3A_381, %parallel_loop3A_382], %parallel_loop3A_375 {strides = array<i32>} : memref<2x4x4x8x128xf32, #tpu.memory_space<vmem>>, vector<16xf32>,
        %parallel_loop3A_384 = arith.constant 0 : i32
        %parallel_loop3A_385 = arith.constant 0 : i32
        %parallel_loop3A_386 = arith.constant 0 : i32
        %parallel_loop3A_387 = tpu.memref_slice %arg6[%parallel_loop3A_384, %parallel_loop3A_385, %parallel_loop3A_386] : memref<2x512x32xf32, #tpu.memory_space<vmem>> -> memref<1x512x32xf32, #tpu.memory_space<vmem>>
        %parallel_loop3A_388 = tpu.memref_squeeze %parallel_loop3A_387 : memref<1x512x32xf32, #tpu.memory_space<vmem>> -> memref<512x32xf32, #tpu.memory_space<vmem>>
        %parallel_loop3A_389 = tpu.vector_load_idx %parallel_loop3A_388[%add3A_20, %parallel_loop3A_313] : memref<512x32xf32, #tpu.memory_space<vmem>>[vector<16xi32>, vector<16xi32>], vector<16xf32>,
        %parallel_loop3A_390 = arith.constant 0 : i32
        %parallel_loop3A_391 = arith.constant 0 : i32
        %parallel_loop3A_392 = arith.index_cast %parallel_loop3A_390 : i32 to index
        %parallel_loop3A_393 = arith.index_cast %parallel_loop3A_296 : i32 to index
        %parallel_loop3A_394 = arith.index_cast %parallel_loop3A_391 : i32 to index
        %parallel_loop3A_395 = arith.index_cast %parallel_loop3A_312 : i32 to index
        %parallel_loop3A_396 = arith.constant 80 : index
        %parallel_loop3A_397 = tpu.vector_load %arg7[%parallel_loop3A_392, %parallel_loop3A_393, %parallel_loop3A_394, %parallel_loop3A_395, %parallel_loop3A_396] {strides = array<i32>} : memref<2x4x4x8x128xf32, #tpu.memory_space<vmem>>, vector<16xf32>,
        tpu.vector_store %arg7[%parallel_loop3A_392, %parallel_loop3A_393, %parallel_loop3A_394, %parallel_loop3A_395, %parallel_loop3A_396], %parallel_loop3A_389 {strides = array<i32>} : memref<2x4x4x8x128xf32, #tpu.memory_space<vmem>>, vector<16xf32>,
        %parallel_loop3A_398 = arith.constant 0 : i32
        %parallel_loop3A_399 = arith.constant 0 : i32
        %parallel_loop3A_400 = arith.constant 0 : i32
        %parallel_loop3A_401 = tpu.memref_slice %arg6[%parallel_loop3A_398, %parallel_loop3A_399, %parallel_loop3A_400] : memref<2x512x32xf32, #tpu.memory_space<vmem>> -> memref<1x512x32xf32, #tpu.memory_space<vmem>>
        %parallel_loop3A_402 = tpu.memref_squeeze %parallel_loop3A_401 : memref<1x512x32xf32, #tpu.memory_space<vmem>> -> memref<512x32xf32, #tpu.memory_space<vmem>>
        %parallel_loop3A_403 = tpu.vector_load_idx %parallel_loop3A_402[%add3A_23, %parallel_loop3A_313] : memref<512x32xf32, #tpu.memory_space<vmem>>[vector<16xi32>, vector<16xi32>], vector<16xf32>,
        %parallel_loop3A_404 = arith.constant 0 : i32
        %parallel_loop3A_405 = arith.constant 0 : i32
        %parallel_loop3A_406 = arith.index_cast %parallel_loop3A_404 : i32 to index
        %parallel_loop3A_407 = arith.index_cast %parallel_loop3A_296 : i32 to index
        %parallel_loop3A_408 = arith.index_cast %parallel_loop3A_405 : i32 to index
        %parallel_loop3A_409 = arith.index_cast %parallel_loop3A_312 : i32 to index
        %parallel_loop3A_410 = arith.constant 96 : index
        %parallel_loop3A_411 = tpu.vector_load %arg7[%parallel_loop3A_406, %parallel_loop3A_407, %parallel_loop3A_408, %parallel_loop3A_409, %parallel_loop3A_410] {strides = array<i32>} : memref<2x4x4x8x128xf32, #tpu.memory_space<vmem>>, vector<16xf32>,
        tpu.vector_store %arg7[%parallel_loop3A_406, %parallel_loop3A_407, %parallel_loop3A_408, %parallel_loop3A_409, %parallel_loop3A_410], %parallel_loop3A_403 {strides = array<i32>} : memref<2x4x4x8x128xf32, #tpu.memory_space<vmem>>, vector<16xf32>,
        %parallel_loop3A_412 = arith.constant 0 : i32
        %parallel_loop3A_413 = arith.constant 0 : i32
        %parallel_loop3A_414 = arith.constant 0 : i32
        %parallel_loop3A_415 = tpu.memref_slice %arg6[%parallel_loop3A_412, %parallel_loop3A_413, %parallel_loop3A_414] : memref<2x512x32xf32, #tpu.memory_space<vmem>> -> memref<1x512x32xf32, #tpu.memory_space<vmem>>
        %parallel_loop3A_416 = tpu.memref_squeeze %parallel_loop3A_415 : memref<1x512x32xf32, #tpu.memory_space<vmem>> -> memref<512x32xf32, #tpu.memory_space<vmem>>
        %parallel_loop3A_417 = tpu.vector_load_idx %parallel_loop3A_416[%add3A_26, %parallel_loop3A_313] : memref<512x32xf32, #tpu.memory_space<vmem>>[vector<16xi32>, vector<16xi32>], vector<16xf32>,
        %parallel_loop3A_418 = arith.constant 0 : i32
        %parallel_loop3A_419 = arith.constant 0 : i32
        %parallel_loop3A_420 = arith.index_cast %parallel_loop3A_418 : i32 to index
        %parallel_loop3A_421 = arith.index_cast %parallel_loop3A_296 : i32 to index
        %parallel_loop3A_422 = arith.index_cast %parallel_loop3A_419 : i32 to index
        %parallel_loop3A_423 = arith.index_cast %parallel_loop3A_312 : i32 to index
        %parallel_loop3A_424 = arith.constant 112 : index
        %parallel_loop3A_425 = tpu.vector_load %arg7[%parallel_loop3A_420, %parallel_loop3A_421, %parallel_loop3A_422, %parallel_loop3A_423, %parallel_loop3A_424] {strides = array<i32>} : memref<2x4x4x8x128xf32, #tpu.memory_space<vmem>>, vector<16xf32>,
        tpu.vector_store %arg7[%parallel_loop3A_420, %parallel_loop3A_421, %parallel_loop3A_422, %parallel_loop3A_423, %parallel_loop3A_424], %parallel_loop3A_417 {strides = array<i32>} : memref<2x4x4x8x128xf32, #tpu.memory_space<vmem>>, vector<16xf32>,
        %parallel_loop3A_426 = arith.constant 0 : i32
        %parallel_loop3A_427 = arith.constant 0 : i32
        %parallel_loop3A_428 = arith.constant 0 : i32
        %parallel_loop3A_429 = tpu.memref_slice %arg6[%parallel_loop3A_426, %parallel_loop3A_427, %parallel_loop3A_428] : memref<2x512x32xf32, #tpu.memory_space<vmem>> -> memref<1x512x32xf32, #tpu.memory_space<vmem>>
        %parallel_loop3A_430 = tpu.memref_squeeze %parallel_loop3A_429 : memref<1x512x32xf32, #tpu.memory_space<vmem>> -> memref<512x32xf32, #tpu.memory_space<vmem>>
        %parallel_loop3A_431 = tpu.vector_load_idx %parallel_loop3A_430[%add3A_29, %parallel_loop3A_313] : memref<512x32xf32, #tpu.memory_space<vmem>>[vector<16xi32>, vector<16xi32>], vector<16xf32>,
        %parallel_loop3A_432 = arith.constant 0 : i32
        %parallel_loop3A_433 = arith.constant 1 : i32
        %parallel_loop3A_434 = arith.index_cast %parallel_loop3A_432 : i32 to index
        %parallel_loop3A_435 = arith.index_cast %parallel_loop3A_296 : i32 to index
        %parallel_loop3A_436 = arith.index_cast %parallel_loop3A_433 : i32 to index
        %parallel_loop3A_437 = arith.index_cast %parallel_loop3A_312 : i32 to index
        %parallel_loop3A_438 = arith.constant 0 : index
        %parallel_loop3A_439 = tpu.vector_load %arg7[%parallel_loop3A_434, %parallel_loop3A_435, %parallel_loop3A_436, %parallel_loop3A_437, %parallel_loop3A_438] {strides = array<i32>} : memref<2x4x4x8x128xf32, #tpu.memory_space<vmem>>, vector<16xf32>,
        tpu.vector_store %arg7[%parallel_loop3A_434, %parallel_loop3A_435, %parallel_loop3A_436, %parallel_loop3A_437, %parallel_loop3A_438], %parallel_loop3A_431 {strides = array<i32>} : memref<2x4x4x8x128xf32, #tpu.memory_space<vmem>>, vector<16xf32>,
        %parallel_loop3A_440 = arith.constant 0 : i32
        %parallel_loop3A_441 = arith.constant 0 : i32
        %parallel_loop3A_442 = arith.constant 0 : i32
        %parallel_loop3A_443 = tpu.memref_slice %arg6[%parallel_loop3A_440, %parallel_loop3A_441, %parallel_loop3A_442] : memref<2x512x32xf32, #tpu.memory_space<vmem>> -> memref<1x512x32xf32, #tpu.memory_space<vmem>>
        %parallel_loop3A_444 = tpu.memref_squeeze %parallel_loop3A_443 : memref<1x512x32xf32, #tpu.memory_space<vmem>> -> memref<512x32xf32, #tpu.memory_space<vmem>>
        %parallel_loop3A_445 = tpu.vector_load_idx %parallel_loop3A_444[%add3A_32, %parallel_loop3A_313] : memref<512x32xf32, #tpu.memory_space<vmem>>[vector<16xi32>, vector<16xi32>], vector<16xf32>,
        %parallel_loop3A_446 = arith.constant 0 : i32
        %parallel_loop3A_447 = arith.constant 1 : i32
        %parallel_loop3A_448 = arith.index_cast %parallel_loop3A_446 : i32 to index
        %parallel_loop3A_449 = arith.index_cast %parallel_loop3A_296 : i32 to index
        %parallel_loop3A_450 = arith.index_cast %parallel_loop3A_447 : i32 to index
        %parallel_loop3A_451 = arith.index_cast %parallel_loop3A_312 : i32 to index
        %parallel_loop3A_452 = arith.constant 16 : index
        %parallel_loop3A_453 = tpu.vector_load %arg7[%parallel_loop3A_448, %parallel_loop3A_449, %parallel_loop3A_450, %parallel_loop3A_451, %parallel_loop3A_452] {strides = array<i32>} : memref<2x4x4x8x128xf32, #tpu.memory_space<vmem>>, vector<16xf32>,
        tpu.vector_store %arg7[%parallel_loop3A_448, %parallel_loop3A_449, %parallel_loop3A_450, %parallel_loop3A_451, %parallel_loop3A_452], %parallel_loop3A_445 {strides = array<i32>} : memref<2x4x4x8x128xf32, #tpu.memory_space<vmem>>, vector<16xf32>,
        %parallel_loop3A_454 = arith.constant 0 : i32
        %parallel_loop3A_455 = arith.constant 0 : i32
        %parallel_loop3A_456 = arith.constant 0 : i32
        %parallel_loop3A_457 = tpu.memref_slice %arg6[%parallel_loop3A_454, %parallel_loop3A_455, %parallel_loop3A_456] : memref<2x512x32xf32, #tpu.memory_space<vmem>> -> memref<1x512x32xf32, #tpu.memory_space<vmem>>
        %parallel_loop3A_458 = tpu.memref_squeeze %parallel_loop3A_457 : memref<1x512x32xf32, #tpu.memory_space<vmem>> -> memref<512x32xf32, #tpu.memory_space<vmem>>
        %parallel_loop3A_459 = tpu.vector_load_idx %parallel_loop3A_458[%add3A_35, %parallel_loop3A_313] : memref<512x32xf32, #tpu.memory_space<vmem>>[vector<16xi32>, vector<16xi32>], vector<16xf32>,
        %parallel_loop3A_460 = arith.constant 0 : i32
        %parallel_loop3A_461 = arith.constant 1 : i32
        %parallel_loop3A_462 = arith.index_cast %parallel_loop3A_460 : i32 to index
        %parallel_loop3A_463 = arith.index_cast %parallel_loop3A_296 : i32 to index
        %parallel_loop3A_464 = arith.index_cast %parallel_loop3A_461 : i32 to index
        %parallel_loop3A_465 = arith.index_cast %parallel_loop3A_312 : i32 to index
        %parallel_loop3A_466 = arith.constant 32 : index
        %parallel_loop3A_467 = tpu.vector_load %arg7[%parallel_loop3A_462, %parallel_loop3A_463, %parallel_loop3A_464, %parallel_loop3A_465, %parallel_loop3A_466] {strides = array<i32>} : memref<2x4x4x8x128xf32, #tpu.memory_space<vmem>>, vector<16xf32>,
        tpu.vector_store %arg7[%parallel_loop3A_462, %parallel_loop3A_463, %parallel_loop3A_464, %parallel_loop3A_465, %parallel_loop3A_466], %parallel_loop3A_459 {strides = array<i32>} : memref<2x4x4x8x128xf32, #tpu.memory_space<vmem>>, vector<16xf32>,
        %parallel_loop3A_468 = arith.constant 0 : i32
        %parallel_loop3A_469 = arith.constant 0 : i32
        %parallel_loop3A_470 = arith.constant 0 : i32
        %parallel_loop3A_471 = tpu.memref_slice %arg6[%parallel_loop3A_468, %parallel_loop3A_469, %parallel_loop3A_470] : memref<2x512x32xf32, #tpu.memory_space<vmem>> -> memref<1x512x32xf32, #tpu.memory_space<vmem>>
        %parallel_loop3A_472 = tpu.memref_squeeze %parallel_loop3A_471 : memref<1x512x32xf32, #tpu.memory_space<vmem>> -> memref<512x32xf32, #tpu.memory_space<vmem>>
        %parallel_loop3A_473 = tpu.vector_load_idx %parallel_loop3A_472[%add3A_38, %parallel_loop3A_313] : memref<512x32xf32, #tpu.memory_space<vmem>>[vector<16xi32>, vector<16xi32>], vector<16xf32>,
        %parallel_loop3A_474 = arith.constant 0 : i32
        %parallel_loop3A_475 = arith.constant 1 : i32
        %parallel_loop3A_476 = arith.index_cast %parallel_loop3A_474 : i32 to index
        %parallel_loop3A_477 = arith.index_cast %parallel_loop3A_296 : i32 to index
        %parallel_loop3A_478 = arith.index_cast %parallel_loop3A_475 : i32 to index
        %parallel_loop3A_479 = arith.index_cast %parallel_loop3A_312 : i32 to index
        %parallel_loop3A_480 = arith.constant 48 : index
        %parallel_loop3A_481 = tpu.vector_load %arg7[%parallel_loop3A_476, %parallel_loop3A_477, %parallel_loop3A_478, %parallel_loop3A_479, %parallel_loop3A_480] {strides = array<i32>} : memref<2x4x4x8x128xf32, #tpu.memory_space<vmem>>, vector<16xf32>,
        tpu.vector_store %arg7[%parallel_loop3A_476, %parallel_loop3A_477, %parallel_loop3A_478, %parallel_loop3A_479, %parallel_loop3A_480], %parallel_loop3A_473 {strides = array<i32>} : memref<2x4x4x8x128xf32, #tpu.memory_space<vmem>>, vector<16xf32>,
        %parallel_loop3A_482 = arith.constant 0 : i32
        %parallel_loop3A_483 = arith.constant 0 : i32
        %parallel_loop3A_484 = arith.constant 0 : i32
        %parallel_loop3A_485 = tpu.memref_slice %arg6[%parallel_loop3A_482, %parallel_loop3A_483, %parallel_loop3A_484] : memref<2x512x32xf32, #tpu.memory_space<vmem>> -> memref<1x512x32xf32, #tpu.memory_space<vmem>>
        %parallel_loop3A_486 = tpu.memref_squeeze %parallel_loop3A_485 : memref<1x512x32xf32, #tpu.memory_space<vmem>> -> memref<512x32xf32, #tpu.memory_space<vmem>>
        %parallel_loop3A_487 = tpu.vector_load_idx %parallel_loop3A_486[%add3A_41, %parallel_loop3A_313] : memref<512x32xf32, #tpu.memory_space<vmem>>[vector<16xi32>, vector<16xi32>], vector<16xf32>,
        %parallel_loop3A_488 = arith.constant 0 : i32
        %parallel_loop3A_489 = arith.constant 1 : i32
        %parallel_loop3A_490 = arith.index_cast %parallel_loop3A_488 : i32 to index
        %parallel_loop3A_491 = arith.index_cast %parallel_loop3A_296 : i32 to index
        %parallel_loop3A_492 = arith.index_cast %parallel_loop3A_489 : i32 to index
        %parallel_loop3A_493 = arith.index_cast %parallel_loop3A_312 : i32 to index
        %parallel_loop3A_494 = arith.constant 64 : index
        %parallel_loop3A_495 = tpu.vector_load %arg7[%parallel_loop3A_490, %parallel_loop3A_491, %parallel_loop3A_492, %parallel_loop3A_493, %parallel_loop3A_494] {strides = array<i32>} : memref<2x4x4x8x128xf32, #tpu.memory_space<vmem>>, vector<16xf32>,
        tpu.vector_store %arg7[%parallel_loop3A_490, %parallel_loop3A_491, %parallel_loop3A_492, %parallel_loop3A_493, %parallel_loop3A_494], %parallel_loop3A_487 {strides = array<i32>} : memref<2x4x4x8x128xf32, #tpu.memory_space<vmem>>, vector<16xf32>,
        %parallel_loop3A_496 = arith.constant 0 : i32
        %parallel_loop3A_497 = arith.constant 0 : i32
        %parallel_loop3A_498 = arith.constant 0 : i32
        %parallel_loop3A_499 = tpu.memref_slice %arg6[%parallel_loop3A_496, %parallel_loop3A_497, %parallel_loop3A_498] : memref<2x512x32xf32, #tpu.memory_space<vmem>> -> memref<1x512x32xf32, #tpu.memory_space<vmem>>
        %parallel_loop3A_500 = tpu.memref_squeeze %parallel_loop3A_499 : memref<1x512x32xf32, #tpu.memory_space<vmem>> -> memref<512x32xf32, #tpu.memory_space<vmem>>
        %parallel_loop3A_501 = tpu.vector_load_idx %parallel_loop3A_500[%add3A_44, %parallel_loop3A_313] : memref<512x32xf32, #tpu.memory_space<vmem>>[vector<16xi32>, vector<16xi32>], vector<16xf32>,
        %parallel_loop3A_502 = arith.constant 0 : i32
        %parallel_loop3A_503 = arith.constant 1 : i32
        %parallel_loop3A_504 = arith.index_cast %parallel_loop3A_502 : i32 to index
        %parallel_loop3A_505 = arith.index_cast %parallel_loop3A_296 : i32 to index
        %parallel_loop3A_506 = arith.index_cast %parallel_loop3A_503 : i32 to index
        %parallel_loop3A_507 = arith.index_cast %parallel_loop3A_312 : i32 to index
        %parallel_loop3A_508 = arith.constant 80 : index
        %parallel_loop3A_509 = tpu.vector_load %arg7[%parallel_loop3A_504, %parallel_loop3A_505, %parallel_loop3A_506, %parallel_loop3A_507, %parallel_loop3A_508] {strides = array<i32>} : memref<2x4x4x8x128xf32, #tpu.memory_space<vmem>>, vector<16xf32>,
        tpu.vector_store %arg7[%parallel_loop3A_504, %parallel_loop3A_505, %parallel_loop3A_506, %parallel_loop3A_507, %parallel_loop3A_508], %parallel_loop3A_501 {strides = array<i32>} : memref<2x4x4x8x128xf32, #tpu.memory_space<vmem>>, vector<16xf32>,
        %parallel_loop3A_510 = arith.constant 0 : i32
        %parallel_loop3A_511 = arith.constant 0 : i32
        %parallel_loop3A_512 = arith.constant 0 : i32
        %parallel_loop3A_513 = tpu.memref_slice %arg6[%parallel_loop3A_510, %parallel_loop3A_511, %parallel_loop3A_512] : memref<2x512x32xf32, #tpu.memory_space<vmem>> -> memref<1x512x32xf32, #tpu.memory_space<vmem>>
        %parallel_loop3A_514 = tpu.memref_squeeze %parallel_loop3A_513 : memref<1x512x32xf32, #tpu.memory_space<vmem>> -> memref<512x32xf32, #tpu.memory_space<vmem>>
        %parallel_loop3A_515 = tpu.vector_load_idx %parallel_loop3A_514[%add3A_47, %parallel_loop3A_313] : memref<512x32xf32, #tpu.memory_space<vmem>>[vector<16xi32>, vector<16xi32>], vector<16xf32>,
        %parallel_loop3A_516 = arith.constant 0 : i32
        %parallel_loop3A_517 = arith.constant 1 : i32
        %parallel_loop3A_518 = arith.index_cast %parallel_loop3A_516 : i32 to index
        %parallel_loop3A_519 = arith.index_cast %parallel_loop3A_296 : i32 to index
        %parallel_loop3A_520 = arith.index_cast %parallel_loop3A_517 : i32 to index
        %parallel_loop3A_521 = arith.index_cast %parallel_loop3A_312 : i32 to index
        %parallel_loop3A_522 = arith.constant 96 : index
        %parallel_loop3A_523 = tpu.vector_load %arg7[%parallel_loop3A_518, %parallel_loop3A_519, %parallel_loop3A_520, %parallel_loop3A_521, %parallel_loop3A_522] {strides = array<i32>} : memref<2x4x4x8x128xf32, #tpu.memory_space<vmem>>, vector<16xf32>,
        tpu.vector_store %arg7[%parallel_loop3A_518, %parallel_loop3A_519, %parallel_loop3A_520, %parallel_loop3A_521, %parallel_loop3A_522], %parallel_loop3A_515 {strides = array<i32>} : memref<2x4x4x8x128xf32, #tpu.memory_space<vmem>>, vector<16xf32>,
        %parallel_loop3A_524 = arith.constant 0 : i32
        %parallel_loop3A_525 = arith.constant 0 : i32
        %parallel_loop3A_526 = arith.constant 0 : i32
        %parallel_loop3A_527 = tpu.memref_slice %arg6[%parallel_loop3A_524, %parallel_loop3A_525, %parallel_loop3A_526] : memref<2x512x32xf32, #tpu.memory_space<vmem>> -> memref<1x512x32xf32, #tpu.memory_space<vmem>>
        %parallel_loop3A_528 = tpu.memref_squeeze %parallel_loop3A_527 : memref<1x512x32xf32, #tpu.memory_space<vmem>> -> memref<512x32xf32, #tpu.memory_space<vmem>>
        %parallel_loop3A_529 = tpu.vector_load_idx %parallel_loop3A_528[%add3A_50, %parallel_loop3A_313] : memref<512x32xf32, #tpu.memory_space<vmem>>[vector<16xi32>, vector<16xi32>], vector<16xf32>,
        %parallel_loop3A_530 = arith.constant 0 : i32
        %parallel_loop3A_531 = arith.constant 1 : i32
        %parallel_loop3A_532 = arith.index_cast %parallel_loop3A_530 : i32 to index
        %parallel_loop3A_533 = arith.index_cast %parallel_loop3A_296 : i32 to index
        %parallel_loop3A_534 = arith.index_cast %parallel_loop3A_531 : i32 to index
        %parallel_loop3A_535 = arith.index_cast %parallel_loop3A_312 : i32 to index
        %parallel_loop3A_536 = arith.constant 112 : index
        %parallel_loop3A_537 = tpu.vector_load %arg7[%parallel_loop3A_532, %parallel_loop3A_533, %parallel_loop3A_534, %parallel_loop3A_535, %parallel_loop3A_536] {strides = array<i32>} : memref<2x4x4x8x128xf32, #tpu.memory_space<vmem>>, vector<16xf32>,
        tpu.vector_store %arg7[%parallel_loop3A_532, %parallel_loop3A_533, %parallel_loop3A_534, %parallel_loop3A_535, %parallel_loop3A_536], %parallel_loop3A_529 {strides = array<i32>} : memref<2x4x4x8x128xf32, #tpu.memory_space<vmem>>, vector<16xf32>,
        %parallel_loop3A_538 = arith.constant 0 : i32
        %parallel_loop3A_539 = arith.constant 0 : i32
        %parallel_loop3A_540 = arith.constant 0 : i32
        %parallel_loop3A_541 = tpu.memref_slice %arg6[%parallel_loop3A_538, %parallel_loop3A_539, %parallel_loop3A_540] : memref<2x512x32xf32, #tpu.memory_space<vmem>> -> memref<1x512x32xf32, #tpu.memory_space<vmem>>
        %parallel_loop3A_542 = tpu.memref_squeeze %parallel_loop3A_541 : memref<1x512x32xf32, #tpu.memory_space<vmem>> -> memref<512x32xf32, #tpu.memory_space<vmem>>
        %parallel_loop3A_543 = tpu.vector_load_idx %parallel_loop3A_542[%add3A_53, %parallel_loop3A_313] : memref<512x32xf32, #tpu.memory_space<vmem>>[vector<16xi32>, vector<16xi32>], vector<16xf32>,
        %parallel_loop3A_544 = arith.constant 0 : i32
        %parallel_loop3A_545 = arith.constant 2 : i32
        %parallel_loop3A_546 = arith.index_cast %parallel_loop3A_544 : i32 to index
        %parallel_loop3A_547 = arith.index_cast %parallel_loop3A_296 : i32 to index
        %parallel_loop3A_548 = arith.index_cast %parallel_loop3A_545 : i32 to index
        %parallel_loop3A_549 = arith.index_cast %parallel_loop3A_312 : i32 to index
        %parallel_loop3A_550 = arith.constant 0 : index
        %parallel_loop3A_551 = tpu.vector_load %arg7[%parallel_loop3A_546, %parallel_loop3A_547, %parallel_loop3A_548, %parallel_loop3A_549, %parallel_loop3A_550] {strides = array<i32>} : memref<2x4x4x8x128xf32, #tpu.memory_space<vmem>>, vector<16xf32>,
        tpu.vector_store %arg7[%parallel_loop3A_546, %parallel_loop3A_547, %parallel_loop3A_548, %parallel_loop3A_549, %parallel_loop3A_550], %parallel_loop3A_543 {strides = array<i32>} : memref<2x4x4x8x128xf32, #tpu.memory_space<vmem>>, vector<16xf32>,
        %parallel_loop3A_552 = arith.constant 0 : i32
        %parallel_loop3A_553 = arith.constant 0 : i32
        %parallel_loop3A_554 = arith.constant 0 : i32
        %parallel_loop3A_555 = tpu.memref_slice %arg6[%parallel_loop3A_552, %parallel_loop3A_553, %parallel_loop3A_554] : memref<2x512x32xf32, #tpu.memory_space<vmem>> -> memref<1x512x32xf32, #tpu.memory_space<vmem>>
        %parallel_loop3A_556 = tpu.memref_squeeze %parallel_loop3A_555 : memref<1x512x32xf32, #tpu.memory_space<vmem>> -> memref<512x32xf32, #tpu.memory_space<vmem>>
        %parallel_loop3A_557 = tpu.vector_load_idx %parallel_loop3A_556[%add3A_56, %parallel_loop3A_313] : memref<512x32xf32, #tpu.memory_space<vmem>>[vector<16xi32>, vector<16xi32>], vector<16xf32>,
        %parallel_loop3A_558 = arith.constant 0 : i32
        %parallel_loop3A_559 = arith.constant 2 : i32
        %parallel_loop3A_560 = arith.index_cast %parallel_loop3A_558 : i32 to index
        %parallel_loop3A_561 = arith.index_cast %parallel_loop3A_296 : i32 to index
        %parallel_loop3A_562 = arith.index_cast %parallel_loop3A_559 : i32 to index
        %parallel_loop3A_563 = arith.index_cast %parallel_loop3A_312 : i32 to index
        %parallel_loop3A_564 = arith.constant 16 : index
        %parallel_loop3A_565 = tpu.vector_load %arg7[%parallel_loop3A_560, %parallel_loop3A_561, %parallel_loop3A_562, %parallel_loop3A_563, %parallel_loop3A_564] {strides = array<i32>} : memref<2x4x4x8x128xf32, #tpu.memory_space<vmem>>, vector<16xf32>,
        tpu.vector_store %arg7[%parallel_loop3A_560, %parallel_loop3A_561, %parallel_loop3A_562, %parallel_loop3A_563, %parallel_loop3A_564], %parallel_loop3A_557 {strides = array<i32>} : memref<2x4x4x8x128xf32, #tpu.memory_space<vmem>>, vector<16xf32>,
        %parallel_loop3A_566 = arith.constant 0 : i32
        %parallel_loop3A_567 = arith.constant 0 : i32
        %parallel_loop3A_568 = arith.constant 0 : i32
        %parallel_loop3A_569 = tpu.memref_slice %arg6[%parallel_loop3A_566, %parallel_loop3A_567, %parallel_loop3A_568] : memref<2x512x32xf32, #tpu.memory_space<vmem>> -> memref<1x512x32xf32, #tpu.memory_space<vmem>>
        %parallel_loop3A_570 = tpu.memref_squeeze %parallel_loop3A_569 : memref<1x512x32xf32, #tpu.memory_space<vmem>> -> memref<512x32xf32, #tpu.memory_space<vmem>>
        %parallel_loop3A_571 = tpu.vector_load_idx %parallel_loop3A_570[%add3A_59, %parallel_loop3A_313] : memref<512x32xf32, #tpu.memory_space<vmem>>[vector<16xi32>, vector<16xi32>], vector<16xf32>,
        %parallel_loop3A_572 = arith.constant 0 : i32
        %parallel_loop3A_573 = arith.constant 2 : i32
        %parallel_loop3A_574 = arith.index_cast %parallel_loop3A_572 : i32 to index
        %parallel_loop3A_575 = arith.index_cast %parallel_loop3A_296 : i32 to index
        %parallel_loop3A_576 = arith.index_cast %parallel_loop3A_573 : i32 to index
        %parallel_loop3A_577 = arith.index_cast %parallel_loop3A_312 : i32 to index
        %parallel_loop3A_578 = arith.constant 32 : index
        %parallel_loop3A_579 = tpu.vector_load %arg7[%parallel_loop3A_574, %parallel_loop3A_575, %parallel_loop3A_576, %parallel_loop3A_577, %parallel_loop3A_578] {strides = array<i32>} : memref<2x4x4x8x128xf32, #tpu.memory_space<vmem>>, vector<16xf32>,
        tpu.vector_store %arg7[%parallel_loop3A_574, %parallel_loop3A_575, %parallel_loop3A_576, %parallel_loop3A_577, %parallel_loop3A_578], %parallel_loop3A_571 {strides = array<i32>} : memref<2x4x4x8x128xf32, #tpu.memory_space<vmem>>, vector<16xf32>,
        %parallel_loop3A_580 = arith.constant 0 : i32
        %parallel_loop3A_581 = arith.constant 0 : i32
        %parallel_loop3A_582 = arith.constant 0 : i32
        %parallel_loop3A_583 = tpu.memref_slice %arg6[%parallel_loop3A_580, %parallel_loop3A_581, %parallel_loop3A_582] : memref<2x512x32xf32, #tpu.memory_space<vmem>> -> memref<1x512x32xf32, #tpu.memory_space<vmem>>
        %parallel_loop3A_584 = tpu.memref_squeeze %parallel_loop3A_583 : memref<1x512x32xf32, #tpu.memory_space<vmem>> -> memref<512x32xf32, #tpu.memory_space<vmem>>
        %parallel_loop3A_585 = tpu.vector_load_idx %parallel_loop3A_584[%add3A_62, %parallel_loop3A_313] : memref<512x32xf32, #tpu.memory_space<vmem>>[vector<16xi32>, vector<16xi32>], vector<16xf32>,
        %parallel_loop3A_586 = arith.constant 0 : i32
        %parallel_loop3A_587 = arith.constant 2 : i32
        %parallel_loop3A_588 = arith.index_cast %parallel_loop3A_586 : i32 to index
        %parallel_loop3A_589 = arith.index_cast %parallel_loop3A_296 : i32 to index
        %parallel_loop3A_590 = arith.index_cast %parallel_loop3A_587 : i32 to index
        %parallel_loop3A_591 = arith.index_cast %parallel_loop3A_312 : i32 to index
        %parallel_loop3A_592 = arith.constant 48 : index
        %parallel_loop3A_593 = tpu.vector_load %arg7[%parallel_loop3A_588, %parallel_loop3A_589, %parallel_loop3A_590, %parallel_loop3A_591, %parallel_loop3A_592] {strides = array<i32>} : memref<2x4x4x8x128xf32, #tpu.memory_space<vmem>>, vector<16xf32>,
        tpu.vector_store %arg7[%parallel_loop3A_588, %parallel_loop3A_589, %parallel_loop3A_590, %parallel_loop3A_591, %parallel_loop3A_592], %parallel_loop3A_585 {strides = array<i32>} : memref<2x4x4x8x128xf32, #tpu.memory_space<vmem>>, vector<16xf32>,
        %parallel_loop3A_594 = arith.constant 0 : i32
        %parallel_loop3A_595 = arith.constant 0 : i32
        %parallel_loop3A_596 = arith.constant 0 : i32
        %parallel_loop3A_597 = tpu.memref_slice %arg6[%parallel_loop3A_594, %parallel_loop3A_595, %parallel_loop3A_596] : memref<2x512x32xf32, #tpu.memory_space<vmem>> -> memref<1x512x32xf32, #tpu.memory_space<vmem>>
        %parallel_loop3A_598 = tpu.memref_squeeze %parallel_loop3A_597 : memref<1x512x32xf32, #tpu.memory_space<vmem>> -> memref<512x32xf32, #tpu.memory_space<vmem>>
        %parallel_loop3A_599 = tpu.vector_load_idx %parallel_loop3A_598[%add3A_65, %parallel_loop3A_313] : memref<512x32xf32, #tpu.memory_space<vmem>>[vector<16xi32>, vector<16xi32>], vector<16xf32>,
        %parallel_loop3A_600 = arith.constant 0 : i32
        %parallel_loop3A_601 = arith.constant 2 : i32
        %parallel_loop3A_602 = arith.index_cast %parallel_loop3A_600 : i32 to index
        %parallel_loop3A_603 = arith.index_cast %parallel_loop3A_296 : i32 to index
        %parallel_loop3A_604 = arith.index_cast %parallel_loop3A_601 : i32 to index
        %parallel_loop3A_605 = arith.index_cast %parallel_loop3A_312 : i32 to index
        %parallel_loop3A_606 = arith.constant 64 : index
        %parallel_loop3A_607 = tpu.vector_load %arg7[%parallel_loop3A_602, %parallel_loop3A_603, %parallel_loop3A_604, %parallel_loop3A_605, %parallel_loop3A_606] {strides = array<i32>} : memref<2x4x4x8x128xf32, #tpu.memory_space<vmem>>, vector<16xf32>,
        tpu.vector_store %arg7[%parallel_loop3A_602, %parallel_loop3A_603, %parallel_loop3A_604, %parallel_loop3A_605, %parallel_loop3A_606], %parallel_loop3A_599 {strides = array<i32>} : memref<2x4x4x8x128xf32, #tpu.memory_space<vmem>>, vector<16xf32>,
        %parallel_loop3A_608 = arith.constant 0 : i32
        %parallel_loop3A_609 = arith.constant 0 : i32
        %parallel_loop3A_610 = arith.constant 0 : i32
        %parallel_loop3A_611 = tpu.memref_slice %arg6[%parallel_loop3A_608, %parallel_loop3A_609, %parallel_loop3A_610] : memref<2x512x32xf32, #tpu.memory_space<vmem>> -> memref<1x512x32xf32, #tpu.memory_space<vmem>>
        %parallel_loop3A_612 = tpu.memref_squeeze %parallel_loop3A_611 : memref<1x512x32xf32, #tpu.memory_space<vmem>> -> memref<512x32xf32, #tpu.memory_space<vmem>>
        %parallel_loop3A_613 = tpu.vector_load_idx %parallel_loop3A_612[%add3A_68, %parallel_loop3A_313] : memref<512x32xf32, #tpu.memory_space<vmem>>[vector<16xi32>, vector<16xi32>], vector<16xf32>,
        %parallel_loop3A_614 = arith.constant 0 : i32
        %parallel_loop3A_615 = arith.constant 2 : i32
        %parallel_loop3A_616 = arith.index_cast %parallel_loop3A_614 : i32 to index
        %parallel_loop3A_617 = arith.index_cast %parallel_loop3A_296 : i32 to index
        %parallel_loop3A_618 = arith.index_cast %parallel_loop3A_615 : i32 to index
        %parallel_loop3A_619 = arith.index_cast %parallel_loop3A_312 : i32 to index
        %parallel_loop3A_620 = arith.constant 80 : index
        %parallel_loop3A_621 = tpu.vector_load %arg7[%parallel_loop3A_616, %parallel_loop3A_617, %parallel_loop3A_618, %parallel_loop3A_619, %parallel_loop3A_620] {strides = array<i32>} : memref<2x4x4x8x128xf32, #tpu.memory_space<vmem>>, vector<16xf32>,
        tpu.vector_store %arg7[%parallel_loop3A_616, %parallel_loop3A_617, %parallel_loop3A_618, %parallel_loop3A_619, %parallel_loop3A_620], %parallel_loop3A_613 {strides = array<i32>} : memref<2x4x4x8x128xf32, #tpu.memory_space<vmem>>, vector<16xf32>,
        %parallel_loop3A_622 = arith.constant 0 : i32
        %parallel_loop3A_623 = arith.constant 0 : i32
        %parallel_loop3A_624 = arith.constant 0 : i32
        %parallel_loop3A_625 = tpu.memref_slice %arg6[%parallel_loop3A_622, %parallel_loop3A_623, %parallel_loop3A_624] : memref<2x512x32xf32, #tpu.memory_space<vmem>> -> memref<1x512x32xf32, #tpu.memory_space<vmem>>
        %parallel_loop3A_626 = tpu.memref_squeeze %parallel_loop3A_625 : memref<1x512x32xf32, #tpu.memory_space<vmem>> -> memref<512x32xf32, #tpu.memory_space<vmem>>
        %parallel_loop3A_627 = tpu.vector_load_idx %parallel_loop3A_626[%add3A_71, %parallel_loop3A_313] : memref<512x32xf32, #tpu.memory_space<vmem>>[vector<16xi32>, vector<16xi32>], vector<16xf32>,
        %parallel_loop3A_628 = arith.constant 0 : i32
        %parallel_loop3A_629 = arith.constant 2 : i32
        %parallel_loop3A_630 = arith.index_cast %parallel_loop3A_628 : i32 to index
        %parallel_loop3A_631 = arith.index_cast %parallel_loop3A_296 : i32 to index
        %parallel_loop3A_632 = arith.index_cast %parallel_loop3A_629 : i32 to index
        %parallel_loop3A_633 = arith.index_cast %parallel_loop3A_312 : i32 to index
        %parallel_loop3A_634 = arith.constant 96 : index
        %parallel_loop3A_635 = tpu.vector_load %arg7[%parallel_loop3A_630, %parallel_loop3A_631, %parallel_loop3A_632, %parallel_loop3A_633, %parallel_loop3A_634] {strides = array<i32>} : memref<2x4x4x8x128xf32, #tpu.memory_space<vmem>>, vector<16xf32>,
        tpu.vector_store %arg7[%parallel_loop3A_630, %parallel_loop3A_631, %parallel_loop3A_632, %parallel_loop3A_633, %parallel_loop3A_634], %parallel_loop3A_627 {strides = array<i32>} : memref<2x4x4x8x128xf32, #tpu.memory_space<vmem>>, vector<16xf32>,
        %parallel_loop3A_636 = arith.constant 0 : i32
        %parallel_loop3A_637 = arith.constant 0 : i32
        %parallel_loop3A_638 = arith.constant 0 : i32
        %parallel_loop3A_639 = tpu.memref_slice %arg6[%parallel_loop3A_636, %parallel_loop3A_637, %parallel_loop3A_638] : memref<2x512x32xf32, #tpu.memory_space<vmem>> -> memref<1x512x32xf32, #tpu.memory_space<vmem>>
        %parallel_loop3A_640 = tpu.memref_squeeze %parallel_loop3A_639 : memref<1x512x32xf32, #tpu.memory_space<vmem>> -> memref<512x32xf32, #tpu.memory_space<vmem>>
        %parallel_loop3A_641 = tpu.vector_load_idx %parallel_loop3A_640[%add3A_74, %parallel_loop3A_313] : memref<512x32xf32, #tpu.memory_space<vmem>>[vector<16xi32>, vector<16xi32>], vector<16xf32>,
        %parallel_loop3A_642 = arith.constant 0 : i32
        %parallel_loop3A_643 = arith.constant 2 : i32
        %parallel_loop3A_644 = arith.index_cast %parallel_loop3A_642 : i32 to index
        %parallel_loop3A_645 = arith.index_cast %parallel_loop3A_296 : i32 to index
        %parallel_loop3A_646 = arith.index_cast %parallel_loop3A_643 : i32 to index
        %parallel_loop3A_647 = arith.index_cast %parallel_loop3A_312 : i32 to index
        %parallel_loop3A_648 = arith.constant 112 : index
        %parallel_loop3A_649 = tpu.vector_load %arg7[%parallel_loop3A_644, %parallel_loop3A_645, %parallel_loop3A_646, %parallel_loop3A_647, %parallel_loop3A_648] {strides = array<i32>} : memref<2x4x4x8x128xf32, #tpu.memory_space<vmem>>, vector<16xf32>,
        tpu.vector_store %arg7[%parallel_loop3A_644, %parallel_loop3A_645, %parallel_loop3A_646, %parallel_loop3A_647, %parallel_loop3A_648], %parallel_loop3A_641 {strides = array<i32>} : memref<2x4x4x8x128xf32, #tpu.memory_space<vmem>>, vector<16xf32>,
        %parallel_loop3A_650 = arith.constant 0 : i32
        %parallel_loop3A_651 = arith.constant 0 : i32
        %parallel_loop3A_652 = arith.constant 0 : i32
        %parallel_loop3A_653 = tpu.memref_slice %arg6[%parallel_loop3A_650, %parallel_loop3A_651, %parallel_loop3A_652] : memref<2x512x32xf32, #tpu.memory_space<vmem>> -> memref<1x512x32xf32, #tpu.memory_space<vmem>>
        %parallel_loop3A_654 = tpu.memref_squeeze %parallel_loop3A_653 : memref<1x512x32xf32, #tpu.memory_space<vmem>> -> memref<512x32xf32, #tpu.memory_space<vmem>>
        %parallel_loop3A_655 = tpu.vector_load_idx %parallel_loop3A_654[%add3A_77, %parallel_loop3A_313] : memref<512x32xf32, #tpu.memory_space<vmem>>[vector<16xi32>, vector<16xi32>], vector<16xf32>,
        %parallel_loop3A_656 = arith.constant 0 : i32
        %parallel_loop3A_657 = arith.constant 3 : i32
        %parallel_loop3A_658 = arith.index_cast %parallel_loop3A_656 : i32 to index
        %parallel_loop3A_659 = arith.index_cast %parallel_loop3A_296 : i32 to index
        %parallel_loop3A_660 = arith.index_cast %parallel_loop3A_657 : i32 to index
        %parallel_loop3A_661 = arith.index_cast %parallel_loop3A_312 : i32 to index
        %parallel_loop3A_662 = arith.constant 0 : index
        %parallel_loop3A_663 = tpu.vector_load %arg7[%parallel_loop3A_658, %parallel_loop3A_659, %parallel_loop3A_660, %parallel_loop3A_661, %parallel_loop3A_662] {strides = array<i32>} : memref<2x4x4x8x128xf32, #tpu.memory_space<vmem>>, vector<16xf32>,
        tpu.vector_store %arg7[%parallel_loop3A_658, %parallel_loop3A_659, %parallel_loop3A_660, %parallel_loop3A_661, %parallel_loop3A_662], %parallel_loop3A_655 {strides = array<i32>} : memref<2x4x4x8x128xf32, #tpu.memory_space<vmem>>, vector<16xf32>,
        %parallel_loop3A_664 = arith.constant 0 : i32
        %parallel_loop3A_665 = arith.constant 0 : i32
        %parallel_loop3A_666 = arith.constant 0 : i32
        %parallel_loop3A_667 = tpu.memref_slice %arg6[%parallel_loop3A_664, %parallel_loop3A_665, %parallel_loop3A_666] : memref<2x512x32xf32, #tpu.memory_space<vmem>> -> memref<1x512x32xf32, #tpu.memory_space<vmem>>
        %parallel_loop3A_668 = tpu.memref_squeeze %parallel_loop3A_667 : memref<1x512x32xf32, #tpu.memory_space<vmem>> -> memref<512x32xf32, #tpu.memory_space<vmem>>
        %parallel_loop3A_669 = tpu.vector_load_idx %parallel_loop3A_668[%add3A_80, %parallel_loop3A_313] : memref<512x32xf32, #tpu.memory_space<vmem>>[vector<16xi32>, vector<16xi32>], vector<16xf32>,
        %parallel_loop3A_670 = arith.constant 0 : i32
        %parallel_loop3A_671 = arith.constant 3 : i32
        %parallel_loop3A_672 = arith.index_cast %parallel_loop3A_670 : i32 to index
        %parallel_loop3A_673 = arith.index_cast %parallel_loop3A_296 : i32 to index
        %parallel_loop3A_674 = arith.index_cast %parallel_loop3A_671 : i32 to index
        %parallel_loop3A_675 = arith.index_cast %parallel_loop3A_312 : i32 to index
        %parallel_loop3A_676 = arith.constant 16 : index
        %parallel_loop3A_677 = tpu.vector_load %arg7[%parallel_loop3A_672, %parallel_loop3A_673, %parallel_loop3A_674, %parallel_loop3A_675, %parallel_loop3A_676] {strides = array<i32>} : memref<2x4x4x8x128xf32, #tpu.memory_space<vmem>>, vector<16xf32>,
        tpu.vector_store %arg7[%parallel_loop3A_672, %parallel_loop3A_673, %parallel_loop3A_674, %parallel_loop3A_675, %parallel_loop3A_676], %parallel_loop3A_669 {strides = array<i32>} : memref<2x4x4x8x128xf32, #tpu.memory_space<vmem>>, vector<16xf32>,
        %parallel_loop3A_678 = arith.constant 0 : i32
        %parallel_loop3A_679 = arith.constant 0 : i32
        %parallel_loop3A_680 = arith.constant 0 : i32
        %parallel_loop3A_681 = tpu.memref_slice %arg6[%parallel_loop3A_678, %parallel_loop3A_679, %parallel_loop3A_680] : memref<2x512x32xf32, #tpu.memory_space<vmem>> -> memref<1x512x32xf32, #tpu.memory_space<vmem>>
        %parallel_loop3A_682 = tpu.memref_squeeze %parallel_loop3A_681 : memref<1x512x32xf32, #tpu.memory_space<vmem>> -> memref<512x32xf32, #tpu.memory_space<vmem>>
        %parallel_loop3A_683 = tpu.vector_load_idx %parallel_loop3A_682[%add3A_83, %parallel_loop3A_313] : memref<512x32xf32, #tpu.memory_space<vmem>>[vector<16xi32>, vector<16xi32>], vector<16xf32>,
        %parallel_loop3A_684 = arith.constant 0 : i32
        %parallel_loop3A_685 = arith.constant 3 : i32
        %parallel_loop3A_686 = arith.index_cast %parallel_loop3A_684 : i32 to index
        %parallel_loop3A_687 = arith.index_cast %parallel_loop3A_296 : i32 to index
        %parallel_loop3A_688 = arith.index_cast %parallel_loop3A_685 : i32 to index
        %parallel_loop3A_689 = arith.index_cast %parallel_loop3A_312 : i32 to index
        %parallel_loop3A_690 = arith.constant 32 : index
        %parallel_loop3A_691 = tpu.vector_load %arg7[%parallel_loop3A_686, %parallel_loop3A_687, %parallel_loop3A_688, %parallel_loop3A_689, %parallel_loop3A_690] {strides = array<i32>} : memref<2x4x4x8x128xf32, #tpu.memory_space<vmem>>, vector<16xf32>,
        tpu.vector_store %arg7[%parallel_loop3A_686, %parallel_loop3A_687, %parallel_loop3A_688, %parallel_loop3A_689, %parallel_loop3A_690], %parallel_loop3A_683 {strides = array<i32>} : memref<2x4x4x8x128xf32, #tpu.memory_space<vmem>>, vector<16xf32>,
        %parallel_loop3A_692 = arith.constant 0 : i32
        %parallel_loop3A_693 = arith.constant 0 : i32
        %parallel_loop3A_694 = arith.constant 0 : i32
        %parallel_loop3A_695 = tpu.memref_slice %arg6[%parallel_loop3A_692, %parallel_loop3A_693, %parallel_loop3A_694] : memref<2x512x32xf32, #tpu.memory_space<vmem>> -> memref<1x512x32xf32, #tpu.memory_space<vmem>>
        %parallel_loop3A_696 = tpu.memref_squeeze %parallel_loop3A_695 : memref<1x512x32xf32, #tpu.memory_space<vmem>> -> memref<512x32xf32, #tpu.memory_space<vmem>>
        %parallel_loop3A_697 = tpu.vector_load_idx %parallel_loop3A_696[%add3A_86, %parallel_loop3A_313] : memref<512x32xf32, #tpu.memory_space<vmem>>[vector<16xi32>, vector<16xi32>], vector<16xf32>,
        %parallel_loop3A_698 = arith.constant 0 : i32
        %parallel_loop3A_699 = arith.constant 3 : i32
        %parallel_loop3A_700 = arith.index_cast %parallel_loop3A_698 : i32 to index
        %parallel_loop3A_701 = arith.index_cast %parallel_loop3A_296 : i32 to index
        %parallel_loop3A_702 = arith.index_cast %parallel_loop3A_699 : i32 to index
        %parallel_loop3A_703 = arith.index_cast %parallel_loop3A_312 : i32 to index
        %parallel_loop3A_704 = arith.constant 48 : index
        %parallel_loop3A_705 = tpu.vector_load %arg7[%parallel_loop3A_700, %parallel_loop3A_701, %parallel_loop3A_702, %parallel_loop3A_703, %parallel_loop3A_704] {strides = array<i32>} : memref<2x4x4x8x128xf32, #tpu.memory_space<vmem>>, vector<16xf32>,
        tpu.vector_store %arg7[%parallel_loop3A_700, %parallel_loop3A_701, %parallel_loop3A_702, %parallel_loop3A_703, %parallel_loop3A_704], %parallel_loop3A_697 {strides = array<i32>} : memref<2x4x4x8x128xf32, #tpu.memory_space<vmem>>, vector<16xf32>,
        %parallel_loop3A_706 = arith.constant 0 : i32
        %parallel_loop3A_707 = arith.constant 0 : i32
        %parallel_loop3A_708 = arith.constant 0 : i32
        %parallel_loop3A_709 = tpu.memref_slice %arg6[%parallel_loop3A_706, %parallel_loop3A_707, %parallel_loop3A_708] : memref<2x512x32xf32, #tpu.memory_space<vmem>> -> memref<1x512x32xf32, #tpu.memory_space<vmem>>
        %parallel_loop3A_710 = tpu.memref_squeeze %parallel_loop3A_709 : memref<1x512x32xf32, #tpu.memory_space<vmem>> -> memref<512x32xf32, #tpu.memory_space<vmem>>
        %parallel_loop3A_711 = tpu.vector_load_idx %parallel_loop3A_710[%add3A_89, %parallel_loop3A_313] : memref<512x32xf32, #tpu.memory_space<vmem>>[vector<16xi32>, vector<16xi32>], vector<16xf32>,
        %parallel_loop3A_712 = arith.constant 0 : i32
        %parallel_loop3A_713 = arith.constant 3 : i32
        %parallel_loop3A_714 = arith.index_cast %parallel_loop3A_712 : i32 to index
        %parallel_loop3A_715 = arith.index_cast %parallel_loop3A_296 : i32 to index
        %parallel_loop3A_716 = arith.index_cast %parallel_loop3A_713 : i32 to index
        %parallel_loop3A_717 = arith.index_cast %parallel_loop3A_312 : i32 to index
        %parallel_loop3A_718 = arith.constant 64 : index
        %parallel_loop3A_719 = tpu.vector_load %arg7[%parallel_loop3A_714, %parallel_loop3A_715, %parallel_loop3A_716, %parallel_loop3A_717, %parallel_loop3A_718] {strides = array<i32>} : memref<2x4x4x8x128xf32, #tpu.memory_space<vmem>>, vector<16xf32>,
        tpu.vector_store %arg7[%parallel_loop3A_714, %parallel_loop3A_715, %parallel_loop3A_716, %parallel_loop3A_717, %parallel_loop3A_718], %parallel_loop3A_711 {strides = array<i32>} : memref<2x4x4x8x128xf32, #tpu.memory_space<vmem>>, vector<16xf32>,
        %parallel_loop3A_720 = arith.constant 0 : i32
        %parallel_loop3A_721 = arith.constant 0 : i32
        %parallel_loop3A_722 = arith.constant 0 : i32
        %parallel_loop3A_723 = tpu.memref_slice %arg6[%parallel_loop3A_720, %parallel_loop3A_721, %parallel_loop3A_722] : memref<2x512x32xf32, #tpu.memory_space<vmem>> -> memref<1x512x32xf32, #tpu.memory_space<vmem>>
        %parallel_loop3A_724 = tpu.memref_squeeze %parallel_loop3A_723 : memref<1x512x32xf32, #tpu.memory_space<vmem>> -> memref<512x32xf32, #tpu.memory_space<vmem>>
        %parallel_loop3A_725 = tpu.vector_load_idx %parallel_loop3A_724[%add3A_92, %parallel_loop3A_313] : memref<512x32xf32, #tpu.memory_space<vmem>>[vector<16xi32>, vector<16xi32>], vector<16xf32>,
        %parallel_loop3A_726 = arith.constant 0 : i32
        %parallel_loop3A_727 = arith.constant 3 : i32
        %parallel_loop3A_728 = arith.index_cast %parallel_loop3A_726 : i32 to index
        %parallel_loop3A_729 = arith.index_cast %parallel_loop3A_296 : i32 to index
        %parallel_loop3A_730 = arith.index_cast %parallel_loop3A_727 : i32 to index
        %parallel_loop3A_731 = arith.index_cast %parallel_loop3A_312 : i32 to index
        %parallel_loop3A_732 = arith.constant 80 : index
        %parallel_loop3A_733 = tpu.vector_load %arg7[%parallel_loop3A_728, %parallel_loop3A_729, %parallel_loop3A_730, %parallel_loop3A_731, %parallel_loop3A_732] {strides = array<i32>} : memref<2x4x4x8x128xf32, #tpu.memory_space<vmem>>, vector<16xf32>,
        tpu.vector_store %arg7[%parallel_loop3A_728, %parallel_loop3A_729, %parallel_loop3A_730, %parallel_loop3A_731, %parallel_loop3A_732], %parallel_loop3A_725 {strides = array<i32>} : memref<2x4x4x8x128xf32, #tpu.memory_space<vmem>>, vector<16xf32>,
        %parallel_loop3A_734 = arith.constant 0 : i32
        %parallel_loop3A_735 = arith.constant 0 : i32
        %parallel_loop3A_736 = arith.constant 0 : i32
        %parallel_loop3A_737 = tpu.memref_slice %arg6[%parallel_loop3A_734, %parallel_loop3A_735, %parallel_loop3A_736] : memref<2x512x32xf32, #tpu.memory_space<vmem>> -> memref<1x512x32xf32, #tpu.memory_space<vmem>>
        %parallel_loop3A_738 = tpu.memref_squeeze %parallel_loop3A_737 : memref<1x512x32xf32, #tpu.memory_space<vmem>> -> memref<512x32xf32, #tpu.memory_space<vmem>>
        %parallel_loop3A_739 = tpu.vector_load_idx %parallel_loop3A_738[%add3A_95, %parallel_loop3A_313] : memref<512x32xf32, #tpu.memory_space<vmem>>[vector<16xi32>, vector<16xi32>], vector<16xf32>,
        %parallel_loop3A_740 = arith.constant 0 : i32
        %parallel_loop3A_741 = arith.constant 3 : i32
        %parallel_loop3A_742 = arith.index_cast %parallel_loop3A_740 : i32 to index
        %parallel_loop3A_743 = arith.index_cast %parallel_loop3A_296 : i32 to index
        %parallel_loop3A_744 = arith.index_cast %parallel_loop3A_741 : i32 to index
        %parallel_loop3A_745 = arith.index_cast %parallel_loop3A_312 : i32 to index
        %parallel_loop3A_746 = arith.constant 96 : index
        %parallel_loop3A_747 = tpu.vector_load %arg7[%parallel_loop3A_742, %parallel_loop3A_743, %parallel_loop3A_744, %parallel_loop3A_745, %parallel_loop3A_746] {strides = array<i32>} : memref<2x4x4x8x128xf32, #tpu.memory_space<vmem>>, vector<16xf32>,
        tpu.vector_store %arg7[%parallel_loop3A_742, %parallel_loop3A_743, %parallel_loop3A_744, %parallel_loop3A_745, %parallel_loop3A_746], %parallel_loop3A_739 {strides = array<i32>} : memref<2x4x4x8x128xf32, #tpu.memory_space<vmem>>, vector<16xf32>,
        %parallel_loop3A_748 = arith.constant 0 : i32
        %parallel_loop3A_749 = arith.constant 0 : i32
        %parallel_loop3A_750 = arith.constant 0 : i32
        %parallel_loop3A_751 = tpu.memref_slice %arg6[%parallel_loop3A_748, %parallel_loop3A_749, %parallel_loop3A_750] : memref<2x512x32xf32, #tpu.memory_space<vmem>> -> memref<1x512x32xf32, #tpu.memory_space<vmem>>
        %parallel_loop3A_752 = tpu.memref_squeeze %parallel_loop3A_751 : memref<1x512x32xf32, #tpu.memory_space<vmem>> -> memref<512x32xf32, #tpu.memory_space<vmem>>
        %parallel_loop3A_753 = tpu.vector_load_idx %parallel_loop3A_752[%add3A_98, %parallel_loop3A_313] : memref<512x32xf32, #tpu.memory_space<vmem>>[vector<16xi32>, vector<16xi32>], vector<16xf32>,
        %parallel_loop3A_754 = arith.constant 0 : i32
        %parallel_loop3A_755 = arith.constant 3 : i32
        %parallel_loop3A_756 = arith.index_cast %parallel_loop3A_754 : i32 to index
        %parallel_loop3A_757 = arith.index_cast %parallel_loop3A_296 : i32 to index
        %parallel_loop3A_758 = arith.index_cast %parallel_loop3A_755 : i32 to index
        %parallel_loop3A_759 = arith.index_cast %parallel_loop3A_312 : i32 to index
        %parallel_loop3A_760 = arith.constant 112 : index
        %parallel_loop3A_761 = tpu.vector_load %arg7[%parallel_loop3A_756, %parallel_loop3A_757, %parallel_loop3A_758, %parallel_loop3A_759, %parallel_loop3A_760] {strides = array<i32>} : memref<2x4x4x8x128xf32, #tpu.memory_space<vmem>>, vector<16xf32>,
        tpu.vector_store %arg7[%parallel_loop3A_756, %parallel_loop3A_757, %parallel_loop3A_758, %parallel_loop3A_759, %parallel_loop3A_760], %parallel_loop3A_753 {strides = array<i32>} : memref<2x4x4x8x128xf32, #tpu.memory_space<vmem>>, vector<16xf32>,
      } {sc.loop_unroll_factor = 4 : i64, sc.parallel_access}
      %mul3A_192 = arith.constant 4 : i32
      %mul3A_193 = arith.muli %add3A, %mul3A_192 : i32
      %dma_start3A_194 = arith.constant 0 : i32
      %dma_start3A_195 = arith.constant 0 : i32
      %dma_start3A_196 = arith.constant 0 : i32
      %dma_start3A_197 = arith.constant 0 : i32
      %dma_start3A_198 = arith.constant 0 : i32
      %dma_start3A_199 = tpu.memref_slice %arg7[%dma_start3A_194, %dma_start3A_195, %dma_start3A_196, %dma_start3A_197, %dma_start3A_198] : memref<2x4x4x8x128xf32, #tpu.memory_space<vmem>> -> memref<1x4x4x8x128xf32, #tpu.memory_space<vmem>>
      %dma_start3A_200 = tpu.memref_squeeze %dma_start3A_199 : memref<1x4x4x8x128xf32, #tpu.memory_space<vmem>> -> memref<4x4x8x128xf32, #tpu.memory_space<vmem>>
      %dma_start3A_201 = arith.constant 0 : i32
      %dma_start3A_202 = arith.constant 0 : i32
      %dma_start3A_203 = arith.constant 0 : i32
      %dma_start3A_204 = tpu.memref_slice %arg4[%add3A_170, %dma_start3A_201, %mul3A_193, %dma_start3A_202, %dma_start3A_203] : memref<50x4x128x8x128xf32, #tpu.memory_space<hbm>> -> memref<1x4x4x8x128xf32, #tpu.memory_space<hbm>>
      %dma_start3A_205 = tpu.memref_squeeze %dma_start3A_204 : memref<1x4x4x8x128xf32, #tpu.memory_space<hbm>> -> memref<4x4x8x128xf32, #tpu.memory_space<hbm>>
      %dma_start3A_206 = arith.constant 0 : i32
      %dma_start3A_207 = arith.constant 0 : i32
      %dma_start3A_208 = arith.constant 0 : i32
      %dma_start3A_209 = tpu.memref_slice %arg4[%add3A_170, %dma_start3A_206, %mul3A_193, %dma_start3A_207, %dma_start3A_208] : memref<50x4x128x8x128xf32, #tpu.memory_space<hbm>> -> memref<1x4x4x8x128xf32, #tpu.memory_space<hbm>>
      %dma_start3A_210 = tpu.memref_squeeze %dma_start3A_209 : memref<1x4x4x8x128xf32, #tpu.memory_space<hbm>> -> memref<4x4x8x128xf32, #tpu.memory_space<hbm>>
      %dma_start3A_211 = arith.constant 0 : i32
      %dma_start3A_212 = arith.constant 0 : i32
      %dma_start3A_213 = arith.constant 0 : i32
      %dma_start3A_214 = arith.constant 0 : i32
      %dma_start3A_215 = tpu.memref_slice %arg7[%dma_start3A_194, %dma_start3A_211, %dma_start3A_212, %dma_start3A_213, %dma_start3A_214] : memref<2x4x4x8x128xf32, #tpu.memory_space<vmem>> -> memref<1x4x4x8x128xf32, #tpu.memory_space<vmem>>
      %dma_start3A_216 = tpu.memref_squeeze %dma_start3A_215 : memref<1x4x4x8x128xf32, #tpu.memory_space<vmem>> -> memref<4x4x8x128xf32, #tpu.memory_space<vmem>>
      tpu.enqueue_dma source(%dma_start3A_216 : memref<4x4x8x128xf32, #tpu.memory_space<vmem>>) target(%dma_start3A_210 : memref<4x4x8x128xf32, #tpu.memory_space<hbm>>) target_semaphore(%arg10 : memref<!tpu.dma_semaphore, #tpu.memory_space<semaphore_mem>>)
      %mul3A_217 = arith.constant 2 : i32
      %mul3A_218 = arith.muli %scan3A_166, %mul3A_217 : i32
      %add3A_219 = arith.constant 1 : i32
      %add3A_220 = arith.addi %mul3A_218, %add3A_219 : i32
      %add3A_221 = arith.constant 1 : i32
      %add3A_222 = arith.addi %add3A_220, %add3A_221 : i32
      %lt3A_223 = arith.constant 50 : i32
      %lt3A_224 = arith.cmpi slt, %add3A_222, %lt3A_223 : i32
      %convert_element_type3A_225 = arith.extui %lt3A_224 : i1 to i32
      %cond3A_226 = arith.constant 0 : i32
      %cond3A_227 = arith.cmpi ne, %convert_element_type3A_225, %cond3A_226 : i32
      scf.if %cond3A_227 {
        %add3A_272 = arith.constant 1 : i32
        %add3A_273 = arith.addi %add3A_220, %add3A_272 : i32
        %dma_start3A_274 = arith.constant 0 : i32
        %dma_start3A_275 = arith.constant 0 : i32
        %dma_start3A_276 = arith.constant 0 : i32
        %dma_start3A_277 = tpu.memref_slice %arg6[%dma_start3A_274, %dma_start3A_275, %dma_start3A_276] : memref<2x512x32xf32, #tpu.memory_space<vmem>> -> memref<1x512x32xf32, #tpu.memory_space<vmem>>
        %dma_start3A_278 = tpu.memref_squeeze %dma_start3A_277 : memref<1x512x32xf32, #tpu.memory_space<vmem>> -> memref<512x32xf32, #tpu.memory_space<vmem>>
        %dma_start3A_279 = arith.constant 0 : i32
        %dma_start3A_280 = tpu.memref_slice %arg5[%add3A_273, %dma_start3A_279] : memref<50x512xi32, #tpu.memory_space<vmem>> -> memref<1x512xi32, #tpu.memory_space<vmem>>
        %dma_start3A_281 = tpu.memref_squeeze %dma_start3A_280 : memref<1x512xi32, #tpu.memory_space<vmem>> -> memref<512xi32, #tpu.memory_space<vmem>>
        %dma_start3A_282 = arith.constant 0 : i32
        %dma_start3A_283 = arith.constant 0 : i32
        %dma_start3A_284 = tpu.memref_slice %arg3[%dma_start3A_282, %dma_start3A_283] : memref<1000000x32xf32, #tpu.memory_space<hbm>> -> memref<1000000x32xf32, #tpu.memory_space<hbm>>
        tpu.enqueue_indirect_dma source(%dma_start3A_284 : memref<1000000x32xf32, #tpu.memory_space<hbm>>) target(%dma_start3A_278 : memref<512x32xf32, #tpu.memory_space<vmem>>) offsets(%dma_start3A_281 : memref<512xi32, #tpu.memory_space<vmem>>) semaphore(%arg8 : memref<!tpu.dma_semaphore, #tpu.memory_space<semaphore_mem>>)
      } else {
      }
      %dma_wait3A_228 = arith.constant 1 : i32
      %dma_wait3A_229 = arith.constant 0 : i32
      %dma_wait3A_230 = arith.constant 0 : i32
      %dma_wait3A_231 = tpu.memref_slice %arg6[%dma_wait3A_228, %dma_wait3A_229, %dma_wait3A_230] : memref<2x512x32xf32, #tpu.memory_space<vmem>> -> memref<1x512x32xf32, #tpu.memory_space<vmem>>
      %dma_wait3A_232 = tpu.memref_squeeze %dma_wait3A_231 : memref<1x512x32xf32, #tpu.memory_space<vmem>> -> memref<512x32xf32, #tpu.memory_space<vmem>>
      %dma_wait3A_233 = arith.constant 0 : i32
      %dma_wait3A_234 = tpu.memref_slice %arg5[%add3A_220, %dma_wait3A_233] : memref<50x512xi32, #tpu.memory_space<vmem>> -> memref<1x512xi32, #tpu.memory_space<vmem>>
      %dma_wait3A_235 = tpu.memref_squeeze %dma_wait3A_234 : memref<1x512xi32, #tpu.memory_space<vmem>> -> memref<512xi32, #tpu.memory_space<vmem>>
      %dma_wait3A_236 = arith.constant 0 : i32
      %dma_wait3A_237 = arith.constant 0 : i32
      %dma_wait3A_238 = tpu.memref_slice %arg3[%dma_wait3A_236, %dma_wait3A_237] : memref<1000000x32xf32, #tpu.memory_space<hbm>> -> memref<1000000x32xf32, #tpu.memory_space<hbm>>
      tpu.wait_indirect_dma semaphore(%arg9 : memref<!tpu.dma_semaphore, #tpu.memory_space<semaphore_mem>>) src(%dma_wait3A_238 : memref<1000000x32xf32, #tpu.memory_space<hbm>>) dst(%dma_wait3A_232 : memref<512x32xf32, #tpu.memory_space<vmem>>)
      %ge3A_239 = arith.constant 2 : i32
      %ge3A_240 = arith.cmpi sge, %add3A_220, %ge3A_239 : i32
      %convert_element_type3A_241 = arith.extui %ge3A_240 : i1 to i32
      %cond3A_242 = arith.constant 0 : i32
      %cond3A_243 = arith.cmpi ne, %convert_element_type3A_241, %cond3A_242 : i32
      scf.if %cond3A_243 {
        %sub3A = arith.constant 2 : i32
        %sub3A_272 = arith.subi %add3A_220, %sub3A : i32
        %mul3A_273 = arith.constant 4 : i32
        %mul3A_274 = arith.muli %add3A, %mul3A_273 : i32
        %dma_wait3A_275 = arith.constant 1 : i32
        %dma_wait3A_276 = arith.constant 0 : i32
        %dma_wait3A_277 = arith.constant 0 : i32
        %dma_wait3A_278 = arith.constant 0 : i32
        %dma_wait3A_279 = arith.constant 0 : i32
        %dma_wait3A_280 = tpu.memref_slice %arg7[%dma_wait3A_275, %dma_wait3A_276, %dma_wait3A_277, %dma_wait3A_278, %dma_wait3A_279] : memref<2x4x4x8x128xf32, #tpu.memory_space<vmem>> -> memref<1x4x4x8x128xf32, #tpu.memory_space<vmem>>
        %dma_wait3A_281 = tpu.memref_squeeze %dma_wait3A_280 : memref<1x4x4x8x128xf32, #tpu.memory_space<vmem>> -> memref<4x4x8x128xf32, #tpu.memory_space<vmem>>
        %dma_wait3A_282 = arith.constant 0 : i32
        %dma_wait3A_283 = arith.constant 0 : i32
        %dma_wait3A_284 = arith.constant 0 : i32
        %dma_wait3A_285 = tpu.memref_slice %arg4[%sub3A_272, %dma_wait3A_282, %mul3A_274, %dma_wait3A_283, %dma_wait3A_284] : memref<50x4x128x8x128xf32, #tpu.memory_space<hbm>> -> memref<1x4x4x8x128xf32, #tpu.memory_space<hbm>>
        %dma_wait3A_286 = tpu.memref_squeeze %dma_wait3A_285 : memref<1x4x4x8x128xf32, #tpu.memory_space<hbm>> -> memref<4x4x8x128xf32, #tpu.memory_space<hbm>>
        %dma_wait3A_287 = arith.constant 0 : i32
        %dma_wait3A_288 = arith.constant 0 : i32
        %dma_wait3A_289 = arith.constant 0 : i32
        %dma_wait3A_290 = tpu.memref_slice %arg4[%sub3A_272, %dma_wait3A_287, %mul3A_274, %dma_wait3A_288, %dma_wait3A_289] : memref<50x4x128x8x128xf32, #tpu.memory_space<hbm>> -> memref<1x4x4x8x128xf32, #tpu.memory_space<hbm>>
        %dma_wait3A_291 = tpu.memref_squeeze %dma_wait3A_290 : memref<1x4x4x8x128xf32, #tpu.memory_space<hbm>> -> memref<4x4x8x128xf32, #tpu.memory_space<hbm>>
        %dma_wait3A_292 = arith.constant 0 : i32
        %dma_wait3A_293 = arith.constant 0 : i32
        %dma_wait3A_294 = arith.constant 0 : i32
        %dma_wait3A_295 = arith.constant 0 : i32
        %dma_wait3A_296 = tpu.memref_slice %arg7[%dma_wait3A_275, %dma_wait3A_292, %dma_wait3A_293, %dma_wait3A_294, %dma_wait3A_295] : memref<2x4x4x8x128xf32, #tpu.memory_space<vmem>> -> memref<1x4x4x8x128xf32, #tpu.memory_space<vmem>>
        %dma_wait3A_297 = tpu.memref_squeeze %dma_wait3A_296 : memref<1x4x4x8x128xf32, #tpu.memory_space<vmem>> -> memref<4x4x8x128xf32, #tpu.memory_space<vmem>>
        tpu.wait_dma2 semaphore(%arg11 : memref<!tpu.dma_semaphore, #tpu.memory_space<semaphore_mem>>) src(%dma_wait3A_297 : memref<4x4x8x128xf32, #tpu.memory_space<vmem>>) dst(%dma_wait3A_291 : memref<4x4x8x128xf32, #tpu.memory_space<hbm>>)
      } else {
      }
      %parallel_loop3A_244 = arith.constant 0 : i32
      %parallel_loop3A_245 = arith.constant 32 : i32
      %parallel_loop3A_246 = arith.constant 1 : i32
      scf.for %parallel_loop3A_272 = %parallel_loop3A_244 to %parallel_loop3A_245 step %parallel_loop3A_246  : i32 {
        %parallel_loop3A_273 = arith.constant 8 : i32
        %parallel_loop3A_274 = arith.divsi %parallel_loop3A_272, %parallel_loop3A_273 : i32
        %parallel_loop3A_275 = arith.constant 0 : i32
        %parallel_loop3A_276 = arith.cmpi sgt, %parallel_loop3A_272, %parallel_loop3A_275 : i32
        %parallel_loop3A_277 = arith.extui %parallel_loop3A_276 : i1 to i32
        %parallel_loop3A_278 = arith.constant 0 : i32
        %parallel_loop3A_279 = arith.cmpi slt, %parallel_loop3A_272, %parallel_loop3A_278 : i32
        %parallel_loop3A_280 = arith.extui %parallel_loop3A_279 : i1 to i32
        %parallel_loop3A_281 = arith.subi %parallel_loop3A_277, %parallel_loop3A_280 : i32
        %parallel_loop3A_282 = arith.constant 0 : i32
        %parallel_loop3A_283 = arith.cmpi sgt, %parallel_loop3A_273, %parallel_loop3A_282 : i32
        %parallel_loop3A_284 = arith.extui %parallel_loop3A_283 : i1 to i32
        %parallel_loop3A_285 = arith.constant 0 : i32
        %parallel_loop3A_286 = arith.cmpi slt, %parallel_loop3A_273, %parallel_loop3A_285 : i32
        %parallel_loop3A_287 = arith.extui %parallel_loop3A_286 : i1 to i32
        %parallel_loop3A_288 = arith.subi %parallel_loop3A_284, %parallel_loop3A_287 : i32
        %parallel_loop3A_289 = arith.cmpi ne, %parallel_loop3A_281, %parallel_loop3A_288 : i32
        %parallel_loop3A_290 = arith.remsi %parallel_loop3A_272, %parallel_loop3A_273 : i32
        %parallel_loop3A_291 = arith.constant 0 : i32
        %parallel_loop3A_292 = arith.cmpi ne, %parallel_loop3A_290, %parallel_loop3A_291 : i32
        %parallel_loop3A_293 = arith.andi %parallel_loop3A_289, %parallel_loop3A_292 : i1
        %parallel_loop3A_294 = arith.constant 1 : i32
        %parallel_loop3A_295 = arith.subi %parallel_loop3A_274, %parallel_loop3A_294 : i32
        %parallel_loop3A_296 = arith.select %parallel_loop3A_293, %parallel_loop3A_295, %parallel_loop3A_274 : i32
        %parallel_loop3A_297 = arith.constant 8 : i32
        %parallel_loop3A_298 = arith.constant 0 : i32
        %parallel_loop3A_299 = arith.cmpi eq, %parallel_loop3A_297, %parallel_loop3A_298 : i32
        %parallel_loop3A_300 = arith.constant 1 : i32
        %parallel_loop3A_301 = arith.select %parallel_loop3A_299, %parallel_loop3A_300, %parallel_loop3A_297 : i32
        %parallel_loop3A_302 = arith.remsi %parallel_loop3A_272, %parallel_loop3A_301 : i32
        %parallel_loop3A_303 = arith.constant 0 : i32
        %parallel_loop3A_304 = arith.cmpi ne, %parallel_loop3A_302, %parallel_loop3A_303 : i32
        %parallel_loop3A_305 = arith.constant 0 : i32
        %parallel_loop3A_306 = arith.cmpi slt, %parallel_loop3A_302, %parallel_loop3A_305 : i32
        %parallel_loop3A_307 = arith.constant 0 : i32
        %parallel_loop3A_308 = arith.cmpi slt, %parallel_loop3A_301, %parallel_loop3A_307 : i32
        %parallel_loop3A_309 = arith.xori %parallel_loop3A_306, %parallel_loop3A_308 : i1
        %parallel_loop3A_310 = arith.andi %parallel_loop3A_309, %parallel_loop3A_304 : i1
        %parallel_loop3A_311 = arith.addi %parallel_loop3A_302, %parallel_loop3A_301 : i32
        %parallel_loop3A_312 = arith.select %parallel_loop3A_310, %parallel_loop3A_311, %parallel_loop3A_302 : i32
        %parallel_loop3A_313 = vector.broadcast %parallel_loop3A_272 : i32 to vector<16xi32>
        %parallel_loop3A_314 = arith.constant 1 : i32
        %parallel_loop3A_315 = arith.constant 0 : i32
        %parallel_loop3A_316 = arith.constant 0 : i32
        %parallel_loop3A_317 = tpu.memref_slice %arg6[%parallel_loop3A_314, %parallel_loop3A_315, %parallel_loop3A_316] : memref<2x512x32xf32, #tpu.memory_space<vmem>> -> memref<1x512x32xf32, #tpu.memory_space<vmem>>
        %parallel_loop3A_318 = tpu.memref_squeeze %parallel_loop3A_317 : memref<1x512x32xf32, #tpu.memory_space<vmem>> -> memref<512x32xf32, #tpu.memory_space<vmem>>
        %parallel_loop3A_319 = tpu.vector_load_idx %parallel_loop3A_318[%add3A_5, %parallel_loop3A_313] : memref<512x32xf32, #tpu.memory_space<vmem>>[vector<16xi32>, vector<16xi32>], vector<16xf32>,
        %parallel_loop3A_320 = arith.constant 1 : i32
        %parallel_loop3A_321 = arith.constant 0 : i32
        %parallel_loop3A_322 = arith.index_cast %parallel_loop3A_320 : i32 to index
        %parallel_loop3A_323 = arith.index_cast %parallel_loop3A_296 : i32 to index
        %parallel_loop3A_324 = arith.index_cast %parallel_loop3A_321 : i32 to index
        %parallel_loop3A_325 = arith.index_cast %parallel_loop3A_312 : i32 to index
        %parallel_loop3A_326 = arith.constant 0 : index
        %parallel_loop3A_327 = tpu.vector_load %arg7[%parallel_loop3A_322, %parallel_loop3A_323, %parallel_loop3A_324, %parallel_loop3A_325, %parallel_loop3A_326] {strides = array<i32>} : memref<2x4x4x8x128xf32, #tpu.memory_space<vmem>>, vector<16xf32>,
        tpu.vector_store %arg7[%parallel_loop3A_322, %parallel_loop3A_323, %parallel_loop3A_324, %parallel_loop3A_325, %parallel_loop3A_326], %parallel_loop3A_319 {strides = array<i32>} : memref<2x4x4x8x128xf32, #tpu.memory_space<vmem>>, vector<16xf32>,
        %parallel_loop3A_328 = arith.constant 1 : i32
        %parallel_loop3A_329 = arith.constant 0 : i32
        %parallel_loop3A_330 = arith.constant 0 : i32
        %parallel_loop3A_331 = tpu.memref_slice %arg6[%parallel_loop3A_328, %parallel_loop3A_329, %parallel_loop3A_330] : memref<2x512x32xf32, #tpu.memory_space<vmem>> -> memref<1x512x32xf32, #tpu.memory_space<vmem>>
        %parallel_loop3A_332 = tpu.memref_squeeze %parallel_loop3A_331 : memref<1x512x32xf32, #tpu.memory_space<vmem>> -> memref<512x32xf32, #tpu.memory_space<vmem>>
        %parallel_loop3A_333 = tpu.vector_load_idx %parallel_loop3A_332[%add3A_8, %parallel_loop3A_313] : memref<512x32xf32, #tpu.memory_space<vmem>>[vector<16xi32>, vector<16xi32>], vector<16xf32>,
        %parallel_loop3A_334 = arith.constant 1 : i32
        %parallel_loop3A_335 = arith.constant 0 : i32
        %parallel_loop3A_336 = arith.index_cast %parallel_loop3A_334 : i32 to index
        %parallel_loop3A_337 = arith.index_cast %parallel_loop3A_296 : i32 to index
        %parallel_loop3A_338 = arith.index_cast %parallel_loop3A_335 : i32 to index
        %parallel_loop3A_339 = arith.index_cast %parallel_loop3A_312 : i32 to index
        %parallel_loop3A_340 = arith.constant 16 : index
        %parallel_loop3A_341 = tpu.vector_load %arg7[%parallel_loop3A_336, %parallel_loop3A_337, %parallel_loop3A_338, %parallel_loop3A_339, %parallel_loop3A_340] {strides = array<i32>} : memref<2x4x4x8x128xf32, #tpu.memory_space<vmem>>, vector<16xf32>,
        tpu.vector_store %arg7[%parallel_loop3A_336, %parallel_loop3A_337, %parallel_loop3A_338, %parallel_loop3A_339, %parallel_loop3A_340], %parallel_loop3A_333 {strides = array<i32>} : memref<2x4x4x8x128xf32, #tpu.memory_space<vmem>>, vector<16xf32>,
        %parallel_loop3A_342 = arith.constant 1 : i32
        %parallel_loop3A_343 = arith.constant 0 : i32
        %parallel_loop3A_344 = arith.constant 0 : i32
        %parallel_loop3A_345 = tpu.memref_slice %arg6[%parallel_loop3A_342, %parallel_loop3A_343, %parallel_loop3A_344] : memref<2x512x32xf32, #tpu.memory_space<vmem>> -> memref<1x512x32xf32, #tpu.memory_space<vmem>>
        %parallel_loop3A_346 = tpu.memref_squeeze %parallel_loop3A_345 : memref<1x512x32xf32, #tpu.memory_space<vmem>> -> memref<512x32xf32, #tpu.memory_space<vmem>>
        %parallel_loop3A_347 = tpu.vector_load_idx %parallel_loop3A_346[%add3A_11, %parallel_loop3A_313] : memref<512x32xf32, #tpu.memory_space<vmem>>[vector<16xi32>, vector<16xi32>], vector<16xf32>,
        %parallel_loop3A_348 = arith.constant 1 : i32
        %parallel_loop3A_349 = arith.constant 0 : i32
        %parallel_loop3A_350 = arith.index_cast %parallel_loop3A_348 : i32 to index
        %parallel_loop3A_351 = arith.index_cast %parallel_loop3A_296 : i32 to index
        %parallel_loop3A_352 = arith.index_cast %parallel_loop3A_349 : i32 to index
        %parallel_loop3A_353 = arith.index_cast %parallel_loop3A_312 : i32 to index
        %parallel_loop3A_354 = arith.constant 32 : index
        %parallel_loop3A_355 = tpu.vector_load %arg7[%parallel_loop3A_350, %parallel_loop3A_351, %parallel_loop3A_352, %parallel_loop3A_353, %parallel_loop3A_354] {strides = array<i32>} : memref<2x4x4x8x128xf32, #tpu.memory_space<vmem>>, vector<16xf32>,
        tpu.vector_store %arg7[%parallel_loop3A_350, %parallel_loop3A_351, %parallel_loop3A_352, %parallel_loop3A_353, %parallel_loop3A_354], %parallel_loop3A_347 {strides = array<i32>} : memref<2x4x4x8x128xf32, #tpu.memory_space<vmem>>, vector<16xf32>,
        %parallel_loop3A_356 = arith.constant 1 : i32
        %parallel_loop3A_357 = arith.constant 0 : i32
        %parallel_loop3A_358 = arith.constant 0 : i32
        %parallel_loop3A_359 = tpu.memref_slice %arg6[%parallel_loop3A_356, %parallel_loop3A_357, %parallel_loop3A_358] : memref<2x512x32xf32, #tpu.memory_space<vmem>> -> memref<1x512x32xf32, #tpu.memory_space<vmem>>
        %parallel_loop3A_360 = tpu.memref_squeeze %parallel_loop3A_359 : memref<1x512x32xf32, #tpu.memory_space<vmem>> -> memref<512x32xf32, #tpu.memory_space<vmem>>
        %parallel_loop3A_361 = tpu.vector_load_idx %parallel_loop3A_360[%add3A_14, %parallel_loop3A_313] : memref<512x32xf32, #tpu.memory_space<vmem>>[vector<16xi32>, vector<16xi32>], vector<16xf32>,
        %parallel_loop3A_362 = arith.constant 1 : i32
        %parallel_loop3A_363 = arith.constant 0 : i32
        %parallel_loop3A_364 = arith.index_cast %parallel_loop3A_362 : i32 to index
        %parallel_loop3A_365 = arith.index_cast %parallel_loop3A_296 : i32 to index
        %parallel_loop3A_366 = arith.index_cast %parallel_loop3A_363 : i32 to index
        %parallel_loop3A_367 = arith.index_cast %parallel_loop3A_312 : i32 to index
        %parallel_loop3A_368 = arith.constant 48 : index
        %parallel_loop3A_369 = tpu.vector_load %arg7[%parallel_loop3A_364, %parallel_loop3A_365, %parallel_loop3A_366, %parallel_loop3A_367, %parallel_loop3A_368] {strides = array<i32>} : memref<2x4x4x8x128xf32, #tpu.memory_space<vmem>>, vector<16xf32>,
        tpu.vector_store %arg7[%parallel_loop3A_364, %parallel_loop3A_365, %parallel_loop3A_366, %parallel_loop3A_367, %parallel_loop3A_368], %parallel_loop3A_361 {strides = array<i32>} : memref<2x4x4x8x128xf32, #tpu.memory_space<vmem>>, vector<16xf32>,
        %parallel_loop3A_370 = arith.constant 1 : i32
        %parallel_loop3A_371 = arith.constant 0 : i32
        %parallel_loop3A_372 = arith.constant 0 : i32
        %parallel_loop3A_373 = tpu.memref_slice %arg6[%parallel_loop3A_370, %parallel_loop3A_371, %parallel_loop3A_372] : memref<2x512x32xf32, #tpu.memory_space<vmem>> -> memref<1x512x32xf32, #tpu.memory_space<vmem>>
        %parallel_loop3A_374 = tpu.memref_squeeze %parallel_loop3A_373 : memref<1x512x32xf32, #tpu.memory_space<vmem>> -> memref<512x32xf32, #tpu.memory_space<vmem>>
        %parallel_loop3A_375 = tpu.vector_load_idx %parallel_loop3A_374[%add3A_17, %parallel_loop3A_313] : memref<512x32xf32, #tpu.memory_space<vmem>>[vector<16xi32>, vector<16xi32>], vector<16xf32>,
        %parallel_loop3A_376 = arith.constant 1 : i32
        %parallel_loop3A_377 = arith.constant 0 : i32
        %parallel_loop3A_378 = arith.index_cast %parallel_loop3A_376 : i32 to index
        %parallel_loop3A_379 = arith.index_cast %parallel_loop3A_296 : i32 to index
        %parallel_loop3A_380 = arith.index_cast %parallel_loop3A_377 : i32 to index
        %parallel_loop3A_381 = arith.index_cast %parallel_loop3A_312 : i32 to index
        %parallel_loop3A_382 = arith.constant 64 : index
        %parallel_loop3A_383 = tpu.vector_load %arg7[%parallel_loop3A_378, %parallel_loop3A_379, %parallel_loop3A_380, %parallel_loop3A_381, %parallel_loop3A_382] {strides = array<i32>} : memref<2x4x4x8x128xf32, #tpu.memory_space<vmem>>, vector<16xf32>,
        tpu.vector_store %arg7[%parallel_loop3A_378, %parallel_loop3A_379, %parallel_loop3A_380, %parallel_loop3A_381, %parallel_loop3A_382], %parallel_loop3A_375 {strides = array<i32>} : memref<2x4x4x8x128xf32, #tpu.memory_space<vmem>>, vector<16xf32>,
        %parallel_loop3A_384 = arith.constant 1 : i32
        %parallel_loop3A_385 = arith.constant 0 : i32
        %parallel_loop3A_386 = arith.constant 0 : i32
        %parallel_loop3A_387 = tpu.memref_slice %arg6[%parallel_loop3A_384, %parallel_loop3A_385, %parallel_loop3A_386] : memref<2x512x32xf32, #tpu.memory_space<vmem>> -> memref<1x512x32xf32, #tpu.memory_space<vmem>>
        %parallel_loop3A_388 = tpu.memref_squeeze %parallel_loop3A_387 : memref<1x512x32xf32, #tpu.memory_space<vmem>> -> memref<512x32xf32, #tpu.memory_space<vmem>>
        %parallel_loop3A_389 = tpu.vector_load_idx %parallel_loop3A_388[%add3A_20, %parallel_loop3A_313] : memref<512x32xf32, #tpu.memory_space<vmem>>[vector<16xi32>, vector<16xi32>], vector<16xf32>,
        %parallel_loop3A_390 = arith.constant 1 : i32
        %parallel_loop3A_391 = arith.constant 0 : i32
        %parallel_loop3A_392 = arith.index_cast %parallel_loop3A_390 : i32 to index
        %parallel_loop3A_393 = arith.index_cast %parallel_loop3A_296 : i32 to index
        %parallel_loop3A_394 = arith.index_cast %parallel_loop3A_391 : i32 to index
        %parallel_loop3A_395 = arith.index_cast %parallel_loop3A_312 : i32 to index
        %parallel_loop3A_396 = arith.constant 80 : index
        %parallel_loop3A_397 = tpu.vector_load %arg7[%parallel_loop3A_392, %parallel_loop3A_393, %parallel_loop3A_394, %parallel_loop3A_395, %parallel_loop3A_396] {strides = array<i32>} : memref<2x4x4x8x128xf32, #tpu.memory_space<vmem>>, vector<16xf32>,
        tpu.vector_store %arg7[%parallel_loop3A_392, %parallel_loop3A_393, %parallel_loop3A_394, %parallel_loop3A_395, %parallel_loop3A_396], %parallel_loop3A_389 {strides = array<i32>} : memref<2x4x4x8x128xf32, #tpu.memory_space<vmem>>, vector<16xf32>,
        %parallel_loop3A_398 = arith.constant 1 : i32
        %parallel_loop3A_399 = arith.constant 0 : i32
        %parallel_loop3A_400 = arith.constant 0 : i32
        %parallel_loop3A_401 = tpu.memref_slice %arg6[%parallel_loop3A_398, %parallel_loop3A_399, %parallel_loop3A_400] : memref<2x512x32xf32, #tpu.memory_space<vmem>> -> memref<1x512x32xf32, #tpu.memory_space<vmem>>
        %parallel_loop3A_402 = tpu.memref_squeeze %parallel_loop3A_401 : memref<1x512x32xf32, #tpu.memory_space<vmem>> -> memref<512x32xf32, #tpu.memory_space<vmem>>
        %parallel_loop3A_403 = tpu.vector_load_idx %parallel_loop3A_402[%add3A_23, %parallel_loop3A_313] : memref<512x32xf32, #tpu.memory_space<vmem>>[vector<16xi32>, vector<16xi32>], vector<16xf32>,
        %parallel_loop3A_404 = arith.constant 1 : i32
        %parallel_loop3A_405 = arith.constant 0 : i32
        %parallel_loop3A_406 = arith.index_cast %parallel_loop3A_404 : i32 to index
        %parallel_loop3A_407 = arith.index_cast %parallel_loop3A_296 : i32 to index
        %parallel_loop3A_408 = arith.index_cast %parallel_loop3A_405 : i32 to index
        %parallel_loop3A_409 = arith.index_cast %parallel_loop3A_312 : i32 to index
        %parallel_loop3A_410 = arith.constant 96 : index
        %parallel_loop3A_411 = tpu.vector_load %arg7[%parallel_loop3A_406, %parallel_loop3A_407, %parallel_loop3A_408, %parallel_loop3A_409, %parallel_loop3A_410] {strides = array<i32>} : memref<2x4x4x8x128xf32, #tpu.memory_space<vmem>>, vector<16xf32>,
        tpu.vector_store %arg7[%parallel_loop3A_406, %parallel_loop3A_407, %parallel_loop3A_408, %parallel_loop3A_409, %parallel_loop3A_410], %parallel_loop3A_403 {strides = array<i32>} : memref<2x4x4x8x128xf32, #tpu.memory_space<vmem>>, vector<16xf32>,
        %parallel_loop3A_412 = arith.constant 1 : i32
        %parallel_loop3A_413 = arith.constant 0 : i32
        %parallel_loop3A_414 = arith.constant 0 : i32
        %parallel_loop3A_415 = tpu.memref_slice %arg6[%parallel_loop3A_412, %parallel_loop3A_413, %parallel_loop3A_414] : memref<2x512x32xf32, #tpu.memory_space<vmem>> -> memref<1x512x32xf32, #tpu.memory_space<vmem>>
        %parallel_loop3A_416 = tpu.memref_squeeze %parallel_loop3A_415 : memref<1x512x32xf32, #tpu.memory_space<vmem>> -> memref<512x32xf32, #tpu.memory_space<vmem>>
        %parallel_loop3A_417 = tpu.vector_load_idx %parallel_loop3A_416[%add3A_26, %parallel_loop3A_313] : memref<512x32xf32, #tpu.memory_space<vmem>>[vector<16xi32>, vector<16xi32>], vector<16xf32>,
        %parallel_loop3A_418 = arith.constant 1 : i32
        %parallel_loop3A_419 = arith.constant 0 : i32
        %parallel_loop3A_420 = arith.index_cast %parallel_loop3A_418 : i32 to index
        %parallel_loop3A_421 = arith.index_cast %parallel_loop3A_296 : i32 to index
        %parallel_loop3A_422 = arith.index_cast %parallel_loop3A_419 : i32 to index
        %parallel_loop3A_423 = arith.index_cast %parallel_loop3A_312 : i32 to index
        %parallel_loop3A_424 = arith.constant 112 : index
        %parallel_loop3A_425 = tpu.vector_load %arg7[%parallel_loop3A_420, %parallel_loop3A_421, %parallel_loop3A_422, %parallel_loop3A_423, %parallel_loop3A_424] {strides = array<i32>} : memref<2x4x4x8x128xf32, #tpu.memory_space<vmem>>, vector<16xf32>,
        tpu.vector_store %arg7[%parallel_loop3A_420, %parallel_loop3A_421, %parallel_loop3A_422, %parallel_loop3A_423, %parallel_loop3A_424], %parallel_loop3A_417 {strides = array<i32>} : memref<2x4x4x8x128xf32, #tpu.memory_space<vmem>>, vector<16xf32>,
        %parallel_loop3A_426 = arith.constant 1 : i32
        %parallel_loop3A_427 = arith.constant 0 : i32
        %parallel_loop3A_428 = arith.constant 0 : i32
        %parallel_loop3A_429 = tpu.memref_slice %arg6[%parallel_loop3A_426, %parallel_loop3A_427, %parallel_loop3A_428] : memref<2x512x32xf32, #tpu.memory_space<vmem>> -> memref<1x512x32xf32, #tpu.memory_space<vmem>>
        %parallel_loop3A_430 = tpu.memref_squeeze %parallel_loop3A_429 : memref<1x512x32xf32, #tpu.memory_space<vmem>> -> memref<512x32xf32, #tpu.memory_space<vmem>>
        %parallel_loop3A_431 = tpu.vector_load_idx %parallel_loop3A_430[%add3A_29, %parallel_loop3A_313] : memref<512x32xf32, #tpu.memory_space<vmem>>[vector<16xi32>, vector<16xi32>], vector<16xf32>,
        %parallel_loop3A_432 = arith.constant 1 : i32
        %parallel_loop3A_433 = arith.constant 1 : i32
        %parallel_loop3A_434 = arith.index_cast %parallel_loop3A_432 : i32 to index
        %parallel_loop3A_435 = arith.index_cast %parallel_loop3A_296 : i32 to index
        %parallel_loop3A_436 = arith.index_cast %parallel_loop3A_433 : i32 to index
        %parallel_loop3A_437 = arith.index_cast %parallel_loop3A_312 : i32 to index
        %parallel_loop3A_438 = arith.constant 0 : index
        %parallel_loop3A_439 = tpu.vector_load %arg7[%parallel_loop3A_434, %parallel_loop3A_435, %parallel_loop3A_436, %parallel_loop3A_437, %parallel_loop3A_438] {strides = array<i32>} : memref<2x4x4x8x128xf32, #tpu.memory_space<vmem>>, vector<16xf32>,
        tpu.vector_store %arg7[%parallel_loop3A_434, %parallel_loop3A_435, %parallel_loop3A_436, %parallel_loop3A_437, %parallel_loop3A_438], %parallel_loop3A_431 {strides = array<i32>} : memref<2x4x4x8x128xf32, #tpu.memory_space<vmem>>, vector<16xf32>,
        %parallel_loop3A_440 = arith.constant 1 : i32
        %parallel_loop3A_441 = arith.constant 0 : i32
        %parallel_loop3A_442 = arith.constant 0 : i32
        %parallel_loop3A_443 = tpu.memref_slice %arg6[%parallel_loop3A_440, %parallel_loop3A_441, %parallel_loop3A_442] : memref<2x512x32xf32, #tpu.memory_space<vmem>> -> memref<1x512x32xf32, #tpu.memory_space<vmem>>
        %parallel_loop3A_444 = tpu.memref_squeeze %parallel_loop3A_443 : memref<1x512x32xf32, #tpu.memory_space<vmem>> -> memref<512x32xf32, #tpu.memory_space<vmem>>
        %parallel_loop3A_445 = tpu.vector_load_idx %parallel_loop3A_444[%add3A_32, %parallel_loop3A_313] : memref<512x32xf32, #tpu.memory_space<vmem>>[vector<16xi32>, vector<16xi32>], vector<16xf32>,
        %parallel_loop3A_446 = arith.constant 1 : i32
        %parallel_loop3A_447 = arith.constant 1 : i32
        %parallel_loop3A_448 = arith.index_cast %parallel_loop3A_446 : i32 to index
        %parallel_loop3A_449 = arith.index_cast %parallel_loop3A_296 : i32 to index
        %parallel_loop3A_450 = arith.index_cast %parallel_loop3A_447 : i32 to index
        %parallel_loop3A_451 = arith.index_cast %parallel_loop3A_312 : i32 to index
        %parallel_loop3A_452 = arith.constant 16 : index
        %parallel_loop3A_453 = tpu.vector_load %arg7[%parallel_loop3A_448, %parallel_loop3A_449, %parallel_loop3A_450, %parallel_loop3A_451, %parallel_loop3A_452] {strides = array<i32>} : memref<2x4x4x8x128xf32, #tpu.memory_space<vmem>>, vector<16xf32>,
        tpu.vector_store %arg7[%parallel_loop3A_448, %parallel_loop3A_449, %parallel_loop3A_450, %parallel_loop3A_451, %parallel_loop3A_452], %parallel_loop3A_445 {strides = array<i32>} : memref<2x4x4x8x128xf32, #tpu.memory_space<vmem>>, vector<16xf32>,
        %parallel_loop3A_454 = arith.constant 1 : i32
        %parallel_loop3A_455 = arith.constant 0 : i32
        %parallel_loop3A_456 = arith.constant 0 : i32
        %parallel_loop3A_457 = tpu.memref_slice %arg6[%parallel_loop3A_454, %parallel_loop3A_455, %parallel_loop3A_456] : memref<2x512x32xf32, #tpu.memory_space<vmem>> -> memref<1x512x32xf32, #tpu.memory_space<vmem>>
        %parallel_loop3A_458 = tpu.memref_squeeze %parallel_loop3A_457 : memref<1x512x32xf32, #tpu.memory_space<vmem>> -> memref<512x32xf32, #tpu.memory_space<vmem>>
        %parallel_loop3A_459 = tpu.vector_load_idx %parallel_loop3A_458[%add3A_35, %parallel_loop3A_313] : memref<512x32xf32, #tpu.memory_space<vmem>>[vector<16xi32>, vector<16xi32>], vector<16xf32>,
        %parallel_loop3A_460 = arith.constant 1 : i32
        %parallel_loop3A_461 = arith.constant 1 : i32
        %parallel_loop3A_462 = arith.index_cast %parallel_loop3A_460 : i32 to index
        %parallel_loop3A_463 = arith.index_cast %parallel_loop3A_296 : i32 to index
        %parallel_loop3A_464 = arith.index_cast %parallel_loop3A_461 : i32 to index
        %parallel_loop3A_465 = arith.index_cast %parallel_loop3A_312 : i32 to index
        %parallel_loop3A_466 = arith.constant 32 : index
        %parallel_loop3A_467 = tpu.vector_load %arg7[%parallel_loop3A_462, %parallel_loop3A_463, %parallel_loop3A_464, %parallel_loop3A_465, %parallel_loop3A_466] {strides = array<i32>} : memref<2x4x4x8x128xf32, #tpu.memory_space<vmem>>, vector<16xf32>,
        tpu.vector_store %arg7[%parallel_loop3A_462, %parallel_loop3A_463, %parallel_loop3A_464, %parallel_loop3A_465, %parallel_loop3A_466], %parallel_loop3A_459 {strides = array<i32>} : memref<2x4x4x8x128xf32, #tpu.memory_space<vmem>>, vector<16xf32>,
        %parallel_loop3A_468 = arith.constant 1 : i32
        %parallel_loop3A_469 = arith.constant 0 : i32
        %parallel_loop3A_470 = arith.constant 0 : i32
        %parallel_loop3A_471 = tpu.memref_slice %arg6[%parallel_loop3A_468, %parallel_loop3A_469, %parallel_loop3A_470] : memref<2x512x32xf32, #tpu.memory_space<vmem>> -> memref<1x512x32xf32, #tpu.memory_space<vmem>>
        %parallel_loop3A_472 = tpu.memref_squeeze %parallel_loop3A_471 : memref<1x512x32xf32, #tpu.memory_space<vmem>> -> memref<512x32xf32, #tpu.memory_space<vmem>>
        %parallel_loop3A_473 = tpu.vector_load_idx %parallel_loop3A_472[%add3A_38, %parallel_loop3A_313] : memref<512x32xf32, #tpu.memory_space<vmem>>[vector<16xi32>, vector<16xi32>], vector<16xf32>,
        %parallel_loop3A_474 = arith.constant 1 : i32
        %parallel_loop3A_475 = arith.constant 1 : i32
        %parallel_loop3A_476 = arith.index_cast %parallel_loop3A_474 : i32 to index
        %parallel_loop3A_477 = arith.index_cast %parallel_loop3A_296 : i32 to index
        %parallel_loop3A_478 = arith.index_cast %parallel_loop3A_475 : i32 to index
        %parallel_loop3A_479 = arith.index_cast %parallel_loop3A_312 : i32 to index
        %parallel_loop3A_480 = arith.constant 48 : index
        %parallel_loop3A_481 = tpu.vector_load %arg7[%parallel_loop3A_476, %parallel_loop3A_477, %parallel_loop3A_478, %parallel_loop3A_479, %parallel_loop3A_480] {strides = array<i32>} : memref<2x4x4x8x128xf32, #tpu.memory_space<vmem>>, vector<16xf32>,
        tpu.vector_store %arg7[%parallel_loop3A_476, %parallel_loop3A_477, %parallel_loop3A_478, %parallel_loop3A_479, %parallel_loop3A_480], %parallel_loop3A_473 {strides = array<i32>} : memref<2x4x4x8x128xf32, #tpu.memory_space<vmem>>, vector<16xf32>,
        %parallel_loop3A_482 = arith.constant 1 : i32
        %parallel_loop3A_483 = arith.constant 0 : i32
        %parallel_loop3A_484 = arith.constant 0 : i32
        %parallel_loop3A_485 = tpu.memref_slice %arg6[%parallel_loop3A_482, %parallel_loop3A_483, %parallel_loop3A_484] : memref<2x512x32xf32, #tpu.memory_space<vmem>> -> memref<1x512x32xf32, #tpu.memory_space<vmem>>
        %parallel_loop3A_486 = tpu.memref_squeeze %parallel_loop3A_485 : memref<1x512x32xf32, #tpu.memory_space<vmem>> -> memref<512x32xf32, #tpu.memory_space<vmem>>
        %parallel_loop3A_487 = tpu.vector_load_idx %parallel_loop3A_486[%add3A_41, %parallel_loop3A_313] : memref<512x32xf32, #tpu.memory_space<vmem>>[vector<16xi32>, vector<16xi32>], vector<16xf32>,
        %parallel_loop3A_488 = arith.constant 1 : i32
        %parallel_loop3A_489 = arith.constant 1 : i32
        %parallel_loop3A_490 = arith.index_cast %parallel_loop3A_488 : i32 to index
        %parallel_loop3A_491 = arith.index_cast %parallel_loop3A_296 : i32 to index
        %parallel_loop3A_492 = arith.index_cast %parallel_loop3A_489 : i32 to index
        %parallel_loop3A_493 = arith.index_cast %parallel_loop3A_312 : i32 to index
        %parallel_loop3A_494 = arith.constant 64 : index
        %parallel_loop3A_495 = tpu.vector_load %arg7[%parallel_loop3A_490, %parallel_loop3A_491, %parallel_loop3A_492, %parallel_loop3A_493, %parallel_loop3A_494] {strides = array<i32>} : memref<2x4x4x8x128xf32, #tpu.memory_space<vmem>>, vector<16xf32>,
        tpu.vector_store %arg7[%parallel_loop3A_490, %parallel_loop3A_491, %parallel_loop3A_492, %parallel_loop3A_493, %parallel_loop3A_494], %parallel_loop3A_487 {strides = array<i32>} : memref<2x4x4x8x128xf32, #tpu.memory_space<vmem>>, vector<16xf32>,
        %parallel_loop3A_496 = arith.constant 1 : i32
        %parallel_loop3A_497 = arith.constant 0 : i32
        %parallel_loop3A_498 = arith.constant 0 : i32
        %parallel_loop3A_499 = tpu.memref_slice %arg6[%parallel_loop3A_496, %parallel_loop3A_497, %parallel_loop3A_498] : memref<2x512x32xf32, #tpu.memory_space<vmem>> -> memref<1x512x32xf32, #tpu.memory_space<vmem>>
        %parallel_loop3A_500 = tpu.memref_squeeze %parallel_loop3A_499 : memref<1x512x32xf32, #tpu.memory_space<vmem>> -> memref<512x32xf32, #tpu.memory_space<vmem>>
        %parallel_loop3A_501 = tpu.vector_load_idx %parallel_loop3A_500[%add3A_44, %parallel_loop3A_313] : memref<512x32xf32, #tpu.memory_space<vmem>>[vector<16xi32>, vector<16xi32>], vector<16xf32>,
        %parallel_loop3A_502 = arith.constant 1 : i32
        %parallel_loop3A_503 = arith.constant 1 : i32
        %parallel_loop3A_504 = arith.index_cast %parallel_loop3A_502 : i32 to index
        %parallel_loop3A_505 = arith.index_cast %parallel_loop3A_296 : i32 to index
        %parallel_loop3A_506 = arith.index_cast %parallel_loop3A_503 : i32 to index
        %parallel_loop3A_507 = arith.index_cast %parallel_loop3A_312 : i32 to index
        %parallel_loop3A_508 = arith.constant 80 : index
        %parallel_loop3A_509 = tpu.vector_load %arg7[%parallel_loop3A_504, %parallel_loop3A_505, %parallel_loop3A_506, %parallel_loop3A_507, %parallel_loop3A_508] {strides = array<i32>} : memref<2x4x4x8x128xf32, #tpu.memory_space<vmem>>, vector<16xf32>,
        tpu.vector_store %arg7[%parallel_loop3A_504, %parallel_loop3A_505, %parallel_loop3A_506, %parallel_loop3A_507, %parallel_loop3A_508], %parallel_loop3A_501 {strides = array<i32>} : memref<2x4x4x8x128xf32, #tpu.memory_space<vmem>>, vector<16xf32>,
        %parallel_loop3A_510 = arith.constant 1 : i32
        %parallel_loop3A_511 = arith.constant 0 : i32
        %parallel_loop3A_512 = arith.constant 0 : i32
        %parallel_loop3A_513 = tpu.memref_slice %arg6[%parallel_loop3A_510, %parallel_loop3A_511, %parallel_loop3A_512] : memref<2x512x32xf32, #tpu.memory_space<vmem>> -> memref<1x512x32xf32, #tpu.memory_space<vmem>>
        %parallel_loop3A_514 = tpu.memref_squeeze %parallel_loop3A_513 : memref<1x512x32xf32, #tpu.memory_space<vmem>> -> memref<512x32xf32, #tpu.memory_space<vmem>>
        %parallel_loop3A_515 = tpu.vector_load_idx %parallel_loop3A_514[%add3A_47, %parallel_loop3A_313] : memref<512x32xf32, #tpu.memory_space<vmem>>[vector<16xi32>, vector<16xi32>], vector<16xf32>,
        %parallel_loop3A_516 = arith.constant 1 : i32
        %parallel_loop3A_517 = arith.constant 1 : i32
        %parallel_loop3A_518 = arith.index_cast %parallel_loop3A_516 : i32 to index
        %parallel_loop3A_519 = arith.index_cast %parallel_loop3A_296 : i32 to index
        %parallel_loop3A_520 = arith.index_cast %parallel_loop3A_517 : i32 to index
        %parallel_loop3A_521 = arith.index_cast %parallel_loop3A_312 : i32 to index
        %parallel_loop3A_522 = arith.constant 96 : index
        %parallel_loop3A_523 = tpu.vector_load %arg7[%parallel_loop3A_518, %parallel_loop3A_519, %parallel_loop3A_520, %parallel_loop3A_521, %parallel_loop3A_522] {strides = array<i32>} : memref<2x4x4x8x128xf32, #tpu.memory_space<vmem>>, vector<16xf32>,
        tpu.vector_store %arg7[%parallel_loop3A_518, %parallel_loop3A_519, %parallel_loop3A_520, %parallel_loop3A_521, %parallel_loop3A_522], %parallel_loop3A_515 {strides = array<i32>} : memref<2x4x4x8x128xf32, #tpu.memory_space<vmem>>, vector<16xf32>,
        %parallel_loop3A_524 = arith.constant 1 : i32
        %parallel_loop3A_525 = arith.constant 0 : i32
        %parallel_loop3A_526 = arith.constant 0 : i32
        %parallel_loop3A_527 = tpu.memref_slice %arg6[%parallel_loop3A_524, %parallel_loop3A_525, %parallel_loop3A_526] : memref<2x512x32xf32, #tpu.memory_space<vmem>> -> memref<1x512x32xf32, #tpu.memory_space<vmem>>
        %parallel_loop3A_528 = tpu.memref_squeeze %parallel_loop3A_527 : memref<1x512x32xf32, #tpu.memory_space<vmem>> -> memref<512x32xf32, #tpu.memory_space<vmem>>
        %parallel_loop3A_529 = tpu.vector_load_idx %parallel_loop3A_528[%add3A_50, %parallel_loop3A_313] : memref<512x32xf32, #tpu.memory_space<vmem>>[vector<16xi32>, vector<16xi32>], vector<16xf32>,
        %parallel_loop3A_530 = arith.constant 1 : i32
        %parallel_loop3A_531 = arith.constant 1 : i32
        %parallel_loop3A_532 = arith.index_cast %parallel_loop3A_530 : i32 to index
        %parallel_loop3A_533 = arith.index_cast %parallel_loop3A_296 : i32 to index
        %parallel_loop3A_534 = arith.index_cast %parallel_loop3A_531 : i32 to index
        %parallel_loop3A_535 = arith.index_cast %parallel_loop3A_312 : i32 to index
        %parallel_loop3A_536 = arith.constant 112 : index
        %parallel_loop3A_537 = tpu.vector_load %arg7[%parallel_loop3A_532, %parallel_loop3A_533, %parallel_loop3A_534, %parallel_loop3A_535, %parallel_loop3A_536] {strides = array<i32>} : memref<2x4x4x8x128xf32, #tpu.memory_space<vmem>>, vector<16xf32>,
        tpu.vector_store %arg7[%parallel_loop3A_532, %parallel_loop3A_533, %parallel_loop3A_534, %parallel_loop3A_535, %parallel_loop3A_536], %parallel_loop3A_529 {strides = array<i32>} : memref<2x4x4x8x128xf32, #tpu.memory_space<vmem>>, vector<16xf32>,
        %parallel_loop3A_538 = arith.constant 1 : i32
        %parallel_loop3A_539 = arith.constant 0 : i32
        %parallel_loop3A_540 = arith.constant 0 : i32
        %parallel_loop3A_541 = tpu.memref_slice %arg6[%parallel_loop3A_538, %parallel_loop3A_539, %parallel_loop3A_540] : memref<2x512x32xf32, #tpu.memory_space<vmem>> -> memref<1x512x32xf32, #tpu.memory_space<vmem>>
        %parallel_loop3A_542 = tpu.memref_squeeze %parallel_loop3A_541 : memref<1x512x32xf32, #tpu.memory_space<vmem>> -> memref<512x32xf32, #tpu.memory_space<vmem>>
        %parallel_loop3A_543 = tpu.vector_load_idx %parallel_loop3A_542[%add3A_53, %parallel_loop3A_313] : memref<512x32xf32, #tpu.memory_space<vmem>>[vector<16xi32>, vector<16xi32>], vector<16xf32>,
        %parallel_loop3A_544 = arith.constant 1 : i32
        %parallel_loop3A_545 = arith.constant 2 : i32
        %parallel_loop3A_546 = arith.index_cast %parallel_loop3A_544 : i32 to index
        %parallel_loop3A_547 = arith.index_cast %parallel_loop3A_296 : i32 to index
        %parallel_loop3A_548 = arith.index_cast %parallel_loop3A_545 : i32 to index
        %parallel_loop3A_549 = arith.index_cast %parallel_loop3A_312 : i32 to index
        %parallel_loop3A_550 = arith.constant 0 : index
        %parallel_loop3A_551 = tpu.vector_load %arg7[%parallel_loop3A_546, %parallel_loop3A_547, %parallel_loop3A_548, %parallel_loop3A_549, %parallel_loop3A_550] {strides = array<i32>} : memref<2x4x4x8x128xf32, #tpu.memory_space<vmem>>, vector<16xf32>,
        tpu.vector_store %arg7[%parallel_loop3A_546, %parallel_loop3A_547, %parallel_loop3A_548, %parallel_loop3A_549, %parallel_loop3A_550], %parallel_loop3A_543 {strides = array<i32>} : memref<2x4x4x8x128xf32, #tpu.memory_space<vmem>>, vector<16xf32>,
        %parallel_loop3A_552 = arith.constant 1 : i32
        %parallel_loop3A_553 = arith.constant 0 : i32
        %parallel_loop3A_554 = arith.constant 0 : i32
        %parallel_loop3A_555 = tpu.memref_slice %arg6[%parallel_loop3A_552, %parallel_loop3A_553, %parallel_loop3A_554] : memref<2x512x32xf32, #tpu.memory_space<vmem>> -> memref<1x512x32xf32, #tpu.memory_space<vmem>>
        %parallel_loop3A_556 = tpu.memref_squeeze %parallel_loop3A_555 : memref<1x512x32xf32, #tpu.memory_space<vmem>> -> memref<512x32xf32, #tpu.memory_space<vmem>>
        %parallel_loop3A_557 = tpu.vector_load_idx %parallel_loop3A_556[%add3A_56, %parallel_loop3A_313] : memref<512x32xf32, #tpu.memory_space<vmem>>[vector<16xi32>, vector<16xi32>], vector<16xf32>,
        %parallel_loop3A_558 = arith.constant 1 : i32
        %parallel_loop3A_559 = arith.constant 2 : i32
        %parallel_loop3A_560 = arith.index_cast %parallel_loop3A_558 : i32 to index
        %parallel_loop3A_561 = arith.index_cast %parallel_loop3A_296 : i32 to index
        %parallel_loop3A_562 = arith.index_cast %parallel_loop3A_559 : i32 to index
        %parallel_loop3A_563 = arith.index_cast %parallel_loop3A_312 : i32 to index
        %parallel_loop3A_564 = arith.constant 16 : index
        %parallel_loop3A_565 = tpu.vector_load %arg7[%parallel_loop3A_560, %parallel_loop3A_561, %parallel_loop3A_562, %parallel_loop3A_563, %parallel_loop3A_564] {strides = array<i32>} : memref<2x4x4x8x128xf32, #tpu.memory_space<vmem>>, vector<16xf32>,
        tpu.vector_store %arg7[%parallel_loop3A_560, %parallel_loop3A_561, %parallel_loop3A_562, %parallel_loop3A_563, %parallel_loop3A_564], %parallel_loop3A_557 {strides = array<i32>} : memref<2x4x4x8x128xf32, #tpu.memory_space<vmem>>, vector<16xf32>,
        %parallel_loop3A_566 = arith.constant 1 : i32
        %parallel_loop3A_567 = arith.constant 0 : i32
        %parallel_loop3A_568 = arith.constant 0 : i32
        %parallel_loop3A_569 = tpu.memref_slice %arg6[%parallel_loop3A_566, %parallel_loop3A_567, %parallel_loop3A_568] : memref<2x512x32xf32, #tpu.memory_space<vmem>> -> memref<1x512x32xf32, #tpu.memory_space<vmem>>
        %parallel_loop3A_570 = tpu.memref_squeeze %parallel_loop3A_569 : memref<1x512x32xf32, #tpu.memory_space<vmem>> -> memref<512x32xf32, #tpu.memory_space<vmem>>
        %parallel_loop3A_571 = tpu.vector_load_idx %parallel_loop3A_570[%add3A_59, %parallel_loop3A_313] : memref<512x32xf32, #tpu.memory_space<vmem>>[vector<16xi32>, vector<16xi32>], vector<16xf32>,
        %parallel_loop3A_572 = arith.constant 1 : i32
        %parallel_loop3A_573 = arith.constant 2 : i32
        %parallel_loop3A_574 = arith.index_cast %parallel_loop3A_572 : i32 to index
        %parallel_loop3A_575 = arith.index_cast %parallel_loop3A_296 : i32 to index
        %parallel_loop3A_576 = arith.index_cast %parallel_loop3A_573 : i32 to index
        %parallel_loop3A_577 = arith.index_cast %parallel_loop3A_312 : i32 to index
        %parallel_loop3A_578 = arith.constant 32 : index
        %parallel_loop3A_579 = tpu.vector_load %arg7[%parallel_loop3A_574, %parallel_loop3A_575, %parallel_loop3A_576, %parallel_loop3A_577, %parallel_loop3A_578] {strides = array<i32>} : memref<2x4x4x8x128xf32, #tpu.memory_space<vmem>>, vector<16xf32>,
        tpu.vector_store %arg7[%parallel_loop3A_574, %parallel_loop3A_575, %parallel_loop3A_576, %parallel_loop3A_577, %parallel_loop3A_578], %parallel_loop3A_571 {strides = array<i32>} : memref<2x4x4x8x128xf32, #tpu.memory_space<vmem>>, vector<16xf32>,
        %parallel_loop3A_580 = arith.constant 1 : i32
        %parallel_loop3A_581 = arith.constant 0 : i32
        %parallel_loop3A_582 = arith.constant 0 : i32
        %parallel_loop3A_583 = tpu.memref_slice %arg6[%parallel_loop3A_580, %parallel_loop3A_581, %parallel_loop3A_582] : memref<2x512x32xf32, #tpu.memory_space<vmem>> -> memref<1x512x32xf32, #tpu.memory_space<vmem>>
        %parallel_loop3A_584 = tpu.memref_squeeze %parallel_loop3A_583 : memref<1x512x32xf32, #tpu.memory_space<vmem>> -> memref<512x32xf32, #tpu.memory_space<vmem>>
        %parallel_loop3A_585 = tpu.vector_load_idx %parallel_loop3A_584[%add3A_62, %parallel_loop3A_313] : memref<512x32xf32, #tpu.memory_space<vmem>>[vector<16xi32>, vector<16xi32>], vector<16xf32>,
        %parallel_loop3A_586 = arith.constant 1 : i32
        %parallel_loop3A_587 = arith.constant 2 : i32
        %parallel_loop3A_588 = arith.index_cast %parallel_loop3A_586 : i32 to index
        %parallel_loop3A_589 = arith.index_cast %parallel_loop3A_296 : i32 to index
        %parallel_loop3A_590 = arith.index_cast %parallel_loop3A_587 : i32 to index
        %parallel_loop3A_591 = arith.index_cast %parallel_loop3A_312 : i32 to index
        %parallel_loop3A_592 = arith.constant 48 : index
        %parallel_loop3A_593 = tpu.vector_load %arg7[%parallel_loop3A_588, %parallel_loop3A_589, %parallel_loop3A_590, %parallel_loop3A_591, %parallel_loop3A_592] {strides = array<i32>} : memref<2x4x4x8x128xf32, #tpu.memory_space<vmem>>, vector<16xf32>,
        tpu.vector_store %arg7[%parallel_loop3A_588, %parallel_loop3A_589, %parallel_loop3A_590, %parallel_loop3A_591, %parallel_loop3A_592], %parallel_loop3A_585 {strides = array<i32>} : memref<2x4x4x8x128xf32, #tpu.memory_space<vmem>>, vector<16xf32>,
        %parallel_loop3A_594 = arith.constant 1 : i32
        %parallel_loop3A_595 = arith.constant 0 : i32
        %parallel_loop3A_596 = arith.constant 0 : i32
        %parallel_loop3A_597 = tpu.memref_slice %arg6[%parallel_loop3A_594, %parallel_loop3A_595, %parallel_loop3A_596] : memref<2x512x32xf32, #tpu.memory_space<vmem>> -> memref<1x512x32xf32, #tpu.memory_space<vmem>>
        %parallel_loop3A_598 = tpu.memref_squeeze %parallel_loop3A_597 : memref<1x512x32xf32, #tpu.memory_space<vmem>> -> memref<512x32xf32, #tpu.memory_space<vmem>>
        %parallel_loop3A_599 = tpu.vector_load_idx %parallel_loop3A_598[%add3A_65, %parallel_loop3A_313] : memref<512x32xf32, #tpu.memory_space<vmem>>[vector<16xi32>, vector<16xi32>], vector<16xf32>,
        %parallel_loop3A_600 = arith.constant 1 : i32
        %parallel_loop3A_601 = arith.constant 2 : i32
        %parallel_loop3A_602 = arith.index_cast %parallel_loop3A_600 : i32 to index
        %parallel_loop3A_603 = arith.index_cast %parallel_loop3A_296 : i32 to index
        %parallel_loop3A_604 = arith.index_cast %parallel_loop3A_601 : i32 to index
        %parallel_loop3A_605 = arith.index_cast %parallel_loop3A_312 : i32 to index
        %parallel_loop3A_606 = arith.constant 64 : index
        %parallel_loop3A_607 = tpu.vector_load %arg7[%parallel_loop3A_602, %parallel_loop3A_603, %parallel_loop3A_604, %parallel_loop3A_605, %parallel_loop3A_606] {strides = array<i32>} : memref<2x4x4x8x128xf32, #tpu.memory_space<vmem>>, vector<16xf32>,
        tpu.vector_store %arg7[%parallel_loop3A_602, %parallel_loop3A_603, %parallel_loop3A_604, %parallel_loop3A_605, %parallel_loop3A_606], %parallel_loop3A_599 {strides = array<i32>} : memref<2x4x4x8x128xf32, #tpu.memory_space<vmem>>, vector<16xf32>,
        %parallel_loop3A_608 = arith.constant 1 : i32
        %parallel_loop3A_609 = arith.constant 0 : i32
        %parallel_loop3A_610 = arith.constant 0 : i32
        %parallel_loop3A_611 = tpu.memref_slice %arg6[%parallel_loop3A_608, %parallel_loop3A_609, %parallel_loop3A_610] : memref<2x512x32xf32, #tpu.memory_space<vmem>> -> memref<1x512x32xf32, #tpu.memory_space<vmem>>
        %parallel_loop3A_612 = tpu.memref_squeeze %parallel_loop3A_611 : memref<1x512x32xf32, #tpu.memory_space<vmem>> -> memref<512x32xf32, #tpu.memory_space<vmem>>
        %parallel_loop3A_613 = tpu.vector_load_idx %parallel_loop3A_612[%add3A_68, %parallel_loop3A_313] : memref<512x32xf32, #tpu.memory_space<vmem>>[vector<16xi32>, vector<16xi32>], vector<16xf32>,
        %parallel_loop3A_614 = arith.constant 1 : i32
        %parallel_loop3A_615 = arith.constant 2 : i32
        %parallel_loop3A_616 = arith.index_cast %parallel_loop3A_614 : i32 to index
        %parallel_loop3A_617 = arith.index_cast %parallel_loop3A_296 : i32 to index
        %parallel_loop3A_618 = arith.index_cast %parallel_loop3A_615 : i32 to index
        %parallel_loop3A_619 = arith.index_cast %parallel_loop3A_312 : i32 to index
        %parallel_loop3A_620 = arith.constant 80 : index
        %parallel_loop3A_621 = tpu.vector_load %arg7[%parallel_loop3A_616, %parallel_loop3A_617, %parallel_loop3A_618, %parallel_loop3A_619, %parallel_loop3A_620] {strides = array<i32>} : memref<2x4x4x8x128xf32, #tpu.memory_space<vmem>>, vector<16xf32>,
        tpu.vector_store %arg7[%parallel_loop3A_616, %parallel_loop3A_617, %parallel_loop3A_618, %parallel_loop3A_619, %parallel_loop3A_620], %parallel_loop3A_613 {strides = array<i32>} : memref<2x4x4x8x128xf32, #tpu.memory_space<vmem>>, vector<16xf32>,
        %parallel_loop3A_622 = arith.constant 1 : i32
        %parallel_loop3A_623 = arith.constant 0 : i32
        %parallel_loop3A_624 = arith.constant 0 : i32
        %parallel_loop3A_625 = tpu.memref_slice %arg6[%parallel_loop3A_622, %parallel_loop3A_623, %parallel_loop3A_624] : memref<2x512x32xf32, #tpu.memory_space<vmem>> -> memref<1x512x32xf32, #tpu.memory_space<vmem>>
        %parallel_loop3A_626 = tpu.memref_squeeze %parallel_loop3A_625 : memref<1x512x32xf32, #tpu.memory_space<vmem>> -> memref<512x32xf32, #tpu.memory_space<vmem>>
        %parallel_loop3A_627 = tpu.vector_load_idx %parallel_loop3A_626[%add3A_71, %parallel_loop3A_313] : memref<512x32xf32, #tpu.memory_space<vmem>>[vector<16xi32>, vector<16xi32>], vector<16xf32>,
        %parallel_loop3A_628 = arith.constant 1 : i32
        %parallel_loop3A_629 = arith.constant 2 : i32
        %parallel_loop3A_630 = arith.index_cast %parallel_loop3A_628 : i32 to index
        %parallel_loop3A_631 = arith.index_cast %parallel_loop3A_296 : i32 to index
        %parallel_loop3A_632 = arith.index_cast %parallel_loop3A_629 : i32 to index
        %parallel_loop3A_633 = arith.index_cast %parallel_loop3A_312 : i32 to index
        %parallel_loop3A_634 = arith.constant 96 : index
        %parallel_loop3A_635 = tpu.vector_load %arg7[%parallel_loop3A_630, %parallel_loop3A_631, %parallel_loop3A_632, %parallel_loop3A_633, %parallel_loop3A_634] {strides = array<i32>} : memref<2x4x4x8x128xf32, #tpu.memory_space<vmem>>, vector<16xf32>,
        tpu.vector_store %arg7[%parallel_loop3A_630, %parallel_loop3A_631, %parallel_loop3A_632, %parallel_loop3A_633, %parallel_loop3A_634], %parallel_loop3A_627 {strides = array<i32>} : memref<2x4x4x8x128xf32, #tpu.memory_space<vmem>>, vector<16xf32>,
        %parallel_loop3A_636 = arith.constant 1 : i32
        %parallel_loop3A_637 = arith.constant 0 : i32
        %parallel_loop3A_638 = arith.constant 0 : i32
        %parallel_loop3A_639 = tpu.memref_slice %arg6[%parallel_loop3A_636, %parallel_loop3A_637, %parallel_loop3A_638] : memref<2x512x32xf32, #tpu.memory_space<vmem>> -> memref<1x512x32xf32, #tpu.memory_space<vmem>>
        %parallel_loop3A_640 = tpu.memref_squeeze %parallel_loop3A_639 : memref<1x512x32xf32, #tpu.memory_space<vmem>> -> memref<512x32xf32, #tpu.memory_space<vmem>>
        %parallel_loop3A_641 = tpu.vector_load_idx %parallel_loop3A_640[%add3A_74, %parallel_loop3A_313] : memref<512x32xf32, #tpu.memory_space<vmem>>[vector<16xi32>, vector<16xi32>], vector<16xf32>,
        %parallel_loop3A_642 = arith.constant 1 : i32
        %parallel_loop3A_643 = arith.constant 2 : i32
        %parallel_loop3A_644 = arith.index_cast %parallel_loop3A_642 : i32 to index
        %parallel_loop3A_645 = arith.index_cast %parallel_loop3A_296 : i32 to index
        %parallel_loop3A_646 = arith.index_cast %parallel_loop3A_643 : i32 to index
        %parallel_loop3A_647 = arith.index_cast %parallel_loop3A_312 : i32 to index
        %parallel_loop3A_648 = arith.constant 112 : index
        %parallel_loop3A_649 = tpu.vector_load %arg7[%parallel_loop3A_644, %parallel_loop3A_645, %parallel_loop3A_646, %parallel_loop3A_647, %parallel_loop3A_648] {strides = array<i32>} : memref<2x4x4x8x128xf32, #tpu.memory_space<vmem>>, vector<16xf32>,
        tpu.vector_store %arg7[%parallel_loop3A_644, %parallel_loop3A_645, %parallel_loop3A_646, %parallel_loop3A_647, %parallel_loop3A_648], %parallel_loop3A_641 {strides = array<i32>} : memref<2x4x4x8x128xf32, #tpu.memory_space<vmem>>, vector<16xf32>,
        %parallel_loop3A_650 = arith.constant 1 : i32
        %parallel_loop3A_651 = arith.constant 0 : i32
        %parallel_loop3A_652 = arith.constant 0 : i32
        %parallel_loop3A_653 = tpu.memref_slice %arg6[%parallel_loop3A_650, %parallel_loop3A_651, %parallel_loop3A_652] : memref<2x512x32xf32, #tpu.memory_space<vmem>> -> memref<1x512x32xf32, #tpu.memory_space<vmem>>
        %parallel_loop3A_654 = tpu.memref_squeeze %parallel_loop3A_653 : memref<1x512x32xf32, #tpu.memory_space<vmem>> -> memref<512x32xf32, #tpu.memory_space<vmem>>
        %parallel_loop3A_655 = tpu.vector_load_idx %parallel_loop3A_654[%add3A_77, %parallel_loop3A_313] : memref<512x32xf32, #tpu.memory_space<vmem>>[vector<16xi32>, vector<16xi32>], vector<16xf32>,
        %parallel_loop3A_656 = arith.constant 1 : i32
        %parallel_loop3A_657 = arith.constant 3 : i32
        %parallel_loop3A_658 = arith.index_cast %parallel_loop3A_656 : i32 to index
        %parallel_loop3A_659 = arith.index_cast %parallel_loop3A_296 : i32 to index
        %parallel_loop3A_660 = arith.index_cast %parallel_loop3A_657 : i32 to index
        %parallel_loop3A_661 = arith.index_cast %parallel_loop3A_312 : i32 to index
        %parallel_loop3A_662 = arith.constant 0 : index
        %parallel_loop3A_663 = tpu.vector_load %arg7[%parallel_loop3A_658, %parallel_loop3A_659, %parallel_loop3A_660, %parallel_loop3A_661, %parallel_loop3A_662] {strides = array<i32>} : memref<2x4x4x8x128xf32, #tpu.memory_space<vmem>>, vector<16xf32>,
        tpu.vector_store %arg7[%parallel_loop3A_658, %parallel_loop3A_659, %parallel_loop3A_660, %parallel_loop3A_661, %parallel_loop3A_662], %parallel_loop3A_655 {strides = array<i32>} : memref<2x4x4x8x128xf32, #tpu.memory_space<vmem>>, vector<16xf32>,
        %parallel_loop3A_664 = arith.constant 1 : i32
        %parallel_loop3A_665 = arith.constant 0 : i32
        %parallel_loop3A_666 = arith.constant 0 : i32
        %parallel_loop3A_667 = tpu.memref_slice %arg6[%parallel_loop3A_664, %parallel_loop3A_665, %parallel_loop3A_666] : memref<2x512x32xf32, #tpu.memory_space<vmem>> -> memref<1x512x32xf32, #tpu.memory_space<vmem>>
        %parallel_loop3A_668 = tpu.memref_squeeze %parallel_loop3A_667 : memref<1x512x32xf32, #tpu.memory_space<vmem>> -> memref<512x32xf32, #tpu.memory_space<vmem>>
        %parallel_loop3A_669 = tpu.vector_load_idx %parallel_loop3A_668[%add3A_80, %parallel_loop3A_313] : memref<512x32xf32, #tpu.memory_space<vmem>>[vector<16xi32>, vector<16xi32>], vector<16xf32>,
        %parallel_loop3A_670 = arith.constant 1 : i32
        %parallel_loop3A_671 = arith.constant 3 : i32
        %parallel_loop3A_672 = arith.index_cast %parallel_loop3A_670 : i32 to index
        %parallel_loop3A_673 = arith.index_cast %parallel_loop3A_296 : i32 to index
        %parallel_loop3A_674 = arith.index_cast %parallel_loop3A_671 : i32 to index
        %parallel_loop3A_675 = arith.index_cast %parallel_loop3A_312 : i32 to index
        %parallel_loop3A_676 = arith.constant 16 : index
        %parallel_loop3A_677 = tpu.vector_load %arg7[%parallel_loop3A_672, %parallel_loop3A_673, %parallel_loop3A_674, %parallel_loop3A_675, %parallel_loop3A_676] {strides = array<i32>} : memref<2x4x4x8x128xf32, #tpu.memory_space<vmem>>, vector<16xf32>,
        tpu.vector_store %arg7[%parallel_loop3A_672, %parallel_loop3A_673, %parallel_loop3A_674, %parallel_loop3A_675, %parallel_loop3A_676], %parallel_loop3A_669 {strides = array<i32>} : memref<2x4x4x8x128xf32, #tpu.memory_space<vmem>>, vector<16xf32>,
        %parallel_loop3A_678 = arith.constant 1 : i32
        %parallel_loop3A_679 = arith.constant 0 : i32
        %parallel_loop3A_680 = arith.constant 0 : i32
        %parallel_loop3A_681 = tpu.memref_slice %arg6[%parallel_loop3A_678, %parallel_loop3A_679, %parallel_loop3A_680] : memref<2x512x32xf32, #tpu.memory_space<vmem>> -> memref<1x512x32xf32, #tpu.memory_space<vmem>>
        %parallel_loop3A_682 = tpu.memref_squeeze %parallel_loop3A_681 : memref<1x512x32xf32, #tpu.memory_space<vmem>> -> memref<512x32xf32, #tpu.memory_space<vmem>>
        %parallel_loop3A_683 = tpu.vector_load_idx %parallel_loop3A_682[%add3A_83, %parallel_loop3A_313] : memref<512x32xf32, #tpu.memory_space<vmem>>[vector<16xi32>, vector<16xi32>], vector<16xf32>,
        %parallel_loop3A_684 = arith.constant 1 : i32
        %parallel_loop3A_685 = arith.constant 3 : i32
        %parallel_loop3A_686 = arith.index_cast %parallel_loop3A_684 : i32 to index
        %parallel_loop3A_687 = arith.index_cast %parallel_loop3A_296 : i32 to index
        %parallel_loop3A_688 = arith.index_cast %parallel_loop3A_685 : i32 to index
        %parallel_loop3A_689 = arith.index_cast %parallel_loop3A_312 : i32 to index
        %parallel_loop3A_690 = arith.constant 32 : index
        %parallel_loop3A_691 = tpu.vector_load %arg7[%parallel_loop3A_686, %parallel_loop3A_687, %parallel_loop3A_688, %parallel_loop3A_689, %parallel_loop3A_690] {strides = array<i32>} : memref<2x4x4x8x128xf32, #tpu.memory_space<vmem>>, vector<16xf32>,
        tpu.vector_store %arg7[%parallel_loop3A_686, %parallel_loop3A_687, %parallel_loop3A_688, %parallel_loop3A_689, %parallel_loop3A_690], %parallel_loop3A_683 {strides = array<i32>} : memref<2x4x4x8x128xf32, #tpu.memory_space<vmem>>, vector<16xf32>,
        %parallel_loop3A_692 = arith.constant 1 : i32
        %parallel_loop3A_693 = arith.constant 0 : i32
        %parallel_loop3A_694 = arith.constant 0 : i32
        %parallel_loop3A_695 = tpu.memref_slice %arg6[%parallel_loop3A_692, %parallel_loop3A_693, %parallel_loop3A_694] : memref<2x512x32xf32, #tpu.memory_space<vmem>> -> memref<1x512x32xf32, #tpu.memory_space<vmem>>
        %parallel_loop3A_696 = tpu.memref_squeeze %parallel_loop3A_695 : memref<1x512x32xf32, #tpu.memory_space<vmem>> -> memref<512x32xf32, #tpu.memory_space<vmem>>
        %parallel_loop3A_697 = tpu.vector_load_idx %parallel_loop3A_696[%add3A_86, %parallel_loop3A_313] : memref<512x32xf32, #tpu.memory_space<vmem>>[vector<16xi32>, vector<16xi32>], vector<16xf32>,
        %parallel_loop3A_698 = arith.constant 1 : i32
        %parallel_loop3A_699 = arith.constant 3 : i32
        %parallel_loop3A_700 = arith.index_cast %parallel_loop3A_698 : i32 to index
        %parallel_loop3A_701 = arith.index_cast %parallel_loop3A_296 : i32 to index
        %parallel_loop3A_702 = arith.index_cast %parallel_loop3A_699 : i32 to index
        %parallel_loop3A_703 = arith.index_cast %parallel_loop3A_312 : i32 to index
        %parallel_loop3A_704 = arith.constant 48 : index
        %parallel_loop3A_705 = tpu.vector_load %arg7[%parallel_loop3A_700, %parallel_loop3A_701, %parallel_loop3A_702, %parallel_loop3A_703, %parallel_loop3A_704] {strides = array<i32>} : memref<2x4x4x8x128xf32, #tpu.memory_space<vmem>>, vector<16xf32>,
        tpu.vector_store %arg7[%parallel_loop3A_700, %parallel_loop3A_701, %parallel_loop3A_702, %parallel_loop3A_703, %parallel_loop3A_704], %parallel_loop3A_697 {strides = array<i32>} : memref<2x4x4x8x128xf32, #tpu.memory_space<vmem>>, vector<16xf32>,
        %parallel_loop3A_706 = arith.constant 1 : i32
        %parallel_loop3A_707 = arith.constant 0 : i32
        %parallel_loop3A_708 = arith.constant 0 : i32
        %parallel_loop3A_709 = tpu.memref_slice %arg6[%parallel_loop3A_706, %parallel_loop3A_707, %parallel_loop3A_708] : memref<2x512x32xf32, #tpu.memory_space<vmem>> -> memref<1x512x32xf32, #tpu.memory_space<vmem>>
        %parallel_loop3A_710 = tpu.memref_squeeze %parallel_loop3A_709 : memref<1x512x32xf32, #tpu.memory_space<vmem>> -> memref<512x32xf32, #tpu.memory_space<vmem>>
        %parallel_loop3A_711 = tpu.vector_load_idx %parallel_loop3A_710[%add3A_89, %parallel_loop3A_313] : memref<512x32xf32, #tpu.memory_space<vmem>>[vector<16xi32>, vector<16xi32>], vector<16xf32>,
        %parallel_loop3A_712 = arith.constant 1 : i32
        %parallel_loop3A_713 = arith.constant 3 : i32
        %parallel_loop3A_714 = arith.index_cast %parallel_loop3A_712 : i32 to index
        %parallel_loop3A_715 = arith.index_cast %parallel_loop3A_296 : i32 to index
        %parallel_loop3A_716 = arith.index_cast %parallel_loop3A_713 : i32 to index
        %parallel_loop3A_717 = arith.index_cast %parallel_loop3A_312 : i32 to index
        %parallel_loop3A_718 = arith.constant 64 : index
        %parallel_loop3A_719 = tpu.vector_load %arg7[%parallel_loop3A_714, %parallel_loop3A_715, %parallel_loop3A_716, %parallel_loop3A_717, %parallel_loop3A_718] {strides = array<i32>} : memref<2x4x4x8x128xf32, #tpu.memory_space<vmem>>, vector<16xf32>,
        tpu.vector_store %arg7[%parallel_loop3A_714, %parallel_loop3A_715, %parallel_loop3A_716, %parallel_loop3A_717, %parallel_loop3A_718], %parallel_loop3A_711 {strides = array<i32>} : memref<2x4x4x8x128xf32, #tpu.memory_space<vmem>>, vector<16xf32>,
        %parallel_loop3A_720 = arith.constant 1 : i32
        %parallel_loop3A_721 = arith.constant 0 : i32
        %parallel_loop3A_722 = arith.constant 0 : i32
        %parallel_loop3A_723 = tpu.memref_slice %arg6[%parallel_loop3A_720, %parallel_loop3A_721, %parallel_loop3A_722] : memref<2x512x32xf32, #tpu.memory_space<vmem>> -> memref<1x512x32xf32, #tpu.memory_space<vmem>>
        %parallel_loop3A_724 = tpu.memref_squeeze %parallel_loop3A_723 : memref<1x512x32xf32, #tpu.memory_space<vmem>> -> memref<512x32xf32, #tpu.memory_space<vmem>>
        %parallel_loop3A_725 = tpu.vector_load_idx %parallel_loop3A_724[%add3A_92, %parallel_loop3A_313] : memref<512x32xf32, #tpu.memory_space<vmem>>[vector<16xi32>, vector<16xi32>], vector<16xf32>,
        %parallel_loop3A_726 = arith.constant 1 : i32
        %parallel_loop3A_727 = arith.constant 3 : i32
        %parallel_loop3A_728 = arith.index_cast %parallel_loop3A_726 : i32 to index
        %parallel_loop3A_729 = arith.index_cast %parallel_loop3A_296 : i32 to index
        %parallel_loop3A_730 = arith.index_cast %parallel_loop3A_727 : i32 to index
        %parallel_loop3A_731 = arith.index_cast %parallel_loop3A_312 : i32 to index
        %parallel_loop3A_732 = arith.constant 80 : index
        %parallel_loop3A_733 = tpu.vector_load %arg7[%parallel_loop3A_728, %parallel_loop3A_729, %parallel_loop3A_730, %parallel_loop3A_731, %parallel_loop3A_732] {strides = array<i32>} : memref<2x4x4x8x128xf32, #tpu.memory_space<vmem>>, vector<16xf32>,
        tpu.vector_store %arg7[%parallel_loop3A_728, %parallel_loop3A_729, %parallel_loop3A_730, %parallel_loop3A_731, %parallel_loop3A_732], %parallel_loop3A_725 {strides = array<i32>} : memref<2x4x4x8x128xf32, #tpu.memory_space<vmem>>, vector<16xf32>,
        %parallel_loop3A_734 = arith.constant 1 : i32
        %parallel_loop3A_735 = arith.constant 0 : i32
        %parallel_loop3A_736 = arith.constant 0 : i32
        %parallel_loop3A_737 = tpu.memref_slice %arg6[%parallel_loop3A_734, %parallel_loop3A_735, %parallel_loop3A_736] : memref<2x512x32xf32, #tpu.memory_space<vmem>> -> memref<1x512x32xf32, #tpu.memory_space<vmem>>
        %parallel_loop3A_738 = tpu.memref_squeeze %parallel_loop3A_737 : memref<1x512x32xf32, #tpu.memory_space<vmem>> -> memref<512x32xf32, #tpu.memory_space<vmem>>
        %parallel_loop3A_739 = tpu.vector_load_idx %parallel_loop3A_738[%add3A_95, %parallel_loop3A_313] : memref<512x32xf32, #tpu.memory_space<vmem>>[vector<16xi32>, vector<16xi32>], vector<16xf32>,
        %parallel_loop3A_740 = arith.constant 1 : i32
        %parallel_loop3A_741 = arith.constant 3 : i32
        %parallel_loop3A_742 = arith.index_cast %parallel_loop3A_740 : i32 to index
        %parallel_loop3A_743 = arith.index_cast %parallel_loop3A_296 : i32 to index
        %parallel_loop3A_744 = arith.index_cast %parallel_loop3A_741 : i32 to index
        %parallel_loop3A_745 = arith.index_cast %parallel_loop3A_312 : i32 to index
        %parallel_loop3A_746 = arith.constant 96 : index
        %parallel_loop3A_747 = tpu.vector_load %arg7[%parallel_loop3A_742, %parallel_loop3A_743, %parallel_loop3A_744, %parallel_loop3A_745, %parallel_loop3A_746] {strides = array<i32>} : memref<2x4x4x8x128xf32, #tpu.memory_space<vmem>>, vector<16xf32>,
        tpu.vector_store %arg7[%parallel_loop3A_742, %parallel_loop3A_743, %parallel_loop3A_744, %parallel_loop3A_745, %parallel_loop3A_746], %parallel_loop3A_739 {strides = array<i32>} : memref<2x4x4x8x128xf32, #tpu.memory_space<vmem>>, vector<16xf32>,
        %parallel_loop3A_748 = arith.constant 1 : i32
        %parallel_loop3A_749 = arith.constant 0 : i32
        %parallel_loop3A_750 = arith.constant 0 : i32
        %parallel_loop3A_751 = tpu.memref_slice %arg6[%parallel_loop3A_748, %parallel_loop3A_749, %parallel_loop3A_750] : memref<2x512x32xf32, #tpu.memory_space<vmem>> -> memref<1x512x32xf32, #tpu.memory_space<vmem>>
        %parallel_loop3A_752 = tpu.memref_squeeze %parallel_loop3A_751 : memref<1x512x32xf32, #tpu.memory_space<vmem>> -> memref<512x32xf32, #tpu.memory_space<vmem>>
        %parallel_loop3A_753 = tpu.vector_load_idx %parallel_loop3A_752[%add3A_98, %parallel_loop3A_313] : memref<512x32xf32, #tpu.memory_space<vmem>>[vector<16xi32>, vector<16xi32>], vector<16xf32>,
        %parallel_loop3A_754 = arith.constant 1 : i32
        %parallel_loop3A_755 = arith.constant 3 : i32
        %parallel_loop3A_756 = arith.index_cast %parallel_loop3A_754 : i32 to index
        %parallel_loop3A_757 = arith.index_cast %parallel_loop3A_296 : i32 to index
        %parallel_loop3A_758 = arith.index_cast %parallel_loop3A_755 : i32 to index
        %parallel_loop3A_759 = arith.index_cast %parallel_loop3A_312 : i32 to index
        %parallel_loop3A_760 = arith.constant 112 : index
        %parallel_loop3A_761 = tpu.vector_load %arg7[%parallel_loop3A_756, %parallel_loop3A_757, %parallel_loop3A_758, %parallel_loop3A_759, %parallel_loop3A_760] {strides = array<i32>} : memref<2x4x4x8x128xf32, #tpu.memory_space<vmem>>, vector<16xf32>,
        tpu.vector_store %arg7[%parallel_loop3A_756, %parallel_loop3A_757, %parallel_loop3A_758, %parallel_loop3A_759, %parallel_loop3A_760], %parallel_loop3A_753 {strides = array<i32>} : memref<2x4x4x8x128xf32, #tpu.memory_space<vmem>>, vector<16xf32>,
      } {sc.loop_unroll_factor = 4 : i64, sc.parallel_access}
      %mul3A_247 = arith.constant 4 : i32
      %mul3A_248 = arith.muli %add3A, %mul3A_247 : i32
      %dma_start3A_249 = arith.constant 1 : i32
      %dma_start3A_250 = arith.constant 0 : i32
      %dma_start3A_251 = arith.constant 0 : i32
      %dma_start3A_252 = arith.constant 0 : i32
      %dma_start3A_253 = arith.constant 0 : i32
      %dma_start3A_254 = tpu.memref_slice %arg7[%dma_start3A_249, %dma_start3A_250, %dma_start3A_251, %dma_start3A_252, %dma_start3A_253] : memref<2x4x4x8x128xf32, #tpu.memory_space<vmem>> -> memref<1x4x4x8x128xf32, #tpu.memory_space<vmem>>
      %dma_start3A_255 = tpu.memref_squeeze %dma_start3A_254 : memref<1x4x4x8x128xf32, #tpu.memory_space<vmem>> -> memref<4x4x8x128xf32, #tpu.memory_space<vmem>>
      %dma_start3A_256 = arith.constant 0 : i32
      %dma_start3A_257 = arith.constant 0 : i32
      %dma_start3A_258 = arith.constant 0 : i32
      %dma_start3A_259 = tpu.memref_slice %arg4[%add3A_220, %dma_start3A_256, %mul3A_248, %dma_start3A_257, %dma_start3A_258] : memref<50x4x128x8x128xf32, #tpu.memory_space<hbm>> -> memref<1x4x4x8x128xf32, #tpu.memory_space<hbm>>
      %dma_start3A_260 = tpu.memref_squeeze %dma_start3A_259 : memref<1x4x4x8x128xf32, #tpu.memory_space<hbm>> -> memref<4x4x8x128xf32, #tpu.memory_space<hbm>>
      %dma_start3A_261 = arith.constant 0 : i32
      %dma_start3A_262 = arith.constant 0 : i32
      %dma_start3A_263 = arith.constant 0 : i32
      %dma_start3A_264 = tpu.memref_slice %arg4[%add3A_220, %dma_start3A_261, %mul3A_248, %dma_start3A_262, %dma_start3A_263] : memref<50x4x128x8x128xf32, #tpu.memory_space<hbm>> -> memref<1x4x4x8x128xf32, #tpu.memory_space<hbm>>
      %dma_start3A_265 = tpu.memref_squeeze %dma_start3A_264 : memref<1x4x4x8x128xf32, #tpu.memory_space<hbm>> -> memref<4x4x8x128xf32, #tpu.memory_space<hbm>>
      %dma_start3A_266 = arith.constant 0 : i32
      %dma_start3A_267 = arith.constant 0 : i32
      %dma_start3A_268 = arith.constant 0 : i32
      %dma_start3A_269 = arith.constant 0 : i32
      %dma_start3A_270 = tpu.memref_slice %arg7[%dma_start3A_249, %dma_start3A_266, %dma_start3A_267, %dma_start3A_268, %dma_start3A_269] : memref<2x4x4x8x128xf32, #tpu.memory_space<vmem>> -> memref<1x4x4x8x128xf32, #tpu.memory_space<vmem>>
      %dma_start3A_271 = tpu.memref_squeeze %dma_start3A_270 : memref<1x4x4x8x128xf32, #tpu.memory_space<vmem>> -> memref<4x4x8x128xf32, #tpu.memory_space<vmem>>
      tpu.enqueue_dma source(%dma_start3A_271 : memref<4x4x8x128xf32, #tpu.memory_space<vmem>>) target(%dma_start3A_265 : memref<4x4x8x128xf32, #tpu.memory_space<hbm>>) target_semaphore(%arg11 : memref<!tpu.dma_semaphore, #tpu.memory_space<semaphore_mem>>)
    }
    %scan3A_114 = arith.constant 25 : i32
    %mul3A_115 = arith.constant 4 : i32
    %mul3A_116 = arith.muli %add3A, %mul3A_115 : i32
    %dma_wait3A = arith.constant 0 : i32
    %dma_wait3A_117 = arith.constant 48 : i32
    %dma_wait3A_118 = arith.constant 0 : i32
    %dma_wait3A_119 = arith.constant 0 : i32
    %dma_wait3A_120 = arith.constant 0 : i32
    %dma_wait3A_121 = arith.constant 0 : i32
    %dma_wait3A_122 = tpu.memref_slice %arg7[%dma_wait3A, %dma_wait3A_118, %dma_wait3A_119, %dma_wait3A_120, %dma_wait3A_121] : memref<2x4x4x8x128xf32, #tpu.memory_space<vmem>> -> memref<1x4x4x8x128xf32, #tpu.memory_space<vmem>>
    %dma_wait3A_123 = tpu.memref_squeeze %dma_wait3A_122 : memref<1x4x4x8x128xf32, #tpu.memory_space<vmem>> -> memref<4x4x8x128xf32, #tpu.memory_space<vmem>>
    %dma_wait3A_124 = arith.constant 0 : i32
    %dma_wait3A_125 = arith.constant 0 : i32
    %dma_wait3A_126 = arith.constant 0 : i32
    %dma_wait3A_127 = tpu.memref_slice %arg4[%dma_wait3A_117, %dma_wait3A_124, %mul3A_116, %dma_wait3A_125, %dma_wait3A_126] : memref<50x4x128x8x128xf32, #tpu.memory_space<hbm>> -> memref<1x4x4x8x128xf32, #tpu.memory_space<hbm>>
    %dma_wait3A_128 = tpu.memref_squeeze %dma_wait3A_127 : memref<1x4x4x8x128xf32, #tpu.memory_space<hbm>> -> memref<4x4x8x128xf32, #tpu.memory_space<hbm>>
    %dma_wait3A_129 = arith.constant 0 : i32
    %dma_wait3A_130 = arith.constant 0 : i32
    %dma_wait3A_131 = arith.constant 0 : i32
    %dma_wait3A_132 = tpu.memref_slice %arg4[%dma_wait3A_117, %dma_wait3A_129, %mul3A_116, %dma_wait3A_130, %dma_wait3A_131] : memref<50x4x128x8x128xf32, #tpu.memory_space<hbm>> -> memref<1x4x4x8x128xf32, #tpu.memory_space<hbm>>
    %dma_wait3A_133 = tpu.memref_squeeze %dma_wait3A_132 : memref<1x4x4x8x128xf32, #tpu.memory_space<hbm>> -> memref<4x4x8x128xf32, #tpu.memory_space<hbm>>
    %dma_wait3A_134 = arith.constant 0 : i32
    %dma_wait3A_135 = arith.constant 0 : i32
    %dma_wait3A_136 = arith.constant 0 : i32
    %dma_wait3A_137 = arith.constant 0 : i32
    %dma_wait3A_138 = tpu.memref_slice %arg7[%dma_wait3A, %dma_wait3A_134, %dma_wait3A_135, %dma_wait3A_136, %dma_wait3A_137] : memref<2x4x4x8x128xf32, #tpu.memory_space<vmem>> -> memref<1x4x4x8x128xf32, #tpu.memory_space<vmem>>
    %dma_wait3A_139 = tpu.memref_squeeze %dma_wait3A_138 : memref<1x4x4x8x128xf32, #tpu.memory_space<vmem>> -> memref<4x4x8x128xf32, #tpu.memory_space<vmem>>
    tpu.wait_dma2 semaphore(%arg10 : memref<!tpu.dma_semaphore, #tpu.memory_space<semaphore_mem>>) src(%dma_wait3A_139 : memref<4x4x8x128xf32, #tpu.memory_space<vmem>>) dst(%dma_wait3A_133 : memref<4x4x8x128xf32, #tpu.memory_space<hbm>>)
    %mul3A_140 = arith.constant 4 : i32
    %mul3A_141 = arith.muli %add3A, %mul3A_140 : i32
    %dma_wait3A_142 = arith.constant 1 : i32
    %dma_wait3A_143 = arith.constant 49 : i32
    %dma_wait3A_144 = arith.constant 0 : i32
    %dma_wait3A_145 = arith.constant 0 : i32
    %dma_wait3A_146 = arith.constant 0 : i32
    %dma_wait3A_147 = arith.constant 0 : i32
    %dma_wait3A_148 = tpu.memref_slice %arg7[%dma_wait3A_142, %dma_wait3A_144, %dma_wait3A_145, %dma_wait3A_146, %dma_wait3A_147] : memref<2x4x4x8x128xf32, #tpu.memory_space<vmem>> -> memref<1x4x4x8x128xf32, #tpu.memory_space<vmem>>
    %dma_wait3A_149 = tpu.memref_squeeze %dma_wait3A_148 : memref<1x4x4x8x128xf32, #tpu.memory_space<vmem>> -> memref<4x4x8x128xf32, #tpu.memory_space<vmem>>
    %dma_wait3A_150 = arith.constant 0 : i32
    %dma_wait3A_151 = arith.constant 0 : i32
    %dma_wait3A_152 = arith.constant 0 : i32
    %dma_wait3A_153 = tpu.memref_slice %arg4[%dma_wait3A_143, %dma_wait3A_150, %mul3A_141, %dma_wait3A_151, %dma_wait3A_152] : memref<50x4x128x8x128xf32, #tpu.memory_space<hbm>> -> memref<1x4x4x8x128xf32, #tpu.memory_space<hbm>>
    %dma_wait3A_154 = tpu.memref_squeeze %dma_wait3A_153 : memref<1x4x4x8x128xf32, #tpu.memory_space<hbm>> -> memref<4x4x8x128xf32, #tpu.memory_space<hbm>>
    %dma_wait3A_155 = arith.constant 0 : i32
    %dma_wait3A_156 = arith.constant 0 : i32
    %dma_wait3A_157 = arith.constant 0 : i32
    %dma_wait3A_158 = tpu.memref_slice %arg4[%dma_wait3A_143, %dma_wait3A_155, %mul3A_141, %dma_wait3A_156, %dma_wait3A_157] : memref<50x4x128x8x128xf32, #tpu.memory_space<hbm>> -> memref<1x4x4x8x128xf32, #tpu.memory_space<hbm>>
    %dma_wait3A_159 = tpu.memref_squeeze %dma_wait3A_158 : memref<1x4x4x8x128xf32, #tpu.memory_space<hbm>> -> memref<4x4x8x128xf32, #tpu.memory_space<hbm>>
    %dma_wait3A_160 = arith.constant 0 : i32
    %dma_wait3A_161 = arith.constant 0 : i32
    %dma_wait3A_162 = arith.constant 0 : i32
    %dma_wait3A_163 = arith.constant 0 : i32
    %dma_wait3A_164 = tpu.memref_slice %arg7[%dma_wait3A_142, %dma_wait3A_160, %dma_wait3A_161, %dma_wait3A_162, %dma_wait3A_163] : memref<2x4x4x8x128xf32, #tpu.memory_space<vmem>> -> memref<1x4x4x8x128xf32, #tpu.memory_space<vmem>>
    %dma_wait3A_165 = tpu.memref_squeeze %dma_wait3A_164 : memref<1x4x4x8x128xf32, #tpu.memory_space<vmem>> -> memref<4x4x8x128xf32, #tpu.memory_space<vmem>>
    tpu.wait_dma2 semaphore(%arg11 : memref<!tpu.dma_semaphore, #tpu.memory_space<semaphore_mem>>) src(%dma_wait3A_165 : memref<4x4x8x128xf32, #tpu.memory_space<vmem>>) dst(%dma_wait3A_159 : memref<4x4x8x128xf32, #tpu.memory_space<hbm>>)
    return
  }
}

</mosaic_0001>

<sc_bundles>
// kernel: kernel.4.cloned.1.call-start
scs
__scs_entry_jumppad:
0x0: {  	(pc) =	sbr.rel $0x88, $3  }
0x1: {  	(tag) =	ssettag $0x0;
	lr =	simm.s32 $0x1  }
0x2: {  	[smem:$0x3F9F] =	sst lr;
	_ =	strace $0xD0000000  }
0x3: {  	_ = 	snop  }
0x4: {  	_ = 	snop  }
0x5: {  	_ = 	snop  }
0x6: {  	_ = 	snop  }
0x7: {  	_ = 	snop  }
__scs_overlays_trampoline_lowered:
0x8: {  	[smem:$0x3FAE] =	sst s0  }
0x9: {  	[smem:$0x3FAF] =	sst s1  }
0xa: {  	[smem:$0x3FB0] =	sst s2  }
0xb: {  	[smem:$0x3FB1] =	sst s3  }
0xc: {  	[smem:$0x3FB2] =	sst s4  }
0xd: {  	[smem:$0x3FB3] =	sst s5  }
0xe: {  	[smem:$0x3FB4] =	sst s6  }
0xf: {  	[smem:$0x3FB5] =	sst s7  }
0x10: {  	[smem:$0x3FB6] =	sst s8  }
0x11: {  	[smem:$0x3FB7] =	sst s9;
	s0 =	simm.s32 @!p0 $0x0  }
0x12: {  	s1 =	sld [smem:$0x3F9D];
	s0 =	simm.s32 @p0 $0x1  }
0x13: {  	[smem:$0x3FB8] =	sst s0;
	s0 =	simm.s32 @!p1 $0x0  }
0x14: {  	s2 =	sld [smem:$0x3F9C];
	s0 =	simm.s32 @p1 $0x1  }
0x15: {  	[smem:$0x3FB9] =	sst s0;
	s0 =	simm.s32 @!p2 $0x0  }
0x16: {  	s3 =	sld [smem:$0x3FDB];
	s0 =	simm.s32 @p2 $0x1  }
0x17: {  	s4 =	simm.s32 $0x1BF5;
	[smem:$0x3FBB] =	sst s0  }
0x18: {  	s0 =	sld [smem:$0x3F9E];
	_ =	swait.ge [sflag:s4], $0x0  }
0x19: {  	s7 =	sld [smem:$0x3F9F]  }
0x1a: {  	s8 =	sadd.s32 $0xFFFFE003, lr  }
0x1b: {  	s9 =	sadd.s32 $0xFFFFFEF7, lr;
	s5 =	simm.s32 $0xFFFFFFFF;
	p2 =	slt.u32 s8, $0xFFFFF086  }
0x1c: {  	p1 =	slt.u32 s9, $0xF7A;
	s5 =	simm.s32 @!p2 $0x0  }
0x1d: {  	s5 =	simm.s32 @p1 $0x1;
	p0 =	seq.s32 s7, s2  }
0x1e: {  	s7 =	smul.u32 @!p0 $0xF7A, s2;
	p2 =	seq.s32 @!p0 s5, $0x0  }
0x1f: {  	s9 =	smul.u32 $0xF7A, s1;
	s8 =	simm.s32 @!p0 $0x1BF5;
	p2 =	por !p2, p0  }
0x20: {  	[sflag:s8] =	ssyncset.s32 @!p0 $0xFFFFF086;
	s6 =	sadd.s32 @!p0 s3, s7;
	s7 =	simm.s32 @!p0 $0x108  }
0x21: {  	s3 =	sadd.s32 s3, s9;
	s6 =	sadd.s32 @!p0 $0x88, s6;
	s7 =	simm.s32 @p2 $0x1082  }
0x22: {  	[simem:s7], [sflag:s8] =	dma.local @!p0 [hbm:s6], $0xF7A  }
0x23: {  	s9 =	sor.u32 $0xD0000000, s2;
	s6 =	simm.s32 $0x108;
	_ =	swait.ge @!p0 [sflag:s8], $0x0  }
0x24: {  	s3 =	sadd.s32 $0x88, s3;
	s6 =	simm.s32 @!p1 $0x1082;
	[sflag:s4] =	ssyncset.s32 $0xFFFFF086  }
0x25: {  	[simem:s6], [sflag:s4] =	dma.local [hbm:s3], $0xF7A  }
0x26: {  	[smem:$0x3F9F] =	sst s1;
	(tag) =	ssettag s2;
	_ =	strace s9  }
0x27: {  	s1 =	sld [smem:$0x3FAF]  }
0x28: {  	s2 =	sld [smem:$0x3FB0]  }
0x29: {  	s4 =	sld [smem:$0x3FB2]  }
0x2a: {  	p0 =	seq.s32 s5, $0x0;
	s5 =	sld [smem:$0x3FB3]  }
0x2b: {  	s6 =	sld [smem:$0x3FB4]  }
0x2c: {  	s7 =	sld [smem:$0x3FB5]  }
0x2d: {  	s3 =	simm.s32 $0x108;
	s8 =	sld [smem:$0x3FB6]  }
0x2e: {  	s3 =	simm.s32 @!p0 $0x1082;
	s9 =	sld [smem:$0x3FB7]  }
0x2f: {  	lr =	sadd.s32 s0, s3;
	s0 =	sld [smem:$0x3FAE]  }
0x30: {  	s3 =	sld [smem:$0x3FB1]  }
0x31: {  	[smem:$0x3FBA] =	sst s10  }
0x32: {  	s10 =	sld [smem:$0x3FB8];
	_ =	sdelay $0x3  }
0x33: {  	p0 =	seq.s32 s10, $0x1;
	s10 =	sld [smem:$0x3FBA];
	_ =	sdelay $0x3  }
0x34: {  	[smem:$0x3FBA] =	sst s10  }
0x35: {  	s10 =	sld [smem:$0x3FB9];
	_ =	sdelay $0x3  }
0x36: {  	p1 =	seq.s32 s10, $0x1;
	s10 =	sld [smem:$0x3FBA];
	_ =	sdelay $0x3  }
0x37: {  	[smem:$0x3FBA] =	sst s10  }
0x38: {  	s10 =	sld [smem:$0x3FBB]  }
0x39: {  	_ = 	snop;
	(pc) =	sbr.ind lr, $3  }
0x3a: {  	_ = 	snop  }
0x3b: {  	_ = 	snop  }
0x3c: {  	p2 =	seq.s32 s10, $0x1;
	s10 =	sld [smem:$0x3FBA]  }
0x3d: {  	_ =	shalt  }
0x3e: {  	_ =	shalt  }
0x3f: {  	_ =	shalt  }
0x40: {  	_ =	shalt  }
0x41: {  	_ =	shalt  }
0x42: {  	_ =	shalt  }
0x43: {  	_ =	shalt  }
0x44: {  	_ =	shalt  }
0x45: {  	_ =	shalt  }
0x46: {  	_ =	shalt  }
0x47: {  	_ =	shalt  }
0x48: {  	_ =	shalt  }
0x49: {  	_ =	shalt  }
0x4a: {  	_ =	shalt  }
0x4b: {  	_ =	shalt  }
0x4c: {  	_ =	shalt  }
0x4d: {  	_ =	shalt  }
0x4e: {  	_ =	shalt  }
0x4f: {  	_ =	shalt  }
0x50: {  	_ =	shalt  }
0x51: {  	_ =	shalt  }
0x52: {  	_ =	shalt  }
0x53: {  	_ =	shalt  }
0x54: {  	_ =	shalt  }
0x55: {  	_ =	shalt  }
0x56: {  	_ =	shalt  }
0x57: {  	_ =	shalt  }
0x58: {  	_ =	shalt  }
0x59: {  	_ =	shalt  }
0x5a: {  	_ =	shalt  }
0x5b: {  	_ =	shalt  }
0x5c: {  	_ =	shalt  }
0x5d: {  	_ =	shalt  }
0x5e: {  	_ =	shalt  }
0x5f: {  	_ =	shalt  }
0x60: {  	_ =	shalt  }
0x61: {  	_ =	shalt  }
0x62: {  	_ =	shalt  }
0x63: {  	_ =	shalt  }
0x64: {  	_ =	shalt  }
0x65: {  	_ =	shalt  }
0x66: {  	_ =	shalt  }
0x67: {  	_ =	shalt  }
0x68: {  	_ =	shalt  }
0x69: {  	_ =	shalt  }
0x6a: {  	_ =	shalt  }
0x6b: {  	_ =	shalt  }
0x6c: {  	_ =	shalt  }
0x6d: {  	_ =	shalt  }
0x6e: {  	_ =	shalt  }
0x6f: {  	_ =	shalt  }
0x70: {  	_ =	shalt  }
0x71: {  	_ =	shalt  }
0x72: {  	_ =	shalt  }
0x73: {  	_ =	shalt  }
0x74: {  	_ =	shalt  }
0x75: {  	_ =	shalt  }
0x76: {  	_ =	shalt  }
0x77: {  	_ =	shalt  }
0x78: {  	_ =	shalt  }
0x79: {  	_ =	shalt  }
0x7a: {  	_ =	shalt  }
0x7b: {  	_ =	shalt  }
0x7c: {  	_ =	shalt  }
0x7d: {  	_ =	shalt  }
0x7e: {  	_ =	shalt  }
0x7f: {  	_ =	shalt  }
0x80: {  	_ =	shalt  }
0x81: {  	_ =	shalt  }
0x82: {  	_ =	shalt  }
0x83: {  	_ =	shalt  }
0x84: {  	_ =	shalt  }
0x85: {  	_ =	shalt  }
0x86: {  	_ =	shalt  }
0x87: {  	_ =	shalt  }
.Lfunc_end0:
.L_simem_size_0:
called_computation_lowered:
.L_overlay_start_0:
0x88: {  	s2 =	sld [smem:$0x3FD9]  }
0x89: {  	s3 =	sld [smem:$0x3FFE];
	_ =	sdelay $0x1  }
0x8a: {  	s1 =	srdreg.scid  }
0x8b: {  	s0 =	sand.u32 $0x1, s1  }
0x8c: {  	s17 =	sshll.u32 s0, $0xA;
	s2 =	sadd.s32 s3, s2  }
0x8d: {  	s2 =	sadd.s32 s2, s17  }
0x8e: {  	[smem:$0x3FC6] =	sst s2  }
0x8f: {  	_ = 	snop  }
0x90: {  	s2 =	sld [smem:$0x3FC8]  }
0x91: {  	s18 =	sld [smem:$0x3FD0];
	(tm) =	ssettm $0x1  }
0x92: {  	s4 =	sld [smem:$0x3FFB];
	_ =	sdelay $0x3  }
0x93: {  	_ =	strace s4  }
0x94: {  	s4 =	sld [smem:$0x3FFC];
	_ =	sdelay $0x3  }
0x95: {  	_ =	strace s4  }
0x96: {  	s4 =	sld [smem:$0x3FFD];
	_ =	sdelay $0x3  }
0x97: {  	_ =	strace s4  }
0x98: {  	_ =	strace $0x8FFFFFFF  }
0x99: {  	s19 =	sld [smem:$0x3FDB];
	_ =	sdelay $0x1  }
0x9a: {  	s5 =	simm.s32 $_scs_section_size  }
0x9b: {  	s6 =	simm.s32 $_size__tile_overlayer_lowered;
	s7 =	simm.s32 $_tile_overlayer_lowered  }
0x9c: {  	s22 =	simm.s32 $0x1BFF;
	s21 =	sshll.u32 s7, $0x1;
	s4 =	sadd.s32 s5, s19  }
0x9d: {  	s8 =	simm.s32 $0x0;
	s20 =	sshll.u32 s6, $0x1;
	s6 =	sadd.s32 s21, s4  }
0x9e: {  	[timem:s8], [sflag:s22] =	dma.local [hbm:s6], s20  }
0x9f: {  	_ =	swait.ge [sflag:s22], s20  }
0xa0: {  	s5 =	ssub.s32 $0x0, s20;
	[sflag:s22] =	ssyncset.done $0x0  }
0xa1: {  	[sflag:s22] =	ssyncadd.s32 s5;
	_ =	sdelay $0x1  }
0xa2: {  	s23 =	simm.s32 $0x1B8B  }
0xa3: {  	_ =	swait.ge [sflag:s23], $0x1  }
0xa4: {  	[sflag:s23] =	ssyncset.done $0x0  }
0xa5: {  	s25 =	simm.s32 $0x1B8E;
	s24 =	sld [smem:$0x3FFE];
	[sflag:s23] =	ssyncadd.s32 $0xFFFFFFFF  }
0xa6: {  	s26 =	simm.s32 $execute0_lowered;
	[smem:$0x3FD2] =	sst s25  }
0xa7: {  	s6 =	sshll.u32 s26, $0x1;
	_ =	strace $0x80000046;
	[dreg:$0x1] =	wrdreg $0xFFFFFFFF  }
0xa8: {  	s28 =	simm.s32 $_size_execute0_lowered;
	s4 =	sadd.s32 s4, s6;
	[dreg:$0x0] =	wrdreg $0x0  }
0xa9: {  	s6 =	sshll.u32 s28, $0x1;
	[dreg:$0x2] =	wrdreg s4  }
0xaa: {  	[dreg:$0x3] =	wrdreg s6  }
0xab: {  	[dreg:$0x4] =	wrdreg $0xC0  }
0xac: {  	_ =	task [dreg:s8], $0x5FFFF  }
0xad: {  	[dreg:$0x1] =	wrdreg $0xFFFFFFFF  }
0xae: {  	[dreg:$0x0] =	wrdreg $0x60  }
0xaf: {  	[dreg:$0x2] =	wrdreg s2  }
0xb0: {  	[dreg:$0x3] =	wrdreg s18  }
0xb1: {  	[dreg:$0x4] =	wrdreg s24  }
0xb2: {  	[dreg:$0x5] =	wrdreg $0x9  }
0xb3: {  	_ =	task.clear_ibuf [dreg:s8], $0x6FFFF;
	_ =	strace $0x90000046  }
0xb4: {  	s29 =	simm.s32 $0x9;
	_ =	strace $0x80000048  }
0xb5: {  	_ =	swait.ge [sflag:s29], $0x1  }
0xb6: {  	[sflag:s29] =	ssyncadd.s32 $0xFFFFFFFF  }
0xb7: {  	_ =	strace $0x90000048  }
0xb8: {  	_ =	sfence  }
0xb9: {  	s30 =	sld [smem:$0x0];
	_ =	sdelay $0x2  }
0xba: {  	s31 =	sshll.u32 s1, $0xD;
	s1 =	sshrl.u32 s1, $0x2  }
0xbb: {  	s3 =	sand.u32 $0x4000, s31;
	s1 =	sadd.s32 s1, s30  }
0xbc: {  	s0 =	sor.u32 s3, s0;
	s1 =	sshll.u32 s1, $0x11  }
0xbd: {  	s0 =	sor.u32 s1, s0  }
0xbe: {  	s0 =	sadd.s32 $0x8F2B, s0  }
0xbf: {  	[sflag:s0] =	ssyncadd.remote.s32 $0x1  }
0xc0: {  	_ =	sfence.sel $0xFFFF  }
0xc1: {  	[dreg:$0x0] =	wrdreg $0xFFFFFFFF;
	(pc) =	sbr.abs _section_cstart, $3  }
0xc2: {  	[dreg:$0x1] =	wrdreg $0xFFFFFFFF  }
0xc3: {  	_ =	task.clear_ibuf [dreg:s8], $0x2FFFF;
	_ =	strace $0x9FFFFFFF  }
0xc4: {  	(tm) =	ssettm $0x7FFFFFFF  }
0xc5: {  	_ =	shalt  }
tec
execute0_lowered:
.L_overlay_start_1:
0x0: {  	(tag) =	ssettag $0x1  }
0x1: {  	s5 =	rddreg [dreg:$0x0];
	s0 =	srdreg.scid  }
0x2: {  	s1 =	stileid.u32;
	s3 =	rddreg [dreg:$0x2];
	s4 =	simm.s32 $0x0  }
0x3: {  	s11 =	simm.s32 $0x1;
	s12 =	simm.s32 $0x2000;
	s13 =	simm.s32 $0x2  }
0x4: {  	s14 =	simm.s32 $0x1000;
	s15 =	simm.s32 $0x3000;
	s16 =	simm.s32 $0x4000  }
0x5: {  	s0 =	sand.u32 $0x1, s0;
	s2 =	sshll.u32 s1, $0x1;
	[smem:$0x7FF] =	sst s4  }
0x6: {  	s7 =	sadd.s32 $0xA00, s3;
	s3 =	sadd.s32 $0x3D1200, s3;
	s2 =	sor.u32 s0, s2  }
0x7: {  	_ =	strace $0x80000047;
	[dreg:$0x8] =	wrdreg s3;
	s1 =	smul.u32 $0xF5, s2  }
0x8: {  	s17 =	simm.s32 $0x5;
	s0 =	ssub.s32 $0x2, s0;
	[dreg:$0x6] =	wrdreg s7  }
0x9: {  	s8 =	sshrl.u32 s0, $0x1;
	s9 =	smul.u32 $0x7A80, s2;
	s6 =	smin.u32 s1, $0x1D8F  }
.Ltmp0:
0xa: {  	s0 =	ssub.s32 s0, s8;
	s6 =	sadd.s32 $0xF5, s6;
	(pc) =	sbr.rel .LBB2_1-.Ltmp0, $4  }
0xb: {  	v0 =	vlaneseq.u32;
	s9 =	sadd.s32 s5, s9;
	[dreg:$0x4] =	wrdreg s1;
	s8 =	ssub.s32 s6, s1  }
0xc: {  	v1 =	vmul.u32 $0x80, v0;
	s10 =	smax.u32 s0, $0x1;
	[dreg:$0x7] =	wrdreg s9;
	p0 =	slt.s32 s8, $0x1  }
0xd: {  	s18 =	simm.s32 $0x0;
	[dreg:$0x9] =	wrdreg s10;
	p1 =	seq.s32 @!p0 s8, $0x1  }
0xe: {  	v3 =	vor.u32 $0x10, v0;
	p2 =	sne.s32 s2, $0x1F;
	v2 =	vor.u32 $0x800, v1;
	[dreg:$0x5] =	wrdreg s6;
	p1 =	por p1, p0  }
.LBB2_15:
0xf: {  	s18 =	sadd.s32 $0x1, s18  }
0x10: {  	p3 =	sne.s32 s18, s10  }
.Ltmp1:
0x11: {  	_ = 	snop;
	(pc) =	sbr.rel @!p3 .LBB2_16-.Ltmp1, $1  }
0x12: {  	_ =	sdelay $0x3  }
.LBB2_1:
.Ltmp2:
0x13: {  	(pc) =	sbr.rel .LBB2_2-.Ltmp2, $4  }
0x14: {  	_ = 	snop  }
0x15: {  	s0 =	simm.s32 @!p0 $0x400  }
0x16: {  	s2 =	simm.s32 @!p0 $0x7A1400;
	s3 =	simm.s32 @!p0 $0x0;
	s19 =	simm.s32 $0x0  }
0x17: {  	[tilespmem:s3], [sflag:$0x1] =	stream.strided.gather @!p0 [hbm4b:s9+s0], $0x1000, s2, s0, $0x38;
	[tilespmem:$0x6000] =	vst v63  }
.LBB2_10:
0x18: {  	s19 =	sadd.s32 $0x1, s19  }
0x19: {  	p3 =	sne.s32 s19, $0x7B  }
.Ltmp3:
0x1a: {  	_ = 	snop;
	(pc) =	sbr.rel @!p3 .LBB2_11-.Ltmp3, $1  }
0x1b: {  	_ =	sdelay $0x3  }
.LBB2_2:
0x1c: {  	s20 =	sshll.u32 s19, $0x1  }
0x1d: {  	s21 =	sadd.s32 s1, s20  }
0x1e: {  	s0 =	sadd.s32 $0x1, s21  }
0x1f: {  	p4 =	sge.u32 s21, s6;
	p3 =	sge.u32 s0, s6  }
.Ltmp4:
0x20: {  	s0 =	sshll.u32 @!p3 s0, $0x7;
	(pc) =	sbr.rel @p4 .LBB2_6-.Ltmp4, $4  }
0x21: {  	s2 =	simm.s32 @!p3 $0x400;
	s0 =	sand.u32 @!p3 $0x1FFFFF80, s0  }
0x22: {  	s3 =	simm.s32 @!p3 $0x7A1400;
	s8 =	simm.s32 @!p3 $0x1000;
	s0 =	sadd.s32 @!p3 s5, s0  }
0x23: {  	[tilespmem:s8], [sflag:$0x2] =	stream.strided.gather @!p3 [hbm4b:s0+s2], $0x1000, s3, s2, $0x38;
	[tilespmem:$0x6000] =	vst v63  }
0x24: {  	p3 =	seq.s32 s19, $0x0  }
0x25: {  	s0 =	simm.s32 $0x0;
	s23 =	simm.s32 $0x8  }
0x26: {  	s2 =	simm.s32 $0x4;
	s24 =	simm.s32 $0xC;
	s25 =	simm.s32 $0x1;
	v4 =	vmov s0;
	v5 =	vmov s23  }
0x27: {  	s26 =	simm.s32 $0x5;
	s31 =	simm.s32 $0x9;
	s3 =	simm.s32 $0xD;
	v6 =	vmov s2;
	v7 =	vmov s24;
	v11 =	vmov s25  }
0x28: {  	s22 =	simm.s32 $0x10;
	v13 =	vmov s26;
	v14 =	vmov s31;
	v15 =	vmov s3  }
0x29: {  	v19 =	vmov s22;
	v4 =	vand.u32 $0x70, v4;
	v6 =	vand.u32 $0x74, v6  }
0x2a: {  	v5 =	vand.u32 $0x78, v5;
	v7 =	vand.u32 $0x7C, v7;
	v4 =	vbroadcast v4, $0x0  }
0x2b: {  	_ =	swait.ge [sflag:s11], $0x1000;
	v11 =	vand.u32 $0x71, v11;
	v13 =	vand.u32 $0x75, v13;
	v6 =	vbroadcast v6, $0x0  }
0x2c: {  	[sflag:s11] =	ssyncset.done $0x0;
	v14 =	vand.u32 $0x79, v14;
	v5 =	vbroadcast v5, $0x0;
	v8 =	vor.u32 v1, v4  }
0x2d: {  	s2 =	simm.s32 @!p3 $0x3;
	s23 =	simm.s32 $0x18;
	[sflag:s11] =	ssyncadd.s32 $0xFFFFF000;
	v15 =	vand.u32 $0x7D, v15;
	v7 =	vbroadcast v7, $0x0;
	v9 =	vor.u32 v1, v6  }
0x2e: {  	s24 =	simm.s32 $0x14;
	v20 =	vmov s23;
	v19 =	vand.u32 $0x70, v19;
	_ =	swait.ge @!p3 [sflag:s2], $0x1000;
	v10 =	vor.u32 v1, v5  }
0x2f: {  	s25 =	simm.s32 $0x1C;
	v21 =	vmov s24;
	v11 =	vbroadcast v11, $0x0;
	[sflag:s2] =	ssyncset.done @!p3 $0x0;
	v12 =	vor.u32 v1, v7  }
0x30: {  	v23 =	vmov s25;
	v13 =	vbroadcast v13, $0x0;
	v14 =	vbroadcast v14, $0x0;
	[sflag:s2] =	ssyncadd.s32 @!p3 $0xFFFFF000  }
0x31: {  	v15 =	vbroadcast v15, $0x0;
	v19 =	vbroadcast v19, $0x0;
	v21 =	vand.u32 $0x74, v21;
	v8 =	vld.idx.msk [tilespmem:v8+s4+$0x0], $0xffff  }
0x32: {  	v4 =	vor.u32 v2, v4;
	v6 =	vor.u32 v2, v6;
	v7 =	vor.u32 v2, v7;
	v9 =	vld.idx.msk [tilespmem:v9+s4+$0x0], $0xffff  }
0x33: {  	v5 =	vor.u32 v2, v5;
	v16 =	vor.u32 v1, v11;
	v17 =	vor.u32 v1, v13;
	v10 =	vld.idx.msk [tilespmem:v10+s4+$0x0], $0xffff  }
0x34: {  	s8 =	simm.s32 $0xA;
	v18 =	vor.u32 v1, v14;
	v22 =	vor.u32 v1, v15;
	v14 =	vor.u32 v2, v14;
	v12 =	vld.idx.msk [tilespmem:v12+s4+$0x0], $0xffff  }
0x35: {  	s23 =	simm.s32 $0x2100;
	v24 =	vor.u32 v2, v13;
	v13 =	vmov s8;
	v15 =	vor.u32 v2, v15  }
0x36: {  	v13 =	vand.u32 $0x7A, v13;
	[tilespmem:s23+$0xFFFFFF00] =	vst v8;
	v8 =	vand.u32 $0x78, v20;
	v20 =	vbroadcast v21, $0x0  }
0x37: {  	s26 =	simm.s32 $0x11;
	s31 =	simm.s32 $0x15;
	v21 =	vand.u32 $0x7C, v23;
	v23 =	vbroadcast v13, $0x0;
	v13 =	vor.u32 v1, v19;
	[tilespmem:s23+$0xFFFFFF80] =	vst v9;
	v4 =	vld.idx.msk [tilespmem:v4+s4+$0x0], $0xffff  }
0x38: {  	v29 =	vor.u32 v2, v19;
	v9 =	vmov s26;
	v19 =	vmov s31;
	[tilespmem:s23+$0x0] =	vst v10;
	v6 =	vld.idx.msk [tilespmem:v6+s4+$0x0], $0xffff  }
0x39: {  	s22 =	simm.s32 $0x6;
	[tilespmem:s23+$0x80] =	vst v12;
	s31 =	simm.s32 $0x28;
	v8 =	vbroadcast v8, $0x0;
	v21 =	vbroadcast v21, $0x0;
	v9 =	vand.u32 $0x71, v9;
	v5 =	vld.idx.msk [tilespmem:v5+s4+$0x0], $0xffff  }
0x3a: {  	s2 =	simm.s32 $0x19;
	v33 =	vld.idx.msk [tilespmem:v7+s4+$0x0], $0xffff;
	v7 =	vmov s22;
	v55 =	vmov s31;
	v25 =	vor.u32 v1, v20  }
0x3b: {  	v28 =	vor.u32 v1, v23;
	v30 =	vor.u32 v2, v20;
	v20 =	vmov s2  }
0x3c: {  	s8 =	simm.s32 $0x2;
	v10 =	vbroadcast v9, $0x0;
	v26 =	vor.u32 v1, v8;
	v20 =	vand.u32 $0x79, v20;
	v31 =	vld.idx.msk [tilespmem:v13+s4+$0x0], $0xffff;
	[tilespmem:s23+$0xFFFFFF10] =	vst v4  }
0x3d: {  	s2 =	simm.s32 $0x24;
	v27 =	vor.u32 v1, v21;
	v12 =	vbroadcast v20, $0x0;
	v20 =	vmov s8;
	s8 =	simm.s32 $0x2C;
	[tilespmem:s23+$0xFFFFFF90] =	vst v6;
	v16 =	vld.idx.msk [tilespmem:v16+s4+$0x0], $0xffff  }
0x3e: {  	s3 =	simm.s32 $0x1D;
	v9 =	vor.u32 v2, v21;
	v56 =	vmov s2;
	v59 =	vmov s8;
	[tilespmem:s23+$0x10] =	vst v5;
	v17 =	vld.idx.msk [tilespmem:v17+s4+$0x0], $0xffff  }
0x3f: {  	v4 =	vor.u32 v2, v11;
	v11 =	vand.u32 $0x75, v19;
	v6 =	vmov s3;
	[tilespmem:s23+$0x90] =	vst v33;
	v18 =	vld.idx.msk [tilespmem:v18+s4+$0x0], $0xffff  }
0x40: {  	v19 =	vor.u32 v2, v8;
	v8 =	vor.u32 v1, v10;
	v6 =	vand.u32 $0x7D, v6;
	v22 =	vld.idx.msk [tilespmem:v22+s4+$0x0], $0xffff  }
0x41: {  	s22 =	simm.s32 $0x2300;
	v10 =	vor.u32 v2, v10;
	v11 =	vbroadcast v11, $0x0;
	v25 =	vld.idx.msk [tilespmem:v25+s4+$0x0], $0xffff;
	v32 =	vbroadcast v6, $0x0  }
0x42: {  	v13 =	vld.idx.msk [tilespmem:v26+s4+$0x0], $0xffff;
	v26 =	vor.u32 v2, v23;
	v6 =	vand.u32 $0x72, v20;
	v20 =	vor.u32 v1, v12;
	[tilespmem:s22+$0xFFFFFF00] =	vst v31  }
0x43: {  	s25 =	simm.s32 $0x1A;
	v21 =	vor.u32 v1, v11;
	v5 =	vor.u32 v1, v32;
	v29 =	vld.idx.msk [tilespmem:v29+s4+$0x0], $0xffff;
	[tilespmem:s23+$0xFFFFFF20] =	vst v16;
	v16 =	vbroadcast v6, $0x0  }
0x44: {  	s24 =	simm.s32 $0xB;
	v6 =	vand.u32 $0x76, v7;
	[tilespmem:s23+$0xFFFFFFA0] =	vst v17;
	v7 =	vor.u32 v2, v11;
	v17 =	vmov s25;
	v34 =	vld.idx.msk [tilespmem:v4+s4+$0x0], $0xffff  }
0x45: {  	s26 =	simm.s32 $0x20;
	[tilespmem:s23+$0x20] =	vst v18;
	v31 =	vbroadcast v6, $0x0;
	v4 =	vmov s24;
	v6 =	vor.u32 v2, v12;
	v12 =	vld.idx.msk [tilespmem:v27+s4+$0x0], $0xffff  }
0x46: {  	[tilespmem:s23+$0xA0] =	vst v22;
	v27 =	vmov s26;
	v14 =	vld.idx.msk [tilespmem:v14+s4+$0x0], $0xffff;
	v17 =	vand.u32 $0x7A, v17;
	v35 =	vor.u32 v1, v16  }
0x47: {  	[tilespmem:s22+$0xFFFFFF80] =	vst v25;
	v24 =	vld.idx.msk [tilespmem:v24+s4+$0x0], $0xffff;
	v4 =	vand.u32 $0x7B, v4;
	v27 =	vand.u32 $0x70, v27;
	v37 =	vbroadcast v17, $0x0  }
0x48: {  	v15 =	vld.idx.msk [tilespmem:v15+s4+$0x0], $0xffff;
	[tilespmem:s22+$0x0] =	vst v13;
	v16 =	vor.u32 v2, v16;
	v11 =	vor.u32 v1, v31;
	v23 =	vbroadcast v4, $0x0  }
0x49: {  	v19 =	vld.idx.msk [tilespmem:v19+s4+$0x0], $0xffff;
	v4 =	vor.u32 v2, v32;
	v18 =	vbroadcast v27, $0x0;
	v27 =	vand.u32 $0x74, v56;
	[tilespmem:s22+$0xFFFFFF10] =	vst v29  }
0x4a: {  	v25 =	vor.u32 v2, v31;
	v29 =	vand.u32 $0x78, v55;
	v27 =	vbroadcast v27, $0x0;
	v57 =	vld.idx.msk [tilespmem:v8+s4+$0x0], $0xffff;
	[tilespmem:s23+$0xFFFFFF30] =	vst v34  }
0x4b: {  	s3 =	simm.s32 $0xE;
	s24 =	simm.s32 $0x3;
	v36 =	vor.u32 v1, v23;
	v58 =	vor.u32 v1, v18;
	v29 =	vbroadcast v29, $0x0;
	[tilespmem:s23+$0x30] =	vst v14;
	v17 =	vld.idx.msk [tilespmem:v35+s4+$0x0], $0xffff  }
0x4c: {  	v8 =	vmov s3;
	v40 =	vor.u32 v2, v18;
	v18 =	vmov s24;
	[tilespmem:s22+$0x80] =	vst v12;
	v28 =	vld.idx.msk [tilespmem:v28+s4+$0x0], $0xffff  }
0x4d: {  	v23 =	vor.u32 v2, v23;
	[tilespmem:s23+$0xFFFFFFB0] =	vst v24;
	v8 =	vand.u32 $0x7E, v8;
	v24 =	vand.u32 $0x7C, v59;
	v46 =	vld.idx.msk [tilespmem:v9+s4+$0x0], $0xffff  }
0x4e: {  	s31 =	simm.s32 $0x29;
	v38 =	vor.u32 v1, v27;
	v18 =	vand.u32 $0x73, v18;
	[tilespmem:s23+$0xB0] =	vst v15;
	v22 =	vbroadcast v8, $0x0;
	v61 =	vld.idx.msk [tilespmem:v11+s4+$0x0], $0xffff  }
0x4f: {  	v15 =	vmov s31;
	v60 =	vor.u32 v1, v29;
	[tilespmem:s22+$0x10] =	vst v19;
	v11 =	vor.u32 v2, v27;
	v27 =	vld.idx.msk [tilespmem:v30+s4+$0x0], $0xffff  }
0x50: {  	s26 =	simm.s32 $0x25;
	v24 =	vbroadcast v24, $0x0;
	v41 =	vbroadcast v18, $0x0;
	v35 =	vld.idx.msk [tilespmem:v20+s4+$0x0], $0xffff;
	v31 =	vor.u32 v1, v22  }
0x51: {  	v15 =	vand.u32 $0x79, v15;
	v30 =	vor.u32 v2, v22;
	v22 =	vmov s26;
	v33 =	vld.idx.msk [tilespmem:v58+s4+$0x0], $0xffff;
	[tilespmem:s22+$0xFFFFFF20] =	vst v57  }
0x52: {  	v8 =	vor.u32 v1, v37;
	v43 =	vbroadcast v15, $0x0;
	v18 =	vand.u32 $0x75, v22;
	v22 =	vld.idx.msk [tilespmem:v10+s4+$0x0], $0xffff  }
0x53: {  	s24 =	simm.s32 $0x12;
	v39 =	vor.u32 v1, v24;
	v12 =	vor.u32 v2, v24;
	v42 =	vor.u32 v1, v41;
	v38 =	vld.idx.msk [tilespmem:v38+s4+$0x0], $0xffff  }
0x54: {  	s25 =	simm.s32 $0x21;
	v63 =	vmov s24;
	v15 =	vor.u32 v1, v43;
	v19 =	vor.u32 v2, v43;
	[tilespmem:s23+$0xFFFFFF40] =	vst v17;
	v14 =	vld.idx.msk [tilespmem:v60+s4+$0x0], $0xffff  }
0x55: {  	s2 =	simm.s32 $0xF;
	v10 =	vor.u32 v2, v37;
	v17 =	vmov s25;
	[tilespmem:s23+$0x40] =	vst v28;
	v28 =	vbroadcast v18, $0x0;
	v31 =	vld.idx.msk [tilespmem:v31+s4+$0x0], $0xffff  }
0x56: {  	s3 =	simm.s32 $0x2D;
	s25 =	simm.s32 $0x16;
	v17 =	vand.u32 $0x71, v17;
	v62 =	vld.idx.msk [tilespmem:v16+s4+$0x0], $0xffff;
	v16 =	vor.u32 v2, v29;
	[tilespmem:s22+$0xFFFFFF90] =	vst v27;
	v27 =	vmov s2  }
0x57: {  	s8 =	simm.s32 $0x7;
	[tilespmem:s22+$0x90] =	vst v46;
	v26 =	vld.idx.msk [tilespmem:v26+s4+$0x0], $0xffff;
	v29 =	vmov s3;
	v9 =	vmov s25;
	v17 =	vbroadcast v17, $0x0  }
0x58: {  	s26 =	simm.s32 $0x2500;
	[tilespmem:s23+$0xFFFFFFC0] =	vst v61;
	v13 =	vor.u32 v1, v28;
	v44 =	vld.idx.msk [tilespmem:v21+s4+$0x0], $0xffff;
	v21 =	vmov s8;
	v27 =	vand.u32 $0x7F, v27  }
0x59: {  	v29 =	vand.u32 $0x7D, v29;
	v45 =	vld.idx.msk [tilespmem:v25+s4+$0x0], $0xffff;
	v9 =	vand.u32 $0x76, v9;
	[tilespmem:s26+$0xFFFFFF00] =	vst v33;
	v25 =	vand.u32 $0x77, v21  }
0x5a: {  	v24 =	vld.idx.msk [tilespmem:v39+s4+$0x0], $0xffff;
	v21 =	vbroadcast v29, $0x0;
	v29 =	vand.u32 $0x72, v63;
	v34 =	vbroadcast v27, $0x0;
	[tilespmem:s23+$0xC0] =	vst v31  }
0x5b: {  	s31 =	simm.s32 $0x1B;
	v18 =	vor.u32 v1, v17;
	v47 =	vbroadcast v25, $0x0;
	[tilespmem:s22+$0xFFFFFF30] =	vst v22;
	v22 =	vbroadcast v29, $0x0;
	v37 =	vld.idx.msk [tilespmem:v30+s4+$0x0], $0xffff  }
0x5c: {  	v33 =	vld.idx.msk [tilespmem:v40+s4+$0x0], $0xffff;
	v25 =	vbroadcast v9, $0x0;
	v9 =	vmov s31;
	v27 =	vor.u32 v1, v21;
	[tilespmem:s23+$0xFFFFFF50] =	vst v62  }
0x5d: {  	v39 =	vor.u32 v1, v34;
	v32 =	vor.u32 v1, v47;
	[tilespmem:s23+$0x50] =	vst v26;
	v29 =	vor.u32 v1, v22  }
0x5e: {  	s28 =	simm.s32 $0x1F;
	s29 =	simm.s32 $0x8;
	s30 =	simm.s32 $0x3F;
	v9 =	vand.u32 $0x7B, v9;
	v26 =	vor.u32 v2, v28;
	v28 =	vor.u32 v1, v25;
	v36 =	vld.idx.msk [tilespmem:v36+s4+$0x0], $0xffff;
	[tilespmem:s22+$0xFFFFFFA0] =	vst v44  }
0x5f: {  	s0 =	simm.s32 $0x2A;
	s24 =	simm.s32 $0x2500;
	s25 =	simm.s32 $0x2F;
	v9 =	vbroadcast v9, $0x0;
	v31 =	vor.u32 v2, v41;
	v40 =	vld.idx.msk [tilespmem:v42+s4+$0x0], $0xffff;
	[tilespmem:s23+$0xFFFFFFD0] =	vst v45;
	v30 =	vor.u32 v2, v47  }
.LBB2_4:
0x60: {  	s2 =	sadd.s32 $0xFFFFFFF1, s30;
	s3 =	sadd.s32 $0xFFFFFFF9, s30;
	s29 =	sadd.s32 $0x4, s29;
	v41 =	vmov s0;
	v21 =	vor.u32 v2, v21;
	v42 =	vld.idx.msk [tilespmem:v5+s4+$0x0], $0xffff;
	[tilespmem:s23+$0xD0] =	vst v37;
	v34 =	vor.u32 v2, v34;
	v5 =	vmovc v27  }
0x61: {  	s0 =	sadd.s32 $0xFFFFFFF5, s30;
	v27 =	vmov s2;
	v37 =	vmov s3;
	p4 =	slt.u32 s29, $0x1C;
	[tilespmem:s26+$0x80] =	vst v24;
	v24 =	vld.idx.msk [tilespmem:v7+s4+$0x0], $0xffff;
	v20 =	vor.u32 v1, v9;
	v7 =	vmovc v26  }
0x62: {  	v26 =	vand.u32 $0x70, v27;
	v27 =	vmov s0;
	[tilespmem:s26+$0xFFFFFF10] =	vst v33;
	v33 =	vand.u32 $0x7A, v41;
	v39 =	vld.idx.msk [tilespmem:v39+s4+$0x0], $0xffff  }
0x63: {  	v37 =	vand.u32 $0x78, v37;
	s0 =	sadd.s32 $0xFFFFFFFD, s30;
	v26 =	vbroadcast v26, $0x0;
	v27 =	vand.u32 $0x74, v27;
	v18 =	vld.idx.msk [tilespmem:v18+s4+$0x0], $0xffff;
	[tilespmem:s23+$0x60] =	vst v36  }
0x64: {  	v36 =	vmov s0;
	v33 =	vbroadcast v33, $0x0;
	v27 =	vbroadcast v27, $0x0;
	[tilespmem:s23+$0xFFFFFF60] =	vst v40;
	v40 =	vld.idx.msk [tilespmem:v23+s4+$0x0], $0xffff  }
0x65: {  	v37 =	vbroadcast v37, $0x0;
	v36 =	vand.u32 $0x7C, v36;
	v41 =	vor.u32 v1, v26;
	[tilespmem:s22+$0x20] =	vst v35;
	v32 =	vld.idx.msk [tilespmem:v32+s4+$0x0], $0xffff  }
0x66: {  	v25 =	vor.u32 v2, v25;
	v35 =	vbroadcast v36, $0x0;
	v23 =	vor.u32 v1, v27;
	[tilespmem:s26+$0xFFFFFF80] =	vst v38;
	v36 =	vld.idx.msk [tilespmem:v6+s4+$0x0], $0xffff  }
0x67: {  	v22 =	vor.u32 v2, v22;
	s0 =	sadd.s32 $0xFFFFFFFF, s28;
	v38 =	vor.u32 v1, v37;
	v6 =	vmov v19;
	v29 =	vld.idx.msk [tilespmem:v29+s4+$0x0], $0xffff;
	[tilespmem:s22+$0xFFFFFFB0] =	vst v24  }
0x68: {  	v19 =	vor.u32 v1, v35;
	v24 =	vmov s0;
	v31 =	vld.idx.msk [tilespmem:v31+s4+$0x0], $0xffff;
	[tilespmem:s23+$0xE0] =	vst v39  }
0x69: {  	[tilespmem:s26+$0xFFFFFF20] =	vst v18;
	v18 =	vand.u32 $0x7E, v24;
	v24 =	vld.idx.msk [tilespmem:v34+s4+$0x0], $0xffff  }
0x6a: {  	v28 =	vld.idx.msk [tilespmem:v28+s4+$0x0], $0xffff;
	[tilespmem:s22+$0xA0] =	vst v42;
	v18 =	vbroadcast v18, $0x0  }
0x6b: {  	v34 =	vor.u32 v1, v33;
	v39 =	vld.idx.msk [tilespmem:v4+s4+$0x0], $0xffff;
	[tilespmem:s23+$0xFFFFFFE0] =	vst v32;
	v4 =	vmov v21  }
0x6c: {  	v26 =	vor.u32 v2, v26;
	[tilespmem:s22+$0x30] =	vst v36;
	v21 =	vor.u32 v1, v18;
	v30 =	vld.idx.msk [tilespmem:v30+s4+$0x0], $0xffff  }
0x6d: {  	v27 =	vor.u32 v2, v27;
	s0 =	sadd.s32 $0xFFFFFFF4, s28;
	v32 =	vor.u32 v2, v17;
	[tilespmem:s22+$0xFFFFFF40] =	vst v29;
	v29 =	vld.idx.msk [tilespmem:v8+s4+$0x0], $0xffff;
	v8 =	vmov v34  }
0x6e: {  	s2 =	sadd.s32 $0xFFFFFFF2, s30;
	v17 =	vmov s0;
	v36 =	vor.u32 v2, v18;
	v34 =	vld.idx.msk [tilespmem:v41+s4+$0x0], $0xffff;
	[tilespmem:s23+$0x70] =	vst v40  }
0x6f: {  	v35 =	vor.u32 v2, v35;
	s26 =	sadd.s32 $0x200, s26;
	s0 =	sadd.s32 $0xFFFFFFF6, s30;
	v18 =	vmov s2;
	v17 =	vand.u32 $0x73, v17;
	v40 =	vld.idx.msk [tilespmem:v11+s4+$0x0], $0xffff;
	[tilespmem:s23+$0xFFFFFF70] =	vst v31;
	v11 =	vmovc v27  }
0x70: {  	v18 =	vand.u32 $0x71, v18;
	v27 =	vmov s0;
	v31 =	vld.idx.msk [tilespmem:v38+s4+$0x0], $0xffff;
	v38 =	vbroadcast v17, $0x0;
	[tilespmem:s23+$0xF0] =	vst v24  }
0x71: {  	s0 =	sadd.s32 $0xFFFFFFFA, s30;
	v17 =	vbroadcast v18, $0x0;
	v18 =	vand.u32 $0x75, v27;
	v27 =	vor.u32 v2, v37;
	v22 =	vld.idx.msk [tilespmem:v22+s4+$0x0], $0xffff;
	[tilespmem:s22+$0xB0] =	vst v39  }
0x72: {  	v24 =	vmov s0;
	v41 =	vbroadcast v18, $0x0;
	v42 =	vor.u32 v1, v38;
	v37 =	vld.idx.msk [tilespmem:v21+s4+$0x0], $0xffff;
	[tilespmem:s23+$0xFFFFFFF0] =	vst v30;
	s23 =	smov.u32 s22;
	s22 =	smov.u32 s24;
	s24 =	smov.u32 s26  }
0x73: {  	v18 =	vor.u32 v1, v17;
	v21 =	vand.u32 $0x79, v24;
	v24 =	vor.u32 v2, v33;
	v30 =	vld.idx.msk [tilespmem:v32+s4+$0x0], $0xffff;
	[tilespmem:s23+$0x40] =	vst v29  }
0x74: {  	v29 =	vor.u32 v1, v41;
	v43 =	vbroadcast v21, $0x0;
	[tilespmem:s26+$0xFFFFFF00] =	vst v34;
	v39 =	vld.idx.msk [tilespmem:v10+s4+$0x0], $0xffff;
	v10 =	vmov v24  }
0x75: {  	v24 =	vld.idx.msk [tilespmem:v19+s4+$0x0], $0xffff;
	[tilespmem:s22+$0x0] =	vst v14  }
0x76: {  	s2 =	sadd.s32 $0xFFFFFFF8, s28;
	s0 =	sadd.s32 $0xFFFFFFFE, s30;
	v21 =	vmov s28;
	s28 =	smov.u32 s25;
	v44 =	vor.u32 v1, v43;
	v14 =	vmovc v31;
	[tilespmem:s22+$0xFFFFFF90] =	vst v40;
	v19 =	vld.idx.msk [tilespmem:v16+s4+$0x0], $0xffff;
	v16 =	vmov v27  }
0x77: {  	s25 =	smov.u32 s30;
	v32 =	vand.u32 $0x7F, v21;
	v27 =	vmov s0;
	s0 =	sadd.s32 $0xFFFFFFF3, s28;
	v31 =	vld.idx.msk [tilespmem:v13+s4+$0x0], $0xffff;
	[tilespmem:s23+$0xFFFFFFC0] =	vst v28;
	v28 =	vmov s2;
	v13 =	vmovc v29  }
0x78: {  	v21 =	vand.u32 $0x7D, v27;
	v27 =	vmov s0;
	[tilespmem:s23+$0xFFFFFF50] =	vst v22;
	v45 =	vld.idx.msk [tilespmem:v25+s4+$0x0], $0xffff;
	v22 =	vand.u32 $0x77, v28  }
0x79: {  	s0 =	sadd.s32 $0xFFFFFFF7, s28;
	v21 =	vbroadcast v21, $0x0;
	v25 =	vand.u32 $0x72, v27;
	v46 =	vld.idx.msk [tilespmem:v12+s4+$0x0], $0xffff;
	v47 =	vbroadcast v22, $0x0;
	[tilespmem:s23+$0xC0] =	vst v37;
	v12 =	vmovc v35  }
0x7a: {  	v34 =	vbroadcast v32, $0x0;
	v22 =	vbroadcast v25, $0x0;
	v25 =	vmov s0;
	[tilespmem:s22+$0xFFFFFF30] =	vst v30;
	v37 =	vld.idx.msk [tilespmem:v36+s4+$0x0], $0xffff  }
.Ltmp5:
0x7b: {  	v27 =	vor.u32 v1, v21;
	v25 =	vand.u32 $0x76, v25;
	v33 =	vld.idx.msk [tilespmem:v26+s4+$0x0], $0xffff;
	v32 =	vor.u32 v1, v47;
	[tilespmem:s23+$0x50] =	vst v39;
	(pc) =	sbr.rel @p4 .LBB2_4-.Ltmp5, $4  }
0x7c: {  	s0 =	sadd.s32 $0xFFFFFFFC, s28;
	v29 =	vor.u32 v1, v22;
	v25 =	vbroadcast v25, $0x0;
	v39 =	vor.u32 v1, v34;
	[tilespmem:s22+$0x10] =	vst v19;
	v36 =	vld.idx.msk [tilespmem:v20+s4+$0x0], $0xffff  }
0x7d: {  	v19 =	vor.u32 v2, v43;
	v20 =	vmov s0;
	[tilespmem:s22+$0xFFFFFFA0] =	vst v31;
	v35 =	vld.idx.msk [tilespmem:v15+s4+$0x0], $0xffff;
	v31 =	vor.u32 v2, v38;
	v15 =	vmovc v44  }
0x7e: {  	v26 =	vor.u32 v2, v41;
	v28 =	vor.u32 v1, v25;
	v20 =	vand.u32 $0x7B, v20;
	v40 =	vld.idx.msk [tilespmem:v42+s4+$0x0], $0xffff;
	[tilespmem:s23+$0xFFFFFFD0] =	vst v45  }
0x7f: {  	s30 =	sadd.s32 $0x10, s30;
	v30 =	vor.u32 v2, v47;
	s0 =	sadd.s32 $0xFFFFFFFB, s25;
	v38 =	vld.idx.msk [tilespmem:v23+s4+$0x0], $0xffff;
	[tilespmem:s22+$0x90] =	vst v46;
	v23 =	vor.u32 v2, v9;
	v9 =	vbroadcast v20, $0x0  }
0x80: {  	_ = 	snop  }
0x81: {  	[tilespmem:s23+$0xD0] =	vst v37  }
0x82: {  	[tilespmem:s26+$0x80] =	vst v24  }
0x83: {  	[tilespmem:s26+$0xFFFFFF10] =	vst v33  }
0x84: {  	v7 =	vld.idx.msk [tilespmem:v7+s4+$0x0], $0xffff;
	[tilespmem:s24+$0x0] =	vst v14  }
0x85: {  	v5 =	vld.idx.msk [tilespmem:v5+s4+$0x0], $0xffff;
	[tilespmem:s23+$0x60] =	vst v36  }
0x86: {  	v47 =	vld.idx.msk [tilespmem:v32+s4+$0x0], $0xffff;
	[tilespmem:s22+$0x20] =	vst v35  }
0x87: {  	v49 =	vld.idx.msk [tilespmem:v29+s4+$0x0], $0xffff;
	[tilespmem:s23+$0xFFFFFF60] =	vst v40  }
0x88: {  	v20 =	vld.idx.msk [tilespmem:v39+s4+$0x0], $0xffff;
	[tilespmem:s26+$0xFFFFFF80] =	vst v38  }
0x89: {  	v18 =	vld.idx.msk [tilespmem:v18+s4+$0x0], $0xffff;
	[tilespmem:s22+$0xFFFFFFB0] =	vst v7  }
0x8a: {  	v50 =	vld.idx.msk [tilespmem:v23+s4+$0x0], $0xffff;
	[tilespmem:s22+$0xA0] =	vst v5  }
0x8b: {  	v6 =	vld.idx.msk [tilespmem:v6+s4+$0x0], $0xffff;
	[tilespmem:s23+$0xFFFFFFE0] =	vst v47  }
0x8c: {  	v55 =	vor.u32 v2, v22;
	v5 =	vld.idx.msk [tilespmem:v31+s4+$0x0], $0xffff;
	[tilespmem:s22+$0xFFFFFF40] =	vst v49  }
0x8d: {  	v11 =	vld.idx.msk [tilespmem:v11+s4+$0x0], $0xffff;
	[tilespmem:s23+$0xE0] =	vst v20  }
0x8e: {  	v48 =	vor.u32 v2, v34;
	[tilespmem:s26+$0xFFFFFF20] =	vst v18;
	v4 =	vld.idx.msk [tilespmem:v4+s4+$0x0], $0xffff  }
0x8f: {  	s2 =	sadd.s32 $0xFFFFFFFF, s28;
	v54 =	vld.idx.msk [tilespmem:v30+s4+$0x0], $0xffff;
	[tilespmem:s23+$0x70] =	vst v50  }
0x90: {  	v51 =	vmov s2;
	v58 =	vld.idx.msk [tilespmem:v28+s4+$0x0], $0xffff;
	[tilespmem:s22+$0x30] =	vst v6  }
0x91: {  	v57 =	vor.u32 v2, v17;
	s31 =	sadd.s32 $0xFFFFFFF4, s28;
	v53 =	vand.u32 $0x7E, v51;
	v59 =	vld.idx.msk [tilespmem:v55+s4+$0x0], $0xffff;
	[tilespmem:s23+$0xFFFFFF70] =	vst v5  }
0x92: {  	v62 =	vmov s31;
	v6 =	vbroadcast v53, $0x0;
	v5 =	vld.idx.msk [tilespmem:v16+s4+$0x0], $0xffff;
	[tilespmem:s24+$0xFFFFFF90] =	vst v11  }
0x93: {  	v23 =	vand.u32 $0x73, v62;
	v52 =	vld.idx.msk [tilespmem:v48+s4+$0x0], $0xffff;
	[tilespmem:s22+$0xB0] =	vst v4  }
0x94: {  	v24 =	vbroadcast v23, $0x0;
	v56 =	vor.u32 v1, v6;
	v4 =	vld.idx.msk [tilespmem:v12+s4+$0x0], $0xffff;
	[tilespmem:s23+$0xFFFFFFF0] =	vst v54  }
0x95: {  	v8 =	vld.idx.msk [tilespmem:v8+s4+$0x0], $0xffff;
	[tilespmem:s22+$0xFFFFFFC0] =	vst v58  }
0x96: {  	s3 =	sadd.s32 $0xFFFFFFF3, s25;
	v30 =	vor.u32 v1, v24;
	v16 =	vld.idx.msk [tilespmem:v57+s4+$0x0], $0xffff;
	[tilespmem:s22+$0xFFFFFF50] =	vst v59  }
0x97: {  	v31 =	vmov s3;
	v13 =	vld.idx.msk [tilespmem:v13+s4+$0x0], $0xffff;
	[tilespmem:s24+$0x10] =	vst v5  }
0x98: {  	v20 =	vand.u32 $0x72, v31;
	[tilespmem:s23+$0xF0] =	vst v52;
	v5 =	vmov s0;
	v63 =	vld.idx.msk [tilespmem:v15+s4+$0x0], $0xffff  }
0x99: {  	v61 =	vor.u32 v2, v25;
	v34 =	vbroadcast v20, $0x0;
	s23 =	sadd.s32 $0xFFFFFFF7, s25;
	v60 =	vld.idx.msk [tilespmem:v56+s4+$0x0], $0xffff;
	v5 =	vand.u32 $0x7A, v5;
	[tilespmem:s24+$0x90] =	vst v4  }
0x9a: {  	v35 =	vmov s23;
	[tilespmem:s22+$0x40] =	vst v8;
	v4 =	vbroadcast v5, $0x0;
	v5 =	vor.u32 v2, v6;
	v25 =	vld.idx.msk [tilespmem:v27+s4+$0x0], $0xffff  }
0x9b: {  	v18 =	vld.idx.msk [tilespmem:v30+s4+$0x0], $0xffff;
	v20 =	vand.u32 $0x76, v35;
	[tilespmem:s24+$0xFFFFFF30] =	vst v16;
	v27 =	vor.u32 v2, v21  }
0x9c: {  	s8 =	sadd.s32 $0xFFFFFFFF, s25;
	v37 =	vor.u32 v1, v34;
	v10 =	vld.idx.msk [tilespmem:v10+s4+$0x0], $0xffff;
	v20 =	vbroadcast v20, $0x0;
	[tilespmem:s24+$0xFFFFFFA0] =	vst v13  }
0x9d: {  	v33 =	vmov s8;
	v40 =	vld.idx.msk [tilespmem:v26+s4+$0x0], $0xffff;
	[tilespmem:s24+$0x20] =	vst v63  }
0x9e: {  	v11 =	vand.u32 $0x7E, v33;
	v42 =	vor.u32 v1, v20;
	[tilespmem:s22+$0xC0] =	vst v60;
	v19 =	vld.idx.msk [tilespmem:v19+s4+$0x0], $0xffff  }
0x9f: {  	v11 =	vbroadcast v11, $0x0;
	v29 =	vor.u32 v1, v4;
	v5 =	vld.idx.msk [tilespmem:v5+s4+$0x0], $0xffff;
	[tilespmem:s24+$0xA0] =	vst v25  }
0xa0: {  	v28 =	vor.u32 v1, v9;
	s26 =	sadd.s32 $0xFFFFFFF8, s28;
	[tilespmem:s22+$0xFFFFFF60] =	vst v18;
	v38 =	vld.idx.msk [tilespmem:v27+s4+$0x0], $0xffff  }
0xa1: {  	v36 =	vmov s26;
	v41 =	vor.u32 v1, v11;
	v45 =	vld.idx.msk [tilespmem:v37+s4+$0x0], $0xffff;
	[tilespmem:s22+$0x50] =	vst v10  }
0xa2: {  	v39 =	vand.u32 $0x77, v36;
	v47 =	vor.u32 v2, v34;
	v14 =	vld.idx.msk [tilespmem:v61+s4+$0x0], $0xffff;
	[tilespmem:s24+$0xFFFFFFB0] =	vst v40  }
0xa3: {  	s29 =	sadd.s32 $0xFFFFFFF4, s25;
	v15 =	vbroadcast v39, $0x0;
	v6 =	vor.u32 v2, v24;
	v49 =	vld.idx.msk [tilespmem:v42+s4+$0x0], $0xffff;
	[tilespmem:s24+$0x30] =	vst v19  }
0xa4: {  	v32 =	vmov s28;
	s30 =	sadd.s32 $0xFFFFFFF8, s25;
	v51 =	vmov s29;
	v50 =	vor.u32 v2, v20;
	[tilespmem:s22+$0xD0] =	vst v5;
	v5 =	vld.idx.msk [tilespmem:v29+s4+$0x0], $0xffff  }
0xa5: {  	v54 =	vmov s30;
	v8 =	vand.u32 $0x7F, v32;
	v44 =	vor.u32 v1, v15;
	v17 =	vld.idx.msk [tilespmem:v28+s4+$0x0], $0xffff;
	[tilespmem:s24+$0xB0] =	vst v38  }
0xa6: {  	v8 =	vbroadcast v8, $0x0;
	v18 =	vand.u32 $0x73, v51;
	v4 =	vor.u32 v2, v4;
	[tilespmem:s24+$0xFFFFFF40] =	vst v45;
	v48 =	vld.idx.msk [tilespmem:v41+s4+$0x0], $0xffff  }
0xa7: {  	s28 =	sadd.s32 $0xFFFFFFFC, s25;
	v11 =	vor.u32 v2, v11;
	[tilespmem:s22+$0xFFFFFFD0] =	vst v14;
	v53 =	vbroadcast v18, $0x0;
	v18 =	vand.u32 $0x77, v54;
	v13 =	vld.idx.msk [tilespmem:v47+s4+$0x0], $0xffff  }
0xa8: {  	v46 =	vmov s28;
	v43 =	vor.u32 v1, v8;
	v57 =	vbroadcast v18, $0x0;
	v6 =	vld.idx.msk [tilespmem:v6+s4+$0x0], $0xffff;
	[tilespmem:s24+$0xFFFFFFC0] =	vst v49  }
0xa9: {  	v12 =	vand.u32 $0x7B, v46;
	v56 =	vor.u32 v1, v53;
	v58 =	vld.idx.msk [tilespmem:v50+s4+$0x0], $0xffff;
	[tilespmem:s24+$0x40] =	vst v5;
	v5 =	vmov s25  }
0xaa: {  	v12 =	vbroadcast v12, $0x0;
	v18 =	vor.u32 v1, v57;
	[tilespmem:s22+$0x60] =	vst v17;
	v19 =	vld.idx.msk [tilespmem:v44+s4+$0x0], $0xffff;
	v5 =	vand.u32 $0x7F, v5  }
0xab: {  	v52 =	vor.u32 v2, v9;
	v4 =	vld.idx.msk [tilespmem:v4+s4+$0x0], $0xffff;
	[tilespmem:s24+$0xC0] =	vst v48;
	v5 =	vbroadcast v5, $0x0  }
0xac: {  	v55 =	vor.u32 v1, v12;
	[tilespmem:s24+$0xFFFFFF50] =	vst v13;
	v11 =	vld.idx.msk [tilespmem:v11+s4+$0x0], $0xffff  }
0xad: {  	[tilespmem:s22+$0xFFFFFF70] =	vst v6;
	v14 =	vld.idx.msk [tilespmem:v43+s4+$0x0], $0xffff;
	v59 =	vor.u32 v1, v5  }
0xae: {  	v8 =	vor.u32 v2, v8;
	v10 =	vld.idx.msk [tilespmem:v56+s4+$0x0], $0xffff;
	[tilespmem:s24+$0xFFFFFFD0] =	vst v58  }
0xaf: {  	v7 =	vor.u32 v2, v53;
	[tilespmem:s22+$0xFFFFFFE0] =	vst v19;
	v61 =	vld.idx.msk [tilespmem:v18+s4+$0x0], $0xffff  }
0xb0: {  	v62 =	vor.u32 v2, v57;
	v9 =	vld.idx.msk [tilespmem:v52+s4+$0x0], $0xffff;
	[tilespmem:s24+$0x50] =	vst v4  }
0xb1: {  	v4 =	vor.u32 v2, v15;
	v60 =	vld.idx.msk [tilespmem:v55+s4+$0x0], $0xffff;
	[tilespmem:s24+$0xD0] =	vst v11  }
0xb2: {  	v12 =	vor.u32 v2, v12;
	[tilespmem:s22+$0xE0] =	vst v14;
	v11 =	vld.idx.msk [tilespmem:v59+s4+$0x0], $0xffff  }
0xb3: {  	[tilespmem:s24+$0xFFFFFF60] =	vst v10;
	v8 =	vld.idx.msk [tilespmem:v8+s4+$0x0], $0xffff;
	v5 =	vor.u32 v2, v5  }
0xb4: {  	v7 =	vld.idx.msk [tilespmem:v7+s4+$0x0], $0xffff;
	[tilespmem:s24+$0xFFFFFFE0] =	vst v61  }
0xb5: {  	[tilespmem:s22+$0x70] =	vst v9;
	v6 =	vld.idx.msk [tilespmem:v62+s4+$0x0], $0xffff  }
0xb6: {  	v4 =	vld.idx.msk [tilespmem:v4+s4+$0x0], $0xffff;
	[tilespmem:s24+$0x60] =	vst v60  }
0xb7: {  	v63 =	vld.idx.msk [tilespmem:v12+s4+$0x0], $0xffff;
	[tilespmem:s24+$0xE0] =	vst v11  }
0xb8: {  	[tilespmem:s22+$0xF0] =	vst v8;
	v5 =	vld.idx.msk [tilespmem:v5+s4+$0x0], $0xffff  }
0xb9: {  	[tilespmem:s24+$0xFFFFFF70] =	vst v7  }
0xba: {  	[tilespmem:s24+$0xFFFFFFF0] =	vst v6  }
0xbb: {  	[tilespmem:s22+$0xFFFFFFF0] =	vst v4  }
0xbc: {  	s31 =	sshll.u32 s21, $0x9;
	[tilespmem:s24+$0x70] =	vst v63  }
0xbd: {  	s0 =	sadd.s32 s7, s31;
	[tilespmem:s24+$0xF0] =	vst v5  }
0xbe: {  	[hbm4b:s0+s4] =	stream.linear.scatter [tilespmem:s12], [sflag:$0x3], $0x1000, $0x38;
	[tilespmem:$0x6000] =	vst v63  }
.LBB2_6:
0xbf: {  	s0 =	sadd.s32 s20, s1  }
0xc0: {  	s2 =	sadd.s32 $0x2, s0  }
0xc1: {  	p4 =	sge.u32 s2, s6  }
0xc2: {  	s2 =	sshll.u32 @!p4 s2, $0x7  }
0xc3: {  	s20 =	sadd.s32 $0x1, s0;
	s3 =	simm.s32 @!p4 $0x7A1400;
	s2 =	sand.u32 @!p4 $0x1FFFFF80, s2  }
0xc4: {  	s8 =	simm.s32 @!p4 $0x0;
	s0 =	sadd.s32 @!p4 s5, s2;
	s2 =	simm.s32 @!p4 $0x400  }
0xc5: {  	[tilespmem:s8], [sflag:$0x1] =	stream.strided.gather @!p4 [hbm4b:s0+s2], $0x1000, s3, s2, $0x38;
	[tilespmem:$0x6000] =	vst v63  }
0xc6: {  	p4 =	sge.u32 s20, s6  }
.Ltmp6:
0xc7: {  	_ = 	snop;
	(pc) =	sbr.rel @p4 .LBB2_10-.Ltmp6, $1  }
0xc8: {  	_ =	sdelay $0x3  }
0xc9: {  	s0 =	simm.s32 $0x0;
	s21 =	simm.s32 $0x8  }
0xca: {  	s2 =	simm.s32 $0x4;
	s22 =	simm.s32 $0xC;
	s23 =	simm.s32 $0x1;
	v4 =	vmov s0;
	v5 =	vmov s21  }
0xcb: {  	s24 =	simm.s32 $0x5;
	s25 =	simm.s32 $0x9;
	s3 =	simm.s32 $0xD;
	v6 =	vmov s2;
	v7 =	vmov s22;
	v11 =	vmov s23  }
0xcc: {  	s30 =	simm.s32 $0x10;
	s31 =	simm.s32 $0x18;
	v13 =	vmov s24;
	v14 =	vmov s25;
	v15 =	vmov s3  }
0xcd: {  	s8 =	simm.s32 $0x14;
	v19 =	vmov s30;
	v20 =	vmov s31;
	v4 =	vand.u32 $0x70, v4  }
0xce: {  	v21 =	vmov s8;
	v6 =	vand.u32 $0x74, v6;
	v4 =	vbroadcast v4, $0x0  }
0xcf: {  	_ =	swait.ge [sflag:s13], $0x1000;
	v5 =	vand.u32 $0x78, v5;
	v7 =	vand.u32 $0x7C, v7;
	v6 =	vbroadcast v6, $0x0  }
0xd0: {  	[sflag:s13] =	ssyncset.done $0x0;
	v11 =	vand.u32 $0x71, v11;
	v5 =	vbroadcast v5, $0x0;
	v8 =	vor.u32 v1, v4  }
0xd1: {  	s2 =	simm.s32 @!p3 $0x4;
	[sflag:s13] =	ssyncadd.s32 $0xFFFFF000;
	v13 =	vand.u32 $0x75, v13;
	v7 =	vbroadcast v7, $0x0;
	v9 =	vor.u32 v1, v6  }
0xd2: {  	v14 =	vand.u32 $0x79, v14;
	v15 =	vand.u32 $0x7D, v15;
	_ =	swait.ge @!p3 [sflag:s2], $0x1000;
	v10 =	vor.u32 v1, v5  }
0xd3: {  	v19 =	vand.u32 $0x70, v19;
	v11 =	vbroadcast v11, $0x0;
	[sflag:s2] =	ssyncset.done @!p3 $0x0;
	v12 =	vor.u32 v1, v7  }
0xd4: {  	s21 =	simm.s32 $0x1C;
	v21 =	vand.u32 $0x74, v21;
	v13 =	vbroadcast v13, $0x0;
	v14 =	vbroadcast v14, $0x0;
	[sflag:s2] =	ssyncadd.s32 @!p3 $0xFFFFF000  }
0xd5: {  	v23 =	vmov s21;
	v15 =	vbroadcast v15, $0x0;
	v19 =	vbroadcast v19, $0x0;
	v8 =	vld.idx.msk [tilespmem:v8+s14+$0x0], $0xffff  }
0xd6: {  	v4 =	vor.u32 v2, v4;
	v6 =	vor.u32 v2, v6;
	v7 =	vor.u32 v2, v7;
	v9 =	vld.idx.msk [tilespmem:v9+s14+$0x0], $0xffff  }
0xd7: {  	v5 =	vor.u32 v2, v5;
	v16 =	vor.u32 v1, v11;
	v17 =	vor.u32 v1, v13;
	v10 =	vld.idx.msk [tilespmem:v10+s14+$0x0], $0xffff  }
0xd8: {  	s26 =	simm.s32 $0xA;
	v18 =	vor.u32 v1, v14;
	v22 =	vor.u32 v1, v15;
	v14 =	vor.u32 v2, v14;
	v12 =	vld.idx.msk [tilespmem:v12+s14+$0x0], $0xffff  }
0xd9: {  	s22 =	simm.s32 $0x31F0;
	v24 =	vor.u32 v2, v13;
	v13 =	vmov s26;
	v15 =	vor.u32 v2, v15  }
0xda: {  	v13 =	vand.u32 $0x7A, v13;
	[tilespmem:s22+$0xFFFFFE10] =	vst v8;
	v8 =	vand.u32 $0x78, v20;
	v20 =	vbroadcast v21, $0x0  }
0xdb: {  	s23 =	simm.s32 $0x11;
	s24 =	simm.s32 $0x15;
	v21 =	vand.u32 $0x7C, v23;
	v23 =	vbroadcast v13, $0x0;
	v13 =	vor.u32 v1, v19;
	[tilespmem:s22+$0xFFFFFE90] =	vst v9;
	v4 =	vld.idx.msk [tilespmem:v4+s14+$0x0], $0xffff  }
0xdc: {  	v29 =	vor.u32 v2, v19;
	v9 =	vmov s23;
	v19 =	vmov s24;
	[tilespmem:s22+$0xFFFFFF10] =	vst v10;
	v6 =	vld.idx.msk [tilespmem:v6+s14+$0x0], $0xffff  }
0xdd: {  	s31 =	simm.s32 $0x6;
	[tilespmem:s22+$0xFFFFFF90] =	vst v12;
	s23 =	simm.s32 $0x28;
	s24 =	simm.s32 $0x24;
	v8 =	vbroadcast v8, $0x0;
	v21 =	vbroadcast v21, $0x0;
	v9 =	vand.u32 $0x71, v9;
	v5 =	vld.idx.msk [tilespmem:v5+s14+$0x0], $0xffff  }
0xde: {  	v33 =	vld.idx.msk [tilespmem:v7+s14+$0x0], $0xffff;
	v7 =	vmov s31;
	v55 =	vmov s23;
	v56 =	vmov s24  }
0xdf: {  	s25 =	simm.s32 $0x19;
	v25 =	vor.u32 v1, v20;
	v28 =	vor.u32 v1, v23;
	v30 =	vor.u32 v2, v20  }
0xe0: {  	v10 =	vbroadcast v9, $0x0;
	v20 =	vmov s25;
	v26 =	vor.u32 v1, v8;
	v31 =	vld.idx.msk [tilespmem:v13+s14+$0x0], $0xffff;
	[tilespmem:s22+$0xFFFFFE20] =	vst v4  }
0xe1: {  	s30 =	simm.s32 $0x2;
	v27 =	vor.u32 v1, v21;
	v9 =	vor.u32 v2, v21;
	v20 =	vand.u32 $0x79, v20;
	[tilespmem:s22+$0xFFFFFEA0] =	vst v6;
	v16 =	vld.idx.msk [tilespmem:v16+s14+$0x0], $0xffff  }
0xe2: {  	s26 =	simm.s32 $0x1D;
	v12 =	vbroadcast v20, $0x0;
	v20 =	vmov s30;
	v4 =	vor.u32 v2, v11;
	[tilespmem:s22+$0xFFFFFF20] =	vst v5;
	v17 =	vld.idx.msk [tilespmem:v17+s14+$0x0], $0xffff  }
0xe3: {  	v11 =	vand.u32 $0x75, v19;
	v19 =	vor.u32 v2, v8;
	v6 =	vmov s26;
	[tilespmem:s22+$0xFFFFFFA0] =	vst v33;
	v18 =	vld.idx.msk [tilespmem:v18+s14+$0x0], $0xffff  }
0xe4: {  	v8 =	vor.u32 v1, v10;
	s26 =	simm.s32 $0x2C;
	v10 =	vor.u32 v2, v10;
	v6 =	vand.u32 $0x7D, v6;
	v22 =	vld.idx.msk [tilespmem:v22+s14+$0x0], $0xffff  }
0xe5: {  	s21 =	simm.s32 $0x33F0;
	v11 =	vbroadcast v11, $0x0;
	v25 =	vld.idx.msk [tilespmem:v25+s14+$0x0], $0xffff;
	v59 =	vmov s26;
	v32 =	vbroadcast v6, $0x0  }
0xe6: {  	s26 =	simm.s32 $0x12;
	v13 =	vld.idx.msk [tilespmem:v26+s14+$0x0], $0xffff;
	v26 =	vor.u32 v2, v23;
	v6 =	vand.u32 $0x72, v20;
	v20 =	vor.u32 v1, v12;
	[tilespmem:s21+$0xFFFFFE10] =	vst v31  }
0xe7: {  	v63 =	vmov s26;
	v21 =	vor.u32 v1, v11;
	v5 =	vor.u32 v1, v32;
	v29 =	vld.idx.msk [tilespmem:v29+s14+$0x0], $0xffff;
	[tilespmem:s22+$0xFFFFFE30] =	vst v16  }
0xe8: {  	s3 =	simm.s32 $0x1A;
	v16 =	vbroadcast v6, $0x0;
	v6 =	vand.u32 $0x76, v7;
	[tilespmem:s22+$0xFFFFFEB0] =	vst v17;
	v7 =	vor.u32 v2, v11;
	v34 =	vld.idx.msk [tilespmem:v4+s14+$0x0], $0xffff  }
0xe9: {  	s8 =	simm.s32 $0x20;
	s2 =	simm.s32 $0xB;
	v17 =	vmov s3;
	[tilespmem:s22+$0xFFFFFF30] =	vst v18;
	v31 =	vbroadcast v6, $0x0;
	v6 =	vor.u32 v2, v12;
	v12 =	vld.idx.msk [tilespmem:v27+s14+$0x0], $0xffff  }
0xea: {  	[tilespmem:s22+$0xFFFFFFB0] =	vst v22;
	v4 =	vmov s2;
	v27 =	vmov s8;
	v14 =	vld.idx.msk [tilespmem:v14+s14+$0x0], $0xffff;
	v35 =	vor.u32 v1, v16  }
0xeb: {  	[tilespmem:s21+$0xFFFFFE90] =	vst v25;
	v24 =	vld.idx.msk [tilespmem:v24+s14+$0x0], $0xffff;
	v17 =	vand.u32 $0x7A, v17;
	v4 =	vand.u32 $0x7B, v4;
	v27 =	vand.u32 $0x70, v27  }
0xec: {  	v15 =	vld.idx.msk [tilespmem:v15+s14+$0x0], $0xffff;
	[tilespmem:s21+$0xFFFFFF10] =	vst v13;
	v37 =	vbroadcast v17, $0x0;
	v16 =	vor.u32 v2, v16;
	v11 =	vor.u32 v1, v31  }
0xed: {  	v19 =	vld.idx.msk [tilespmem:v19+s14+$0x0], $0xffff;
	v23 =	vbroadcast v4, $0x0;
	v4 =	vor.u32 v2, v32;
	v18 =	vbroadcast v27, $0x0;
	[tilespmem:s21+$0xFFFFFE20] =	vst v29  }
0xee: {  	v27 =	vand.u32 $0x74, v56;
	v25 =	vor.u32 v2, v31;
	v29 =	vand.u32 $0x78, v55;
	v57 =	vld.idx.msk [tilespmem:v8+s14+$0x0], $0xffff;
	[tilespmem:s22+$0xFFFFFE40] =	vst v34  }
0xef: {  	s25 =	simm.s32 $0xE;
	v27 =	vbroadcast v27, $0x0;
	v36 =	vor.u32 v1, v23;
	v58 =	vor.u32 v1, v18;
	[tilespmem:s22+$0xFFFFFF40] =	vst v14;
	v17 =	vld.idx.msk [tilespmem:v35+s14+$0x0], $0xffff  }
0xf0: {  	s30 =	simm.s32 $0x3;
	v29 =	vbroadcast v29, $0x0;
	v8 =	vmov s25;
	v40 =	vor.u32 v2, v18;
	[tilespmem:s21+$0xFFFFFF90] =	vst v12;
	v28 =	vld.idx.msk [tilespmem:v28+s14+$0x0], $0xffff  }
0xf1: {  	v18 =	vmov s30;
	v23 =	vor.u32 v2, v23;
	[tilespmem:s22+$0xFFFFFEC0] =	vst v24;
	v8 =	vand.u32 $0x7E, v8;
	v46 =	vld.idx.msk [tilespmem:v9+s14+$0x0], $0xffff  }
0xf2: {  	v24 =	vand.u32 $0x7C, v59;
	v38 =	vor.u32 v1, v27;
	v22 =	vbroadcast v8, $0x0;
	v61 =	vld.idx.msk [tilespmem:v11+s14+$0x0], $0xffff  }
0xf3: {  	s3 =	simm.s32 $0x29;
	v18 =	vand.u32 $0x73, v18;
	v60 =	vor.u32 v1, v29;
	[tilespmem:s21+$0xFFFFFF20] =	vst v19;
	v11 =	vor.u32 v2, v27;
	v27 =	vld.idx.msk [tilespmem:v30+s14+$0x0], $0xffff  }
0xf4: {  	s2 =	simm.s32 $0x25;
	[tilespmem:s22+$0xFFFFFFC0] =	vst v15;
	v15 =	vmov s3;
	v24 =	vbroadcast v24, $0x0;
	v35 =	vld.idx.msk [tilespmem:v20+s14+$0x0], $0xffff;
	v31 =	vor.u32 v1, v22  }
0xf5: {  	v8 =	vor.u32 v1, v37;
	v30 =	vor.u32 v2, v22;
	v22 =	vmov s2;
	v33 =	vld.idx.msk [tilespmem:v58+s14+$0x0], $0xffff;
	[tilespmem:s21+$0xFFFFFE30] =	vst v57  }
0xf6: {  	s30 =	simm.s32 $0x16;
	v41 =	vbroadcast v18, $0x0;
	v15 =	vand.u32 $0x79, v15;
	v18 =	vand.u32 $0x75, v22;
	v22 =	vld.idx.msk [tilespmem:v10+s14+$0x0], $0xffff  }
0xf7: {  	v9 =	vmov s30;
	v43 =	vbroadcast v15, $0x0;
	v39 =	vor.u32 v1, v24;
	v38 =	vld.idx.msk [tilespmem:v38+s14+$0x0], $0xffff  }
0xf8: {  	s31 =	simm.s32 $0x21;
	v9 =	vand.u32 $0x76, v9;
	v12 =	vor.u32 v2, v24;
	v42 =	vor.u32 v1, v41;
	[tilespmem:s22+$0xFFFFFE50] =	vst v17;
	v14 =	vld.idx.msk [tilespmem:v60+s14+$0x0], $0xffff  }
0xf9: {  	v15 =	vor.u32 v1, v43;
	v19 =	vor.u32 v2, v43;
	v17 =	vmov s31;
	[tilespmem:s22+$0xFFFFFF50] =	vst v28;
	v31 =	vld.idx.msk [tilespmem:v31+s14+$0x0], $0xffff  }
0xfa: {  	s23 =	simm.s32 $0x2D;
	s8 =	simm.s32 $0xF;
	v10 =	vor.u32 v2, v37;
	v28 =	vbroadcast v18, $0x0;
	[tilespmem:s21+$0xFFFFFFA0] =	vst v46;
	v17 =	vand.u32 $0x71, v17;
	v62 =	vld.idx.msk [tilespmem:v16+s14+$0x0], $0xffff  }
0xfb: {  	s24 =	simm.s32 $0x7;
	v16 =	vor.u32 v2, v29;
	v26 =	vld.idx.msk [tilespmem:v26+s14+$0x0], $0xffff;
	[tilespmem:s21+$0xFFFFFEA0] =	vst v27;
	v27 =	vmov s8;
	v29 =	vmov s23  }
0xfc: {  	s25 =	simm.s32 $0x35F0;
	[tilespmem:s22+$0xFFFFFED0] =	vst v61;
	v17 =	vbroadcast v17, $0x0;
	v13 =	vor.u32 v1, v28;
	v44 =	vld.idx.msk [tilespmem:v21+s14+$0x0], $0xffff;
	v21 =	vmov s24  }
0xfd: {  	v27 =	vand.u32 $0x7F, v27;
	v29 =	vand.u32 $0x7D, v29;
	v45 =	vld.idx.msk [tilespmem:v25+s14+$0x0], $0xffff;
	[tilespmem:s25+$0xFFFFFE10] =	vst v33;
	v25 =	vand.u32 $0x77, v21  }
0xfe: {  	v24 =	vld.idx.msk [tilespmem:v39+s14+$0x0], $0xffff;
	v21 =	vbroadcast v29, $0x0;
	v29 =	vand.u32 $0x72, v63;
	v34 =	vbroadcast v27, $0x0;
	[tilespmem:s22+$0xFFFFFFD0] =	vst v31  }
0xff: {  	s31 =	simm.s32 $0x1B;
	v18 =	vor.u32 v1, v17;
	v47 =	vbroadcast v25, $0x0;
	[tilespmem:s21+$0xFFFFFE40] =	vst v22;
	v22 =	vbroadcast v29, $0x0;
	v37 =	vld.idx.msk [tilespmem:v30+s14+$0x0], $0xffff  }
0x100: {  	v33 =	vld.idx.msk [tilespmem:v40+s14+$0x0], $0xffff;
	v25 =	vbroadcast v9, $0x0;
	v9 =	vmov s31;
	v27 =	vor.u32 v1, v21;
	[tilespmem:s22+$0xFFFFFE60] =	vst v62  }
0x101: {  	v39 =	vor.u32 v1, v34;
	v32 =	vor.u32 v1, v47;
	[tilespmem:s22+$0xFFFFFF60] =	vst v26;
	v29 =	vor.u32 v1, v22  }
0x102: {  	s28 =	simm.s32 $0x8;
	s29 =	simm.s32 $0x3F;
	s0 =	simm.s32 $0x2A;
	v9 =	vand.u32 $0x7B, v9;
	v26 =	vor.u32 v2, v28;
	v28 =	vor.u32 v1, v25;
	v36 =	vld.idx.msk [tilespmem:v36+s14+$0x0], $0xffff;
	[tilespmem:s21+$0xFFFFFEB0] =	vst v44  }
0x103: {  	s26 =	simm.s32 $0x1F;
	s23 =	simm.s32 $0x35F0;
	s24 =	simm.s32 $0x2F;
	v9 =	vbroadcast v9, $0x0;
	v31 =	vor.u32 v2, v41;
	v40 =	vld.idx.msk [tilespmem:v42+s14+$0x0], $0xffff;
	[tilespmem:s22+$0xFFFFFEE0] =	vst v45;
	v30 =	vor.u32 v2, v47  }
.LBB2_8:
0x104: {  	s2 =	sadd.s32 $0xFFFFFFF1, s29;
	s3 =	sadd.s32 $0xFFFFFFF9, s29;
	s28 =	sadd.s32 $0x4, s28;
	v41 =	vmov s0;
	v21 =	vor.u32 v2, v21;
	v42 =	vld.idx.msk [tilespmem:v5+s14+$0x0], $0xffff;
	[tilespmem:s22+$0xFFFFFFE0] =	vst v37;
	v34 =	vor.u32 v2, v34;
	v5 =	vmovc v27  }
0x105: {  	s0 =	sadd.s32 $0xFFFFFFF5, s29;
	v27 =	vmov s2;
	v37 =	vmov s3;
	p3 =	slt.u32 s28, $0x1C;
	[tilespmem:s25+$0xFFFFFF90] =	vst v24;
	v24 =	vld.idx.msk [tilespmem:v7+s14+$0x0], $0xffff;
	v20 =	vor.u32 v1, v9;
	v7 =	vmovc v26  }
0x106: {  	v26 =	vand.u32 $0x70, v27;
	v27 =	vmov s0;
	[tilespmem:s25+$0xFFFFFE20] =	vst v33;
	v33 =	vand.u32 $0x7A, v41;
	v39 =	vld.idx.msk [tilespmem:v39+s14+$0x0], $0xffff  }
0x107: {  	v37 =	vand.u32 $0x78, v37;
	s0 =	sadd.s32 $0xFFFFFFFD, s29;
	v26 =	vbroadcast v26, $0x0;
	v27 =	vand.u32 $0x74, v27;
	v18 =	vld.idx.msk [tilespmem:v18+s14+$0x0], $0xffff;
	[tilespmem:s22+$0xFFFFFF70] =	vst v36  }
0x108: {  	v36 =	vmov s0;
	v33 =	vbroadcast v33, $0x0;
	v27 =	vbroadcast v27, $0x0;
	[tilespmem:s22+$0xFFFFFE70] =	vst v40;
	v40 =	vld.idx.msk [tilespmem:v23+s14+$0x0], $0xffff  }
0x109: {  	v37 =	vbroadcast v37, $0x0;
	v36 =	vand.u32 $0x7C, v36;
	v41 =	vor.u32 v1, v26;
	[tilespmem:s21+$0xFFFFFF30] =	vst v35;
	v32 =	vld.idx.msk [tilespmem:v32+s14+$0x0], $0xffff  }
0x10a: {  	v25 =	vor.u32 v2, v25;
	v35 =	vbroadcast v36, $0x0;
	v23 =	vor.u32 v1, v27;
	[tilespmem:s25+$0xFFFFFE90] =	vst v38;
	v36 =	vld.idx.msk [tilespmem:v6+s14+$0x0], $0xffff  }
0x10b: {  	v22 =	vor.u32 v2, v22;
	s0 =	sadd.s32 $0xFFFFFFFF, s26;
	v38 =	vor.u32 v1, v37;
	v6 =	vmov v19;
	v29 =	vld.idx.msk [tilespmem:v29+s14+$0x0], $0xffff;
	[tilespmem:s21+$0xFFFFFEC0] =	vst v24  }
0x10c: {  	v19 =	vor.u32 v1, v35;
	v24 =	vmov s0;
	v31 =	vld.idx.msk [tilespmem:v31+s14+$0x0], $0xffff;
	[tilespmem:s22+$0xFFFFFFF0] =	vst v39  }
0x10d: {  	[tilespmem:s25+$0xFFFFFE30] =	vst v18;
	v18 =	vand.u32 $0x7E, v24;
	v24 =	vld.idx.msk [tilespmem:v34+s14+$0x0], $0xffff  }
0x10e: {  	v28 =	vld.idx.msk [tilespmem:v28+s14+$0x0], $0xffff;
	[tilespmem:s21+$0xFFFFFFB0] =	vst v42;
	v18 =	vbroadcast v18, $0x0  }
0x10f: {  	v34 =	vor.u32 v1, v33;
	v39 =	vld.idx.msk [tilespmem:v4+s14+$0x0], $0xffff;
	[tilespmem:s22+$0xFFFFFEF0] =	vst v32;
	v4 =	vmov v21  }
0x110: {  	v26 =	vor.u32 v2, v26;
	[tilespmem:s21+$0xFFFFFF40] =	vst v36;
	v21 =	vor.u32 v1, v18;
	v30 =	vld.idx.msk [tilespmem:v30+s14+$0x0], $0xffff  }
0x111: {  	v27 =	vor.u32 v2, v27;
	s0 =	sadd.s32 $0xFFFFFFF4, s26;
	v32 =	vor.u32 v2, v17;
	[tilespmem:s21+$0xFFFFFE50] =	vst v29;
	v29 =	vld.idx.msk [tilespmem:v8+s14+$0x0], $0xffff;
	v8 =	vmov v34  }
0x112: {  	s2 =	sadd.s32 $0xFFFFFFF2, s29;
	v17 =	vmov s0;
	v36 =	vor.u32 v2, v18;
	v34 =	vld.idx.msk [tilespmem:v41+s14+$0x0], $0xffff;
	[tilespmem:s22+$0xFFFFFF80] =	vst v40  }
0x113: {  	v35 =	vor.u32 v2, v35;
	s25 =	sadd.s32 $0x200, s25;
	s0 =	sadd.s32 $0xFFFFFFF6, s29;
	v18 =	vmov s2;
	v17 =	vand.u32 $0x73, v17;
	v40 =	vld.idx.msk [tilespmem:v11+s14+$0x0], $0xffff;
	[tilespmem:s22+$0xFFFFFE80] =	vst v31;
	v11 =	vmovc v27  }
0x114: {  	v18 =	vand.u32 $0x71, v18;
	v27 =	vmov s0;
	v31 =	vld.idx.msk [tilespmem:v38+s14+$0x0], $0xffff;
	v38 =	vbroadcast v17, $0x0;
	[tilespmem:s22+$0x0] =	vst v24  }
0x115: {  	s0 =	sadd.s32 $0xFFFFFFFA, s29;
	v17 =	vbroadcast v18, $0x0;
	v18 =	vand.u32 $0x75, v27;
	v27 =	vor.u32 v2, v37;
	v22 =	vld.idx.msk [tilespmem:v22+s14+$0x0], $0xffff;
	[tilespmem:s21+$0xFFFFFFC0] =	vst v39  }
0x116: {  	v24 =	vmov s0;
	v41 =	vbroadcast v18, $0x0;
	v42 =	vor.u32 v1, v38;
	v37 =	vld.idx.msk [tilespmem:v21+s14+$0x0], $0xffff;
	[tilespmem:s22+$0xFFFFFF00] =	vst v30;
	s22 =	smov.u32 s21;
	s21 =	smov.u32 s23;
	s23 =	smov.u32 s25  }
0x117: {  	v18 =	vor.u32 v1, v17;
	v21 =	vand.u32 $0x79, v24;
	v24 =	vor.u32 v2, v33;
	v30 =	vld.idx.msk [tilespmem:v32+s14+$0x0], $0xffff;
	[tilespmem:s22+$0xFFFFFF50] =	vst v29  }
0x118: {  	v29 =	vor.u32 v1, v41;
	v43 =	vbroadcast v21, $0x0;
	[tilespmem:s25+$0xFFFFFE10] =	vst v34;
	v39 =	vld.idx.msk [tilespmem:v10+s14+$0x0], $0xffff;
	v10 =	vmov v24  }
0x119: {  	v24 =	vld.idx.msk [tilespmem:v19+s14+$0x0], $0xffff;
	[tilespmem:s21+$0xFFFFFF10] =	vst v14  }
0x11a: {  	s2 =	sadd.s32 $0xFFFFFFF8, s26;
	s0 =	sadd.s32 $0xFFFFFFFE, s29;
	v21 =	vmov s26;
	s26 =	smov.u32 s24;
	v44 =	vor.u32 v1, v43;
	v14 =	vmovc v31;
	[tilespmem:s21+$0xFFFFFEA0] =	vst v40;
	v19 =	vld.idx.msk [tilespmem:v16+s14+$0x0], $0xffff;
	v16 =	vmov v27  }
0x11b: {  	s24 =	smov.u32 s29;
	v32 =	vand.u32 $0x7F, v21;
	v27 =	vmov s0;
	s0 =	sadd.s32 $0xFFFFFFF3, s26;
	v31 =	vld.idx.msk [tilespmem:v13+s14+$0x0], $0xffff;
	[tilespmem:s22+$0xFFFFFED0] =	vst v28;
	v28 =	vmov s2;
	v13 =	vmovc v29  }
0x11c: {  	v21 =	vand.u32 $0x7D, v27;
	v27 =	vmov s0;
	[tilespmem:s22+$0xFFFFFE60] =	vst v22;
	v45 =	vld.idx.msk [tilespmem:v25+s14+$0x0], $0xffff;
	v22 =	vand.u32 $0x77, v28  }
0x11d: {  	s0 =	sadd.s32 $0xFFFFFFF7, s26;
	v21 =	vbroadcast v21, $0x0;
	v25 =	vand.u32 $0x72, v27;
	v46 =	vld.idx.msk [tilespmem:v12+s14+$0x0], $0xffff;
	v47 =	vbroadcast v22, $0x0;
	[tilespmem:s22+$0xFFFFFFD0] =	vst v37;
	v12 =	vmovc v35  }
0x11e: {  	v34 =	vbroadcast v32, $0x0;
	v22 =	vbroadcast v25, $0x0;
	v25 =	vmov s0;
	[tilespmem:s21+$0xFFFFFE40] =	vst v30;
	v37 =	vld.idx.msk [tilespmem:v36+s14+$0x0], $0xffff  }
.Ltmp7:
0x11f: {  	v27 =	vor.u32 v1, v21;
	v25 =	vand.u32 $0x76, v25;
	v33 =	vld.idx.msk [tilespmem:v26+s14+$0x0], $0xffff;
	v32 =	vor.u32 v1, v47;
	[tilespmem:s22+$0xFFFFFF60] =	vst v39;
	(pc) =	sbr.rel @p3 .LBB2_8-.Ltmp7, $4  }
0x120: {  	s0 =	sadd.s32 $0xFFFFFFFC, s26;
	v29 =	vor.u32 v1, v22;
	v25 =	vbroadcast v25, $0x0;
	v39 =	vor.u32 v1, v34;
	[tilespmem:s21+$0xFFFFFF20] =	vst v19;
	v36 =	vld.idx.msk [tilespmem:v20+s14+$0x0], $0xffff  }
0x121: {  	v19 =	vor.u32 v2, v43;
	v20 =	vmov s0;
	[tilespmem:s21+$0xFFFFFEB0] =	vst v31;
	v35 =	vld.idx.msk [tilespmem:v15+s14+$0x0], $0xffff;
	v31 =	vor.u32 v2, v38;
	v15 =	vmovc v44  }
0x122: {  	v26 =	vor.u32 v2, v41;
	v28 =	vor.u32 v1, v25;
	v20 =	vand.u32 $0x7B, v20;
	v40 =	vld.idx.msk [tilespmem:v42+s14+$0x0], $0xffff;
	[tilespmem:s22+$0xFFFFFEE0] =	vst v45  }
0x123: {  	s29 =	sadd.s32 $0x10, s29;
	v30 =	vor.u32 v2, v47;
	s0 =	sadd.s32 $0xFFFFFFFB, s24;
	v38 =	vld.idx.msk [tilespmem:v23+s14+$0x0], $0xffff;
	[tilespmem:s21+$0xFFFFFFA0] =	vst v46;
	v23 =	vor.u32 v2, v9;
	v9 =	vbroadcast v20, $0x0  }
0x124: {  	_ = 	snop  }
0x125: {  	[tilespmem:s22+$0xFFFFFFE0] =	vst v37  }
0x126: {  	[tilespmem:s25+$0xFFFFFF90] =	vst v24  }
0x127: {  	[tilespmem:s25+$0xFFFFFE20] =	vst v33  }
0x128: {  	v7 =	vld.idx.msk [tilespmem:v7+s14+$0x0], $0xffff;
	[tilespmem:s23+$0xFFFFFF10] =	vst v14  }
0x129: {  	v5 =	vld.idx.msk [tilespmem:v5+s14+$0x0], $0xffff;
	[tilespmem:s22+$0xFFFFFF70] =	vst v36  }
0x12a: {  	v47 =	vld.idx.msk [tilespmem:v32+s14+$0x0], $0xffff;
	[tilespmem:s21+$0xFFFFFF30] =	vst v35  }
0x12b: {  	v49 =	vld.idx.msk [tilespmem:v29+s14+$0x0], $0xffff;
	[tilespmem:s22+$0xFFFFFE70] =	vst v40  }
0x12c: {  	v20 =	vld.idx.msk [tilespmem:v39+s14+$0x0], $0xffff;
	[tilespmem:s25+$0xFFFFFE90] =	vst v38  }
0x12d: {  	v18 =	vld.idx.msk [tilespmem:v18+s14+$0x0], $0xffff;
	[tilespmem:s21+$0xFFFFFEC0] =	vst v7  }
0x12e: {  	v50 =	vld.idx.msk [tilespmem:v23+s14+$0x0], $0xffff;
	[tilespmem:s21+$0xFFFFFFB0] =	vst v5  }
0x12f: {  	v6 =	vld.idx.msk [tilespmem:v6+s14+$0x0], $0xffff;
	[tilespmem:s22+$0xFFFFFEF0] =	vst v47  }
0x130: {  	v55 =	vor.u32 v2, v22;
	v5 =	vld.idx.msk [tilespmem:v31+s14+$0x0], $0xffff;
	[tilespmem:s21+$0xFFFFFE50] =	vst v49  }
0x131: {  	v11 =	vld.idx.msk [tilespmem:v11+s14+$0x0], $0xffff;
	[tilespmem:s22+$0xFFFFFFF0] =	vst v20  }
0x132: {  	v48 =	vor.u32 v2, v34;
	[tilespmem:s25+$0xFFFFFE30] =	vst v18;
	v4 =	vld.idx.msk [tilespmem:v4+s14+$0x0], $0xffff  }
0x133: {  	s2 =	sadd.s32 $0xFFFFFFFF, s26;
	v54 =	vld.idx.msk [tilespmem:v30+s14+$0x0], $0xffff;
	[tilespmem:s22+$0xFFFFFF80] =	vst v50  }
0x134: {  	v51 =	vmov s2;
	v58 =	vld.idx.msk [tilespmem:v28+s14+$0x0], $0xffff;
	[tilespmem:s21+$0xFFFFFF40] =	vst v6  }
0x135: {  	v57 =	vor.u32 v2, v17;
	s3 =	sadd.s32 $0xFFFFFFF4, s26;
	v53 =	vand.u32 $0x7E, v51;
	v59 =	vld.idx.msk [tilespmem:v55+s14+$0x0], $0xffff;
	[tilespmem:s22+$0xFFFFFE80] =	vst v5  }
0x136: {  	v62 =	vmov s3;
	v6 =	vbroadcast v53, $0x0;
	v5 =	vld.idx.msk [tilespmem:v16+s14+$0x0], $0xffff;
	[tilespmem:s23+$0xFFFFFEA0] =	vst v11  }
0x137: {  	v23 =	vand.u32 $0x73, v62;
	v52 =	vld.idx.msk [tilespmem:v48+s14+$0x0], $0xffff;
	[tilespmem:s21+$0xFFFFFFC0] =	vst v4  }
0x138: {  	v24 =	vbroadcast v23, $0x0;
	v56 =	vor.u32 v1, v6;
	v4 =	vld.idx.msk [tilespmem:v12+s14+$0x0], $0xffff;
	[tilespmem:s22+$0xFFFFFF00] =	vst v54  }
0x139: {  	v8 =	vld.idx.msk [tilespmem:v8+s14+$0x0], $0xffff;
	[tilespmem:s21+$0xFFFFFED0] =	vst v58  }
0x13a: {  	s8 =	sadd.s32 $0xFFFFFFF3, s24;
	v30 =	vor.u32 v1, v24;
	v16 =	vld.idx.msk [tilespmem:v57+s14+$0x0], $0xffff;
	[tilespmem:s21+$0xFFFFFE60] =	vst v59  }
0x13b: {  	v31 =	vmov s8;
	v13 =	vld.idx.msk [tilespmem:v13+s14+$0x0], $0xffff;
	[tilespmem:s23+$0xFFFFFF20] =	vst v5  }
0x13c: {  	v20 =	vand.u32 $0x72, v31;
	[tilespmem:s22+$0x0] =	vst v52;
	v5 =	vmov s0;
	v63 =	vld.idx.msk [tilespmem:v15+s14+$0x0], $0xffff  }
0x13d: {  	v61 =	vor.u32 v2, v25;
	s25 =	sadd.s32 $0xFFFFFFF7, s24;
	v34 =	vbroadcast v20, $0x0;
	v60 =	vld.idx.msk [tilespmem:v56+s14+$0x0], $0xffff;
	v5 =	vand.u32 $0x7A, v5;
	[tilespmem:s23+$0xFFFFFFA0] =	vst v4  }
0x13e: {  	v35 =	vmov s25;
	[tilespmem:s21+$0xFFFFFF50] =	vst v8;
	v4 =	vbroadcast v5, $0x0;
	v5 =	vor.u32 v2, v6;
	v25 =	vld.idx.msk [tilespmem:v27+s14+$0x0], $0xffff  }
0x13f: {  	v20 =	vand.u32 $0x76, v35;
	v18 =	vld.idx.msk [tilespmem:v30+s14+$0x0], $0xffff;
	[tilespmem:s23+$0xFFFFFE40] =	vst v16;
	v27 =	vor.u32 v2, v21  }
0x140: {  	v37 =	vor.u32 v1, v34;
	v20 =	vbroadcast v20, $0x0;
	s22 =	sadd.s32 $0xFFFFFFFF, s24;
	v10 =	vld.idx.msk [tilespmem:v10+s14+$0x0], $0xffff;
	[tilespmem:s23+$0xFFFFFEB0] =	vst v13  }
0x141: {  	v33 =	vmov s22;
	v40 =	vld.idx.msk [tilespmem:v26+s14+$0x0], $0xffff;
	[tilespmem:s23+$0xFFFFFF30] =	vst v63  }
0x142: {  	v42 =	vor.u32 v1, v20;
	v11 =	vand.u32 $0x7E, v33;
	[tilespmem:s21+$0xFFFFFFD0] =	vst v60;
	v19 =	vld.idx.msk [tilespmem:v19+s14+$0x0], $0xffff  }
0x143: {  	v11 =	vbroadcast v11, $0x0;
	v29 =	vor.u32 v1, v4;
	v5 =	vld.idx.msk [tilespmem:v5+s14+$0x0], $0xffff;
	[tilespmem:s23+$0xFFFFFFB0] =	vst v25  }
0x144: {  	v32 =	vmov s26;
	s26 =	sadd.s32 $0xFFFFFFF8, s26;
	v28 =	vor.u32 v1, v9;
	[tilespmem:s21+$0xFFFFFE70] =	vst v18;
	v38 =	vld.idx.msk [tilespmem:v27+s14+$0x0], $0xffff  }
0x145: {  	v36 =	vmov s26;
	v45 =	vld.idx.msk [tilespmem:v37+s14+$0x0], $0xffff;
	v41 =	vor.u32 v1, v11;
	[tilespmem:s21+$0xFFFFFF60] =	vst v10  }
0x146: {  	v39 =	vand.u32 $0x77, v36;
	v47 =	vor.u32 v2, v34;
	v14 =	vld.idx.msk [tilespmem:v61+s14+$0x0], $0xffff;
	[tilespmem:s23+$0xFFFFFEC0] =	vst v40  }
0x147: {  	s29 =	sadd.s32 $0xFFFFFFF4, s24;
	v15 =	vbroadcast v39, $0x0;
	v6 =	vor.u32 v2, v24;
	v49 =	vld.idx.msk [tilespmem:v42+s14+$0x0], $0xffff;
	[tilespmem:s23+$0xFFFFFF40] =	vst v19  }
0x148: {  	s30 =	sadd.s32 $0xFFFFFFF8, s24;
	v51 =	vmov s29;
	v50 =	vor.u32 v2, v20;
	[tilespmem:s21+$0xFFFFFFE0] =	vst v5;
	v5 =	vld.idx.msk [tilespmem:v29+s14+$0x0], $0xffff  }
0x149: {  	v54 =	vmov s30;
	v8 =	vand.u32 $0x7F, v32;
	v44 =	vor.u32 v1, v15;
	v17 =	vld.idx.msk [tilespmem:v28+s14+$0x0], $0xffff;
	[tilespmem:s23+$0xFFFFFFC0] =	vst v38  }
0x14a: {  	v8 =	vbroadcast v8, $0x0;
	v18 =	vand.u32 $0x73, v51;
	v4 =	vor.u32 v2, v4;
	[tilespmem:s23+$0xFFFFFE50] =	vst v45;
	v48 =	vld.idx.msk [tilespmem:v41+s14+$0x0], $0xffff  }
0x14b: {  	s28 =	sadd.s32 $0xFFFFFFFC, s24;
	[tilespmem:s21+$0xFFFFFEE0] =	vst v14;
	v11 =	vor.u32 v2, v11;
	v53 =	vbroadcast v18, $0x0;
	v18 =	vand.u32 $0x77, v54;
	v13 =	vld.idx.msk [tilespmem:v47+s14+$0x0], $0xffff  }
0x14c: {  	v46 =	vmov s28;
	v43 =	vor.u32 v1, v8;
	v57 =	vbroadcast v18, $0x0;
	v6 =	vld.idx.msk [tilespmem:v6+s14+$0x0], $0xffff;
	[tilespmem:s23+$0xFFFFFED0] =	vst v49  }
0x14d: {  	v12 =	vand.u32 $0x7B, v46;
	v56 =	vor.u32 v1, v53;
	v58 =	vld.idx.msk [tilespmem:v50+s14+$0x0], $0xffff;
	[tilespmem:s23+$0xFFFFFF50] =	vst v5;
	v5 =	vmov s24  }
0x14e: {  	v12 =	vbroadcast v12, $0x0;
	v18 =	vor.u32 v1, v57;
	[tilespmem:s21+$0xFFFFFF70] =	vst v17;
	v19 =	vld.idx.msk [tilespmem:v44+s14+$0x0], $0xffff;
	v5 =	vand.u32 $0x7F, v5  }
0x14f: {  	v52 =	vor.u32 v2, v9;
	v4 =	vld.idx.msk [tilespmem:v4+s14+$0x0], $0xffff;
	[tilespmem:s23+$0xFFFFFFD0] =	vst v48;
	v5 =	vbroadcast v5, $0x0  }
0x150: {  	v55 =	vor.u32 v1, v12;
	[tilespmem:s23+$0xFFFFFE60] =	vst v13;
	v11 =	vld.idx.msk [tilespmem:v11+s14+$0x0], $0xffff  }
0x151: {  	[tilespmem:s21+$0xFFFFFE80] =	vst v6;
	v14 =	vld.idx.msk [tilespmem:v43+s14+$0x0], $0xffff;
	v59 =	vor.u32 v1, v5  }
0x152: {  	v8 =	vor.u32 v2, v8;
	v10 =	vld.idx.msk [tilespmem:v56+s14+$0x0], $0xffff;
	[tilespmem:s23+$0xFFFFFEE0] =	vst v58  }
0x153: {  	v7 =	vor.u32 v2, v53;
	[tilespmem:s21+$0xFFFFFEF0] =	vst v19;
	v61 =	vld.idx.msk [tilespmem:v18+s14+$0x0], $0xffff  }
0x154: {  	v62 =	vor.u32 v2, v57;
	v9 =	vld.idx.msk [tilespmem:v52+s14+$0x0], $0xffff;
	[tilespmem:s23+$0xFFFFFF60] =	vst v4  }
0x155: {  	v4 =	vor.u32 v2, v15;
	v60 =	vld.idx.msk [tilespmem:v55+s14+$0x0], $0xffff;
	[tilespmem:s23+$0xFFFFFFE0] =	vst v11  }
0x156: {  	v12 =	vor.u32 v2, v12;
	[tilespmem:s21+$0xFFFFFFF0] =	vst v14;
	v11 =	vld.idx.msk [tilespmem:v59+s14+$0x0], $0xffff  }
0x157: {  	[tilespmem:s23+$0xFFFFFE70] =	vst v10;
	v8 =	vld.idx.msk [tilespmem:v8+s14+$0x0], $0xffff;
	v5 =	vor.u32 v2, v5  }
0x158: {  	v7 =	vld.idx.msk [tilespmem:v7+s14+$0x0], $0xffff;
	[tilespmem:s23+$0xFFFFFEF0] =	vst v61  }
0x159: {  	[tilespmem:s21+$0xFFFFFF80] =	vst v9;
	v6 =	vld.idx.msk [tilespmem:v62+s14+$0x0], $0xffff  }
0x15a: {  	v4 =	vld.idx.msk [tilespmem:v4+s14+$0x0], $0xffff;
	[tilespmem:s23+$0xFFFFFF70] =	vst v60  }
0x15b: {  	v63 =	vld.idx.msk [tilespmem:v12+s14+$0x0], $0xffff;
	[tilespmem:s23+$0xFFFFFFF0] =	vst v11  }
0x15c: {  	[tilespmem:s21+$0x0] =	vst v8;
	v5 =	vld.idx.msk [tilespmem:v5+s14+$0x0], $0xffff  }
0x15d: {  	[tilespmem:s23+$0xFFFFFE80] =	vst v7  }
.Ltmp8:
0x15e: {  	[tilespmem:s23+$0xFFFFFF00] =	vst v6;
	(pc) =	sbr.rel .LBB2_10-.Ltmp8, $4  }
0x15f: {  	s31 =	sshll.u32 s20, $0x9;
	[tilespmem:s21+$0xFFFFFF00] =	vst v4  }
0x160: {  	s0 =	sand.u32 $0x1FFFFE00, s31;
	[tilespmem:s23+$0xFFFFFF80] =	vst v63  }
0x161: {  	s0 =	sadd.s32 s7, s0;
	[tilespmem:s23+$0x0] =	vst v5  }
0x162: {  	[hbm4b:s0+s4] =	stream.linear.scatter [tilespmem:s15], [sflag:$0x4], $0x1000, $0x38;
	[tilespmem:$0x6000] =	vst v63  }
.LBB2_11:
0x163: {  	s0 =	simm.s32 @!p0 $0x3  }
0x164: {  	_ =	swait.ge @!p0 [sflag:s0], $0x1000  }
.Ltmp9:
0x165: {  	[sflag:s0] =	ssyncset.done @!p0 $0x0;
	(pc) =	sbr.rel @p2 .LBB2_15-.Ltmp9, $4  }
0x166: {  	[sflag:s0] =	ssyncadd.s32 @!p0 $0xFFFFF000;
	s0 =	simm.s32 @!p1 $0x4  }
0x167: {  	_ =	swait.ge @!p1 [sflag:s0], $0x1000  }
0x168: {  	[sflag:s0] =	ssyncset.done @!p1 $0x0  }
0x169: {  	[sflag:s0] =	ssyncadd.s32 @!p1 $0xFFFFF000  }
0x16a: {  	[dreg:$0xa] =	wrdreg s18;
	s0 =	simm.s32 $0x0  }
0x16b: {  	s1 =	rddreg [dreg:$0x1];
	s2 =	simm.s32 $0x200;
	v4 =	vor.u32 s0, v0  }
0x16c: {  	[tilespmem:s16], [sflag:$0x5] =	stream.linear.gather [hbm4b:s1+s4], $0x2000, $0x38;
	v5 =	vor.u32 s2, v0;
	[tilespmem:$0x6000] =	vst v63  }
0x16d: {  	s3 =	simm.s32 $0x600;
	_ =	swait.ge [sflag:s17], $0x2000  }
0x16e: {  	v6 =	vor.u32 s3, v0;
	[sflag:s17] =	ssyncset.done $0x0  }
0x16f: {  	[sflag:s17] =	ssyncadd.s32 $0xFFFFE000  }
0x170: {  	v4 =	vld.idx.msk [tilespmem:v4+s16+$0x0], $0xffff  }
0x171: {  	v7 =	vor.u32 s0, v3;
	v5 =	vld.idx.msk [tilespmem:v5+s16+$0x0], $0xffff  }
0x172: {  	s8 =	simm.s32 $0x400;
	v9 =	vor.u32 s2, v3  }
0x173: {  	v8 =	vor.u32 s8, v0;
	v6 =	vld.idx.msk [tilespmem:v6+s16+$0x0], $0xffff  }
0x174: {  	s19 =	simm.s32 $0x2100  }
0x175: {  	[tilespmem:s19+$0xFFFFFF00] =	vst v4  }
0x176: {  	s24 =	simm.s32 $0x80;
	[tilespmem:s19+$0xFFFFFF80] =	vst v5;
	v4 =	vld.idx.msk [tilespmem:v7+s16+$0x0], $0xffff;
	v7 =	vor.u32 s3, v3  }
0x177: {  	s25 =	simm.s32 $0x280;
	v10 =	vor.u32 s24, v0;
	v5 =	vld.idx.msk [tilespmem:v9+s16+$0x0], $0xffff  }
0x178: {  	v8 =	vld.idx.msk [tilespmem:v8+s16+$0x0], $0xffff;
	[tilespmem:s19+$0x80] =	vst v6;
	v6 =	vor.u32 s25, v0  }
0x179: {  	v11 =	vor.u32 s8, v3;
	_ =	sdelay $0x1  }
0x17a: {  	[tilespmem:s19+$0xFFFFFF10] =	vst v4;
	v4 =	vld.idx.msk [tilespmem:v7+s16+$0x0], $0xffff  }
0x17b: {  	s26 =	simm.s32 $0x680;
	[tilespmem:s19+$0xFFFFFF90] =	vst v5;
	v7 =	vld.idx.msk [tilespmem:v10+s16+$0x0], $0xffff  }
0x17c: {  	[tilespmem:s19+$0x0] =	vst v8;
	v8 =	vor.u32 s26, v0;
	v5 =	vld.idx.msk [tilespmem:v6+s16+$0x0], $0xffff  }
0x17d: {  	s1 =	simm.s32 $0x480;
	v9 =	vld.idx.msk [tilespmem:v11+s16+$0x0], $0xffff;
	v10 =	vor.u32 s24, v3  }
0x17e: {  	v11 =	vor.u32 s1, v0  }
0x17f: {  	[tilespmem:s19+$0x90] =	vst v4  }
0x180: {  	s3 =	simm.s32 $0x800;
	v4 =	vor.u32 s25, v3;
	[tilespmem:s19+$0xFFFFFF20] =	vst v7  }
0x181: {  	v6 =	vld.idx.msk [tilespmem:v8+s16+$0x0], $0xffff;
	[tilespmem:s19+$0xFFFFFFA0] =	vst v5;
	v5 =	vor.u32 s3, v0  }
0x182: {  	s2 =	simm.s32 $0x100;
	[tilespmem:s19+$0x10] =	vst v9;
	v8 =	vor.u32 s26, v3;
	v7 =	vld.idx.msk [tilespmem:v10+s16+$0x0], $0xffff  }
0x183: {  	v9 =	vor.u32 s2, v0;
	v10 =	vld.idx.msk [tilespmem:v11+s16+$0x0], $0xffff  }
0x184: {  	s6 =	simm.s32 $0xA00;
	v11 =	vor.u32 s1, v3  }
0x185: {  	s5 =	simm.s32 $0xC00;
	v12 =	vor.u32 s6, v0;
	v4 =	vld.idx.msk [tilespmem:v4+s16+$0x0], $0xffff  }
0x186: {  	s9 =	simm.s32 $0xE00;
	[tilespmem:s19+$0xA0] =	vst v6;
	v6 =	vor.u32 s5, v0;
	v5 =	vld.idx.msk [tilespmem:v5+s16+$0x0], $0xffff  }
0x187: {  	s10 =	simm.s32 $0x300;
	[tilespmem:s19+$0xFFFFFF30] =	vst v7;
	v7 =	vld.idx.msk [tilespmem:v8+s16+$0x0], $0xffff;
	v8 =	vor.u32 s9, v0  }
0x188: {  	s15 =	simm.s32 $0x700;
	[tilespmem:s19+$0x20] =	vst v10;
	v10 =	vor.u32 s10, v0;
	v9 =	vld.idx.msk [tilespmem:v9+s16+$0x0], $0xffff  }
0x189: {  	s7 =	simm.s32 $0x500;
	v13 =	vor.u32 s15, v0;
	v11 =	vld.idx.msk [tilespmem:v11+s16+$0x0], $0xffff  }
0x18a: {  	v14 =	vor.u32 s7, v0;
	[tilespmem:s19+$0xFFFFFFB0] =	vst v4;
	v4 =	vld.idx.msk [tilespmem:v12+s16+$0x0], $0xffff  }
0x18b: {  	v15 =	vor.u32 s3, v3;
	v6 =	vld.idx.msk [tilespmem:v6+s16+$0x0], $0xffff  }
0x18c: {  	v12 =	vor.u32 s2, v3;
	v8 =	vld.idx.msk [tilespmem:v8+s16+$0x0], $0xffff;
	[tilespmem:s19+$0xB0] =	vst v7  }
0x18d: {  	v7 =	vor.u32 s6, v3;
	[tilespmem:s19+$0xFFFFFF40] =	vst v9;
	v9 =	vld.idx.msk [tilespmem:v10+s16+$0x0], $0xffff  }
0x18e: {  	s20 =	simm.s32 $0x2300;
	v10 =	vor.u32 s5, v3;
	[tilespmem:s19+$0x30] =	vst v11;
	v11 =	vld.idx.msk [tilespmem:v13+s16+$0x0], $0xffff  }
0x18f: {  	[tilespmem:s20+$0xFFFFFF00] =	vst v5;
	v5 =	vor.u32 s10, v3;
	v13 =	vld.idx.msk [tilespmem:v14+s16+$0x0], $0xffff  }
0x190: {  	s10 =	simm.s32 $0x880;
	v14 =	vld.idx.msk [tilespmem:v15+s16+$0x0], $0xffff;
	[tilespmem:s20+$0xFFFFFF80] =	vst v4;
	v4 =	vor.u32 s7, v3  }
0x191: {  	v15 =	vor.u32 s10, v0;
	[tilespmem:s20+$0x0] =	vst v6;
	v6 =	vld.idx.msk [tilespmem:v12+s16+$0x0], $0xffff  }
0x192: {  	v12 =	vor.u32 s15, v3;
	v7 =	vld.idx.msk [tilespmem:v7+s16+$0x0], $0xffff;
	[tilespmem:s20+$0x80] =	vst v8  }
0x193: {  	v8 =	vor.u32 s9, v3;
	v10 =	vld.idx.msk [tilespmem:v10+s16+$0x0], $0xffff;
	[tilespmem:s19+$0xFFFFFFC0] =	vst v9  }
0x194: {  	s11 =	simm.s32 $0xA80;
	v5 =	vld.idx.msk [tilespmem:v5+s16+$0x0], $0xffff;
	[tilespmem:s19+$0x40] =	vst v13  }
0x195: {  	s12 =	simm.s32 $0x180;
	v9 =	vor.u32 s11, v0;
	[tilespmem:s20+$0xFFFFFF10] =	vst v14;
	v4 =	vld.idx.msk [tilespmem:v4+s16+$0x0], $0xffff  }
0x196: {  	s13 =	simm.s32 $0x380;
	[tilespmem:s19+$0xC0] =	vst v11;
	v11 =	vor.u32 s12, v0;
	v14 =	vld.idx.msk [tilespmem:v15+s16+$0x0], $0xffff  }
0x197: {  	s15 =	simm.s32 $0x780;
	v12 =	vld.idx.msk [tilespmem:v12+s16+$0x0], $0xffff;
	[tilespmem:s19+$0xFFFFFF50] =	vst v6;
	v6 =	vor.u32 s13, v0  }
0x198: {  	s17 =	simm.s32 $0x580;
	v13 =	vld.idx.msk [tilespmem:v8+s16+$0x0], $0xffff;
	v8 =	vor.u32 s15, v0;
	[tilespmem:s20+$0xFFFFFF90] =	vst v7  }
0x199: {  	s18 =	simm.s32 $0xE80;
	v7 =	vor.u32 s17, v0;
	[tilespmem:s20+$0x10] =	vst v10  }
0x19a: {  	v9 =	vld.idx.msk [tilespmem:v9+s16+$0x0], $0xffff;
	v10 =	vor.u32 s18, v0;
	[tilespmem:s19+$0xFFFFFFD0] =	vst v5  }
0x19b: {  	s30 =	simm.s32 $0xC80;
	v15 =	vor.u32 s10, v3;
	v16 =	vld.idx.msk [tilespmem:v11+s16+$0x0], $0xffff;
	[tilespmem:s19+$0x50] =	vst v4  }
0x19c: {  	v17 =	vor.u32 s30, v0;
	v18 =	vld.idx.msk [tilespmem:v6+s16+$0x0], $0xffff;
	[tilespmem:s19+$0xD0] =	vst v12  }
0x19d: {  	v19 =	vor.u32 s12, v3;
	[tilespmem:s20+$0xFFFFFF20] =	vst v14;
	v8 =	vld.idx.msk [tilespmem:v8+s16+$0x0], $0xffff  }
0x19e: {  	v14 =	vor.u32 s11, v3;
	[tilespmem:s20+$0x90] =	vst v13;
	v6 =	vld.idx.msk [tilespmem:v7+s16+$0x0], $0xffff  }
0x19f: {  	s21 =	simm.s32 $0xF80;
	v12 =	vld.idx.msk [tilespmem:v10+s16+$0x0], $0xffff;
	v10 =	vor.u32 s15, v3  }
0x1a0: {  	s31 =	simm.s32 $0x4;
	s28 =	simm.s32 $0xD00;
	s29 =	simm.s32 $0xF00;
	v11 =	vld.idx.msk [tilespmem:v15+s16+$0x0], $0xffff;
	[tilespmem:s20+$0xFFFFFFA0] =	vst v9;
	v9 =	vor.u32 s17, v3  }
0x1a1: {  	s22 =	simm.s32 $0xB80;
	s23 =	simm.s32 $0xD80;
	s26 =	simm.s32 $0x900;
	v5 =	vor.u32 s13, v3;
	v13 =	vld.idx.msk [tilespmem:v17+s16+$0x0], $0xffff;
	[tilespmem:s19+$0xFFFFFF60] =	vst v16  }
0x1a2: {  	s24 =	simm.s32 $0x980;
	s25 =	simm.s32 $0xB00;
	s2 =	simm.s32 $0x2F;
	v4 =	vor.u32 s26, v0;
	v15 =	vor.u32 s18, v3;
	v7 =	vld.idx.msk [tilespmem:v19+s16+$0x0], $0xffff;
	[tilespmem:s19+$0xFFFFFFE0] =	vst v18  }
.LBB2_13:
0x1a3: {  	s0 =	sshll.u32 s2, $0x7;
	s31 =	sadd.s32 $0x4, s31;
	v14 =	vld.idx.msk [tilespmem:v14+s16+$0x0], $0xffff;
	[tilespmem:s19+$0xE0] =	vst v8  }
0x1a4: {  	v8 =	vor.u32 s30, v3;
	s12 =	sadd.s32 $0xFFFFF880, s0;
	s11 =	sadd.s32 $0xFFFFFA80, s0;
	s15 =	sadd.s32 $0xFFFFFE80, s0;
	[tilespmem:s19+$0x60] =	vst v6;
	v6 =	vld.idx.msk [tilespmem:v10+s16+$0x0], $0xffff  }
0x1a5: {  	s17 =	sadd.s32 $0xFFFFF900, s0;
	s9 =	sadd.s32 $0xFFFFFB00, s0;
	s13 =	sadd.s32 $0xFFFFFC80, s0;
	v10 =	vor.u32 s12, v0;
	v16 =	vor.u32 s15, v0;
	[tilespmem:s20+$0xA0] =	vst v12;
	v9 =	vld.idx.msk [tilespmem:v9+s16+$0x0], $0xffff  }
0x1a6: {  	s1 =	sadd.s32 $0xFFFFF980, s0;
	s30 =	sadd.s32 $0xFFFFFD00, s0;
	s3 =	sadd.s32 $0xFFFFFF00, s0;
	v12 =	vor.u32 s11, v0;
	v17 =	vor.u32 s13, v0;
	[tilespmem:s20+$0xFFFFFF30] =	vst v11;
	v5 =	vld.idx.msk [tilespmem:v5+s16+$0x0], $0xffff  }
0x1a7: {  	s7 =	sadd.s32 $0xFFFFFB80, s0;
	s5 =	sadd.s32 $0xFFFFFD80, s0;
	s6 =	sadd.s32 $0xFFFFFF80, s0;
	v11 =	vor.u32 s1, v0;
	[tilespmem:s20+$0x20] =	vst v13;
	v13 =	vld.idx.msk [tilespmem:v15+s16+$0x0], $0xffff  }
0x1a8: {  	s18 =	sadd.s32 $0xFFFFFA00, s0;
	s8 =	sadd.s32 $0xFFFFFC00, s0;
	s10 =	sadd.s32 $0xFFFFFE00, s0;
	v15 =	vld.idx.msk [tilespmem:v4+s16+$0x0], $0xffff;
	[tilespmem:s19+$0xFFFFFF70] =	vst v7;
	v4 =	vmov v11  }
0x1a9: {  	p3 =	slt.u32 s31, $0xC;
	v7 =	vor.u32 s25, v0;
	[tilespmem:s20+$0xFFFFFFB0] =	vst v14;
	v8 =	vld.idx.msk [tilespmem:v8+s16+$0x0], $0xffff  }
0x1aa: {  	v11 =	vor.u32 s29, v0;
	v10 =	vld.idx.msk [tilespmem:v10+s16+$0x0], $0xffff;
	[tilespmem:s19+$0xF0] =	vst v6  }
0x1ab: {  	v14 =	vor.u32 s28, v0;
	v6 =	vld.idx.msk [tilespmem:v17+s16+$0x0], $0xffff;
	[tilespmem:s19+$0x70] =	vst v9  }
0x1ac: {  	v9 =	vld.idx.msk [tilespmem:v12+s16+$0x0], $0xffff;
	v12 =	vor.u32 s26, v3;
	[tilespmem:s19+$0xFFFFFFF0] =	vst v5;
	s26 =	smov.u32 s1;
	s19 =	smov.u32 s20  }
0x1ad: {  	v5 =	vor.u32 s12, v3;
	v16 =	vld.idx.msk [tilespmem:v16+s16+$0x0], $0xffff;
	[tilespmem:s20+$0xB0] =	vst v13  }
0x1ae: {  	v13 =	vor.u32 s11, v3;
	[tilespmem:s20+$0xFFFFFF40] =	vst v15;
	v7 =	vld.idx.msk [tilespmem:v7+s16+$0x0], $0xffff  }
0x1af: {  	v15 =	vor.u32 s13, v3;
	s20 =	sadd.s32 $0x200, s20;
	[tilespmem:s19+$0x30] =	vst v8;
	v8 =	vld.idx.msk [tilespmem:v11+s16+$0x0], $0xffff  }
0x1b0: {  	[tilespmem:s20+$0xFFFFFF00] =	vst v10;
	v10 =	vor.u32 s25, v3;
	v11 =	vld.idx.msk [tilespmem:v14+s16+$0x0], $0xffff;
	s25 =	smov.u32 s7  }
0x1b1: {  	[tilespmem:s20+$0x0] =	vst v6;
	v6 =	vld.idx.msk [tilespmem:v12+s16+$0x0], $0xffff;
	v12 =	vor.u32 s29, v3;
	s29 =	smov.u32 s6  }
0x1b2: {  	v5 =	vld.idx.msk [tilespmem:v5+s16+$0x0], $0xffff;
	[tilespmem:s20+$0xFFFFFF80] =	vst v9;
	v9 =	vor.u32 s28, v3;
	s28 =	smov.u32 s5  }
0x1b3: {  	v14 =	vor.u32 s15, v3;
	v13 =	vld.idx.msk [tilespmem:v13+s16+$0x0], $0xffff;
	[tilespmem:s20+$0x80] =	vst v16  }
0x1b4: {  	v16 =	vor.u32 s17, v0;
	v15 =	vld.idx.msk [tilespmem:v15+s16+$0x0], $0xffff;
	[tilespmem:s19+$0xFFFFFFC0] =	vst v7  }
0x1b5: {  	v7 =	vor.u32 s9, v0;
	v10 =	vld.idx.msk [tilespmem:v10+s16+$0x0], $0xffff;
	[tilespmem:s19+$0xC0] =	vst v8  }
0x1b6: {  	v8 =	vor.u32 s24, v0;
	[tilespmem:s19+$0x40] =	vst v11;
	v11 =	vld.idx.msk [tilespmem:v12+s16+$0x0], $0xffff  }
0x1b7: {  	[tilespmem:s19+$0xFFFFFF50] =	vst v6;
	v6 =	vor.u32 s22, v0;
	v9 =	vld.idx.msk [tilespmem:v9+s16+$0x0], $0xffff  }
0x1b8: {  	v12 =	vor.u32 s21, v0;
	[tilespmem:s20+$0xFFFFFF10] =	vst v5;
	v5 =	vld.idx.msk [tilespmem:v14+s16+$0x0], $0xffff  }
0x1b9: {  	v16 =	vld.idx.msk [tilespmem:v16+s16+$0x0], $0xffff;
	[tilespmem:s20+$0xFFFFFF90] =	vst v13;
	v13 =	vor.u32 s23, v0  }
0x1ba: {  	v7 =	vld.idx.msk [tilespmem:v7+s16+$0x0], $0xffff;
	[tilespmem:s20+$0x10] =	vst v15;
	v15 =	vor.u32 s3, v0  }
0x1bb: {  	v17 =	vor.u32 s17, v3;
	v18 =	vld.idx.msk [tilespmem:v8+s16+$0x0], $0xffff;
	[tilespmem:s19+$0xFFFFFFD0] =	vst v10  }
0x1bc: {  	v19 =	vor.u32 s30, v0;
	v20 =	vld.idx.msk [tilespmem:v6+s16+$0x0], $0xffff;
	[tilespmem:s19+$0xD0] =	vst v11  }
0x1bd: {  	v21 =	vor.u32 s24, v3;
	s24 =	smov.u32 s18;
	[tilespmem:s19+$0x50] =	vst v9;
	v8 =	vld.idx.msk [tilespmem:v12+s16+$0x0], $0xffff  }
.Ltmp10:
0x1be: {  	v14 =	vor.u32 s9, v3;
	[tilespmem:s20+$0x90] =	vst v5;
	v6 =	vld.idx.msk [tilespmem:v13+s16+$0x0], $0xffff;
	(pc) =	sbr.rel @p3 .LBB2_13-.Ltmp10, $4  }
0x1bf: {  	v10 =	vor.u32 s21, v3;
	s21 =	smov.u32 s0;
	[tilespmem:s20+$0xFFFFFF20] =	vst v16;
	v12 =	vld.idx.msk [tilespmem:v15+s16+$0x0], $0xffff  }
0x1c0: {  	v9 =	vor.u32 s23, v3;
	s23 =	smov.u32 s10;
	v5 =	vor.u32 s22, v3;
	s22 =	smov.u32 s8;
	v11 =	vld.idx.msk [tilespmem:v17+s16+$0x0], $0xffff;
	[tilespmem:s20+$0xFFFFFFA0] =	vst v7  }
0x1c1: {  	v13 =	vld.idx.msk [tilespmem:v19+s16+$0x0], $0xffff;
	[tilespmem:s19+$0xFFFFFF60] =	vst v18  }
0x1c2: {  	s2 =	sadd.s32 $0x10, s2;
	v15 =	vor.u32 s3, v3;
	v7 =	vld.idx.msk [tilespmem:v21+s16+$0x0], $0xffff;
	[tilespmem:s19+$0xFFFFFFE0] =	vst v20  }
0x1c3: {  	_ = 	snop  }
0x1c4: {  	v16 =	vor.u32 s30, v3;
	_ =	sdelay $0x2  }
0x1c5: {  	v14 =	vld.idx.msk [tilespmem:v14+s16+$0x0], $0xffff;
	[tilespmem:s20+$0xA0] =	vst v12  }
0x1c6: {  	v17 =	vor.u32 s25, v0;
	v12 =	vld.idx.msk [tilespmem:v15+s16+$0x0], $0xffff;
	[tilespmem:s20+$0x20] =	vst v13  }
0x1c7: {  	v44 =	vor.u32 s29, v0;
	v13 =	vld.idx.msk [tilespmem:v16+s16+$0x0], $0xffff  }
0x1c8: {  	v45 =	vor.u32 s28, v0  }
0x1c9: {  	[tilespmem:s20+$0xFFFFFF30] =	vst v11  }
0x1ca: {  	v4 =	vld.idx.msk [tilespmem:v4+s16+$0x0], $0xffff;
	[tilespmem:s20+$0xFFFFFFB0] =	vst v14  }
0x1cb: {  	v46 =	vor.u32 s26, v3;
	v48 =	vld.idx.msk [tilespmem:v17+s16+$0x0], $0xffff;
	[tilespmem:s20+$0xB0] =	vst v12  }
0x1cc: {  	v50 =	vor.u32 s25, v3;
	v12 =	vld.idx.msk [tilespmem:v44+s16+$0x0], $0xffff;
	[tilespmem:s20+$0x30] =	vst v13  }
0x1cd: {  	v47 =	vor.u32 s29, v3;
	v13 =	vld.idx.msk [tilespmem:v45+s16+$0x0], $0xffff  }
0x1ce: {  	v49 =	vor.u32 s28, v3  }
0x1cf: {  	[tilespmem:s20+$0xFFFFFF40] =	vst v4  }
0x1d0: {  	v4 =	vld.idx.msk [tilespmem:v46+s16+$0x0], $0xffff;
	[tilespmem:s20+$0xFFFFFFC0] =	vst v48  }
0x1d1: {  	v51 =	vor.u32 s24, v0;
	v53 =	vld.idx.msk [tilespmem:v50+s16+$0x0], $0xffff;
	[tilespmem:s20+$0xC0] =	vst v12  }
0x1d2: {  	v55 =	vor.u32 s22, v0;
	v12 =	vld.idx.msk [tilespmem:v47+s16+$0x0], $0xffff;
	[tilespmem:s20+$0x40] =	vst v13  }
0x1d3: {  	v52 =	vor.u32 s21, v0;
	[tilespmem:s19+$0xE0] =	vst v8;
	v13 =	vld.idx.msk [tilespmem:v49+s16+$0x0], $0xffff  }
0x1d4: {  	v54 =	vor.u32 s23, v0;
	[tilespmem:s19+$0x60] =	vst v6  }
0x1d5: {  	v5 =	vld.idx.msk [tilespmem:v5+s16+$0x0], $0xffff;
	[tilespmem:s20+$0xFFFFFF50] =	vst v4  }
0x1d6: {  	v4 =	vld.idx.msk [tilespmem:v51+s16+$0x0], $0xffff;
	[tilespmem:s20+$0xFFFFFFD0] =	vst v53  }
0x1d7: {  	v56 =	vor.u32 s24, v3;
	v6 =	vld.idx.msk [tilespmem:v55+s16+$0x0], $0xffff;
	[tilespmem:s20+$0xD0] =	vst v12  }
0x1d8: {  	v60 =	vor.u32 s22, v3;
	v12 =	vld.idx.msk [tilespmem:v52+s16+$0x0], $0xffff;
	[tilespmem:s20+$0x50] =	vst v13  }
0x1d9: {  	v58 =	vor.u32 s21, v3;
	[tilespmem:s19+$0xFFFFFF70] =	vst v7;
	v57 =	vld.idx.msk [tilespmem:v54+s16+$0x0], $0xffff  }
0x1da: {  	v59 =	vor.u32 s23, v3;
	v10 =	vld.idx.msk [tilespmem:v10+s16+$0x0], $0xffff;
	[tilespmem:s19+$0xFFFFFFF0] =	vst v5  }
0x1db: {  	v9 =	vld.idx.msk [tilespmem:v9+s16+$0x0], $0xffff;
	[tilespmem:s20+$0xFFFFFF60] =	vst v4  }
0x1dc: {  	v4 =	vld.idx.msk [tilespmem:v56+s16+$0x0], $0xffff;
	[tilespmem:s20+$0xFFFFFFE0] =	vst v6  }
0x1dd: {  	v63 =	vld.idx.msk [tilespmem:v60+s16+$0x0], $0xffff;
	[tilespmem:s20+$0xE0] =	vst v12  }
0x1de: {  	v61 =	vld.idx.msk [tilespmem:v58+s16+$0x0], $0xffff;
	[tilespmem:s20+$0x60] =	vst v57  }
0x1df: {  	[tilespmem:s19+$0xF0] =	vst v10;
	v62 =	vld.idx.msk [tilespmem:v59+s16+$0x0], $0xffff  }
0x1e0: {  	[tilespmem:s19+$0x70] =	vst v9  }
0x1e1: {  	[tilespmem:s20+$0xFFFFFF70] =	vst v4  }
0x1e2: {  	[tilespmem:s20+$0xFFFFFFF0] =	vst v63  }
0x1e3: {  	[tilespmem:s20+$0xF0] =	vst v61  }
0x1e4: {  	[tilespmem:s20+$0x70] =	vst v62  }
0x1e5: {  	s12 =	simm.s32 $0x2000;
	s17 =	simm.s32 $0x5;
	s0 =	rddreg [dreg:$0x8]  }
0x1e6: {  	[hbm4b:s0+s4] =	stream.linear.scatter [tilespmem:s12], [sflag:$0x5], $0x800, $0x38;
	[tilespmem:$0x6000] =	vst v63  }
0x1e7: {  	_ =	swait.ge [sflag:s17], $0x800  }
0x1e8: {  	s1 =	rddreg [dreg:$0x4]  }
0x1e9: {  	s6 =	rddreg [dreg:$0x5]  }
.Ltmp11:
0x1ea: {  	s7 =	rddreg [dreg:$0x6];
	(pc) =	sbr.rel .LBB2_15-.Ltmp11, $4  }
0x1eb: {  	s9 =	rddreg [dreg:$0x7]  }
0x1ec: {  	[sflag:s17] =	ssyncset.done $0x0;
	s10 =	rddreg [dreg:$0x9]  }
0x1ed: {  	s11 =	simm.s32 $0x1;
	s18 =	rddreg [dreg:$0xa];
	[sflag:s17] =	ssyncadd.s32 $0xFFFFF800  }
0x1ee: {  	s13 =	simm.s32 $0x2;
	s15 =	simm.s32 $0x3000;
	s5 =	rddreg [dreg:$0x0]  }
.LBB2_16:
0x1ef: {  	_ =	sfence.sel $0x180000  }
0x1f0: {  	[bflag:$0x0] =	sbarrier.arrive $0xFFFF  }
0x1f1: {  	_ =	strace $0x90000047  }
0x1f2: {  	s0 =	stileid.u32;
	[bflag:$0x2] =	sbarrier.arrive $0xFFFF  }
0x1f3: {  	p0 =	sne.s32 s0, $0x0;
	s0 =	rddreg [dreg:$0x3]  }
0x1f4: {  	s0 =	sadd.s32 @!p0 $0x100000, s0  }
0x1f5: {  	[sflag:s0] =	ssyncadd.tile.s32 @!p0 $0x1;
	_ =	shalt  }
.Lfunc_end2:
_tile_overlayer_lowered:
.L_overlay_start_2:
0x1f6: {  	(tag) =	ssettag $0x2  }
0x1f7: {  	s0 =	rddreg [dreg:$0x0];
	s2 =	stileid.u32  }
0x1f8: {  	s1 =	rddreg [dreg:$0x1];
	p0 =	sne.s32 s2, $0x0  }
0x1f9: {  	s3 =	rddreg [dreg:$0x2];
	[bflag:$0x3] =	sbarrier.arrive $0xFFFF;
	s2 =	simm.s32 @!p0 $0x1C05  }
0x1fa: {  	[timem:s3], [sflag:s2] =	dma.local @!p0 [hbm:s0], s1  }
0x1fb: {  	s0 =	simm.s32 @!p0 $0x5  }
0x1fc: {  	_ =	swait.ge @!p0 [sflag:s0], s1  }
0x1fd: {  	s1 =	ssub.s32 @!p0 $0x0, s1;
	[sflag:s0] =	ssyncset.done @!p0 $0x0  }
0x1fe: {  	[sflag:s0] =	ssyncadd.s32 @!p0 s1  }
0x1ff: {  	[bflag:$0x3] =	sbarrier.arrive $0xFFFF  }
0x200: {  	_ =	shalt  }

// kernel: kernel.7.cloned.1.call-start
scs
__scs_entry_jumppad:
0x0: {  	(pc) =	sbr.rel $0x88, $3  }
0x1: {  	(tag) =	ssettag $0x0;
	lr =	simm.s32 $0x1  }
0x2: {  	[smem:$0x3F9F] =	sst lr;
	_ =	strace $0xD0000000  }
0x3: {  	_ = 	snop  }
0x4: {  	_ = 	snop  }
0x5: {  	_ = 	snop  }
0x6: {  	_ = 	snop  }
0x7: {  	_ = 	snop  }
__scs_overlays_trampoline_lowered:
0x8: {  	[smem:$0x3FAE] =	sst s0  }
0x9: {  	[smem:$0x3FAF] =	sst s1  }
0xa: {  	[smem:$0x3FB0] =	sst s2  }
0xb: {  	[smem:$0x3FB1] =	sst s3  }
0xc: {  	[smem:$0x3FB2] =	sst s4  }
0xd: {  	[smem:$0x3FB3] =	sst s5  }
0xe: {  	[smem:$0x3FB4] =	sst s6  }
0xf: {  	[smem:$0x3FB5] =	sst s7  }
0x10: {  	[smem:$0x3FB6] =	sst s8  }
0x11: {  	[smem:$0x3FB7] =	sst s9;
	s0 =	simm.s32 @!p0 $0x0  }
0x12: {  	s1 =	sld [smem:$0x3F9D];
	s0 =	simm.s32 @p0 $0x1  }
0x13: {  	[smem:$0x3FB8] =	sst s0;
	s0 =	simm.s32 @!p1 $0x0  }
0x14: {  	s2 =	sld [smem:$0x3F9C];
	s0 =	simm.s32 @p1 $0x1  }
0x15: {  	[smem:$0x3FB9] =	sst s0;
	s0 =	simm.s32 @!p2 $0x0  }
0x16: {  	s3 =	sld [smem:$0x3FDB];
	s0 =	simm.s32 @p2 $0x1  }
0x17: {  	s4 =	simm.s32 $0x1BF5;
	[smem:$0x3FBB] =	sst s0  }
0x18: {  	s0 =	sld [smem:$0x3F9E];
	_ =	swait.ge [sflag:s4], $0x0  }
0x19: {  	s7 =	sld [smem:$0x3F9F]  }
0x1a: {  	s8 =	sadd.s32 $0xFFFFE003, lr  }
0x1b: {  	s9 =	sadd.s32 $0xFFFFFEF7, lr;
	s5 =	simm.s32 $0xFFFFFFFF;
	p2 =	slt.u32 s8, $0xFFFFF086  }
0x1c: {  	p1 =	slt.u32 s9, $0xF7A;
	s5 =	simm.s32 @!p2 $0x0  }
0x1d: {  	s5 =	simm.s32 @p1 $0x1;
	p0 =	seq.s32 s7, s2  }
0x1e: {  	s7 =	smul.u32 @!p0 $0xF7A, s2;
	p2 =	seq.s32 @!p0 s5, $0x0  }
0x1f: {  	s9 =	smul.u32 $0xF7A, s1;
	s8 =	simm.s32 @!p0 $0x1BF5;
	p2 =	por !p2, p0  }
0x20: {  	[sflag:s8] =	ssyncset.s32 @!p0 $0xFFFFF086;
	s6 =	sadd.s32 @!p0 s3, s7;
	s7 =	simm.s32 @!p0 $0x108  }
0x21: {  	s3 =	sadd.s32 s3, s9;
	s6 =	sadd.s32 @!p0 $0x88, s6;
	s7 =	simm.s32 @p2 $0x1082  }
0x22: {  	[simem:s7], [sflag:s8] =	dma.local @!p0 [hbm:s6], $0xF7A  }
0x23: {  	s9 =	sor.u32 $0xD0000000, s2;
	s6 =	simm.s32 $0x108;
	_ =	swait.ge @!p0 [sflag:s8], $0x0  }
0x24: {  	s3 =	sadd.s32 $0x88, s3;
	s6 =	simm.s32 @!p1 $0x1082;
	[sflag:s4] =	ssyncset.s32 $0xFFFFF086  }
0x25: {  	[simem:s6], [sflag:s4] =	dma.local [hbm:s3], $0xF7A  }
0x26: {  	[smem:$0x3F9F] =	sst s1;
	(tag) =	ssettag s2;
	_ =	strace s9  }
0x27: {  	s1 =	sld [smem:$0x3FAF]  }
0x28: {  	s2 =	sld [smem:$0x3FB0]  }
0x29: {  	s4 =	sld [smem:$0x3FB2]  }
0x2a: {  	p0 =	seq.s32 s5, $0x0;
	s5 =	sld [smem:$0x3FB3]  }
0x2b: {  	s6 =	sld [smem:$0x3FB4]  }
0x2c: {  	s7 =	sld [smem:$0x3FB5]  }
0x2d: {  	s3 =	simm.s32 $0x108;
	s8 =	sld [smem:$0x3FB6]  }
0x2e: {  	s3 =	simm.s32 @!p0 $0x1082;
	s9 =	sld [smem:$0x3FB7]  }
0x2f: {  	lr =	sadd.s32 s0, s3;
	s0 =	sld [smem:$0x3FAE]  }
0x30: {  	s3 =	sld [smem:$0x3FB1]  }
0x31: {  	[smem:$0x3FBA] =	sst s10  }
0x32: {  	s10 =	sld [smem:$0x3FB8];
	_ =	sdelay $0x3  }
0x33: {  	p0 =	seq.s32 s10, $0x1;
	s10 =	sld [smem:$0x3FBA];
	_ =	sdelay $0x3  }
0x34: {  	[smem:$0x3FBA] =	sst s10  }
0x35: {  	s10 =	sld [smem:$0x3FB9];
	_ =	sdelay $0x3  }
0x36: {  	p1 =	seq.s32 s10, $0x1;
	s10 =	sld [smem:$0x3FBA];
	_ =	sdelay $0x3  }
0x37: {  	[smem:$0x3FBA] =	sst s10  }
0x38: {  	s10 =	sld [smem:$0x3FBB]  }
0x39: {  	_ = 	snop;
	(pc) =	sbr.ind lr, $3  }
0x3a: {  	_ = 	snop  }
0x3b: {  	_ = 	snop  }
0x3c: {  	p2 =	seq.s32 s10, $0x1;
	s10 =	sld [smem:$0x3FBA]  }
0x3d: {  	_ =	shalt  }
0x3e: {  	_ =	shalt  }
0x3f: {  	_ =	shalt  }
0x40: {  	_ =	shalt  }
0x41: {  	_ =	shalt  }
0x42: {  	_ =	shalt  }
0x43: {  	_ =	shalt  }
0x44: {  	_ =	shalt  }
0x45: {  	_ =	shalt  }
0x46: {  	_ =	shalt  }
0x47: {  	_ =	shalt  }
0x48: {  	_ =	shalt  }
0x49: {  	_ =	shalt  }
0x4a: {  	_ =	shalt  }
0x4b: {  	_ =	shalt  }
0x4c: {  	_ =	shalt  }
0x4d: {  	_ =	shalt  }
0x4e: {  	_ =	shalt  }
0x4f: {  	_ =	shalt  }
0x50: {  	_ =	shalt  }
0x51: {  	_ =	shalt  }
0x52: {  	_ =	shalt  }
0x53: {  	_ =	shalt  }
0x54: {  	_ =	shalt  }
0x55: {  	_ =	shalt  }
0x56: {  	_ =	shalt  }
0x57: {  	_ =	shalt  }
0x58: {  	_ =	shalt  }
0x59: {  	_ =	shalt  }
0x5a: {  	_ =	shalt  }
0x5b: {  	_ =	shalt  }
0x5c: {  	_ =	shalt  }
0x5d: {  	_ =	shalt  }
0x5e: {  	_ =	shalt  }
0x5f: {  	_ =	shalt  }
0x60: {  	_ =	shalt  }
0x61: {  	_ =	shalt  }
0x62: {  	_ =	shalt  }
0x63: {  	_ =	shalt  }
0x64: {  	_ =	shalt  }
0x65: {  	_ =	shalt  }
0x66: {  	_ =	shalt  }
0x67: {  	_ =	shalt  }
0x68: {  	_ =	shalt  }
0x69: {  	_ =	shalt  }
0x6a: {  	_ =	shalt  }
0x6b: {  	_ =	shalt  }
0x6c: {  	_ =	shalt  }
0x6d: {  	_ =	shalt  }
0x6e: {  	_ =	shalt  }
0x6f: {  	_ =	shalt  }
0x70: {  	_ =	shalt  }
0x71: {  	_ =	shalt  }
0x72: {  	_ =	shalt  }
0x73: {  	_ =	shalt  }
0x74: {  	_ =	shalt  }
0x75: {  	_ =	shalt  }
0x76: {  	_ =	shalt  }
0x77: {  	_ =	shalt  }
0x78: {  	_ =	shalt  }
0x79: {  	_ =	shalt  }
0x7a: {  	_ =	shalt  }
0x7b: {  	_ =	shalt  }
0x7c: {  	_ =	shalt  }
0x7d: {  	_ =	shalt  }
0x7e: {  	_ =	shalt  }
0x7f: {  	_ =	shalt  }
0x80: {  	_ =	shalt  }
0x81: {  	_ =	shalt  }
0x82: {  	_ =	shalt  }
0x83: {  	_ =	shalt  }
0x84: {  	_ =	shalt  }
0x85: {  	_ =	shalt  }
0x86: {  	_ =	shalt  }
0x87: {  	_ =	shalt  }
.Lfunc_end0:
.L_simem_size_0:
called_computation.1_lowered:
.L_overlay_start_0:
0x88: {  	s2 =	sld [smem:$0x3FD9]  }
0x89: {  	s3 =	sld [smem:$0x3FFE];
	_ =	sdelay $0x1  }
0x8a: {  	s1 =	srdreg.scid  }
0x8b: {  	s0 =	sand.u32 $0x1, s1  }
0x8c: {  	s17 =	sshll.u32 s0, $0xA;
	s2 =	sadd.s32 s3, s2  }
0x8d: {  	s2 =	sadd.s32 s2, s17  }
0x8e: {  	[smem:$0x3FC6] =	sst s2  }
0x8f: {  	_ = 	snop  }
0x90: {  	s2 =	sld [smem:$0x3FD0];
	(tm) =	ssettm $0x1  }
0x91: {  	s18 =	sld [smem:$0x3FFB];
	_ =	sdelay $0x3  }
0x92: {  	_ =	strace s18  }
0x93: {  	s3 =	sld [smem:$0x3FFC];
	_ =	sdelay $0x3  }
0x94: {  	_ =	strace s3  }
0x95: {  	s3 =	sld [smem:$0x3FFD];
	_ =	sdelay $0x3  }
0x96: {  	_ =	strace s3  }
0x97: {  	_ =	strace $0x8FFFFFFF  }
0x98: {  	s19 =	sld [smem:$0x3FDB];
	_ =	sdelay $0x1  }
0x99: {  	s4 =	simm.s32 $_scs_section_size  }
0x9a: {  	s5 =	simm.s32 $_size__tile_overlayer_lowered;
	s6 =	simm.s32 $_tile_overlayer_lowered  }
0x9b: {  	s22 =	simm.s32 $0x1BFF;
	s21 =	sshll.u32 s6, $0x1;
	s3 =	sadd.s32 s4, s19  }
0x9c: {  	s7 =	simm.s32 $0x0;
	s20 =	sshll.u32 s5, $0x1;
	s5 =	sadd.s32 s21, s3  }
0x9d: {  	[timem:s7], [sflag:s22] =	dma.local [hbm:s5], s20  }
0x9e: {  	_ =	swait.ge [sflag:s22], s20  }
0x9f: {  	s4 =	ssub.s32 $0x0, s20;
	[sflag:s22] =	ssyncset.done $0x0  }
0xa0: {  	[sflag:s22] =	ssyncadd.s32 s4;
	_ =	sdelay $0x1  }
0xa1: {  	s23 =	simm.s32 $0x1B8B  }
0xa2: {  	_ =	swait.ge [sflag:s23], $0x1  }
0xa3: {  	[sflag:s23] =	ssyncset.done $0x0  }
0xa4: {  	s25 =	simm.s32 $0x1B8E;
	s24 =	sld [smem:$0x3FFE];
	[sflag:s23] =	ssyncadd.s32 $0xFFFFFFFF  }
0xa5: {  	s26 =	simm.s32 $execute0_lowered;
	[smem:$0x3FD2] =	sst s25  }
0xa6: {  	s5 =	sshll.u32 s26, $0x1;
	_ =	strace $0x80000049;
	[dreg:$0x1] =	wrdreg $0xFFFFFFFF  }
0xa7: {  	s28 =	simm.s32 $_size_execute0_lowered;
	s3 =	sadd.s32 s3, s5;
	[dreg:$0x0] =	wrdreg $0x0  }
0xa8: {  	s5 =	sshll.u32 s28, $0x1;
	[dreg:$0x2] =	wrdreg s3  }
0xa9: {  	[dreg:$0x3] =	wrdreg s5  }
0xaa: {  	[dreg:$0x4] =	wrdreg $0xC0  }
0xab: {  	_ =	task [dreg:s7], $0x5FFFF  }
0xac: {  	[dreg:$0x1] =	wrdreg $0xFFFFFFFF  }
0xad: {  	[dreg:$0x0] =	wrdreg $0x60  }
0xae: {  	[dreg:$0x2] =	wrdreg s24  }
0xaf: {  	[dreg:$0x3] =	wrdreg s2  }
0xb0: {  	[dreg:$0x4] =	wrdreg $0x9  }
0xb1: {  	_ =	task.clear_ibuf [dreg:s7], $0x5FFFF;
	_ =	strace $0x90000049  }
0xb2: {  	s29 =	simm.s32 $0x9;
	_ =	strace $0x8000004B  }
0xb3: {  	_ =	swait.ge [sflag:s29], $0x1  }
0xb4: {  	[sflag:s29] =	ssyncadd.s32 $0xFFFFFFFF  }
0xb5: {  	_ =	strace $0x9000004B  }
0xb6: {  	_ =	sfence  }
0xb7: {  	s30 =	sld [smem:$0x0];
	_ =	sdelay $0x2  }
0xb8: {  	s31 =	sshll.u32 s1, $0xD;
	s1 =	sshrl.u32 s1, $0x2  }
0xb9: {  	s3 =	sand.u32 $0x4000, s31;
	s1 =	sadd.s32 s1, s30  }
0xba: {  	s0 =	sor.u32 s3, s0;
	s1 =	sshll.u32 s1, $0x11  }
0xbb: {  	s0 =	sor.u32 s1, s0  }
0xbc: {  	s0 =	sadd.s32 $0x8F2B, s0  }
0xbd: {  	[sflag:s0] =	ssyncadd.remote.s32 $0x1  }
0xbe: {  	_ =	sfence.sel $0xFFFF  }
0xbf: {  	[dreg:$0x0] =	wrdreg $0xFFFFFFFF;
	(pc) =	sbr.abs _section_cstart, $3  }
0xc0: {  	[dreg:$0x1] =	wrdreg $0xFFFFFFFF  }
0xc1: {  	_ =	task.clear_ibuf [dreg:s7], $0x2FFFF;
	_ =	strace $0x9FFFFFFF  }
0xc2: {  	(tm) =	ssettm $0x7FFFFFFF  }
0xc3: {  	_ =	shalt  }
tec
execute0_lowered:
.L_overlay_start_1:
0x0: {  	(tag) =	ssettag $0x1  }
0x1: {  	v0 =	vlaneseq.u32  }
0x2: {  	v0 =	vmul.u32 $0x20, v0;
	_ =	sdelay $0x1  }
0x3: {  	s0 =	rddreg [dreg:$0x0];
	v1 =	vor.u32 $0x200, v0  }
0x4: {  	s4 =	rddreg [dreg:$0x1];
	v2 =	vor.u32 $0x400, v0;
	v3 =	vor.u32 $0x600, v0;
	v4 =	vor.u32 $0x800, v0  }
0x5: {  	s1 =	srdreg.scid;
	s2 =	stileid.u32;
	v5 =	vor.u32 $0xA00, v0;
	v6 =	vor.u32 $0xC00, v0;
	v7 =	vor.u32 $0xE00, v0  }
0x6: {  	s3 =	simm.s32 $0x0;
	s11 =	simm.s32 $0x6400;
	s12 =	simm.s32 $0xA400;
	v8 =	vor.u32 $0x1000, v0;
	v9 =	vor.u32 $0x1200, v0;
	v10 =	vor.u32 $0x1400, v0  }
0x7: {  	s1 =	sand.u32 $0x1, s1;
	s2 =	sshll.u32 s2, $0x1;
	[smem:$0x7FF] =	sst s3;
	v11 =	vor.u32 $0x1600, v0;
	v12 =	vor.u32 $0x1800, v0;
	v13 =	vor.u32 $0x1A00, v0  }
0x8: {  	s2 =	sor.u32 s1, s2;
	_ =	strace $0x8000004A;
	s1 =	ssub.s32 $0x2, s1;
	v14 =	vor.u32 $0x1C00, v0;
	v15 =	vor.u32 $0x1E00, v0;
	v16 =	vor.u32 $0x2000, v0  }
0x9: {  	s29 =	sshll.u32 s2, $0x6;
	s30 =	sshrl.u32 s1, $0x1;
	s13 =	sshll.u32 s2, $0xC;
	v17 =	vor.u32 $0x2200, v0;
	v18 =	vor.u32 $0x2400, v0;
	v19 =	vor.u32 $0x2600, v0  }
0xa: {  	v20 =	vor.u32 $0x2800, v0;
	v21 =	vor.u32 $0x2A00, v0;
	v22 =	vor.u32 $0x2C00, v0;
	s3 =	sadd.s32 s29, s0;
	s0 =	sadd.s32 $0xA00, s0;
	[dreg:$0x5] =	wrdreg s13  }
0xb: {  	v23 =	vor.u32 $0x2E00, v0;
	v24 =	vor.u32 $0x3000, v0;
	v25 =	vor.u32 $0x3200, v0;
	[dreg:$0x3] =	wrdreg s0;
	s0 =	ssub.s32 s1, s30;
	s31 =	sadd.s32 $0x3D1400, s3  }
0xc: {  	s6 =	simm.s32 $0x1000;
	v26 =	vor.u32 $0x3400, v0;
	v27 =	vor.u32 $0x3600, v0;
	v28 =	vor.u32 $0x3800, v0;
	[dreg:$0x4] =	wrdreg s31;
	s0 =	smax.u32 s0, $0x1  }
0xd: {  	s14 =	simm.s32 $0x20000;
	v29 =	vor.u32 $0x3A00, v0;
	v30 =	vor.u32 $0x3C00, v0;
	v31 =	vor.u32 $0x3E00, v0;
	s2 =	simm.s32 $0x0;
	[dreg:$0x6] =	wrdreg s0  }
.LBB2_1:
0xe: {  	[dreg:$0x7] =	wrdreg s2  }
0xf: {  	s0 =	simm.s32 $0x0;
	s1 =	rddreg [dreg:$0x4]  }
0x10: {  	s29 =	simm.s32 $0x200;
	s3 =	simm.s32 $0x4000;
	s30 =	simm.s32 $0x5  }
0x11: {  	[tilespmem:s0], [sflag:$0x5] =	stream.strided.gather [hbm4b:s1+s29], $0x6400, s3, s29, $0x38;
	[tilespmem:$0x16400] =	vst v63  }
0x12: {  	_ =	swait.ge [sflag:s30], $0x6400  }
0x13: {  	[sflag:s30] =	ssyncset.done $0x0  }
0x14: {  	s22 =	simm.s32 $0x0;
	s31 =	rddreg [dreg:$0x3];
	[sflag:s30] =	ssyncadd.s32 $0xFFFF9C00  }
0x15: {  	[tilespmem:s11], [sflag:$0x1] =	stream.indirect.gather [hbm4b:s31+s29], $0x20, s0, s29, $0xb8;
	[tilespmem:$0x16400] =	vst v63  }
.LBB2_2:
0x16: {  	s23 =	sshllo.u32 s22, $0x1;
	s1 =	simm.s32 $0x3;
	s2 =	simm.s32 $0x1  }
0x17: {  	s18 =	rddreg [dreg:$0x3];
	s3 =	simm.s32 $0x200;
	s0 =	sshll.u32 s23, $0x9;
	v32 =	vmov s1  }
0x18: {  	s20 =	simm.s32 $0x1;
	s21 =	simm.s32 $0x0;
	v33 =	vmov s2;
	s0 =	sand.u32 $0x3FFFFE00, s0;
	v32 =	vand.u32 $0x1F, v32  }
0x19: {  	v33 =	vand.u32 $0x1D, v33;
	[tilespmem:s12], [sflag:$0x2] =	stream.indirect.gather [hbm4b:s18+s3], $0x20, s0, s3, $0xb8;
	v41 =	vbroadcast v32, $0x0;
	[tilespmem:$0x16400] =	vst v63  }
0x1a: {  	v48 =	vmov s21;
	v39 =	vbroadcast v33, $0x0;
	_ =	swait.ge [sflag:s20], $0x4000  }
0x1b: {  	s19 =	simm.s32 $0x2;
	p0 =	seq.s32 s22, $0x0;
	v49 =	vand.u32 $0x1C, v48;
	[sflag:s20] =	ssyncset.done $0x0;
	v34 =	vor.u32 v0, v41  }
0x1c: {  	v47 =	vmov s19;
	s0 =	simm.s32 @!p0 $0x3;
	v37 =	vbroadcast v49, $0x0;
	v50 =	vor.u32 v0, v39;
	[sflag:s20] =	ssyncadd.s32 $0xFFFFC000  }
0x1d: {  	v32 =	vand.u32 $0x1E, v47;
	_ =	swait.ge @!p0 [sflag:s0], $0x4000  }
0x1e: {  	v38 =	vbroadcast v32, $0x0;
	v35 =	vor.u32 v0, v37;
	[sflag:s0] =	ssyncset.done @!p0 $0x0  }
0x1f: {  	[sflag:s0] =	ssyncadd.s32 @!p0 $0xFFFFC000  }
0x20: {  	v51 =	vor.u32 v0, v38;
	v34 =	vld.idx.msk [tilespmem:v34+s11+$0x0], $0xffff  }
0x21: {  	v36 =	vor.u32 v1, v41;
	v33 =	vld.idx.msk [tilespmem:v50+s11+$0x0], $0xffff  }
0x22: {  	s24 =	simm.s32 $0x180;
	s1 =	sand.u32 $0x3000, s21;
	v40 =	vor.u32 v1, v39  }
0x23: {  	s25 =	simm.s32 $0x80;
	s1 =	sadd.s32 $0xE400, s1;
	s0 =	sand.u32 $0x380, s24;
	v35 =	vld.idx.msk [tilespmem:v35+s11+$0x0], $0xffff  }
0x24: {  	s2 =	sand.u32 $0x280, s25;
	v43 =	vor.u32 v1, v37;
	s3 =	sor.u32 s0, s1  }
0x25: {  	s5 =	simm.s32 $0x0;
	s31 =	sor.u32 s2, s1;
	v32 =	vld.idx.msk [tilespmem:v51+s11+$0x0], $0xffff;
	[tilespmem:s3+$0x0] =	vst v34  }
0x26: {  	s7 =	sand.u32 $0x200, s5;
	v42 =	vor.u32 v1, v38;
	[tilespmem:s31+$0x0] =	vst v33;
	v34 =	vld.idx.msk [tilespmem:v36+s11+$0x0], $0xffff  }
0x27: {  	s26 =	simm.s32 $0x100;
	s30 =	sor.u32 s7, s1;
	v52 =	vor.u32 v2, v41;
	v53 =	vld.idx.msk [tilespmem:v40+s11+$0x0], $0xffff  }
0x28: {  	v54 =	vor.u32 v2, v39;
	s0 =	sand.u32 $0x300, s26;
	[tilespmem:s30+$0x0] =	vst v35  }
0x29: {  	s29 =	sor.u32 s0, s1;
	v55 =	vld.idx.msk [tilespmem:v43+s11+$0x0], $0xffff  }
0x2a: {  	v57 =	vor.u32 v2, v37;
	[tilespmem:s29+$0x0] =	vst v32  }
0x2b: {  	v32 =	vld.idx.msk [tilespmem:v42+s11+$0x0], $0xffff;
	[tilespmem:s3+$0x10] =	vst v34  }
0x2c: {  	v56 =	vor.u32 v2, v38;
	[tilespmem:s31+$0x10] =	vst v53;
	v33 =	vld.idx.msk [tilespmem:v52+s11+$0x0], $0xffff  }
0x2d: {  	v58 =	vor.u32 v3, v41;
	v35 =	vld.idx.msk [tilespmem:v54+s11+$0x0], $0xffff  }
0x2e: {  	v59 =	vor.u32 v3, v39;
	[tilespmem:s30+$0x10] =	vst v55  }
0x2f: {  	v40 =	vld.idx.msk [tilespmem:v57+s11+$0x0], $0xffff  }
0x30: {  	v61 =	vor.u32 v3, v37;
	[tilespmem:s29+$0x10] =	vst v32  }
0x31: {  	v32 =	vld.idx.msk [tilespmem:v56+s11+$0x0], $0xffff;
	[tilespmem:s3+$0x20] =	vst v33  }
0x32: {  	v60 =	vor.u32 v3, v38;
	[tilespmem:s31+$0x20] =	vst v35;
	v33 =	vld.idx.msk [tilespmem:v58+s11+$0x0], $0xffff  }
0x33: {  	v62 =	vor.u32 v4, v41;
	v35 =	vld.idx.msk [tilespmem:v59+s11+$0x0], $0xffff  }
0x34: {  	v63 =	vor.u32 v4, v39;
	[tilespmem:s30+$0x20] =	vst v40  }
0x35: {  	v40 =	vld.idx.msk [tilespmem:v61+s11+$0x0], $0xffff  }
0x36: {  	v46 =	vor.u32 v4, v37;
	[tilespmem:s29+$0x20] =	vst v32  }
0x37: {  	v32 =	vld.idx.msk [tilespmem:v60+s11+$0x0], $0xffff;
	[tilespmem:s3+$0x30] =	vst v33  }
0x38: {  	v45 =	vor.u32 v4, v38;
	[tilespmem:s31+$0x30] =	vst v35;
	v33 =	vld.idx.msk [tilespmem:v62+s11+$0x0], $0xffff  }
0x39: {  	v47 =	vor.u32 v5, v41;
	v35 =	vld.idx.msk [tilespmem:v63+s11+$0x0], $0xffff  }
0x3a: {  	v48 =	vor.u32 v5, v39;
	[tilespmem:s30+$0x30] =	vst v40  }
0x3b: {  	v40 =	vld.idx.msk [tilespmem:v46+s11+$0x0], $0xffff  }
0x3c: {  	v50 =	vor.u32 v5, v37;
	[tilespmem:s29+$0x30] =	vst v32  }
0x3d: {  	v32 =	vld.idx.msk [tilespmem:v45+s11+$0x0], $0xffff;
	[tilespmem:s3+$0x40] =	vst v33  }
0x3e: {  	v49 =	vor.u32 v5, v38;
	[tilespmem:s31+$0x40] =	vst v35;
	v33 =	vld.idx.msk [tilespmem:v47+s11+$0x0], $0xffff  }
0x3f: {  	v51 =	vor.u32 v6, v41;
	v35 =	vld.idx.msk [tilespmem:v48+s11+$0x0], $0xffff  }
0x40: {  	v52 =	vor.u32 v6, v39;
	[tilespmem:s30+$0x40] =	vst v40  }
0x41: {  	v40 =	vld.idx.msk [tilespmem:v50+s11+$0x0], $0xffff  }
0x42: {  	v54 =	vor.u32 v6, v37;
	[tilespmem:s29+$0x40] =	vst v32  }
0x43: {  	v32 =	vld.idx.msk [tilespmem:v49+s11+$0x0], $0xffff;
	[tilespmem:s3+$0x50] =	vst v33  }
0x44: {  	v53 =	vor.u32 v6, v38;
	[tilespmem:s31+$0x50] =	vst v35;
	v33 =	vld.idx.msk [tilespmem:v51+s11+$0x0], $0xffff  }
0x45: {  	v55 =	vor.u32 v7, v41;
	v35 =	vld.idx.msk [tilespmem:v52+s11+$0x0], $0xffff  }
0x46: {  	v56 =	vor.u32 v7, v39;
	[tilespmem:s30+$0x50] =	vst v40  }
0x47: {  	v40 =	vld.idx.msk [tilespmem:v54+s11+$0x0], $0xffff  }
0x48: {  	v58 =	vor.u32 v7, v37;
	[tilespmem:s29+$0x50] =	vst v32  }
0x49: {  	v32 =	vld.idx.msk [tilespmem:v53+s11+$0x0], $0xffff;
	[tilespmem:s3+$0x60] =	vst v33  }
0x4a: {  	v57 =	vor.u32 v7, v38;
	[tilespmem:s31+$0x60] =	vst v35;
	v33 =	vld.idx.msk [tilespmem:v55+s11+$0x0], $0xffff  }
0x4b: {  	v59 =	vor.u32 v8, v41;
	v35 =	vld.idx.msk [tilespmem:v56+s11+$0x0], $0xffff  }
0x4c: {  	v60 =	vor.u32 v8, v39;
	[tilespmem:s30+$0x60] =	vst v40  }
0x4d: {  	v40 =	vld.idx.msk [tilespmem:v58+s11+$0x0], $0xffff  }
0x4e: {  	v62 =	vor.u32 v8, v37;
	[tilespmem:s29+$0x60] =	vst v32  }
0x4f: {  	v32 =	vld.idx.msk [tilespmem:v57+s11+$0x0], $0xffff;
	[tilespmem:s3+$0x70] =	vst v33  }
0x50: {  	v61 =	vor.u32 v8, v38;
	[tilespmem:s31+$0x70] =	vst v35;
	v33 =	vld.idx.msk [tilespmem:v59+s11+$0x0], $0xffff  }
0x51: {  	v63 =	vor.u32 v9, v41;
	v35 =	vld.idx.msk [tilespmem:v60+s11+$0x0], $0xffff  }
0x52: {  	v45 =	vor.u32 v9, v39;
	[tilespmem:s30+$0x70] =	vst v40  }
0x53: {  	v40 =	vld.idx.msk [tilespmem:v62+s11+$0x0], $0xffff  }
0x54: {  	v47 =	vor.u32 v9, v37;
	[tilespmem:s29+$0x70] =	vst v32  }
0x55: {  	v32 =	vld.idx.msk [tilespmem:v61+s11+$0x0], $0xffff;
	[tilespmem:s3+$0x400] =	vst v33  }
0x56: {  	v46 =	vor.u32 v9, v38;
	[tilespmem:s31+$0x400] =	vst v35;
	v33 =	vld.idx.msk [tilespmem:v63+s11+$0x0], $0xffff  }
0x57: {  	v48 =	vor.u32 v10, v41;
	v35 =	vld.idx.msk [tilespmem:v45+s11+$0x0], $0xffff  }
0x58: {  	v49 =	vor.u32 v10, v39;
	[tilespmem:s30+$0x400] =	vst v40  }
0x59: {  	v40 =	vld.idx.msk [tilespmem:v47+s11+$0x0], $0xffff  }
0x5a: {  	v51 =	vor.u32 v10, v37;
	[tilespmem:s29+$0x400] =	vst v32  }
0x5b: {  	v32 =	vld.idx.msk [tilespmem:v46+s11+$0x0], $0xffff;
	[tilespmem:s3+$0x410] =	vst v33  }
0x5c: {  	v50 =	vor.u32 v10, v38;
	[tilespmem:s31+$0x410] =	vst v35;
	v33 =	vld.idx.msk [tilespmem:v48+s11+$0x0], $0xffff  }
0x5d: {  	v52 =	vor.u32 v11, v41;
	v35 =	vld.idx.msk [tilespmem:v49+s11+$0x0], $0xffff  }
0x5e: {  	v53 =	vor.u32 v11, v39;
	[tilespmem:s30+$0x410] =	vst v40  }
0x5f: {  	v40 =	vld.idx.msk [tilespmem:v51+s11+$0x0], $0xffff  }
0x60: {  	v55 =	vor.u32 v11, v37;
	[tilespmem:s29+$0x410] =	vst v32  }
0x61: {  	v32 =	vld.idx.msk [tilespmem:v50+s11+$0x0], $0xffff;
	[tilespmem:s3+$0x420] =	vst v33  }
0x62: {  	v54 =	vor.u32 v11, v38;
	[tilespmem:s31+$0x420] =	vst v35;
	v33 =	vld.idx.msk [tilespmem:v52+s11+$0x0], $0xffff  }
0x63: {  	v56 =	vor.u32 v12, v41;
	v35 =	vld.idx.msk [tilespmem:v53+s11+$0x0], $0xffff  }
0x64: {  	v57 =	vor.u32 v12, v39;
	[tilespmem:s30+$0x420] =	vst v40  }
0x65: {  	v40 =	vld.idx.msk [tilespmem:v55+s11+$0x0], $0xffff  }
0x66: {  	v59 =	vor.u32 v12, v37;
	[tilespmem:s29+$0x420] =	vst v32  }
0x67: {  	v32 =	vld.idx.msk [tilespmem:v54+s11+$0x0], $0xffff;
	[tilespmem:s3+$0x430] =	vst v33  }
0x68: {  	v58 =	vor.u32 v12, v38;
	[tilespmem:s31+$0x430] =	vst v35;
	v33 =	vld.idx.msk [tilespmem:v56+s11+$0x0], $0xffff  }
0x69: {  	v60 =	vor.u32 v13, v41;
	v35 =	vld.idx.msk [tilespmem:v57+s11+$0x0], $0xffff  }
0x6a: {  	v61 =	vor.u32 v13, v39;
	[tilespmem:s30+$0x430] =	vst v40  }
0x6b: {  	v40 =	vld.idx.msk [tilespmem:v59+s11+$0x0], $0xffff  }
0x6c: {  	v63 =	vor.u32 v13, v37;
	[tilespmem:s29+$0x430] =	vst v32  }
0x6d: {  	v32 =	vld.idx.msk [tilespmem:v58+s11+$0x0], $0xffff;
	[tilespmem:s3+$0x440] =	vst v33  }
0x6e: {  	v62 =	vor.u32 v13, v38;
	[tilespmem:s31+$0x440] =	vst v35;
	v33 =	vld.idx.msk [tilespmem:v60+s11+$0x0], $0xffff  }
0x6f: {  	v45 =	vor.u32 v14, v41;
	v35 =	vld.idx.msk [tilespmem:v61+s11+$0x0], $0xffff  }
0x70: {  	v46 =	vor.u32 v14, v39;
	[tilespmem:s30+$0x440] =	vst v40  }
0x71: {  	v40 =	vld.idx.msk [tilespmem:v63+s11+$0x0], $0xffff  }
0x72: {  	v48 =	vor.u32 v14, v37;
	[tilespmem:s29+$0x440] =	vst v32  }
0x73: {  	v32 =	vld.idx.msk [tilespmem:v62+s11+$0x0], $0xffff;
	[tilespmem:s3+$0x450] =	vst v33  }
0x74: {  	v47 =	vor.u32 v14, v38;
	[tilespmem:s31+$0x450] =	vst v35;
	v33 =	vld.idx.msk [tilespmem:v45+s11+$0x0], $0xffff  }
0x75: {  	v49 =	vor.u32 v15, v41;
	v35 =	vld.idx.msk [tilespmem:v46+s11+$0x0], $0xffff  }
0x76: {  	v50 =	vor.u32 v15, v39;
	[tilespmem:s30+$0x450] =	vst v40  }
0x77: {  	v40 =	vld.idx.msk [tilespmem:v48+s11+$0x0], $0xffff  }
0x78: {  	v52 =	vor.u32 v15, v37;
	[tilespmem:s29+$0x450] =	vst v32  }
0x79: {  	v32 =	vld.idx.msk [tilespmem:v47+s11+$0x0], $0xffff;
	[tilespmem:s3+$0x460] =	vst v33  }
0x7a: {  	v51 =	vor.u32 v15, v38;
	[tilespmem:s31+$0x460] =	vst v35;
	v33 =	vld.idx.msk [tilespmem:v49+s11+$0x0], $0xffff  }
0x7b: {  	v53 =	vor.u32 v16, v41;
	v35 =	vld.idx.msk [tilespmem:v50+s11+$0x0], $0xffff  }
0x7c: {  	s10 =	simm.s32 $0x7;
	v54 =	vor.u32 v16, v39;
	[tilespmem:s30+$0x460] =	vst v40  }
0x7d: {  	v63 =	vmov s10;
	v56 =	vld.idx.msk [tilespmem:v52+s11+$0x0], $0xffff  }
0x7e: {  	s8 =	simm.s32 $0x5;
	v44 =	vor.u32 v16, v37;
	v36 =	vand.u32 $0x1F, v63;
	[tilespmem:s29+$0x460] =	vst v32  }
0x7f: {  	v55 =	vmov s8;
	v36 =	vbroadcast v36, $0x0;
	v32 =	vld.idx.msk [tilespmem:v51+s11+$0x0], $0xffff;
	[tilespmem:s3+$0x470] =	vst v33  }
0x80: {  	v57 =	vor.u32 v16, v38;
	v40 =	vand.u32 $0x1D, v55;
	[tilespmem:s31+$0x470] =	vst v35;
	v34 =	vld.idx.msk [tilespmem:v53+s11+$0x0], $0xffff  }
0x81: {  	v33 =	vbroadcast v40, $0x0;
	v46 =	vld.idx.msk [tilespmem:v54+s11+$0x0], $0xffff;
	v54 =	vor.u32 v0, v36  }
0x82: {  	s9 =	simm.s32 $0x6;
	v58 =	vor.u32 v17, v41;
	[tilespmem:s30+$0x470] =	vst v56  }
0x83: {  	v45 =	vmov s9;
	v44 =	vld.idx.msk [tilespmem:v44+s11+$0x0], $0xffff;
	v40 =	vor.u32 v0, v33  }
0x84: {  	v59 =	vand.u32 $0x1E, v45;
	v47 =	vor.u32 v17, v37;
	[tilespmem:s29+$0x470] =	vst v32  }
0x85: {  	v61 =	vor.u32 v17, v39;
	v32 =	vbroadcast v59, $0x0;
	v60 =	vld.idx.msk [tilespmem:v57+s11+$0x0], $0xffff  }
0x86: {  	v62 =	vor.u32 v17, v38;
	[tilespmem:s3+$0x800] =	vst v34;
	v42 =	vld.idx.msk [tilespmem:v54+s11+$0x0], $0xffff  }
0x87: {  	v48 =	vor.u32 v0, v32;
	v35 =	vld.idx.msk [tilespmem:v58+s11+$0x0], $0xffff  }
0x88: {  	s0 =	simm.s32 $0x800;
	v63 =	vor.u32 v1, v36;
	[tilespmem:s30+$0x800] =	vst v44;
	v49 =	vld.idx.msk [tilespmem:v40+s11+$0x0], $0xffff  }
0x89: {  	s15 =	simm.s32 $0x4;
	s1 =	simm.s32 $0x380;
	s17 =	sand.u32 $0x3000, s0;
	v52 =	vor.u32 v18, v41;
	[tilespmem:s31+$0x800] =	vst v46;
	v57 =	vld.idx.msk [tilespmem:v47+s11+$0x0], $0xffff  }
0x8a: {  	s18 =	sand.u32 $0x380, s1;
	s2 =	sadd.s32 $0xE400, s17;
	v53 =	vmov s15;
	v43 =	vld.idx.msk [tilespmem:v61+s11+$0x0], $0xffff;
	[tilespmem:s29+$0x800] =	vst v60;
	v60 =	vor.u32 v18, v37  }
0x8b: {  	s28 =	sor.u32 s18, s2;
	v56 =	vor.u32 v18, v39;
	v34 =	vand.u32 $0x1C, v53;
	v55 =	vld.idx.msk [tilespmem:v62+s11+$0x0], $0xffff  }
0x8c: {  	s16 =	simm.s32 $0x9;
	v53 =	vor.u32 v1, v33;
	v34 =	vbroadcast v34, $0x0;
	v48 =	vld.idx.msk [tilespmem:v48+s11+$0x0], $0xffff;
	[tilespmem:s28+$0x0] =	vst v42  }
0x8d: {  	s7 =	simm.s32 $0x280;
	v50 =	vor.u32 v18, v38;
	v58 =	vmov s16;
	[tilespmem:s3+$0x810] =	vst v35;
	v42 =	vld.idx.msk [tilespmem:v63+s11+$0x0], $0xffff  }
0x8e: {  	s7 =	sand.u32 $0x280, s7;
	v59 =	vand.u32 $0x1D, v58;
	v51 =	vor.u32 v0, v34;
	[tilespmem:s30+$0x810] =	vst v57;
	v40 =	vld.idx.msk [tilespmem:v52+s11+$0x0], $0xffff  }
0x8f: {  	s19 =	simm.s32 $0x300;
	s26 =	sor.u32 s7, s2;
	v35 =	vbroadcast v59, $0x0;
	[tilespmem:s31+$0x810] =	vst v43;
	v47 =	vld.idx.msk [tilespmem:v60+s11+$0x0], $0xffff;
	v60 =	vor.u32 v2, v36  }
0x90: {  	s5 =	sand.u32 $0x300, s19;
	v61 =	vor.u32 v19, v41;
	[tilespmem:s26+$0x0] =	vst v49;
	v45 =	vld.idx.msk [tilespmem:v56+s11+$0x0], $0xffff  }
0x91: {  	s25 =	sor.u32 s5, s2;
	[tilespmem:s29+$0x810] =	vst v55;
	v59 =	vld.idx.msk [tilespmem:v53+s11+$0x0], $0xffff;
	v62 =	vor.u32 v0, v35  }
0x92: {  	v54 =	vor.u32 v1, v32;
	[tilespmem:s25+$0x0] =	vst v48;
	v50 =	vld.idx.msk [tilespmem:v50+s11+$0x0], $0xffff  }
0x93: {  	v52 =	vor.u32 v19, v39;
	v51 =	vld.idx.msk [tilespmem:v51+s11+$0x0], $0xffff;
	[tilespmem:s28+$0x10] =	vst v42  }
0x94: {  	v56 =	vor.u32 v1, v34;
	[tilespmem:s3+$0x820] =	vst v40;
	v48 =	vld.idx.msk [tilespmem:v60+s11+$0x0], $0xffff  }
0x95: {  	s8 =	simm.s32 $0x200;
	v63 =	vor.u32 v2, v33;
	v43 =	vld.idx.msk [tilespmem:v61+s11+$0x0], $0xffff  }
0x96: {  	s20 =	sand.u32 $0x200, s8;
	v58 =	vor.u32 v19, v38;
	[tilespmem:s31+$0x820] =	vst v45;
	v40 =	vld.idx.msk [tilespmem:v62+s11+$0x0], $0xffff  }
0x97: {  	s24 =	sor.u32 s20, s2;
	[tilespmem:s30+$0x820] =	vst v47;
	v61 =	vld.idx.msk [tilespmem:v54+s11+$0x0], $0xffff;
	v62 =	vor.u32 v19, v37  }
0x98: {  	v57 =	vor.u32 v20, v41;
	v46 =	vld.idx.msk [tilespmem:v52+s11+$0x0], $0xffff;
	[tilespmem:s24+$0x0] =	vst v51  }
0x99: {  	[tilespmem:s26+$0x10] =	vst v59;
	v44 =	vld.idx.msk [tilespmem:v56+s11+$0x0], $0xffff;
	v56 =	vor.u32 v2, v32  }
0x9a: {  	v59 =	vor.u32 v20, v39;
	[tilespmem:s29+$0x820] =	vst v50;
	v60 =	vld.idx.msk [tilespmem:v63+s11+$0x0], $0xffff  }
0x9b: {  	v63 =	vor.u32 v3, v33;
	v42 =	vld.idx.msk [tilespmem:v58+s11+$0x0], $0xffff;
	[tilespmem:s3+$0x830] =	vst v43  }
0x9c: {  	v49 =	vld.idx.msk [tilespmem:v62+s11+$0x0], $0xffff;
	[tilespmem:s25+$0x10] =	vst v61;
	v61 =	vor.u32 v3, v36  }
0x9d: {  	[tilespmem:s28+$0x20] =	vst v48;
	v62 =	vor.u32 v20, v38;
	v45 =	vld.idx.msk [tilespmem:v57+s11+$0x0], $0xffff  }
0x9e: {  	[tilespmem:s31+$0x830] =	vst v46;
	v57 =	vor.u32 v2, v34;
	v43 =	vld.idx.msk [tilespmem:v56+s11+$0x0], $0xffff  }
0x9f: {  	v58 =	vor.u32 v21, v41;
	[tilespmem:s26+$0x20] =	vst v60;
	v48 =	vld.idx.msk [tilespmem:v59+s11+$0x0], $0xffff  }
0xa0: {  	[tilespmem:s24+$0x10] =	vst v44;
	v56 =	vor.u32 v3, v32;
	v53 =	vld.idx.msk [tilespmem:v63+s11+$0x0], $0xffff  }
0xa1: {  	[tilespmem:s29+$0x830] =	vst v42;
	v63 =	vor.u32 v4, v33;
	v51 =	vld.idx.msk [tilespmem:v61+s11+$0x0], $0xffff  }
0xa2: {  	v60 =	vor.u32 v20, v37;
	v44 =	vld.idx.msk [tilespmem:v62+s11+$0x0], $0xffff;
	[tilespmem:s30+$0x830] =	vst v49  }
0xa3: {  	v61 =	vor.u32 v4, v36;
	v50 =	vld.idx.msk [tilespmem:v57+s11+$0x0], $0xffff;
	[tilespmem:s3+$0x840] =	vst v45  }
0xa4: {  	v62 =	vor.u32 v21, v39;
	[tilespmem:s25+$0x20] =	vst v43;
	v57 =	vld.idx.msk [tilespmem:v58+s11+$0x0], $0xffff  }
0xa5: {  	[tilespmem:s26+$0x30] =	vst v53;
	v58 =	vor.u32 v3, v34;
	v45 =	vld.idx.msk [tilespmem:v56+s11+$0x0], $0xffff  }
0xa6: {  	v59 =	vor.u32 v22, v41;
	[tilespmem:s31+$0x840] =	vst v48;
	v53 =	vld.idx.msk [tilespmem:v63+s11+$0x0], $0xffff  }
0xa7: {  	v63 =	vor.u32 v5, v33;
	[tilespmem:s28+$0x30] =	vst v51;
	v51 =	vld.idx.msk [tilespmem:v60+s11+$0x0], $0xffff  }
0xa8: {  	v60 =	vor.u32 v21, v38;
	[tilespmem:s24+$0x20] =	vst v50;
	v43 =	vld.idx.msk [tilespmem:v61+s11+$0x0], $0xffff  }
0xa9: {  	v50 =	vld.idx.msk [tilespmem:v62+s11+$0x0], $0xffff;
	[tilespmem:s3+$0x850] =	vst v57;
	v57 =	vor.u32 v4, v32  }
0xaa: {  	[tilespmem:s29+$0x840] =	vst v44;
	v61 =	vor.u32 v5, v36;
	v47 =	vld.idx.msk [tilespmem:v58+s11+$0x0], $0xffff  }
0xab: {  	v62 =	vor.u32 v21, v37;
	[tilespmem:s26+$0x40] =	vst v53;
	v42 =	vld.idx.msk [tilespmem:v59+s11+$0x0], $0xffff  }
0xac: {  	v58 =	vor.u32 v4, v34;
	[tilespmem:s25+$0x30] =	vst v45;
	v53 =	vld.idx.msk [tilespmem:v63+s11+$0x0], $0xffff  }
0xad: {  	v59 =	vor.u32 v23, v41;
	[tilespmem:s28+$0x40] =	vst v43;
	v43 =	vld.idx.msk [tilespmem:v60+s11+$0x0], $0xffff  }
0xae: {  	v46 =	vld.idx.msk [tilespmem:v57+s11+$0x0], $0xffff  }
0xaf: {  	[tilespmem:s30+$0x840] =	vst v51;
	v45 =	vld.idx.msk [tilespmem:v61+s11+$0x0], $0xffff;
	v61 =	vor.u32 v22, v39  }
0xb0: {  	[tilespmem:s24+$0x30] =	vst v47;
	v57 =	vor.u32 v5, v32;
	v47 =	vld.idx.msk [tilespmem:v62+s11+$0x0], $0xffff  }
0xb1: {  	v62 =	vor.u32 v6, v36;
	v49 =	vld.idx.msk [tilespmem:v58+s11+$0x0], $0xffff;
	[tilespmem:s3+$0x860] =	vst v42  }
0xb2: {  	v63 =	vor.u32 v22, v38;
	[tilespmem:s31+$0x850] =	vst v50;
	v58 =	vld.idx.msk [tilespmem:v59+s11+$0x0], $0xffff  }
0xb3: {  	v59 =	vor.u32 v5, v34;
	[tilespmem:s25+$0x40] =	vst v46  }
0xb4: {  	v60 =	vor.u32 v24, v41;
	[tilespmem:s28+$0x50] =	vst v45;
	v45 =	vld.idx.msk [tilespmem:v61+s11+$0x0], $0xffff  }
0xb5: {  	[tilespmem:s29+$0x850] =	vst v43;
	v42 =	vld.idx.msk [tilespmem:v57+s11+$0x0], $0xffff;
	v57 =	vor.u32 v6, v33  }
0xb6: {  	[tilespmem:s24+$0x40] =	vst v49;
	v46 =	vld.idx.msk [tilespmem:v62+s11+$0x0], $0xffff;
	v62 =	vor.u32 v22, v37  }
0xb7: {  	v49 =	vld.idx.msk [tilespmem:v63+s11+$0x0], $0xffff;
	[tilespmem:s3+$0x870] =	vst v58;
	v58 =	vor.u32 v6, v32  }
0xb8: {  	[tilespmem:s26+$0x50] =	vst v53;
	v63 =	vor.u32 v7, v36;
	v48 =	vld.idx.msk [tilespmem:v59+s11+$0x0], $0xffff  }
0xb9: {  	[tilespmem:s30+$0x850] =	vst v47;
	v59 =	vld.idx.msk [tilespmem:v60+s11+$0x0], $0xffff;
	v60 =	vor.u32 v6, v34  }
0xba: {  	v61 =	vor.u32 v25, v41;
	v53 =	vld.idx.msk [tilespmem:v57+s11+$0x0], $0xffff;
	[tilespmem:s25+$0x50] =	vst v42  }
0xbb: {  	v57 =	vor.u32 v23, v39;
	[tilespmem:s28+$0x60] =	vst v46;
	v46 =	vld.idx.msk [tilespmem:v62+s11+$0x0], $0xffff  }
0xbc: {  	[tilespmem:s31+$0x860] =	vst v45;
	v44 =	vld.idx.msk [tilespmem:v58+s11+$0x0], $0xffff;
	v58 =	vor.u32 v7, v33  }
0xbd: {  	v62 =	vor.u32 v23, v38;
	[tilespmem:s24+$0x50] =	vst v48;
	v42 =	vld.idx.msk [tilespmem:v63+s11+$0x0], $0xffff  }
0xbe: {  	v51 =	vld.idx.msk [tilespmem:v60+s11+$0x0], $0xffff;
	[tilespmem:s3+$0xC00] =	vst v59;
	v59 =	vor.u32 v7, v32  }
0xbf: {  	[tilespmem:s29+$0x860] =	vst v49;
	v63 =	vor.u32 v8, v36;
	v43 =	vld.idx.msk [tilespmem:v61+s11+$0x0], $0xffff  }
0xc0: {  	v60 =	vor.u32 v7, v34;
	[tilespmem:s26+$0x60] =	vst v53;
	v48 =	vld.idx.msk [tilespmem:v57+s11+$0x0], $0xffff  }
0xc1: {  	v61 =	vor.u32 v26, v41;
	v53 =	vld.idx.msk [tilespmem:v58+s11+$0x0], $0xffff;
	[tilespmem:s25+$0x60] =	vst v44  }
0xc2: {  	v57 =	vor.u32 v23, v37;
	[tilespmem:s28+$0x70] =	vst v42;
	v42 =	vld.idx.msk [tilespmem:v62+s11+$0x0], $0xffff  }
0xc3: {  	[tilespmem:s30+$0x860] =	vst v46;
	v58 =	vor.u32 v8, v33;
	v50 =	vld.idx.msk [tilespmem:v59+s11+$0x0], $0xffff  }
0xc4: {  	v62 =	vor.u32 v24, v39;
	[tilespmem:s24+$0x60] =	vst v51;
	v44 =	vld.idx.msk [tilespmem:v63+s11+$0x0], $0xffff  }
0xc5: {  	v59 =	vor.u32 v8, v32;
	v47 =	vld.idx.msk [tilespmem:v60+s11+$0x0], $0xffff;
	[tilespmem:s3+$0xC10] =	vst v43  }
0xc6: {  	v63 =	vor.u32 v9, v36;
	v45 =	vld.idx.msk [tilespmem:v61+s11+$0x0], $0xffff;
	[tilespmem:s31+$0x870] =	vst v48  }
0xc7: {  	v60 =	vor.u32 v8, v34;
	v51 =	vld.idx.msk [tilespmem:v57+s11+$0x0], $0xffff;
	[tilespmem:s26+$0x70] =	vst v53  }
0xc8: {  	v61 =	vor.u32 v27, v41;
	v53 =	vld.idx.msk [tilespmem:v58+s11+$0x0], $0xffff;
	[tilespmem:s25+$0x70] =	vst v50  }
0xc9: {  	v57 =	vor.u32 v24, v38;
	[tilespmem:s28+$0x400] =	vst v44;
	v44 =	vld.idx.msk [tilespmem:v62+s11+$0x0], $0xffff  }
0xca: {  	[tilespmem:s29+$0x870] =	vst v42;
	v58 =	vor.u32 v9, v33;
	v43 =	vld.idx.msk [tilespmem:v59+s11+$0x0], $0xffff  }
0xcb: {  	v62 =	vor.u32 v24, v37;
	[tilespmem:s24+$0x70] =	vst v47;
	v50 =	vld.idx.msk [tilespmem:v63+s11+$0x0], $0xffff  }
0xcc: {  	v59 =	vor.u32 v9, v32;
	v49 =	vld.idx.msk [tilespmem:v60+s11+$0x0], $0xffff;
	[tilespmem:s3+$0xC20] =	vst v45  }
0xcd: {  	v63 =	vor.u32 v10, v36;
	v46 =	vld.idx.msk [tilespmem:v61+s11+$0x0], $0xffff;
	[tilespmem:s30+$0x870] =	vst v51  }
0xce: {  	v60 =	vor.u32 v9, v34;
	v47 =	vld.idx.msk [tilespmem:v57+s11+$0x0], $0xffff;
	[tilespmem:s26+$0x400] =	vst v53  }
0xcf: {  	v57 =	vor.u32 v25, v39;
	v53 =	vld.idx.msk [tilespmem:v58+s11+$0x0], $0xffff;
	[tilespmem:s25+$0x400] =	vst v43  }
0xd0: {  	v61 =	vor.u32 v28, v41;
	[tilespmem:s28+$0x410] =	vst v50;
	v50 =	vld.idx.msk [tilespmem:v62+s11+$0x0], $0xffff  }
0xd1: {  	[tilespmem:s31+$0xC00] =	vst v44;
	v58 =	vor.u32 v10, v33;
	v45 =	vld.idx.msk [tilespmem:v59+s11+$0x0], $0xffff  }
0xd2: {  	v62 =	vor.u32 v25, v38;
	[tilespmem:s24+$0x400] =	vst v49;
	v43 =	vld.idx.msk [tilespmem:v63+s11+$0x0], $0xffff  }
0xd3: {  	v59 =	vor.u32 v10, v32;
	v48 =	vld.idx.msk [tilespmem:v60+s11+$0x0], $0xffff;
	[tilespmem:s3+$0xC30] =	vst v46  }
0xd4: {  	v63 =	vor.u32 v11, v36;
	v49 =	vld.idx.msk [tilespmem:v57+s11+$0x0], $0xffff;
	[tilespmem:s29+$0xC00] =	vst v47  }
0xd5: {  	v57 =	vor.u32 v25, v37;
	v42 =	vld.idx.msk [tilespmem:v61+s11+$0x0], $0xffff;
	[tilespmem:s26+$0x410] =	vst v53  }
0xd6: {  	v60 =	vor.u32 v10, v34;
	v53 =	vld.idx.msk [tilespmem:v58+s11+$0x0], $0xffff;
	[tilespmem:s25+$0x410] =	vst v45  }
0xd7: {  	v61 =	vor.u32 v29, v41;
	[tilespmem:s28+$0x420] =	vst v43;
	v43 =	vld.idx.msk [tilespmem:v62+s11+$0x0], $0xffff  }
0xd8: {  	[tilespmem:s30+$0xC00] =	vst v50;
	v58 =	vor.u32 v11, v33;
	v46 =	vld.idx.msk [tilespmem:v59+s11+$0x0], $0xffff  }
0xd9: {  	v62 =	vor.u32 v26, v39;
	[tilespmem:s24+$0x410] =	vst v48;
	v45 =	vld.idx.msk [tilespmem:v63+s11+$0x0], $0xffff  }
0xda: {  	v59 =	vor.u32 v11, v32;
	v48 =	vld.idx.msk [tilespmem:v57+s11+$0x0], $0xffff;
	[tilespmem:s31+$0xC10] =	vst v49  }
0xdb: {  	v63 =	vor.u32 v12, v36;
	v51 =	vld.idx.msk [tilespmem:v60+s11+$0x0], $0xffff;
	[tilespmem:s3+$0xC40] =	vst v42  }
0xdc: {  	v57 =	vor.u32 v26, v38;
	v44 =	vld.idx.msk [tilespmem:v61+s11+$0x0], $0xffff;
	[tilespmem:s26+$0x420] =	vst v53  }
0xdd: {  	v60 =	vor.u32 v11, v34;
	v53 =	vld.idx.msk [tilespmem:v58+s11+$0x0], $0xffff;
	[tilespmem:s25+$0x420] =	vst v46  }
0xde: {  	v61 =	vor.u32 v30, v41;
	[tilespmem:s28+$0x430] =	vst v45;
	v45 =	vld.idx.msk [tilespmem:v62+s11+$0x0], $0xffff  }
0xdf: {  	[tilespmem:s29+$0xC10] =	vst v43;
	v58 =	vor.u32 v12, v33;
	v42 =	vld.idx.msk [tilespmem:v59+s11+$0x0], $0xffff  }
0xe0: {  	v62 =	vor.u32 v26, v37;
	[tilespmem:s30+$0xC10] =	vst v48;
	v46 =	vld.idx.msk [tilespmem:v63+s11+$0x0], $0xffff  }
0xe1: {  	[tilespmem:s24+$0x420] =	vst v51;
	v59 =	vor.u32 v12, v32;
	v51 =	vld.idx.msk [tilespmem:v57+s11+$0x0], $0xffff  }
0xe2: {  	s21 =	simm.s32 $0xA;
	v63 =	vor.u32 v13, v36;
	v47 =	vld.idx.msk [tilespmem:v60+s11+$0x0], $0xffff;
	[tilespmem:s3+$0xC50] =	vst v44  }
0xe3: {  	v57 =	vmov s21;
	v60 =	vor.u32 v12, v34;
	v49 =	vld.idx.msk [tilespmem:v61+s11+$0x0], $0xffff;
	[tilespmem:s26+$0x430] =	vst v53  }
0xe4: {  	v61 =	vor.u32 v31, v41;
	v41 =	vand.u32 $0x1E, v57;
	v53 =	vld.idx.msk [tilespmem:v58+s11+$0x0], $0xffff;
	[tilespmem:s25+$0x430] =	vst v42  }
0xe5: {  	v41 =	vbroadcast v41, $0x0;
	v58 =	vor.u32 v27, v39;
	[tilespmem:s28+$0x440] =	vst v46;
	v46 =	vld.idx.msk [tilespmem:v62+s11+$0x0], $0xffff  }
0xe6: {  	[tilespmem:s31+$0xC20] =	vst v45;
	v44 =	vld.idx.msk [tilespmem:v59+s11+$0x0], $0xffff;
	v59 =	vor.u32 v13, v33  }
0xe7: {  	v62 =	vor.u32 v0, v41;
	[tilespmem:s24+$0x430] =	vst v47;
	v42 =	vld.idx.msk [tilespmem:v63+s11+$0x0], $0xffff  }
0xe8: {  	v50 =	vld.idx.msk [tilespmem:v60+s11+$0x0], $0xffff;
	[tilespmem:s3+$0xC60] =	vst v49;
	v60 =	vor.u32 v13, v32  }
0xe9: {  	v57 =	vor.u32 v14, v36;
	[tilespmem:s29+$0xC20] =	vst v51;
	v43 =	vld.idx.msk [tilespmem:v61+s11+$0x0], $0xffff  }
0xea: {  	v61 =	vor.u32 v13, v34;
	[tilespmem:s26+$0x440] =	vst v53;
	v45 =	vld.idx.msk [tilespmem:v58+s11+$0x0], $0xffff  }
0xeb: {  	v63 =	vor.u32 v27, v38;
	[tilespmem:s30+$0xC20] =	vst v46;
	v53 =	vld.idx.msk [tilespmem:v59+s11+$0x0], $0xffff  }
0xec: {  	v58 =	vor.u32 v27, v37;
	[tilespmem:s25+$0x440] =	vst v44;
	v44 =	vld.idx.msk [tilespmem:v62+s11+$0x0], $0xffff  }
0xed: {  	[tilespmem:s28+$0x450] =	vst v42;
	v62 =	vor.u32 v28, v39;
	v49 =	vld.idx.msk [tilespmem:v60+s11+$0x0], $0xffff  }
0xee: {  	v55 =	vor.u32 v14, v33;
	[tilespmem:s24+$0x440] =	vst v50;
	v47 =	vld.idx.msk [tilespmem:v57+s11+$0x0], $0xffff  }
0xef: {  	v59 =	vor.u32 v14, v32;
	v48 =	vld.idx.msk [tilespmem:v61+s11+$0x0], $0xffff;
	[tilespmem:s3+$0xC70] =	vst v43  }
0xf0: {  	v60 =	vor.u32 v14, v34;
	v61 =	vld.idx.msk [tilespmem:v63+s11+$0x0], $0xffff;
	[tilespmem:s31+$0xC30] =	vst v45  }
0xf1: {  	v57 =	vor.u32 v15, v36;
	v50 =	vld.idx.msk [tilespmem:v58+s11+$0x0], $0xffff;
	[tilespmem:s26+$0x450] =	vst v53  }
0xf2: {  	v63 =	vor.u32 v28, v38;
	v46 =	vld.idx.msk [tilespmem:v62+s11+$0x0], $0xffff;
	[tilespmem:s25+$0x450] =	vst v49  }
0xf3: {  	v58 =	vor.u32 v28, v37;
	v53 =	vld.idx.msk [tilespmem:v55+s11+$0x0], $0xffff;
	[tilespmem:s28+$0x460] =	vst v47  }
0xf4: {  	v62 =	vor.u32 v29, v39;
	[tilespmem:s24+$0x450] =	vst v48;
	v43 =	vld.idx.msk [tilespmem:v59+s11+$0x0], $0xffff  }
0xf5: {  	v59 =	vor.u32 v15, v33;
	[tilespmem:s29+$0xC30] =	vst v61;
	v51 =	vld.idx.msk [tilespmem:v60+s11+$0x0], $0xffff  }
0xf6: {  	v49 =	vld.idx.msk [tilespmem:v57+s11+$0x0], $0xffff;
	v60 =	vor.u32 v15, v32;
	[tilespmem:s30+$0xC30] =	vst v50  }
0xf7: {  	v47 =	vld.idx.msk [tilespmem:v63+s11+$0x0], $0xffff;
	v63 =	vor.u32 v16, v36;
	[tilespmem:s31+$0xC40] =	vst v46  }
0xf8: {  	v61 =	vor.u32 v15, v34;
	v48 =	vld.idx.msk [tilespmem:v58+s11+$0x0], $0xffff;
	[tilespmem:s26+$0x460] =	vst v53  }
0xf9: {  	v52 =	vor.u32 v29, v38;
	v56 =	vld.idx.msk [tilespmem:v62+s11+$0x0], $0xffff;
	[tilespmem:s25+$0x460] =	vst v43  }
0xfa: {  	v53 =	vld.idx.msk [tilespmem:v59+s11+$0x0], $0xffff;
	[tilespmem:s24+$0x460] =	vst v51;
	v51 =	vor.u32 v29, v37  }
0xfb: {  	[tilespmem:s28+$0x470] =	vst v49;
	v45 =	vld.idx.msk [tilespmem:v60+s11+$0x0], $0xffff;
	v60 =	vor.u32 v16, v33  }
0xfc: {  	v43 =	vld.idx.msk [tilespmem:v63+s11+$0x0], $0xffff;
	v63 =	vor.u32 v30, v39  }
0xfd: {  	[tilespmem:s29+$0xC40] =	vst v47;
	v42 =	vld.idx.msk [tilespmem:v61+s11+$0x0], $0xffff;
	v61 =	vor.u32 v16, v32  }
0xfe: {  	v62 =	vor.u32 v16, v34;
	v52 =	vld.idx.msk [tilespmem:v52+s11+$0x0], $0xffff;
	[tilespmem:s30+$0xC40] =	vst v48  }
0xff: {  	v57 =	vor.u32 v30, v38;
	[tilespmem:s26+$0x470] =	vst v53;
	v53 =	vld.idx.msk [tilespmem:v51+s11+$0x0], $0xffff  }
0x100: {  	v55 =	vor.u32 v17, v36;
	[tilespmem:s31+$0xC50] =	vst v56;
	v51 =	vld.idx.msk [tilespmem:v60+s11+$0x0], $0xffff  }
0x101: {  	v54 =	vor.u32 v30, v37;
	[tilespmem:s25+$0x470] =	vst v45;
	v48 =	vld.idx.msk [tilespmem:v63+s11+$0x0], $0xffff  }
0x102: {  	v47 =	vor.u32 v17, v33;
	[tilespmem:s24+$0x470] =	vst v42;
	v49 =	vld.idx.msk [tilespmem:v61+s11+$0x0], $0xffff  }
0x103: {  	v46 =	vor.u32 v17, v32;
	[tilespmem:s29+$0xC50] =	vst v52;
	v50 =	vld.idx.msk [tilespmem:v62+s11+$0x0], $0xffff  }
0x104: {  	s5 =	simm.s32 $0xC;
	s2 =	simm.s32 $0xB;
	s3 =	simm.s32 $0x8;
	v45 =	vor.u32 v17, v34;
	[tilespmem:s28+$0x800] =	vst v43;
	v52 =	vld.idx.msk [tilespmem:v57+s11+$0x0], $0xffff  }
.LBB2_3:
0x105: {  	p1 =	slt.u32 s5, $0x1C;
	v42 =	vmov s2;
	v43 =	vld.idx.msk [tilespmem:v55+s11+$0x0], $0xffff;
	[tilespmem:s30+$0xC50] =	vst v53;
	v53 =	vor.u32 v31, v39;
	v39 =	vmovc v33;
	v33 =	vmov v35  }
0x106: {  	v35 =	vand.u32 $0x1F, v42;
	[tilespmem:s26+$0x800] =	vst v51;
	v42 =	vld.idx.msk [tilespmem:v54+s11+$0x0], $0xffff;
	v51 =	vor.u32 v31, v38;
	v38 =	vmovc v32;
	v32 =	vmov v41  }
0x107: {  	v41 =	vbroadcast v35, $0x0;
	v47 =	vld.idx.msk [tilespmem:v47+s11+$0x0], $0xffff;
	[tilespmem:s25+$0x800] =	vst v49;
	v35 =	vor.u32 v18, v36  }
0x108: {  	v49 =	vor.u32 v31, v37;
	v37 =	vmov v34;
	[tilespmem:s24+$0x800] =	vst v50;
	v46 =	vld.idx.msk [tilespmem:v46+s11+$0x0], $0xffff  }
0x109: {  	v34 =	vmov s3;
	s3 =	smov.u32 s5;
	v50 =	vor.u32 v0, v41;
	v45 =	vld.idx.msk [tilespmem:v45+s11+$0x0], $0xffff;
	[tilespmem:s31+$0xC60] =	vst v48  }
0x10a: {  	s2 =	sadd.s32 $0x1, s5;
	v34 =	vand.u32 $0x1C, v34;
	v48 =	vor.u32 v18, v39;
	v53 =	vld.idx.msk [tilespmem:v53+s11+$0x0], $0xffff;
	[tilespmem:s29+$0xC60] =	vst v52  }
0x10b: {  	v54 =	vor.u32 v18, v38;
	v34 =	vbroadcast v34, $0x0;
	v52 =	vmov s2;
	[tilespmem:s28+$0x810] =	vst v43;
	v43 =	vld.idx.msk [tilespmem:v51+s11+$0x0], $0xffff  }
0x10c: {  	v51 =	vand.u32 $0x1D, v52;
	v52 =	vor.u32 v18, v37;
	v55 =	vld.idx.msk [tilespmem:v35+s11+$0x0], $0xffff;
	[tilespmem:s30+$0xC60] =	vst v42  }
0x10d: {  	v35 =	vbroadcast v51, $0x0;
	v42 =	vor.u32 v0, v34;
	[tilespmem:s26+$0x810] =	vst v47;
	v47 =	vld.idx.msk [tilespmem:v49+s11+$0x0], $0xffff  }
0x10e: {  	v49 =	vld.idx.msk [tilespmem:v50+s11+$0x0], $0xffff;
	[tilespmem:s25+$0x810] =	vst v46;
	v46 =	vor.u32 v19, v36  }
0x10f: {  	v50 =	vor.u32 v0, v35;
	[tilespmem:s24+$0x810] =	vst v45;
	v45 =	vld.idx.msk [tilespmem:v48+s11+$0x0], $0xffff  }
0x110: {  	s0 =	sadd.s32 $0x800, s0;
	v48 =	vor.u32 v1, v41;
	v51 =	vld.idx.msk [tilespmem:v54+s11+$0x0], $0xffff;
	[tilespmem:s31+$0xC70] =	vst v53;
	s31 =	smov.u32 s26  }
0x111: {  	s1 =	sadd.s32 $0x200, s1;
	s2 =	sand.u32 $0x3000, s0;
	v53 =	vor.u32 v19, v39;
	v52 =	vld.idx.msk [tilespmem:v52+s11+$0x0], $0xffff;
	[tilespmem:s29+$0xC70] =	vst v43;
	s29 =	smov.u32 s25  }
0x112: {  	s7 =	sadd.s32 $0xFFFFFE80, s1;
	s8 =	sadd.s32 $0xE400, s2;
	s2 =	sand.u32 $0x380, s1;
	v43 =	vor.u32 v1, v33;
	v42 =	vld.idx.msk [tilespmem:v42+s11+$0x0], $0xffff;
	[tilespmem:s28+$0x820] =	vst v55  }
0x113: {  	s9 =	sadd.s32 $0xFFFFFF00, s1;
	s10 =	sadd.s32 $0xFFFFFF80, s1;
	s2 =	sor.u32 s2, s8;
	v54 =	vor.u32 v1, v32;
	v46 =	vld.idx.msk [tilespmem:v46+s11+$0x0], $0xffff;
	[tilespmem:s30+$0xC70] =	vst v47  }
0x114: {  	s7 =	sand.u32 $0x200, s7;
	s9 =	sand.u32 $0x280, s9;
	s10 =	sand.u32 $0x300, s10;
	v47 =	vld.idx.msk [tilespmem:v50+s11+$0x0], $0xffff;
	v50 =	vor.u32 v1, v34;
	[tilespmem:s2+$0x0] =	vst v49  }
0x115: {  	s7 =	sor.u32 s7, s8;
	s26 =	sor.u32 s9, s8;
	s25 =	sor.u32 s10, s8;
	v48 =	vld.idx.msk [tilespmem:v48+s11+$0x0], $0xffff;
	[tilespmem:s31+$0x820] =	vst v45;
	v45 =	vor.u32 v20, v36  }
0x116: {  	s30 =	smov.u32 s24;
	s24 =	smov.u32 s7;
	[tilespmem:s26+$0x0] =	vst v40;
	v49 =	vld.idx.msk [tilespmem:v53+s11+$0x0], $0xffff;
	v53 =	vor.u32 v19, v38  }
0x117: {  	v43 =	vld.idx.msk [tilespmem:v43+s11+$0x0], $0xffff;
	[tilespmem:s25+$0x0] =	vst v44;
	v44 =	vor.u32 v2, v41  }
0x118: {  	[tilespmem:s24+$0x0] =	vst v42;
	v42 =	vld.idx.msk [tilespmem:v54+s11+$0x0], $0xffff;
	v54 =	vor.u32 v19, v37  }
0x119: {  	v55 =	vor.u32 v2, v33;
	v50 =	vld.idx.msk [tilespmem:v50+s11+$0x0], $0xffff;
	[tilespmem:s28+$0x830] =	vst v46  }
0x11a: {  	v46 =	vor.u32 v2, v32;
	v40 =	vmov v47;
	[tilespmem:s29+$0x820] =	vst v51;
	v45 =	vld.idx.msk [tilespmem:v45+s11+$0x0], $0xffff  }
0x11b: {  	v47 =	vor.u32 v2, v34;
	[tilespmem:s2+$0x10] =	vst v48;
	v48 =	vld.idx.msk [tilespmem:v53+s11+$0x0], $0xffff  }
0x11c: {  	v51 =	vor.u32 v21, v36;
	v44 =	vld.idx.msk [tilespmem:v44+s11+$0x0], $0xffff;
	[tilespmem:s30+$0x820] =	vst v52  }
0x11d: {  	v52 =	vor.u32 v20, v39;
	[tilespmem:s26+$0x10] =	vst v43;
	v43 =	vld.idx.msk [tilespmem:v54+s11+$0x0], $0xffff  }
0x11e: {  	v53 =	vld.idx.msk [tilespmem:v55+s11+$0x0], $0xffff;
	[tilespmem:s25+$0x10] =	vst v42;
	v42 =	vor.u32 v3, v41  }
0x11f: {  	[tilespmem:s24+$0x10] =	vst v50;
	v46 =	vld.idx.msk [tilespmem:v46+s11+$0x0], $0xffff;
	v50 =	vor.u32 v20, v38  }
0x120: {  	v54 =	vor.u32 v3, v33;
	v47 =	vld.idx.msk [tilespmem:v47+s11+$0x0], $0xffff;
	[tilespmem:s28+$0x840] =	vst v45  }
0x121: {  	v45 =	vor.u32 v3, v32;
	[tilespmem:s31+$0x830] =	vst v49;
	v49 =	vld.idx.msk [tilespmem:v51+s11+$0x0], $0xffff  }
0x122: {  	v51 =	vor.u32 v3, v34;
	[tilespmem:s2+$0x20] =	vst v44;
	v44 =	vld.idx.msk [tilespmem:v52+s11+$0x0], $0xffff  }
0x123: {  	v42 =	vld.idx.msk [tilespmem:v42+s11+$0x0], $0xffff;
	[tilespmem:s29+$0x830] =	vst v48;
	v48 =	vor.u32 v22, v36  }
0x124: {  	v52 =	vor.u32 v20, v37;
	[tilespmem:s26+$0x20] =	vst v53;
	v50 =	vld.idx.msk [tilespmem:v50+s11+$0x0], $0xffff  }
0x125: {  	v53 =	vld.idx.msk [tilespmem:v54+s11+$0x0], $0xffff;
	[tilespmem:s25+$0x20] =	vst v46;
	v46 =	vor.u32 v4, v41  }
0x126: {  	[tilespmem:s24+$0x20] =	vst v47;
	v45 =	vld.idx.msk [tilespmem:v45+s11+$0x0], $0xffff;
	v47 =	vor.u32 v21, v39  }
0x127: {  	v54 =	vor.u32 v4, v33;
	v51 =	vld.idx.msk [tilespmem:v51+s11+$0x0], $0xffff;
	[tilespmem:s28+$0x850] =	vst v49  }
0x128: {  	v49 =	vor.u32 v4, v32;
	[tilespmem:s30+$0x830] =	vst v43;
	v43 =	vld.idx.msk [tilespmem:v48+s11+$0x0], $0xffff  }
0x129: {  	v48 =	vor.u32 v4, v34;
	[tilespmem:s2+$0x30] =	vst v42;
	v42 =	vld.idx.msk [tilespmem:v52+s11+$0x0], $0xffff  }
0x12a: {  	v46 =	vld.idx.msk [tilespmem:v46+s11+$0x0], $0xffff;
	[tilespmem:s31+$0x840] =	vst v44;
	v44 =	vor.u32 v23, v36  }
0x12b: {  	v52 =	vor.u32 v21, v38;
	[tilespmem:s26+$0x30] =	vst v53;
	v47 =	vld.idx.msk [tilespmem:v47+s11+$0x0], $0xffff  }
0x12c: {  	v53 =	vld.idx.msk [tilespmem:v54+s11+$0x0], $0xffff;
	[tilespmem:s25+$0x30] =	vst v45;
	v45 =	vor.u32 v5, v41  }
0x12d: {  	[tilespmem:s24+$0x30] =	vst v51;
	v49 =	vld.idx.msk [tilespmem:v49+s11+$0x0], $0xffff;
	v51 =	vor.u32 v21, v37  }
0x12e: {  	v54 =	vor.u32 v5, v33;
	v48 =	vld.idx.msk [tilespmem:v48+s11+$0x0], $0xffff;
	[tilespmem:s28+$0x860] =	vst v43  }
0x12f: {  	v43 =	vor.u32 v5, v32;
	[tilespmem:s29+$0x840] =	vst v50;
	v44 =	vld.idx.msk [tilespmem:v44+s11+$0x0], $0xffff  }
0x130: {  	v50 =	vor.u32 v5, v34;
	[tilespmem:s2+$0x40] =	vst v46;
	v46 =	vld.idx.msk [tilespmem:v52+s11+$0x0], $0xffff  }
0x131: {  	v45 =	vld.idx.msk [tilespmem:v45+s11+$0x0], $0xffff;
	[tilespmem:s30+$0x840] =	vst v42;
	v42 =	vor.u32 v24, v36  }
0x132: {  	v52 =	vor.u32 v22, v39;
	[tilespmem:s26+$0x40] =	vst v53;
	v51 =	vld.idx.msk [tilespmem:v51+s11+$0x0], $0xffff  }
0x133: {  	v53 =	vld.idx.msk [tilespmem:v54+s11+$0x0], $0xffff;
	[tilespmem:s25+$0x40] =	vst v49;
	v49 =	vor.u32 v6, v41  }
0x134: {  	[tilespmem:s24+$0x40] =	vst v48;
	v43 =	vld.idx.msk [tilespmem:v43+s11+$0x0], $0xffff;
	v48 =	vor.u32 v22, v38  }
0x135: {  	v54 =	vor.u32 v6, v33;
	v50 =	vld.idx.msk [tilespmem:v50+s11+$0x0], $0xffff;
	[tilespmem:s28+$0x870] =	vst v44  }
0x136: {  	v44 =	vor.u32 v6, v32;
	[tilespmem:s31+$0x850] =	vst v47;
	v42 =	vld.idx.msk [tilespmem:v42+s11+$0x0], $0xffff  }
0x137: {  	v47 =	vor.u32 v6, v34;
	[tilespmem:s2+$0x50] =	vst v45;
	v45 =	vld.idx.msk [tilespmem:v52+s11+$0x0], $0xffff  }
0x138: {  	v49 =	vld.idx.msk [tilespmem:v49+s11+$0x0], $0xffff;
	[tilespmem:s29+$0x850] =	vst v46;
	v46 =	vor.u32 v25, v36  }
0x139: {  	v52 =	vor.u32 v22, v37;
	[tilespmem:s26+$0x50] =	vst v53;
	v48 =	vld.idx.msk [tilespmem:v48+s11+$0x0], $0xffff  }
0x13a: {  	v53 =	vld.idx.msk [tilespmem:v54+s11+$0x0], $0xffff;
	[tilespmem:s25+$0x50] =	vst v43;
	v43 =	vor.u32 v7, v41  }
0x13b: {  	[tilespmem:s24+$0x50] =	vst v50;
	v44 =	vld.idx.msk [tilespmem:v44+s11+$0x0], $0xffff;
	v50 =	vor.u32 v23, v39  }
0x13c: {  	v54 =	vor.u32 v7, v33;
	v47 =	vld.idx.msk [tilespmem:v47+s11+$0x0], $0xffff;
	[tilespmem:s28+$0xC00] =	vst v42  }
0x13d: {  	v42 =	vor.u32 v7, v32;
	[tilespmem:s30+$0x850] =	vst v51;
	v46 =	vld.idx.msk [tilespmem:v46+s11+$0x0], $0xffff  }
0x13e: {  	v51 =	vor.u32 v7, v34;
	[tilespmem:s2+$0x60] =	vst v49;
	v49 =	vld.idx.msk [tilespmem:v52+s11+$0x0], $0xffff  }
0x13f: {  	v43 =	vld.idx.msk [tilespmem:v43+s11+$0x0], $0xffff;
	[tilespmem:s31+$0x860] =	vst v45;
	v45 =	vor.u32 v26, v36  }
0x140: {  	v52 =	vor.u32 v23, v38;
	[tilespmem:s26+$0x60] =	vst v53;
	v50 =	vld.idx.msk [tilespmem:v50+s11+$0x0], $0xffff  }
0x141: {  	v53 =	vld.idx.msk [tilespmem:v54+s11+$0x0], $0xffff;
	[tilespmem:s25+$0x60] =	vst v44;
	v44 =	vor.u32 v8, v41  }
0x142: {  	[tilespmem:s24+$0x60] =	vst v47;
	v42 =	vld.idx.msk [tilespmem:v42+s11+$0x0], $0xffff;
	v47 =	vor.u32 v23, v37  }
0x143: {  	v54 =	vor.u32 v8, v33;
	v51 =	vld.idx.msk [tilespmem:v51+s11+$0x0], $0xffff;
	[tilespmem:s28+$0xC10] =	vst v46  }
0x144: {  	v46 =	vor.u32 v8, v32;
	[tilespmem:s29+$0x860] =	vst v48;
	v45 =	vld.idx.msk [tilespmem:v45+s11+$0x0], $0xffff  }
0x145: {  	v48 =	vor.u32 v8, v34;
	[tilespmem:s2+$0x70] =	vst v43;
	v43 =	vld.idx.msk [tilespmem:v52+s11+$0x0], $0xffff  }
0x146: {  	v44 =	vld.idx.msk [tilespmem:v44+s11+$0x0], $0xffff;
	[tilespmem:s30+$0x860] =	vst v49;
	v49 =	vor.u32 v27, v36  }
0x147: {  	v52 =	vor.u32 v24, v39;
	[tilespmem:s26+$0x70] =	vst v53;
	v47 =	vld.idx.msk [tilespmem:v47+s11+$0x0], $0xffff  }
0x148: {  	v53 =	vld.idx.msk [tilespmem:v54+s11+$0x0], $0xffff;
	[tilespmem:s25+$0x70] =	vst v42;
	v42 =	vor.u32 v9, v41  }
0x149: {  	[tilespmem:s24+$0x70] =	vst v51;
	v46 =	vld.idx.msk [tilespmem:v46+s11+$0x0], $0xffff;
	v51 =	vor.u32 v24, v38  }
0x14a: {  	v54 =	vor.u32 v9, v33;
	v48 =	vld.idx.msk [tilespmem:v48+s11+$0x0], $0xffff;
	[tilespmem:s28+$0xC20] =	vst v45  }
0x14b: {  	v45 =	vor.u32 v9, v32;
	[tilespmem:s31+$0x870] =	vst v50;
	v49 =	vld.idx.msk [tilespmem:v49+s11+$0x0], $0xffff  }
0x14c: {  	v50 =	vor.u32 v9, v34;
	[tilespmem:s2+$0x400] =	vst v44;
	v44 =	vld.idx.msk [tilespmem:v52+s11+$0x0], $0xffff  }
0x14d: {  	v42 =	vld.idx.msk [tilespmem:v42+s11+$0x0], $0xffff;
	[tilespmem:s29+$0x870] =	vst v43;
	v43 =	vor.u32 v28, v36  }
0x14e: {  	v52 =	vor.u32 v24, v37;
	[tilespmem:s26+$0x400] =	vst v53;
	v51 =	vld.idx.msk [tilespmem:v51+s11+$0x0], $0xffff  }
0x14f: {  	v53 =	vld.idx.msk [tilespmem:v54+s11+$0x0], $0xffff;
	[tilespmem:s25+$0x400] =	vst v46;
	v46 =	vor.u32 v10, v41  }
0x150: {  	[tilespmem:s24+$0x400] =	vst v48;
	v45 =	vld.idx.msk [tilespmem:v45+s11+$0x0], $0xffff;
	v48 =	vor.u32 v25, v39  }
0x151: {  	v54 =	vor.u32 v10, v33;
	v50 =	vld.idx.msk [tilespmem:v50+s11+$0x0], $0xffff;
	[tilespmem:s28+$0xC30] =	vst v49  }
0x152: {  	v49 =	vor.u32 v10, v32;
	[tilespmem:s30+$0x870] =	vst v47;
	v43 =	vld.idx.msk [tilespmem:v43+s11+$0x0], $0xffff  }
0x153: {  	v47 =	vor.u32 v10, v34;
	[tilespmem:s2+$0x410] =	vst v42;
	v42 =	vld.idx.msk [tilespmem:v52+s11+$0x0], $0xffff  }
0x154: {  	v46 =	vld.idx.msk [tilespmem:v46+s11+$0x0], $0xffff;
	[tilespmem:s31+$0xC00] =	vst v44;
	v44 =	vor.u32 v29, v36  }
0x155: {  	v52 =	vor.u32 v25, v38;
	[tilespmem:s26+$0x410] =	vst v53;
	v48 =	vld.idx.msk [tilespmem:v48+s11+$0x0], $0xffff  }
0x156: {  	v53 =	vld.idx.msk [tilespmem:v54+s11+$0x0], $0xffff;
	[tilespmem:s25+$0x410] =	vst v45;
	v45 =	vor.u32 v11, v41  }
0x157: {  	[tilespmem:s24+$0x410] =	vst v50;
	v49 =	vld.idx.msk [tilespmem:v49+s11+$0x0], $0xffff;
	v50 =	vor.u32 v25, v37  }
0x158: {  	v54 =	vor.u32 v11, v33;
	v47 =	vld.idx.msk [tilespmem:v47+s11+$0x0], $0xffff;
	[tilespmem:s28+$0xC40] =	vst v43  }
0x159: {  	v43 =	vor.u32 v11, v32;
	[tilespmem:s29+$0xC00] =	vst v51;
	v44 =	vld.idx.msk [tilespmem:v44+s11+$0x0], $0xffff  }
0x15a: {  	v51 =	vor.u32 v11, v34;
	[tilespmem:s2+$0x420] =	vst v46;
	v46 =	vld.idx.msk [tilespmem:v52+s11+$0x0], $0xffff  }
0x15b: {  	v45 =	vld.idx.msk [tilespmem:v45+s11+$0x0], $0xffff;
	[tilespmem:s30+$0xC00] =	vst v42;
	v42 =	vor.u32 v30, v36  }
0x15c: {  	v52 =	vor.u32 v26, v39;
	[tilespmem:s26+$0x420] =	vst v53;
	v50 =	vld.idx.msk [tilespmem:v50+s11+$0x0], $0xffff  }
0x15d: {  	v53 =	vld.idx.msk [tilespmem:v54+s11+$0x0], $0xffff;
	[tilespmem:s25+$0x420] =	vst v49;
	v49 =	vor.u32 v12, v41  }
0x15e: {  	[tilespmem:s24+$0x420] =	vst v47;
	v43 =	vld.idx.msk [tilespmem:v43+s11+$0x0], $0xffff;
	v47 =	vor.u32 v26, v38  }
0x15f: {  	v54 =	vor.u32 v12, v33;
	v51 =	vld.idx.msk [tilespmem:v51+s11+$0x0], $0xffff;
	[tilespmem:s28+$0xC50] =	vst v44  }
0x160: {  	v44 =	vor.u32 v12, v32;
	[tilespmem:s31+$0xC10] =	vst v48;
	v42 =	vld.idx.msk [tilespmem:v42+s11+$0x0], $0xffff  }
0x161: {  	v48 =	vor.u32 v12, v34;
	[tilespmem:s2+$0x430] =	vst v45;
	v45 =	vld.idx.msk [tilespmem:v52+s11+$0x0], $0xffff  }
0x162: {  	v49 =	vld.idx.msk [tilespmem:v49+s11+$0x0], $0xffff;
	[tilespmem:s29+$0xC10] =	vst v46;
	v46 =	vor.u32 v31, v36;
	v36 =	vmov v41  }
0x163: {  	v52 =	vor.u32 v26, v37;
	[tilespmem:s26+$0x430] =	vst v53;
	v47 =	vld.idx.msk [tilespmem:v47+s11+$0x0], $0xffff  }
0x164: {  	s7 =	sadd.s32 $0x2, s5;
	v53 =	vld.idx.msk [tilespmem:v54+s11+$0x0], $0xffff;
	[tilespmem:s25+$0x430] =	vst v43;
	v43 =	vor.u32 v13, v36  }
0x165: {  	v41 =	vmov s7;
	[tilespmem:s24+$0x430] =	vst v51;
	v44 =	vld.idx.msk [tilespmem:v44+s11+$0x0], $0xffff;
	v51 =	vor.u32 v27, v39  }
0x166: {  	v41 =	vand.u32 $0x1E, v41;
	v54 =	vor.u32 v13, v33;
	v48 =	vld.idx.msk [tilespmem:v48+s11+$0x0], $0xffff;
	[tilespmem:s28+$0xC60] =	vst v42  }
0x167: {  	v41 =	vbroadcast v41, $0x0;
	v42 =	vor.u32 v13, v32;
	[tilespmem:s30+$0xC10] =	vst v50;
	v46 =	vld.idx.msk [tilespmem:v46+s11+$0x0], $0xffff  }
0x168: {  	v50 =	vor.u32 v13, v34;
	[tilespmem:s2+$0x440] =	vst v49;
	v49 =	vld.idx.msk [tilespmem:v52+s11+$0x0], $0xffff  }
0x169: {  	v52 =	vor.u32 v0, v41;
	v43 =	vld.idx.msk [tilespmem:v43+s11+$0x0], $0xffff;
	[tilespmem:s31+$0xC20] =	vst v45  }
0x16a: {  	[tilespmem:s26+$0x440] =	vst v53;
	v45 =	vld.idx.msk [tilespmem:v51+s11+$0x0], $0xffff;
	v51 =	vor.u32 v27, v38  }
0x16b: {  	v53 =	vld.idx.msk [tilespmem:v54+s11+$0x0], $0xffff;
	[tilespmem:s25+$0x440] =	vst v44;
	v54 =	vor.u32 v14, v36  }
0x16c: {  	[tilespmem:s24+$0x440] =	vst v48;
	v42 =	vld.idx.msk [tilespmem:v42+s11+$0x0], $0xffff;
	v48 =	vor.u32 v27, v37  }
0x16d: {  	v55 =	vor.u32 v14, v33;
	v50 =	vld.idx.msk [tilespmem:v50+s11+$0x0], $0xffff;
	[tilespmem:s28+$0xC70] =	vst v46;
	s28 =	smov.u32 s2  }
0x16e: {  	v46 =	vor.u32 v14, v32;
	v44 =	vld.idx.msk [tilespmem:v52+s11+$0x0], $0xffff;
	[tilespmem:s29+$0xC20] =	vst v47  }
0x16f: {  	v47 =	vor.u32 v14, v34;
	[tilespmem:s28+$0x450] =	vst v43;
	v43 =	vld.idx.msk [tilespmem:v51+s11+$0x0], $0xffff  }
0x170: {  	v51 =	vld.idx.msk [tilespmem:v54+s11+$0x0], $0xffff;
	[tilespmem:s30+$0xC20] =	vst v49;
	v49 =	vor.u32 v28, v39  }
0x171: {  	v52 =	vor.u32 v28, v38;
	[tilespmem:s26+$0x450] =	vst v53;
	v48 =	vld.idx.msk [tilespmem:v48+s11+$0x0], $0xffff  }
0x172: {  	v53 =	vld.idx.msk [tilespmem:v55+s11+$0x0], $0xffff;
	[tilespmem:s25+$0x450] =	vst v42;
	v42 =	vor.u32 v15, v36  }
0x173: {  	[tilespmem:s24+$0x450] =	vst v50;
	v46 =	vld.idx.msk [tilespmem:v46+s11+$0x0], $0xffff;
	v50 =	vor.u32 v28, v37  }
0x174: {  	v54 =	vor.u32 v15, v33;
	v47 =	vld.idx.msk [tilespmem:v47+s11+$0x0], $0xffff;
	[tilespmem:s31+$0xC30] =	vst v45  }
0x175: {  	v45 =	vor.u32 v15, v32;
	v49 =	vld.idx.msk [tilespmem:v49+s11+$0x0], $0xffff;
	[tilespmem:s29+$0xC30] =	vst v43  }
0x176: {  	v43 =	vor.u32 v15, v34;
	[tilespmem:s28+$0x460] =	vst v51;
	v51 =	vld.idx.msk [tilespmem:v52+s11+$0x0], $0xffff  }
0x177: {  	v42 =	vld.idx.msk [tilespmem:v42+s11+$0x0], $0xffff;
	[tilespmem:s30+$0xC30] =	vst v48;
	v48 =	vor.u32 v29, v39  }
0x178: {  	v52 =	vor.u32 v29, v38;
	[tilespmem:s26+$0x460] =	vst v53;
	v50 =	vld.idx.msk [tilespmem:v50+s11+$0x0], $0xffff  }
0x179: {  	v53 =	vld.idx.msk [tilespmem:v54+s11+$0x0], $0xffff;
	[tilespmem:s25+$0x460] =	vst v46;
	v46 =	vor.u32 v16, v36  }
0x17a: {  	[tilespmem:s24+$0x460] =	vst v47;
	v45 =	vld.idx.msk [tilespmem:v45+s11+$0x0], $0xffff;
	v47 =	vor.u32 v29, v37  }
0x17b: {  	v54 =	vor.u32 v16, v33;
	v43 =	vld.idx.msk [tilespmem:v43+s11+$0x0], $0xffff;
	[tilespmem:s31+$0xC40] =	vst v49  }
0x17c: {  	v49 =	vor.u32 v16, v32;
	v48 =	vld.idx.msk [tilespmem:v48+s11+$0x0], $0xffff;
	[tilespmem:s29+$0xC40] =	vst v51  }
0x17d: {  	v56 =	vor.u32 v16, v34;
	[tilespmem:s28+$0x470] =	vst v42;
	v42 =	vld.idx.msk [tilespmem:v52+s11+$0x0], $0xffff  }
0x17e: {  	v57 =	vor.u32 v30, v39;
	v52 =	vld.idx.msk [tilespmem:v46+s11+$0x0], $0xffff;
	[tilespmem:s30+$0xC40] =	vst v50  }
0x17f: {  	v58 =	vor.u32 v30, v38;
	[tilespmem:s26+$0x470] =	vst v53;
	v53 =	vld.idx.msk [tilespmem:v47+s11+$0x0], $0xffff  }
.Ltmp0:
0x180: {  	v55 =	vor.u32 v17, v36;
	v51 =	vld.idx.msk [tilespmem:v54+s11+$0x0], $0xffff;
	[tilespmem:s25+$0x470] =	vst v45;
	(pc) =	sbr.rel @p1 .LBB2_3-.Ltmp0, $4  }
0x181: {  	v54 =	vor.u32 v30, v37;
	[tilespmem:s24+$0x470] =	vst v43;
	v49 =	vld.idx.msk [tilespmem:v49+s11+$0x0], $0xffff  }
0x182: {  	v47 =	vor.u32 v17, v33;
	v50 =	vld.idx.msk [tilespmem:v56+s11+$0x0], $0xffff;
	[tilespmem:s31+$0xC50] =	vst v48  }
0x183: {  	v46 =	vor.u32 v17, v32;
	v48 =	vld.idx.msk [tilespmem:v57+s11+$0x0], $0xffff;
	[tilespmem:s29+$0xC50] =	vst v42  }
0x184: {  	s5 =	sadd.s32 $0x4, s5;
	s2 =	sadd.s32 $0x3, s3;
	v45 =	vor.u32 v17, v34;
	[tilespmem:s28+$0x800] =	vst v52;
	v52 =	vld.idx.msk [tilespmem:v58+s11+$0x0], $0xffff  }
0x185: {  	v42 =	vmov s2  }
0x186: {  	v42 =	vand.u32 $0x1F, v42  }
0x187: {  	v61 =	vmov s3;
	v43 =	vbroadcast v42, $0x0  }
0x188: {  	v42 =	vand.u32 $0x1C, v61  }
0x189: {  	v42 =	vbroadcast v42, $0x0;
	v56 =	vor.u32 v0, v43  }
0x18a: {  	[tilespmem:s30+$0xC50] =	vst v53  }
0x18b: {  	[tilespmem:s26+$0x800] =	vst v51;
	v63 =	vor.u32 v0, v42  }
0x18c: {  	v62 =	vld.idx.msk [tilespmem:v55+s11+$0x0], $0xffff;
	s0 =	sadd.s32 $0x800, s0;
	s1 =	sadd.s32 $0x200, s1;
	[tilespmem:s25+$0x800] =	vst v49  }
0x18d: {  	v57 =	vld.idx.msk [tilespmem:v54+s11+$0x0], $0xffff;
	s0 =	sand.u32 $0x3000, s0;
	s18 =	sadd.s32 $0xFFFFFF00, s1;
	[tilespmem:s24+$0x800] =	vst v50  }
0x18e: {  	v60 =	vor.u32 v1, v35;
	s16 =	sadd.s32 $0xE400, s0;
	s3 =	sand.u32 $0x280, s18;
	[tilespmem:s31+$0xC60] =	vst v48;
	v58 =	vld.idx.msk [tilespmem:v56+s11+$0x0], $0xffff  }
0x18f: {  	v47 =	vld.idx.msk [tilespmem:v47+s11+$0x0], $0xffff;
	s5 =	sadd.s32 $0xFFFFFF80, s1;
	s19 =	sor.u32 s3, s16;
	v59 =	vor.u32 v1, v43;
	[tilespmem:s29+$0xC60] =	vst v52  }
0x190: {  	v61 =	vor.u32 v1, v41;
	s5 =	sand.u32 $0x300, s5;
	[tilespmem:s19+$0x0] =	vst v40;
	v51 =	vld.idx.msk [tilespmem:v63+s11+$0x0], $0xffff  }
0x191: {  	s17 =	sand.u32 $0x380, s1;
	v46 =	vld.idx.msk [tilespmem:v46+s11+$0x0], $0xffff;
	s20 =	sor.u32 s5, s16;
	[tilespmem:s28+$0x810] =	vst v62;
	v62 =	vor.u32 v1, v42  }
0x192: {  	v39 =	vor.u32 v31, v39;
	s7 =	sadd.s32 $0xFFFFFE80, s1;
	s0 =	sor.u32 s17, s16;
	v45 =	vld.idx.msk [tilespmem:v45+s11+$0x0], $0xffff;
	[tilespmem:s20+$0x0] =	vst v44  }
0x193: {  	v38 =	vor.u32 v31, v38;
	s7 =	sand.u32 $0x200, s7;
	v40 =	vld.idx.msk [tilespmem:v60+s11+$0x0], $0xffff;
	[tilespmem:s0+$0x0] =	vst v58  }
0x194: {  	v55 =	vor.u32 v2, v35;
	s21 =	sor.u32 s7, s16;
	[tilespmem:s30+$0xC60] =	vst v57;
	v48 =	vld.idx.msk [tilespmem:v59+s11+$0x0], $0xffff  }
0x195: {  	v54 =	vld.idx.msk [tilespmem:v61+s11+$0x0], $0xffff;
	v63 =	vor.u32 v2, v43;
	[tilespmem:s21+$0x0] =	vst v51  }
0x196: {  	[tilespmem:s26+$0x810] =	vst v47;
	v57 =	vor.u32 v2, v41;
	v56 =	vld.idx.msk [tilespmem:v62+s11+$0x0], $0xffff  }
0x197: {  	v39 =	vld.idx.msk [tilespmem:v39+s11+$0x0], $0xffff;
	[tilespmem:s25+$0x810] =	vst v46;
	v58 =	vor.u32 v2, v42  }
0x198: {  	v37 =	vor.u32 v31, v37;
	v38 =	vld.idx.msk [tilespmem:v38+s11+$0x0], $0xffff;
	[tilespmem:s19+$0x10] =	vst v40  }
0x199: {  	v40 =	vld.idx.msk [tilespmem:v55+s11+$0x0], $0xffff;
	v59 =	vor.u32 v18, v36;
	[tilespmem:s0+$0x10] =	vst v48  }
0x19a: {  	[tilespmem:s20+$0x10] =	vst v54;
	v62 =	vor.u32 v3, v35;
	v44 =	vld.idx.msk [tilespmem:v63+s11+$0x0], $0xffff  }
0x19b: {  	v60 =	vor.u32 v3, v43;
	v61 =	vld.idx.msk [tilespmem:v57+s11+$0x0], $0xffff;
	[tilespmem:s21+$0x10] =	vst v56  }
0x19c: {  	v52 =	vor.u32 v3, v41;
	[tilespmem:s24+$0x810] =	vst v45;
	v63 =	vld.idx.msk [tilespmem:v58+s11+$0x0], $0xffff  }
0x19d: {  	v53 =	vor.u32 v3, v42;
	v37 =	vld.idx.msk [tilespmem:v37+s11+$0x0], $0xffff;
	[tilespmem:s31+$0xC70] =	vst v39  }
0x19e: {  	[tilespmem:s19+$0x20] =	vst v40;
	v48 =	vld.idx.msk [tilespmem:v59+s11+$0x0], $0xffff  }
0x19f: {  	v54 =	vor.u32 v18, v33;
	v40 =	vld.idx.msk [tilespmem:v62+s11+$0x0], $0xffff;
	[tilespmem:s0+$0x20] =	vst v44  }
0x1a0: {  	v57 =	vor.u32 v4, v35;
	[tilespmem:s20+$0x20] =	vst v61;
	v50 =	vld.idx.msk [tilespmem:v60+s11+$0x0], $0xffff  }
0x1a1: {  	v55 =	vor.u32 v4, v43;
	v56 =	vld.idx.msk [tilespmem:v52+s11+$0x0], $0xffff;
	[tilespmem:s21+$0x20] =	vst v63  }
0x1a2: {  	[tilespmem:s29+$0xC70] =	vst v38;
	v59 =	vor.u32 v4, v41;
	v58 =	vld.idx.msk [tilespmem:v53+s11+$0x0], $0xffff  }
0x1a3: {  	[tilespmem:s30+$0xC70] =	vst v37;
	v60 =	vor.u32 v4, v42  }
0x1a4: {  	v61 =	vor.u32 v19, v36;
	v44 =	vld.idx.msk [tilespmem:v54+s11+$0x0], $0xffff;
	[tilespmem:s19+$0x30] =	vst v40  }
0x1a5: {  	v62 =	vor.u32 v18, v32;
	v40 =	vld.idx.msk [tilespmem:v57+s11+$0x0], $0xffff;
	[tilespmem:s0+$0x30] =	vst v50  }
0x1a6: {  	[tilespmem:s20+$0x30] =	vst v56;
	v53 =	vor.u32 v5, v35;
	v47 =	vld.idx.msk [tilespmem:v55+s11+$0x0], $0xffff  }
0x1a7: {  	v63 =	vor.u32 v5, v43;
	v52 =	vld.idx.msk [tilespmem:v59+s11+$0x0], $0xffff;
	[tilespmem:s21+$0x30] =	vst v58  }
0x1a8: {  	[tilespmem:s28+$0x820] =	vst v48;
	v55 =	vor.u32 v5, v41;
	v54 =	vld.idx.msk [tilespmem:v60+s11+$0x0], $0xffff  }
0x1a9: {  	v56 =	vld.idx.msk [tilespmem:v61+s11+$0x0], $0xffff;
	v57 =	vor.u32 v5, v42;
	[tilespmem:s26+$0x820] =	vst v44  }
0x1aa: {  	v50 =	vld.idx.msk [tilespmem:v62+s11+$0x0], $0xffff;
	[tilespmem:s19+$0x40] =	vst v40;
	v58 =	vor.u32 v18, v34  }
0x1ab: {  	v59 =	vor.u32 v20, v36;
	v39 =	vld.idx.msk [tilespmem:v53+s11+$0x0], $0xffff;
	[tilespmem:s0+$0x40] =	vst v47  }
0x1ac: {  	[tilespmem:s20+$0x40] =	vst v52;
	v62 =	vor.u32 v6, v35;
	v45 =	vld.idx.msk [tilespmem:v63+s11+$0x0], $0xffff  }
0x1ad: {  	v60 =	vor.u32 v6, v43;
	v61 =	vld.idx.msk [tilespmem:v55+s11+$0x0], $0xffff;
	[tilespmem:s21+$0x40] =	vst v54  }
0x1ae: {  	[tilespmem:s28+$0x830] =	vst v56;
	v63 =	vor.u32 v6, v41;
	v44 =	vld.idx.msk [tilespmem:v57+s11+$0x0], $0xffff  }
0x1af: {  	v53 =	vor.u32 v6, v42;
	[tilespmem:s25+$0x820] =	vst v50;
	v52 =	vld.idx.msk [tilespmem:v58+s11+$0x0], $0xffff  }
0x1b0: {  	v47 =	vld.idx.msk [tilespmem:v59+s11+$0x0], $0xffff;
	[tilespmem:s19+$0x50] =	vst v39;
	v54 =	vor.u32 v19, v33  }
0x1b1: {  	v55 =	vor.u32 v19, v32;
	v39 =	vld.idx.msk [tilespmem:v62+s11+$0x0], $0xffff;
	[tilespmem:s0+$0x50] =	vst v45  }
0x1b2: {  	v58 =	vor.u32 v7, v35;
	[tilespmem:s20+$0x50] =	vst v61;
	v38 =	vld.idx.msk [tilespmem:v60+s11+$0x0], $0xffff  }
0x1b3: {  	v56 =	vor.u32 v7, v43;
	v57 =	vld.idx.msk [tilespmem:v63+s11+$0x0], $0xffff;
	[tilespmem:s21+$0x50] =	vst v44  }
0x1b4: {  	[tilespmem:s24+$0x820] =	vst v52;
	v60 =	vor.u32 v7, v41;
	v59 =	vld.idx.msk [tilespmem:v53+s11+$0x0], $0xffff  }
0x1b5: {  	v62 =	vor.u32 v7, v42;
	[tilespmem:s28+$0x840] =	vst v47;
	v61 =	vld.idx.msk [tilespmem:v54+s11+$0x0], $0xffff  }
0x1b6: {  	v45 =	vld.idx.msk [tilespmem:v55+s11+$0x0], $0xffff;
	v63 =	vor.u32 v21, v36;
	[tilespmem:s19+$0x60] =	vst v39  }
0x1b7: {  	v52 =	vor.u32 v19, v34;
	v39 =	vld.idx.msk [tilespmem:v58+s11+$0x0], $0xffff;
	[tilespmem:s0+$0x60] =	vst v38  }
0x1b8: {  	v55 =	vor.u32 v8, v35;
	[tilespmem:s20+$0x60] =	vst v57;
	v37 =	vld.idx.msk [tilespmem:v56+s11+$0x0], $0xffff  }
0x1b9: {  	v53 =	vor.u32 v8, v43;
	v54 =	vld.idx.msk [tilespmem:v60+s11+$0x0], $0xffff;
	[tilespmem:s21+$0x60] =	vst v59  }
0x1ba: {  	[tilespmem:s26+$0x830] =	vst v61;
	v56 =	vor.u32 v8, v41;
	v47 =	vld.idx.msk [tilespmem:v62+s11+$0x0], $0xffff  }
0x1bb: {  	v58 =	vor.u32 v8, v42;
	v57 =	vld.idx.msk [tilespmem:v63+s11+$0x0], $0xffff;
	[tilespmem:s25+$0x830] =	vst v45  }
0x1bc: {  	v38 =	vld.idx.msk [tilespmem:v52+s11+$0x0], $0xffff;
	v60 =	vor.u32 v22, v36;
	[tilespmem:s19+$0x70] =	vst v39  }
0x1bd: {  	v59 =	vor.u32 v20, v33;
	v39 =	vld.idx.msk [tilespmem:v55+s11+$0x0], $0xffff;
	[tilespmem:s0+$0x70] =	vst v37  }
0x1be: {  	v63 =	vor.u32 v9, v35;
	[tilespmem:s20+$0x70] =	vst v54;
	v40 =	vld.idx.msk [tilespmem:v53+s11+$0x0], $0xffff  }
0x1bf: {  	v61 =	vor.u32 v9, v43;
	v62 =	vld.idx.msk [tilespmem:v56+s11+$0x0], $0xffff;
	[tilespmem:s21+$0x70] =	vst v47  }
0x1c0: {  	v52 =	vor.u32 v9, v41;
	[tilespmem:s28+$0x850] =	vst v57;
	v45 =	vld.idx.msk [tilespmem:v58+s11+$0x0], $0xffff  }
0x1c1: {  	[tilespmem:s24+$0x830] =	vst v38;
	v54 =	vor.u32 v9, v42;
	v37 =	vld.idx.msk [tilespmem:v60+s11+$0x0], $0xffff  }
0x1c2: {  	v56 =	vor.u32 v20, v34;
	[tilespmem:s19+$0x400] =	vst v39;
	v53 =	vld.idx.msk [tilespmem:v59+s11+$0x0], $0xffff  }
0x1c3: {  	v55 =	vor.u32 v20, v32;
	v39 =	vld.idx.msk [tilespmem:v63+s11+$0x0], $0xffff;
	[tilespmem:s0+$0x400] =	vst v40  }
0x1c4: {  	v59 =	vor.u32 v10, v35;
	[tilespmem:s20+$0x400] =	vst v62;
	v44 =	vld.idx.msk [tilespmem:v61+s11+$0x0], $0xffff  }
0x1c5: {  	v57 =	vor.u32 v10, v43;
	v58 =	vld.idx.msk [tilespmem:v52+s11+$0x0], $0xffff;
	[tilespmem:s21+$0x400] =	vst v45  }
0x1c6: {  	v60 =	vor.u32 v10, v41;
	[tilespmem:s28+$0x860] =	vst v37;
	v38 =	vld.idx.msk [tilespmem:v54+s11+$0x0], $0xffff  }
0x1c7: {  	v62 =	vor.u32 v10, v42;
	[tilespmem:s26+$0x840] =	vst v53;
	v40 =	vld.idx.msk [tilespmem:v56+s11+$0x0], $0xffff  }
0x1c8: {  	v52 =	vor.u32 v21, v33;
	[tilespmem:s19+$0x410] =	vst v39;
	v61 =	vld.idx.msk [tilespmem:v55+s11+$0x0], $0xffff  }
0x1c9: {  	v63 =	vor.u32 v23, v36;
	v39 =	vld.idx.msk [tilespmem:v59+s11+$0x0], $0xffff;
	[tilespmem:s0+$0x410] =	vst v44  }
0x1ca: {  	v55 =	vor.u32 v11, v35;
	[tilespmem:s20+$0x410] =	vst v58;
	v46 =	vld.idx.msk [tilespmem:v57+s11+$0x0], $0xffff  }
0x1cb: {  	v53 =	vor.u32 v11, v43;
	v54 =	vld.idx.msk [tilespmem:v60+s11+$0x0], $0xffff;
	[tilespmem:s21+$0x410] =	vst v38  }
0x1cc: {  	v56 =	vor.u32 v11, v41;
	[tilespmem:s24+$0x840] =	vst v40;
	v37 =	vld.idx.msk [tilespmem:v62+s11+$0x0], $0xffff  }
0x1cd: {  	v58 =	vor.u32 v11, v42;
	[tilespmem:s25+$0x840] =	vst v61;
	v44 =	vld.idx.msk [tilespmem:v52+s11+$0x0], $0xffff  }
0x1ce: {  	v59 =	vor.u32 v21, v32;
	[tilespmem:s19+$0x420] =	vst v39;
	v57 =	vld.idx.msk [tilespmem:v63+s11+$0x0], $0xffff  }
0x1cf: {  	v60 =	vor.u32 v24, v36;
	v39 =	vld.idx.msk [tilespmem:v55+s11+$0x0], $0xffff;
	[tilespmem:s0+$0x420] =	vst v46  }
0x1d0: {  	v63 =	vor.u32 v12, v35;
	[tilespmem:s20+$0x420] =	vst v54;
	v45 =	vld.idx.msk [tilespmem:v53+s11+$0x0], $0xffff  }
0x1d1: {  	v61 =	vor.u32 v12, v43;
	v62 =	vld.idx.msk [tilespmem:v56+s11+$0x0], $0xffff;
	[tilespmem:s21+$0x420] =	vst v37  }
0x1d2: {  	v52 =	vor.u32 v12, v41;
	[tilespmem:s26+$0x850] =	vst v44;
	v40 =	vld.idx.msk [tilespmem:v58+s11+$0x0], $0xffff  }
0x1d3: {  	v54 =	vor.u32 v12, v42;
	[tilespmem:s28+$0x870] =	vst v57;
	v53 =	vld.idx.msk [tilespmem:v59+s11+$0x0], $0xffff  }
0x1d4: {  	v56 =	vor.u32 v22, v33;
	[tilespmem:s19+$0x430] =	vst v39;
	v46 =	vld.idx.msk [tilespmem:v60+s11+$0x0], $0xffff  }
0x1d5: {  	v55 =	vor.u32 v21, v34;
	v39 =	vld.idx.msk [tilespmem:v63+s11+$0x0], $0xffff;
	[tilespmem:s0+$0x430] =	vst v45  }
0x1d6: {  	v59 =	vor.u32 v13, v35;
	[tilespmem:s20+$0x430] =	vst v62;
	v38 =	vld.idx.msk [tilespmem:v61+s11+$0x0], $0xffff  }
0x1d7: {  	v57 =	vor.u32 v13, v43;
	v58 =	vld.idx.msk [tilespmem:v52+s11+$0x0], $0xffff;
	[tilespmem:s21+$0x430] =	vst v40  }
0x1d8: {  	v60 =	vor.u32 v13, v41;
	[tilespmem:s25+$0x850] =	vst v53;
	v44 =	vld.idx.msk [tilespmem:v54+s11+$0x0], $0xffff  }
0x1d9: {  	v62 =	vor.u32 v13, v42;
	[tilespmem:s28+$0xC00] =	vst v46;
	v45 =	vld.idx.msk [tilespmem:v56+s11+$0x0], $0xffff  }
0x1da: {  	v52 =	vor.u32 v22, v32;
	[tilespmem:s19+$0x440] =	vst v39;
	v61 =	vld.idx.msk [tilespmem:v55+s11+$0x0], $0xffff  }
0x1db: {  	v63 =	vor.u32 v25, v36;
	v39 =	vld.idx.msk [tilespmem:v59+s11+$0x0], $0xffff;
	[tilespmem:s0+$0x440] =	vst v38  }
0x1dc: {  	v55 =	vor.u32 v14, v35;
	[tilespmem:s20+$0x440] =	vst v58;
	v37 =	vld.idx.msk [tilespmem:v57+s11+$0x0], $0xffff  }
0x1dd: {  	v53 =	vor.u32 v14, v43;
	v54 =	vld.idx.msk [tilespmem:v60+s11+$0x0], $0xffff;
	[tilespmem:s21+$0x440] =	vst v44  }
0x1de: {  	v56 =	vor.u32 v14, v41;
	[tilespmem:s26+$0x860] =	vst v45;
	v46 =	vld.idx.msk [tilespmem:v62+s11+$0x0], $0xffff  }
0x1df: {  	v58 =	vor.u32 v14, v42;
	[tilespmem:s24+$0x850] =	vst v61;
	v38 =	vld.idx.msk [tilespmem:v52+s11+$0x0], $0xffff  }
0x1e0: {  	v59 =	vor.u32 v22, v34;
	[tilespmem:s19+$0x450] =	vst v39;
	v57 =	vld.idx.msk [tilespmem:v63+s11+$0x0], $0xffff  }
0x1e1: {  	v60 =	vor.u32 v26, v36;
	v39 =	vld.idx.msk [tilespmem:v55+s11+$0x0], $0xffff;
	[tilespmem:s0+$0x450] =	vst v37  }
0x1e2: {  	v63 =	vor.u32 v15, v35;
	[tilespmem:s20+$0x450] =	vst v54;
	v40 =	vld.idx.msk [tilespmem:v53+s11+$0x0], $0xffff  }
0x1e3: {  	v61 =	vor.u32 v15, v43;
	v62 =	vld.idx.msk [tilespmem:v56+s11+$0x0], $0xffff;
	[tilespmem:s21+$0x450] =	vst v46  }
0x1e4: {  	v52 =	vor.u32 v15, v41;
	[tilespmem:s25+$0x860] =	vst v38;
	v45 =	vld.idx.msk [tilespmem:v58+s11+$0x0], $0xffff  }
0x1e5: {  	v54 =	vor.u32 v15, v42;
	[tilespmem:s28+$0xC10] =	vst v57;
	v53 =	vld.idx.msk [tilespmem:v59+s11+$0x0], $0xffff  }
0x1e6: {  	v56 =	vor.u32 v23, v32;
	[tilespmem:s19+$0x460] =	vst v39;
	v37 =	vld.idx.msk [tilespmem:v60+s11+$0x0], $0xffff  }
0x1e7: {  	v55 =	vor.u32 v23, v33;
	v39 =	vld.idx.msk [tilespmem:v63+s11+$0x0], $0xffff;
	[tilespmem:s0+$0x460] =	vst v40  }
0x1e8: {  	v59 =	vor.u32 v16, v35;
	[tilespmem:s20+$0x460] =	vst v62;
	v44 =	vld.idx.msk [tilespmem:v61+s11+$0x0], $0xffff  }
0x1e9: {  	v57 =	vor.u32 v16, v43;
	v58 =	vld.idx.msk [tilespmem:v52+s11+$0x0], $0xffff;
	[tilespmem:s21+$0x460] =	vst v45  }
0x1ea: {  	v60 =	vor.u32 v16, v41;
	[tilespmem:s24+$0x860] =	vst v53;
	v38 =	vld.idx.msk [tilespmem:v54+s11+$0x0], $0xffff  }
0x1eb: {  	v62 =	vor.u32 v16, v42;
	[tilespmem:s28+$0xC20] =	vst v37;
	v40 =	vld.idx.msk [tilespmem:v56+s11+$0x0], $0xffff  }
0x1ec: {  	v52 =	vor.u32 v23, v34;
	[tilespmem:s19+$0x470] =	vst v39;
	v61 =	vld.idx.msk [tilespmem:v55+s11+$0x0], $0xffff  }
0x1ed: {  	v63 =	vor.u32 v27, v36;
	v39 =	vld.idx.msk [tilespmem:v59+s11+$0x0], $0xffff;
	[tilespmem:s0+$0x470] =	vst v44  }
0x1ee: {  	v55 =	vor.u32 v17, v35;
	[tilespmem:s20+$0x470] =	vst v58;
	v46 =	vld.idx.msk [tilespmem:v57+s11+$0x0], $0xffff  }
0x1ef: {  	v53 =	vor.u32 v17, v43;
	v54 =	vld.idx.msk [tilespmem:v60+s11+$0x0], $0xffff;
	[tilespmem:s21+$0x470] =	vst v38  }
0x1f0: {  	v56 =	vor.u32 v17, v41;
	[tilespmem:s25+$0x870] =	vst v40;
	v37 =	vld.idx.msk [tilespmem:v62+s11+$0x0], $0xffff  }
0x1f1: {  	v58 =	vor.u32 v17, v42;
	[tilespmem:s26+$0x870] =	vst v61;
	v44 =	vld.idx.msk [tilespmem:v52+s11+$0x0], $0xffff  }
0x1f2: {  	v59 =	vor.u32 v24, v33;
	[tilespmem:s19+$0x800] =	vst v39;
	v57 =	vld.idx.msk [tilespmem:v63+s11+$0x0], $0xffff  }
0x1f3: {  	v60 =	vor.u32 v28, v36;
	v39 =	vld.idx.msk [tilespmem:v55+s11+$0x0], $0xffff;
	[tilespmem:s0+$0x800] =	vst v46  }
0x1f4: {  	v63 =	vor.u32 v18, v35;
	[tilespmem:s20+$0x800] =	vst v54;
	v45 =	vld.idx.msk [tilespmem:v53+s11+$0x0], $0xffff  }
0x1f5: {  	v61 =	vor.u32 v18, v43;
	v62 =	vld.idx.msk [tilespmem:v56+s11+$0x0], $0xffff;
	[tilespmem:s21+$0x800] =	vst v37  }
0x1f6: {  	v52 =	vor.u32 v18, v41;
	[tilespmem:s24+$0x870] =	vst v44;
	v40 =	vld.idx.msk [tilespmem:v58+s11+$0x0], $0xffff  }
0x1f7: {  	v54 =	vor.u32 v18, v42;
	[tilespmem:s28+$0xC30] =	vst v57;
	v53 =	vld.idx.msk [tilespmem:v59+s11+$0x0], $0xffff  }
0x1f8: {  	v56 =	vor.u32 v24, v34;
	[tilespmem:s19+$0x810] =	vst v39;
	v46 =	vld.idx.msk [tilespmem:v60+s11+$0x0], $0xffff  }
0x1f9: {  	v55 =	vor.u32 v24, v32;
	v39 =	vld.idx.msk [tilespmem:v63+s11+$0x0], $0xffff;
	[tilespmem:s0+$0x810] =	vst v45  }
0x1fa: {  	v59 =	vor.u32 v19, v35;
	[tilespmem:s20+$0x810] =	vst v62;
	v38 =	vld.idx.msk [tilespmem:v61+s11+$0x0], $0xffff  }
0x1fb: {  	v57 =	vor.u32 v19, v43;
	v58 =	vld.idx.msk [tilespmem:v52+s11+$0x0], $0xffff;
	[tilespmem:s21+$0x810] =	vst v40  }
0x1fc: {  	v60 =	vor.u32 v19, v41;
	[tilespmem:s26+$0xC00] =	vst v53;
	v44 =	vld.idx.msk [tilespmem:v54+s11+$0x0], $0xffff  }
0x1fd: {  	v62 =	vor.u32 v19, v42;
	[tilespmem:s28+$0xC40] =	vst v46;
	v45 =	vld.idx.msk [tilespmem:v56+s11+$0x0], $0xffff  }
0x1fe: {  	v63 =	vor.u32 v29, v36;
	[tilespmem:s19+$0x820] =	vst v39;
	v61 =	vld.idx.msk [tilespmem:v55+s11+$0x0], $0xffff  }
0x1ff: {  	v52 =	vor.u32 v25, v33;
	v47 =	vld.idx.msk [tilespmem:v59+s11+$0x0], $0xffff;
	[tilespmem:s0+$0x820] =	vst v38  }
0x200: {  	v54 =	vor.u32 v20, v35;
	[tilespmem:s20+$0x820] =	vst v58;
	v37 =	vld.idx.msk [tilespmem:v57+s11+$0x0], $0xffff  }
0x201: {  	v53 =	vor.u32 v20, v43;
	v40 =	vld.idx.msk [tilespmem:v60+s11+$0x0], $0xffff;
	[tilespmem:s21+$0x820] =	vst v44  }
0x202: {  	v55 =	vor.u32 v20, v41;
	[tilespmem:s24+$0xC00] =	vst v45;
	v46 =	vld.idx.msk [tilespmem:v62+s11+$0x0], $0xffff  }
0x203: {  	v56 =	vld.idx.msk [tilespmem:v63+s11+$0x0], $0xffff;
	[tilespmem:s25+$0xC00] =	vst v61;
	v57 =	vor.u32 v20, v42  }
0x204: {  	v58 =	vor.u32 v25, v32;
	v38 =	vld.idx.msk [tilespmem:v52+s11+$0x0], $0xffff;
	[tilespmem:s19+$0x830] =	vst v47  }
0x205: {  	v59 =	vor.u32 v30, v36;
	v44 =	vld.idx.msk [tilespmem:v54+s11+$0x0], $0xffff;
	[tilespmem:s0+$0x830] =	vst v37  }
0x206: {  	v61 =	vor.u32 v21, v35;
	[tilespmem:s20+$0x830] =	vst v40;
	v39 =	vld.idx.msk [tilespmem:v53+s11+$0x0], $0xffff  }
0x207: {  	v60 =	vor.u32 v21, v43;
	v40 =	vld.idx.msk [tilespmem:v55+s11+$0x0], $0xffff;
	[tilespmem:s21+$0x830] =	vst v46  }
0x208: {  	[tilespmem:s28+$0xC50] =	vst v56;
	v62 =	vor.u32 v21, v41;
	v45 =	vld.idx.msk [tilespmem:v57+s11+$0x0], $0xffff  }
0x209: {  	v52 =	vor.u32 v21, v42;
	v63 =	vld.idx.msk [tilespmem:v58+s11+$0x0], $0xffff;
	[tilespmem:s26+$0xC10] =	vst v38  }
0x20a: {  	v37 =	vld.idx.msk [tilespmem:v59+s11+$0x0], $0xffff;
	[tilespmem:s19+$0x840] =	vst v44;
	v53 =	vor.u32 v25, v34  }
0x20b: {  	v54 =	vor.u32 v26, v33;
	v48 =	vld.idx.msk [tilespmem:v61+s11+$0x0], $0xffff;
	[tilespmem:s0+$0x840] =	vst v39  }
0x20c: {  	v56 =	vor.u32 v22, v35;
	[tilespmem:s20+$0x840] =	vst v40;
	v47 =	vld.idx.msk [tilespmem:v60+s11+$0x0], $0xffff  }
0x20d: {  	v55 =	vor.u32 v22, v43;
	v40 =	vld.idx.msk [tilespmem:v62+s11+$0x0], $0xffff;
	[tilespmem:s21+$0x840] =	vst v45  }
0x20e: {  	v57 =	vor.u32 v22, v41;
	[tilespmem:s25+$0xC10] =	vst v63;
	v38 =	vld.idx.msk [tilespmem:v52+s11+$0x0], $0xffff  }
0x20f: {  	v59 =	vor.u32 v22, v42;
	[tilespmem:s28+$0xC60] =	vst v37;
	v58 =	vld.idx.msk [tilespmem:v53+s11+$0x0], $0xffff  }
0x210: {  	v39 =	vld.idx.msk [tilespmem:v54+s11+$0x0], $0xffff;
	[tilespmem:s19+$0x850] =	vst v48;
	v60 =	vor.u32 v31, v36  }
0x211: {  	v61 =	vor.u32 v26, v32;
	v45 =	vld.idx.msk [tilespmem:v56+s11+$0x0], $0xffff;
	[tilespmem:s0+$0x850] =	vst v47  }
0x212: {  	v63 =	vor.u32 v23, v35;
	[tilespmem:s20+$0x850] =	vst v40;
	v44 =	vld.idx.msk [tilespmem:v55+s11+$0x0], $0xffff  }
0x213: {  	v62 =	vor.u32 v23, v43;
	v40 =	vld.idx.msk [tilespmem:v57+s11+$0x0], $0xffff;
	[tilespmem:s21+$0x850] =	vst v38  }
0x214: {  	v52 =	vor.u32 v23, v41;
	[tilespmem:s24+$0xC10] =	vst v58;
	v37 =	vld.idx.msk [tilespmem:v59+s11+$0x0], $0xffff  }
0x215: {  	v53 =	vor.u32 v23, v42;
	[tilespmem:s26+$0xC20] =	vst v39;
	v36 =	vld.idx.msk [tilespmem:v60+s11+$0x0], $0xffff  }
0x216: {  	v54 =	vor.u32 v26, v34;
	v47 =	vld.idx.msk [tilespmem:v61+s11+$0x0], $0xffff;
	[tilespmem:s19+$0x860] =	vst v45  }
0x217: {  	v55 =	vor.u32 v27, v33;
	v46 =	vld.idx.msk [tilespmem:v63+s11+$0x0], $0xffff;
	[tilespmem:s0+$0x860] =	vst v44  }
0x218: {  	v57 =	vor.u32 v24, v35;
	[tilespmem:s20+$0x860] =	vst v40;
	v48 =	vld.idx.msk [tilespmem:v62+s11+$0x0], $0xffff  }
0x219: {  	v56 =	vor.u32 v24, v43;
	v38 =	vld.idx.msk [tilespmem:v52+s11+$0x0], $0xffff;
	[tilespmem:s21+$0x860] =	vst v37  }
0x21a: {  	v59 =	vor.u32 v24, v41;
	[tilespmem:s28+$0xC70] =	vst v36;
	v58 =	vld.idx.msk [tilespmem:v53+s11+$0x0], $0xffff  }
0x21b: {  	v60 =	vld.idx.msk [tilespmem:v54+s11+$0x0], $0xffff;
	v61 =	vor.u32 v24, v42;
	[tilespmem:s25+$0xC20] =	vst v47  }
0x21c: {  	v44 =	vld.idx.msk [tilespmem:v55+s11+$0x0], $0xffff;
	[tilespmem:s19+$0x870] =	vst v46;
	v62 =	vor.u32 v27, v32  }
0x21d: {  	v63 =	vor.u32 v27, v34;
	v37 =	vld.idx.msk [tilespmem:v57+s11+$0x0], $0xffff;
	[tilespmem:s0+$0x870] =	vst v48  }
0x21e: {  	v53 =	vor.u32 v25, v35;
	[tilespmem:s20+$0x870] =	vst v38;
	v45 =	vld.idx.msk [tilespmem:v56+s11+$0x0], $0xffff  }
0x21f: {  	v52 =	vor.u32 v25, v43;
	v38 =	vld.idx.msk [tilespmem:v59+s11+$0x0], $0xffff;
	[tilespmem:s21+$0x870] =	vst v58  }
0x220: {  	v54 =	vor.u32 v25, v41;
	[tilespmem:s24+$0xC20] =	vst v60;
	v36 =	vld.idx.msk [tilespmem:v61+s11+$0x0], $0xffff  }
0x221: {  	[tilespmem:s26+$0xC30] =	vst v44;
	v55 =	vld.idx.msk [tilespmem:v62+s11+$0x0], $0xffff;
	v56 =	vor.u32 v25, v42  }
0x222: {  	v57 =	vor.u32 v28, v33;
	v48 =	vld.idx.msk [tilespmem:v63+s11+$0x0], $0xffff;
	[tilespmem:s19+$0xC00] =	vst v37  }
0x223: {  	v58 =	vor.u32 v28, v32;
	v39 =	vld.idx.msk [tilespmem:v53+s11+$0x0], $0xffff;
	[tilespmem:s0+$0xC00] =	vst v45  }
0x224: {  	v60 =	vor.u32 v26, v35;
	[tilespmem:s20+$0xC00] =	vst v38;
	v46 =	vld.idx.msk [tilespmem:v52+s11+$0x0], $0xffff  }
0x225: {  	v59 =	vor.u32 v26, v43;
	v38 =	vld.idx.msk [tilespmem:v54+s11+$0x0], $0xffff;
	[tilespmem:s21+$0xC00] =	vst v36  }
0x226: {  	v62 =	vor.u32 v26, v41;
	[tilespmem:s25+$0xC30] =	vst v55;
	v61 =	vld.idx.msk [tilespmem:v56+s11+$0x0], $0xffff  }
0x227: {  	v63 =	vld.idx.msk [tilespmem:v57+s11+$0x0], $0xffff;
	[tilespmem:s24+$0xC30] =	vst v48;
	v52 =	vor.u32 v26, v42  }
0x228: {  	v53 =	vor.u32 v28, v34;
	v45 =	vld.idx.msk [tilespmem:v58+s11+$0x0], $0xffff;
	[tilespmem:s19+$0xC10] =	vst v39  }
0x229: {  	v54 =	vor.u32 v29, v33;
	v36 =	vld.idx.msk [tilespmem:v60+s11+$0x0], $0xffff;
	[tilespmem:s0+$0xC10] =	vst v46  }
0x22a: {  	v56 =	vor.u32 v27, v35;
	[tilespmem:s20+$0xC10] =	vst v38;
	v37 =	vld.idx.msk [tilespmem:v59+s11+$0x0], $0xffff  }
0x22b: {  	v55 =	vor.u32 v27, v43;
	v38 =	vld.idx.msk [tilespmem:v62+s11+$0x0], $0xffff;
	[tilespmem:s21+$0xC10] =	vst v61  }
0x22c: {  	v57 =	vor.u32 v27, v41;
	[tilespmem:s26+$0xC40] =	vst v63;
	v40 =	vld.idx.msk [tilespmem:v52+s11+$0x0], $0xffff  }
0x22d: {  	v58 =	vld.idx.msk [tilespmem:v53+s11+$0x0], $0xffff;
	[tilespmem:s25+$0xC40] =	vst v45;
	v59 =	vor.u32 v27, v42  }
0x22e: {  	v60 =	vor.u32 v29, v32;
	v46 =	vld.idx.msk [tilespmem:v54+s11+$0x0], $0xffff;
	[tilespmem:s19+$0xC20] =	vst v36  }
0x22f: {  	v61 =	vor.u32 v29, v34;
	v44 =	vld.idx.msk [tilespmem:v56+s11+$0x0], $0xffff;
	[tilespmem:s0+$0xC20] =	vst v37  }
0x230: {  	v63 =	vor.u32 v28, v35;
	[tilespmem:s20+$0xC20] =	vst v38;
	v39 =	vld.idx.msk [tilespmem:v55+s11+$0x0], $0xffff  }
0x231: {  	v62 =	vor.u32 v28, v43;
	v38 =	vld.idx.msk [tilespmem:v57+s11+$0x0], $0xffff;
	[tilespmem:s21+$0xC20] =	vst v40  }
0x232: {  	[tilespmem:s24+$0xC40] =	vst v58;
	v52 =	vor.u32 v28, v41;
	v45 =	vld.idx.msk [tilespmem:v59+s11+$0x0], $0xffff  }
0x233: {  	v53 =	vld.idx.msk [tilespmem:v60+s11+$0x0], $0xffff;
	v54 =	vor.u32 v28, v42;
	[tilespmem:s26+$0xC50] =	vst v46  }
0x234: {  	v37 =	vld.idx.msk [tilespmem:v61+s11+$0x0], $0xffff;
	[tilespmem:s19+$0xC30] =	vst v44;
	v55 =	vor.u32 v30, v33  }
0x235: {  	v56 =	vor.u32 v30, v32;
	v40 =	vld.idx.msk [tilespmem:v63+s11+$0x0], $0xffff;
	[tilespmem:s0+$0xC30] =	vst v39  }
0x236: {  	v58 =	vor.u32 v29, v35;
	[tilespmem:s20+$0xC30] =	vst v38;
	v36 =	vld.idx.msk [tilespmem:v62+s11+$0x0], $0xffff  }
0x237: {  	v57 =	vor.u32 v29, v43;
	v38 =	vld.idx.msk [tilespmem:v52+s11+$0x0], $0xffff;
	[tilespmem:s21+$0xC30] =	vst v45  }
0x238: {  	[tilespmem:s25+$0xC50] =	vst v53;
	v59 =	vor.u32 v29, v41;
	v46 =	vld.idx.msk [tilespmem:v54+s11+$0x0], $0xffff  }
0x239: {  	v61 =	vor.u32 v29, v42;
	[tilespmem:s24+$0xC50] =	vst v37;
	v60 =	vld.idx.msk [tilespmem:v55+s11+$0x0], $0xffff  }
0x23a: {  	v39 =	vld.idx.msk [tilespmem:v56+s11+$0x0], $0xffff;
	[tilespmem:s19+$0xC40] =	vst v40;
	v62 =	vor.u32 v30, v34  }
0x23b: {  	v63 =	vor.u32 v31, v33;
	v51 =	vld.idx.msk [tilespmem:v58+s11+$0x0], $0xffff;
	[tilespmem:s0+$0xC40] =	vst v36  }
0x23c: {  	v52 =	vor.u32 v30, v35;
	[tilespmem:s20+$0xC40] =	vst v38;
	v36 =	vld.idx.msk [tilespmem:v57+s11+$0x0], $0xffff  }
0x23d: {  	v50 =	vor.u32 v30, v43;
	v38 =	vld.idx.msk [tilespmem:v59+s11+$0x0], $0xffff;
	[tilespmem:s21+$0xC40] =	vst v46  }
0x23e: {  	v53 =	vor.u32 v30, v41;
	[tilespmem:s26+$0xC60] =	vst v60;
	v37 =	vld.idx.msk [tilespmem:v61+s11+$0x0], $0xffff  }
0x23f: {  	v55 =	vor.u32 v30, v42;
	[tilespmem:s25+$0xC60] =	vst v39;
	v54 =	vld.idx.msk [tilespmem:v62+s11+$0x0], $0xffff  }
0x240: {  	v56 =	vor.u32 v31, v32;
	v33 =	vld.idx.msk [tilespmem:v63+s11+$0x0], $0xffff;
	[tilespmem:s19+$0xC50] =	vst v51  }
0x241: {  	v57 =	vor.u32 v31, v34;
	v59 =	vld.idx.msk [tilespmem:v52+s11+$0x0], $0xffff;
	[tilespmem:s0+$0xC50] =	vst v36  }
0x242: {  	v60 =	vor.u32 v31, v35;
	[tilespmem:s20+$0xC50] =	vst v38;
	v36 =	vld.idx.msk [tilespmem:v50+s11+$0x0], $0xffff  }
0x243: {  	v58 =	vor.u32 v31, v43;
	v38 =	vld.idx.msk [tilespmem:v53+s11+$0x0], $0xffff;
	[tilespmem:s21+$0xC50] =	vst v37  }
0x244: {  	v61 =	vor.u32 v31, v41;
	[tilespmem:s24+$0xC60] =	vst v54;
	v37 =	vld.idx.msk [tilespmem:v55+s11+$0x0], $0xffff  }
0x245: {  	v32 =	vld.idx.msk [tilespmem:v56+s11+$0x0], $0xffff;
	v62 =	vor.u32 v31, v42;
	[tilespmem:s26+$0xC70] =	vst v33  }
0x246: {  	v34 =	vld.idx.msk [tilespmem:v57+s11+$0x0], $0xffff;
	[tilespmem:s19+$0xC60] =	vst v59  }
0x247: {  	v35 =	vld.idx.msk [tilespmem:v60+s11+$0x0], $0xffff;
	[tilespmem:s0+$0xC60] =	vst v36  }
0x248: {  	[tilespmem:s20+$0xC60] =	vst v38;
	v36 =	vld.idx.msk [tilespmem:v58+s11+$0x0], $0xffff  }
0x249: {  	v38 =	vld.idx.msk [tilespmem:v61+s11+$0x0], $0xffff;
	[tilespmem:s21+$0xC60] =	vst v37  }
0x24a: {  	[tilespmem:s25+$0xC70] =	vst v32;
	v63 =	vld.idx.msk [tilespmem:v62+s11+$0x0], $0xffff  }
0x24b: {  	p1 =	sne.s32 s22, $0x18;
	[tilespmem:s24+$0xC70] =	vst v34  }
.Ltmp1:
0x24c: {  	s30 =	sshll.u32 s22, $0x14;
	[tilespmem:s19+$0xC70] =	vst v35;
	(pc) =	sbr.rel @p1 .LBB2_6-.Ltmp1, $4  }
0x24d: {  	[tilespmem:s0+$0xC70] =	vst v36;
	s0 =	sor.u32 s13, s30  }
0x24e: {  	[tilespmem:s20+$0xC70] =	vst v38;
	s0 =	sshrl.u32 s0, $0x3  }
0x24f: {  	s31 =	simm.s32 $0xE400;
	[tilespmem:s21+$0xC70] =	vst v63;
	s0 =	sadd.s32 s4, s0  }
0x250: {  	[hbm4b:s0+s6] =	stream.strided.scatter [tilespmem:s31], [sflag:$0x3], $0x4000, s14, s6, $0x38;
	[tilespmem:$0x16400] =	vst v63  }
.Ltmp2:
0x251: {  	(pc) =	sbr.rel .LBB2_7-.Ltmp2, $4  }
0x252: {  	s0 =	simm.s32 $0x2  }
0x253: {  	_ =	swait.ge [sflag:s0], $0x4000  }
0x254: {  	[sflag:s0] =	ssyncset.done $0x0  }
0x255: {  	[sflag:s0] =	ssyncadd.s32 $0xFFFFC000  }
.LBB2_6:
0x256: {  	s0 =	sshll.u32 s22, $0xA  }
0x257: {  	s1 =	rddreg [dreg:$0x3];
	s2 =	simm.s32 $0x200;
	s0 =	sand.u32 $0x3FFFFC00, s0  }
.Ltmp3:
0x258: {  	s31 =	simm.s32 $0x2;
	s0 =	sadd.s32 $0x400, s0;
	(pc) =	sbr.rel @p0 .LBB2_8-.Ltmp3, $4  }
0x259: {  	[tilespmem:s11], [sflag:$0x1] =	stream.indirect.gather [hbm4b:s1+s2], $0x20, s0, s2, $0xb8;
	[tilespmem:$0x16400] =	vst v63  }
0x25a: {  	_ =	swait.ge [sflag:s31], $0x4000  }
0x25b: {  	[sflag:s31] =	ssyncset.done $0x0  }
0x25c: {  	[sflag:s31] =	ssyncadd.s32 $0xFFFFC000  }
.LBB2_7:
0x25d: {  	s0 =	simm.s32 $0x4  }
0x25e: {  	_ =	swait.ge [sflag:s0], $0x4000  }
0x25f: {  	[sflag:s0] =	ssyncset.done $0x0  }
0x260: {  	[sflag:s0] =	ssyncadd.s32 $0xFFFFC000  }
.LBB2_8:
0x261: {  	s0 =	simm.s32 $0x3  }
0x262: {  	s1 =	simm.s32 $0x1;
	v32 =	vmov s0  }
0x263: {  	v33 =	vmov s1;
	v32 =	vand.u32 $0x1F, v32  }
0x264: {  	s24 =	simm.s32 $0x2;
	v33 =	vand.u32 $0x1D, v33;
	v41 =	vbroadcast v32, $0x0  }
0x265: {  	s0 =	simm.s32 $0x0;
	v48 =	vmov s24;
	v37 =	vbroadcast v33, $0x0  }
0x266: {  	v49 =	vmov s0;
	v32 =	vand.u32 $0x1E, v48;
	v34 =	vor.u32 v0, v41  }
0x267: {  	v50 =	vand.u32 $0x1C, v49;
	v38 =	vbroadcast v32, $0x0;
	v51 =	vor.u32 v0, v37  }
0x268: {  	v39 =	vbroadcast v50, $0x0  }
0x269: {  	v52 =	vor.u32 v0, v38  }
0x26a: {  	v35 =	vor.u32 v0, v39  }
0x26b: {  	v34 =	vld.idx.msk [tilespmem:v34+s12+$0x0], $0xffff  }
0x26c: {  	v36 =	vor.u32 v1, v41;
	v33 =	vld.idx.msk [tilespmem:v51+s12+$0x0], $0xffff  }
0x26d: {  	s2 =	simm.s32 $0x180;
	s19 =	sand.u32 $0x3000, s0;
	v40 =	vor.u32 v1, v37  }
0x26e: {  	s5 =	simm.s32 $0x80;
	s20 =	sand.u32 $0x380, s2;
	s7 =	sadd.s32 $0xE400, s19;
	v32 =	vld.idx.msk [tilespmem:v52+s12+$0x0], $0xffff  }
0x26f: {  	s8 =	sand.u32 $0x280, s5;
	s9 =	sor.u32 s20, s7;
	v42 =	vor.u32 v1, v38;
	v35 =	vld.idx.msk [tilespmem:v35+s12+$0x0], $0xffff  }
0x270: {  	s3 =	simm.s32 $0x100;
	s10 =	sor.u32 s8, s7;
	v43 =	vor.u32 v1, v39;
	[tilespmem:s9+$0x4000] =	vst v34  }
0x271: {  	s1 =	simm.s32 $0x0;
	s13 =	sand.u32 $0x300, s3;
	[tilespmem:s10+$0x4000] =	vst v33;
	v34 =	vld.idx.msk [tilespmem:v36+s12+$0x0], $0xffff  }
0x272: {  	s14 =	sand.u32 $0x200, s1;
	s21 =	sor.u32 s13, s7;
	v53 =	vor.u32 v2, v41;
	v54 =	vld.idx.msk [tilespmem:v40+s12+$0x0], $0xffff  }
0x273: {  	s7 =	sor.u32 s14, s7;
	v55 =	vor.u32 v2, v37;
	[tilespmem:s21+$0x4000] =	vst v32  }
0x274: {  	[tilespmem:s7+$0x4000] =	vst v35;
	v32 =	vld.idx.msk [tilespmem:v42+s12+$0x0], $0xffff  }
0x275: {  	v57 =	vor.u32 v2, v38;
	v56 =	vld.idx.msk [tilespmem:v43+s12+$0x0], $0xffff  }
0x276: {  	v58 =	vor.u32 v2, v39;
	[tilespmem:s9+$0x4010] =	vst v34  }
0x277: {  	[tilespmem:s10+$0x4010] =	vst v54;
	v33 =	vld.idx.msk [tilespmem:v53+s12+$0x0], $0xffff  }
0x278: {  	v59 =	vor.u32 v3, v41;
	v35 =	vld.idx.msk [tilespmem:v55+s12+$0x0], $0xffff  }
0x279: {  	v60 =	vor.u32 v3, v37;
	[tilespmem:s21+$0x4010] =	vst v32  }
0x27a: {  	[tilespmem:s7+$0x4010] =	vst v56;
	v32 =	vld.idx.msk [tilespmem:v57+s12+$0x0], $0xffff  }
0x27b: {  	v61 =	vor.u32 v3, v38;
	v40 =	vld.idx.msk [tilespmem:v58+s12+$0x0], $0xffff  }
0x27c: {  	v62 =	vor.u32 v3, v39;
	[tilespmem:s9+$0x4020] =	vst v33  }
0x27d: {  	[tilespmem:s10+$0x4020] =	vst v35;
	v33 =	vld.idx.msk [tilespmem:v59+s12+$0x0], $0xffff  }
0x27e: {  	v63 =	vor.u32 v4, v41;
	v35 =	vld.idx.msk [tilespmem:v60+s12+$0x0], $0xffff  }
0x27f: {  	v45 =	vor.u32 v4, v37;
	[tilespmem:s21+$0x4020] =	vst v32  }
0x280: {  	[tilespmem:s7+$0x4020] =	vst v40;
	v32 =	vld.idx.msk [tilespmem:v61+s12+$0x0], $0xffff  }
0x281: {  	v46 =	vor.u32 v4, v38;
	v40 =	vld.idx.msk [tilespmem:v62+s12+$0x0], $0xffff  }
0x282: {  	v47 =	vor.u32 v4, v39;
	[tilespmem:s9+$0x4030] =	vst v33  }
0x283: {  	[tilespmem:s10+$0x4030] =	vst v35;
	v33 =	vld.idx.msk [tilespmem:v63+s12+$0x0], $0xffff  }
0x284: {  	v48 =	vor.u32 v5, v41;
	v35 =	vld.idx.msk [tilespmem:v45+s12+$0x0], $0xffff  }
0x285: {  	v49 =	vor.u32 v5, v37;
	[tilespmem:s21+$0x4030] =	vst v32  }
0x286: {  	[tilespmem:s7+$0x4030] =	vst v40;
	v32 =	vld.idx.msk [tilespmem:v46+s12+$0x0], $0xffff  }
0x287: {  	v50 =	vor.u32 v5, v38;
	v40 =	vld.idx.msk [tilespmem:v47+s12+$0x0], $0xffff  }
0x288: {  	v51 =	vor.u32 v5, v39;
	[tilespmem:s9+$0x4040] =	vst v33  }
0x289: {  	[tilespmem:s10+$0x4040] =	vst v35;
	v33 =	vld.idx.msk [tilespmem:v48+s12+$0x0], $0xffff  }
0x28a: {  	v52 =	vor.u32 v6, v41;
	v35 =	vld.idx.msk [tilespmem:v49+s12+$0x0], $0xffff  }
0x28b: {  	v53 =	vor.u32 v6, v37;
	[tilespmem:s21+$0x4040] =	vst v32  }
0x28c: {  	[tilespmem:s7+$0x4040] =	vst v40;
	v32 =	vld.idx.msk [tilespmem:v50+s12+$0x0], $0xffff  }
0x28d: {  	v54 =	vor.u32 v6, v38;
	v40 =	vld.idx.msk [tilespmem:v51+s12+$0x0], $0xffff  }
0x28e: {  	v55 =	vor.u32 v6, v39;
	[tilespmem:s9+$0x4050] =	vst v33  }
0x28f: {  	[tilespmem:s10+$0x4050] =	vst v35;
	v33 =	vld.idx.msk [tilespmem:v52+s12+$0x0], $0xffff  }
0x290: {  	v56 =	vor.u32 v7, v41;
	v35 =	vld.idx.msk [tilespmem:v53+s12+$0x0], $0xffff  }
0x291: {  	v57 =	vor.u32 v7, v37;
	[tilespmem:s21+$0x4050] =	vst v32  }
0x292: {  	[tilespmem:s7+$0x4050] =	vst v40;
	v32 =	vld.idx.msk [tilespmem:v54+s12+$0x0], $0xffff  }
0x293: {  	v58 =	vor.u32 v7, v38;
	v40 =	vld.idx.msk [tilespmem:v55+s12+$0x0], $0xffff  }
0x294: {  	v59 =	vor.u32 v7, v39;
	[tilespmem:s9+$0x4060] =	vst v33  }
0x295: {  	[tilespmem:s10+$0x4060] =	vst v35;
	v33 =	vld.idx.msk [tilespmem:v56+s12+$0x0], $0xffff  }
0x296: {  	v60 =	vor.u32 v8, v41;
	v35 =	vld.idx.msk [tilespmem:v57+s12+$0x0], $0xffff  }
0x297: {  	v61 =	vor.u32 v8, v37;
	[tilespmem:s21+$0x4060] =	vst v32  }
0x298: {  	[tilespmem:s7+$0x4060] =	vst v40;
	v32 =	vld.idx.msk [tilespmem:v58+s12+$0x0], $0xffff  }
0x299: {  	v62 =	vor.u32 v8, v38;
	v40 =	vld.idx.msk [tilespmem:v59+s12+$0x0], $0xffff  }
0x29a: {  	v63 =	vor.u32 v8, v39;
	[tilespmem:s9+$0x4070] =	vst v33  }
0x29b: {  	[tilespmem:s10+$0x4070] =	vst v35;
	v33 =	vld.idx.msk [tilespmem:v60+s12+$0x0], $0xffff  }
0x29c: {  	v45 =	vor.u32 v9, v41;
	v35 =	vld.idx.msk [tilespmem:v61+s12+$0x0], $0xffff  }
0x29d: {  	v46 =	vor.u32 v9, v37;
	[tilespmem:s21+$0x4070] =	vst v32  }
0x29e: {  	[tilespmem:s7+$0x4070] =	vst v40;
	v32 =	vld.idx.msk [tilespmem:v62+s12+$0x0], $0xffff  }
0x29f: {  	v47 =	vor.u32 v9, v38;
	v40 =	vld.idx.msk [tilespmem:v63+s12+$0x0], $0xffff  }
0x2a0: {  	v48 =	vor.u32 v9, v39;
	[tilespmem:s9+$0x4400] =	vst v33  }
0x2a1: {  	[tilespmem:s10+$0x4400] =	vst v35;
	v33 =	vld.idx.msk [tilespmem:v45+s12+$0x0], $0xffff  }
0x2a2: {  	v49 =	vor.u32 v10, v41;
	v35 =	vld.idx.msk [tilespmem:v46+s12+$0x0], $0xffff  }
0x2a3: {  	v50 =	vor.u32 v10, v37;
	[tilespmem:s21+$0x4400] =	vst v32  }
0x2a4: {  	[tilespmem:s7+$0x4400] =	vst v40;
	v32 =	vld.idx.msk [tilespmem:v47+s12+$0x0], $0xffff  }
0x2a5: {  	v51 =	vor.u32 v10, v38;
	v40 =	vld.idx.msk [tilespmem:v48+s12+$0x0], $0xffff  }
0x2a6: {  	v52 =	vor.u32 v10, v39;
	[tilespmem:s9+$0x4410] =	vst v33  }
0x2a7: {  	[tilespmem:s10+$0x4410] =	vst v35;
	v33 =	vld.idx.msk [tilespmem:v49+s12+$0x0], $0xffff  }
0x2a8: {  	v53 =	vor.u32 v11, v41;
	v35 =	vld.idx.msk [tilespmem:v50+s12+$0x0], $0xffff  }
0x2a9: {  	v54 =	vor.u32 v11, v37;
	[tilespmem:s21+$0x4410] =	vst v32  }
0x2aa: {  	[tilespmem:s7+$0x4410] =	vst v40;
	v32 =	vld.idx.msk [tilespmem:v51+s12+$0x0], $0xffff  }
0x2ab: {  	v55 =	vor.u32 v11, v38;
	v40 =	vld.idx.msk [tilespmem:v52+s12+$0x0], $0xffff  }
0x2ac: {  	v56 =	vor.u32 v11, v39;
	[tilespmem:s9+$0x4420] =	vst v33  }
0x2ad: {  	[tilespmem:s10+$0x4420] =	vst v35;
	v33 =	vld.idx.msk [tilespmem:v53+s12+$0x0], $0xffff  }
0x2ae: {  	v57 =	vor.u32 v12, v41;
	v35 =	vld.idx.msk [tilespmem:v54+s12+$0x0], $0xffff  }
0x2af: {  	v58 =	vor.u32 v12, v37;
	[tilespmem:s21+$0x4420] =	vst v32  }
0x2b0: {  	[tilespmem:s7+$0x4420] =	vst v40;
	v32 =	vld.idx.msk [tilespmem:v55+s12+$0x0], $0xffff  }
0x2b1: {  	v59 =	vor.u32 v12, v38;
	v40 =	vld.idx.msk [tilespmem:v56+s12+$0x0], $0xffff  }
0x2b2: {  	v60 =	vor.u32 v12, v39;
	[tilespmem:s9+$0x4430] =	vst v33  }
0x2b3: {  	[tilespmem:s10+$0x4430] =	vst v35;
	v33 =	vld.idx.msk [tilespmem:v57+s12+$0x0], $0xffff  }
0x2b4: {  	v61 =	vor.u32 v13, v41;
	v35 =	vld.idx.msk [tilespmem:v58+s12+$0x0], $0xffff  }
0x2b5: {  	v62 =	vor.u32 v13, v37;
	[tilespmem:s21+$0x4430] =	vst v32  }
0x2b6: {  	[tilespmem:s7+$0x4430] =	vst v40;
	v32 =	vld.idx.msk [tilespmem:v59+s12+$0x0], $0xffff  }
0x2b7: {  	v63 =	vor.u32 v13, v38;
	v40 =	vld.idx.msk [tilespmem:v60+s12+$0x0], $0xffff  }
0x2b8: {  	v45 =	vor.u32 v13, v39;
	[tilespmem:s9+$0x4440] =	vst v33  }
0x2b9: {  	[tilespmem:s10+$0x4440] =	vst v35;
	v33 =	vld.idx.msk [tilespmem:v61+s12+$0x0], $0xffff  }
0x2ba: {  	v46 =	vor.u32 v14, v41;
	v35 =	vld.idx.msk [tilespmem:v62+s12+$0x0], $0xffff  }
0x2bb: {  	v47 =	vor.u32 v14, v37;
	[tilespmem:s21+$0x4440] =	vst v32  }
0x2bc: {  	[tilespmem:s7+$0x4440] =	vst v40;
	v32 =	vld.idx.msk [tilespmem:v63+s12+$0x0], $0xffff  }
0x2bd: {  	v48 =	vor.u32 v14, v38;
	v40 =	vld.idx.msk [tilespmem:v45+s12+$0x0], $0xffff  }
0x2be: {  	v49 =	vor.u32 v14, v39;
	[tilespmem:s9+$0x4450] =	vst v33  }
0x2bf: {  	[tilespmem:s10+$0x4450] =	vst v35;
	v33 =	vld.idx.msk [tilespmem:v46+s12+$0x0], $0xffff  }
0x2c0: {  	v50 =	vor.u32 v15, v41;
	v35 =	vld.idx.msk [tilespmem:v47+s12+$0x0], $0xffff  }
0x2c1: {  	v51 =	vor.u32 v15, v37;
	[tilespmem:s21+$0x4450] =	vst v32  }
0x2c2: {  	[tilespmem:s7+$0x4450] =	vst v40;
	v32 =	vld.idx.msk [tilespmem:v48+s12+$0x0], $0xffff  }
0x2c3: {  	v52 =	vor.u32 v15, v38;
	v40 =	vld.idx.msk [tilespmem:v49+s12+$0x0], $0xffff  }
0x2c4: {  	v53 =	vor.u32 v15, v39;
	[tilespmem:s9+$0x4460] =	vst v33  }
0x2c5: {  	[tilespmem:s10+$0x4460] =	vst v35;
	v33 =	vld.idx.msk [tilespmem:v50+s12+$0x0], $0xffff  }
0x2c6: {  	s25 =	simm.s32 $0x5;
	v54 =	vor.u32 v16, v41;
	v36 =	vld.idx.msk [tilespmem:v51+s12+$0x0], $0xffff  }
0x2c7: {  	v55 =	vor.u32 v16, v37;
	v56 =	vmov s25;
	[tilespmem:s21+$0x4460] =	vst v32  }
0x2c8: {  	v35 =	vand.u32 $0x1D, v56;
	[tilespmem:s7+$0x4460] =	vst v40;
	v32 =	vld.idx.msk [tilespmem:v52+s12+$0x0], $0xffff  }
0x2c9: {  	s17 =	simm.s32 $0x7;
	v58 =	vor.u32 v16, v38;
	v35 =	vbroadcast v35, $0x0;
	v57 =	vld.idx.msk [tilespmem:v53+s12+$0x0], $0xffff  }
0x2ca: {  	v44 =	vor.u32 v16, v39;
	v52 =	vmov s17;
	[tilespmem:s9+$0x4470] =	vst v33  }
0x2cb: {  	s6 =	smov.u32 s4;
	s26 =	sand.u32 $0x7, s0;
	v45 =	vor.u32 v0, v35;
	v53 =	vand.u32 $0x1F, v52;
	[tilespmem:s10+$0x4470] =	vst v36;
	v33 =	vld.idx.msk [tilespmem:v54+s12+$0x0], $0xffff  }
0x2cc: {  	s4 =	simm.s32 $0x6;
	p0 =	por $0x0, $0x0;
	v59 =	vor.u32 v17, v41;
	s9 =	sshll.u32 s26, $0x7;
	v36 =	vbroadcast v53, $0x0;
	v40 =	vld.idx.msk [tilespmem:v55+s12+$0x0], $0xffff  }
0x2cd: {  	s30 =	simm.s32 $0x800;
	s13 =	simm.s32 $0x1;
	v60 =	vmov s4;
	v63 =	vor.u32 v17, v37;
	[tilespmem:s21+$0x4470] =	vst v32;
	s14 =	sadd.s32 $0x0, s9  }
0x2ce: {  	s15 =	sand.u32 $0x3, s0;
	s13 =	simm.s32 @!p0 $0x0;
	v61 =	vand.u32 $0x1E, v60;
	[tilespmem:s7+$0x4470] =	vst v57;
	v62 =	vld.idx.msk [tilespmem:v58+s12+$0x0], $0xffff;
	s16 =	sadd.s32 $0x180, s14;
	v56 =	vor.u32 v0, v36  }
0x2cf: {  	v46 =	vor.u32 v17, v38;
	s9 =	sshll.u32 s15, $0x8;
	v32 =	vbroadcast v61, $0x0;
	v44 =	vld.idx.msk [tilespmem:v44+s12+$0x0], $0xffff;
	s8 =	sadd.s32 $0x80, s14;
	s18 =	sor.u32 $0x4800, s16  }
0x2d0: {  	s20 =	sshll.u32 s13, $0x9;
	v47 =	vor.u32 v17, v39;
	s19 =	sadd.s32 $0x0, s9;
	v45 =	vld.idx.msk [tilespmem:v45+s12+$0x0], $0xffff;
	s13 =	sor.u32 $0x4800, s8;
	[tilespmem:s18+$0xE400] =	vst v33  }
0x2d1: {  	s31 =	simm.s32 $0x380;
	s25 =	simm.s32 $0x4;
	s7 =	sadd.s32 $0x100, s19;
	v48 =	vor.u32 v0, v32;
	[tilespmem:s13+$0xE400] =	vst v40;
	v34 =	vld.idx.msk [tilespmem:v59+s12+$0x0], $0xffff  }
0x2d2: {  	s4 =	sand.u32 $0x3000, s30;
	v53 =	vor.u32 v1, v35;
	s21 =	sadd.s32 $0x0, s20;
	s10 =	sor.u32 $0x4800, s7;
	v43 =	vld.idx.msk [tilespmem:v63+s12+$0x0], $0xffff  }
0x2d3: {  	s17 =	simm.s32 $0x280;
	s26 =	simm.s32 $0x9;
	v54 =	vor.u32 v18, v41;
	s7 =	sor.u32 $0x4800, s21;
	[tilespmem:s10+$0xE400] =	vst v62;
	v42 =	vld.idx.msk [tilespmem:v56+s12+$0x0], $0xffff  }
0x2d4: {  	v55 =	vmov s25;
	s15 =	sand.u32 $0x280, s17;
	v58 =	vor.u32 v18, v37;
	s9 =	sadd.s32 $0xE400, s4;
	s16 =	sand.u32 $0x380, s31;
	[tilespmem:s7+$0xE400] =	vst v44;
	v57 =	vld.idx.msk [tilespmem:v46+s12+$0x0], $0xffff  }
0x2d5: {  	v49 =	vmov s26;
	s19 =	sor.u32 s16, s9;
	s16 =	sor.u32 s15, s9;
	v33 =	vand.u32 $0x1C, v55;
	v63 =	vor.u32 v1, v36;
	v47 =	vld.idx.msk [tilespmem:v47+s12+$0x0], $0xffff  }
0x2d6: {  	v50 =	vor.u32 v18, v38;
	v33 =	vbroadcast v33, $0x0;
	v59 =	vand.u32 $0x1D, v49;
	[tilespmem:s16+$0x4000] =	vst v45;
	v48 =	vld.idx.msk [tilespmem:v48+s12+$0x0], $0xffff  }
0x2d7: {  	v60 =	vor.u32 v18, v39;
	[tilespmem:s18+$0xE410] =	vst v34;
	v34 =	vbroadcast v59, $0x0;
	v59 =	vld.idx.msk [tilespmem:v53+s12+$0x0], $0xffff  }
0x2d8: {  	v51 =	vor.u32 v0, v33;
	[tilespmem:s13+$0xE410] =	vst v43;
	v40 =	vld.idx.msk [tilespmem:v54+s12+$0x0], $0xffff  }
0x2d9: {  	v61 =	vor.u32 v19, v41;
	[tilespmem:s19+$0x4000] =	vst v42;
	v46 =	vld.idx.msk [tilespmem:v58+s12+$0x0], $0xffff  }
0x2da: {  	[tilespmem:s10+$0xE410] =	vst v57;
	v42 =	vld.idx.msk [tilespmem:v63+s12+$0x0], $0xffff;
	v62 =	vor.u32 v0, v34  }
0x2db: {  	v52 =	vor.u32 v19, v37;
	s8 =	simm.s32 $0x300;
	[tilespmem:s7+$0xE410] =	vst v47;
	v50 =	vld.idx.msk [tilespmem:v50+s12+$0x0], $0xffff  }
0x2dc: {  	s20 =	sand.u32 $0x300, s8;
	v54 =	vor.u32 v1, v32;
	v49 =	vld.idx.msk [tilespmem:v60+s12+$0x0], $0xffff  }
0x2dd: {  	s15 =	sor.u32 s20, s9;
	v51 =	vld.idx.msk [tilespmem:v51+s12+$0x0], $0xffff;
	v60 =	vor.u32 v2, v36;
	[tilespmem:s18+$0xE420] =	vst v40  }
0x2de: {  	v56 =	vor.u32 v1, v33;
	[tilespmem:s15+$0x4000] =	vst v48;
	v43 =	vld.idx.msk [tilespmem:v61+s12+$0x0], $0xffff  }
0x2df: {  	s21 =	simm.s32 $0x200;
	v63 =	vor.u32 v2, v35;
	[tilespmem:s13+$0xE420] =	vst v46;
	v40 =	vld.idx.msk [tilespmem:v62+s12+$0x0], $0xffff  }
0x2e0: {  	s26 =	sand.u32 $0x200, s21;
	v58 =	vor.u32 v19, v38;
	[tilespmem:s16+$0x4010] =	vst v59;
	v45 =	vld.idx.msk [tilespmem:v52+s12+$0x0], $0xffff  }
0x2e1: {  	s14 =	sor.u32 s26, s9;
	[tilespmem:s19+$0x4010] =	vst v42;
	v61 =	vld.idx.msk [tilespmem:v54+s12+$0x0], $0xffff;
	v62 =	vor.u32 v19, v39  }
0x2e2: {  	v57 =	vor.u32 v20, v41;
	[tilespmem:s14+$0x4000] =	vst v51;
	v47 =	vld.idx.msk [tilespmem:v60+s12+$0x0], $0xffff  }
0x2e3: {  	[tilespmem:s10+$0xE420] =	vst v50;
	v44 =	vld.idx.msk [tilespmem:v56+s12+$0x0], $0xffff;
	v56 =	vor.u32 v2, v32  }
0x2e4: {  	v59 =	vor.u32 v20, v37;
	[tilespmem:s7+$0xE420] =	vst v49;
	v60 =	vld.idx.msk [tilespmem:v63+s12+$0x0], $0xffff  }
0x2e5: {  	v63 =	vor.u32 v3, v35;
	v42 =	vld.idx.msk [tilespmem:v58+s12+$0x0], $0xffff;
	[tilespmem:s18+$0xE430] =	vst v43  }
0x2e6: {  	v49 =	vld.idx.msk [tilespmem:v62+s12+$0x0], $0xffff;
	[tilespmem:s15+$0x4010] =	vst v61;
	v61 =	vor.u32 v3, v36  }
0x2e7: {  	v62 =	vor.u32 v20, v38;
	[tilespmem:s13+$0xE430] =	vst v45;
	v46 =	vld.idx.msk [tilespmem:v57+s12+$0x0], $0xffff  }
0x2e8: {  	[tilespmem:s19+$0x4020] =	vst v47;
	v57 =	vor.u32 v2, v33;
	v43 =	vld.idx.msk [tilespmem:v56+s12+$0x0], $0xffff  }
0x2e9: {  	v58 =	vor.u32 v21, v41;
	[tilespmem:s16+$0x4020] =	vst v60;
	v47 =	vld.idx.msk [tilespmem:v59+s12+$0x0], $0xffff  }
0x2ea: {  	[tilespmem:s14+$0x4010] =	vst v44;
	v56 =	vor.u32 v3, v32;
	v53 =	vld.idx.msk [tilespmem:v63+s12+$0x0], $0xffff  }
0x2eb: {  	[tilespmem:s10+$0xE430] =	vst v42;
	v63 =	vor.u32 v4, v35;
	v51 =	vld.idx.msk [tilespmem:v61+s12+$0x0], $0xffff  }
0x2ec: {  	v60 =	vor.u32 v20, v39;
	v44 =	vld.idx.msk [tilespmem:v62+s12+$0x0], $0xffff;
	[tilespmem:s7+$0xE430] =	vst v49  }
0x2ed: {  	v61 =	vor.u32 v4, v36;
	v50 =	vld.idx.msk [tilespmem:v57+s12+$0x0], $0xffff;
	[tilespmem:s18+$0xE440] =	vst v46  }
0x2ee: {  	v62 =	vor.u32 v21, v37;
	[tilespmem:s15+$0x4020] =	vst v43;
	v57 =	vld.idx.msk [tilespmem:v58+s12+$0x0], $0xffff  }
0x2ef: {  	[tilespmem:s16+$0x4030] =	vst v53;
	v58 =	vor.u32 v3, v33;
	v46 =	vld.idx.msk [tilespmem:v56+s12+$0x0], $0xffff  }
0x2f0: {  	v59 =	vor.u32 v22, v41;
	[tilespmem:s13+$0xE440] =	vst v47;
	v53 =	vld.idx.msk [tilespmem:v63+s12+$0x0], $0xffff  }
0x2f1: {  	v63 =	vor.u32 v5, v35;
	[tilespmem:s19+$0x4030] =	vst v51;
	v51 =	vld.idx.msk [tilespmem:v60+s12+$0x0], $0xffff  }
0x2f2: {  	v60 =	vor.u32 v21, v38;
	[tilespmem:s14+$0x4020] =	vst v50;
	v43 =	vld.idx.msk [tilespmem:v61+s12+$0x0], $0xffff  }
0x2f3: {  	v50 =	vld.idx.msk [tilespmem:v62+s12+$0x0], $0xffff;
	[tilespmem:s18+$0xE450] =	vst v57;
	v57 =	vor.u32 v4, v32  }
0x2f4: {  	[tilespmem:s10+$0xE440] =	vst v44;
	v61 =	vor.u32 v5, v36;
	v48 =	vld.idx.msk [tilespmem:v58+s12+$0x0], $0xffff  }
0x2f5: {  	v62 =	vor.u32 v21, v39;
	[tilespmem:s16+$0x4040] =	vst v53;
	v42 =	vld.idx.msk [tilespmem:v59+s12+$0x0], $0xffff  }
0x2f6: {  	v58 =	vor.u32 v4, v33;
	[tilespmem:s15+$0x4030] =	vst v46;
	v53 =	vld.idx.msk [tilespmem:v63+s12+$0x0], $0xffff  }
0x2f7: {  	v59 =	vor.u32 v23, v41;
	[tilespmem:s19+$0x4040] =	vst v43;
	v43 =	vld.idx.msk [tilespmem:v60+s12+$0x0], $0xffff  }
0x2f8: {  	v63 =	vor.u32 v6, v35;
	[tilespmem:s7+$0xE440] =	vst v51;
	v45 =	vld.idx.msk [tilespmem:v57+s12+$0x0], $0xffff  }
0x2f9: {  	v60 =	vor.u32 v22, v37;
	[tilespmem:s13+$0xE450] =	vst v50;
	v46 =	vld.idx.msk [tilespmem:v61+s12+$0x0], $0xffff  }
0x2fa: {  	v56 =	vor.u32 v5, v32;
	[tilespmem:s14+$0x4030] =	vst v48;
	v48 =	vld.idx.msk [tilespmem:v62+s12+$0x0], $0xffff  }
0x2fb: {  	v61 =	vor.u32 v6, v36;
	v49 =	vld.idx.msk [tilespmem:v58+s12+$0x0], $0xffff;
	[tilespmem:s18+$0xE460] =	vst v42  }
0x2fc: {  	v62 =	vor.u32 v22, v38;
	[tilespmem:s16+$0x4050] =	vst v53;
	v57 =	vld.idx.msk [tilespmem:v59+s12+$0x0], $0xffff  }
0x2fd: {  	v58 =	vor.u32 v5, v33;
	v53 =	vld.idx.msk [tilespmem:v63+s12+$0x0], $0xffff;
	[tilespmem:s15+$0x4040] =	vst v45  }
0x2fe: {  	v59 =	vor.u32 v24, v41;
	[tilespmem:s19+$0x4050] =	vst v46;
	v46 =	vld.idx.msk [tilespmem:v60+s12+$0x0], $0xffff  }
0x2ff: {  	v63 =	vor.u32 v7, v35;
	[tilespmem:s10+$0xE450] =	vst v43;
	v42 =	vld.idx.msk [tilespmem:v56+s12+$0x0], $0xffff  }
0x300: {  	v60 =	vor.u32 v22, v39;
	[tilespmem:s7+$0xE450] =	vst v48;
	v45 =	vld.idx.msk [tilespmem:v61+s12+$0x0], $0xffff  }
0x301: {  	[tilespmem:s14+$0x4040] =	vst v49;
	v56 =	vor.u32 v6, v32;
	v49 =	vld.idx.msk [tilespmem:v62+s12+$0x0], $0xffff  }
0x302: {  	v61 =	vor.u32 v7, v36;
	v47 =	vld.idx.msk [tilespmem:v58+s12+$0x0], $0xffff;
	[tilespmem:s18+$0xE470] =	vst v57  }
0x303: {  	v62 =	vor.u32 v23, v37;
	[tilespmem:s16+$0x4060] =	vst v53;
	v57 =	vld.idx.msk [tilespmem:v59+s12+$0x0], $0xffff  }
0x304: {  	v58 =	vor.u32 v6, v33;
	v53 =	vld.idx.msk [tilespmem:v63+s12+$0x0], $0xffff;
	[tilespmem:s15+$0x4050] =	vst v42  }
0x305: {  	v59 =	vor.u32 v25, v41;
	[tilespmem:s19+$0x4060] =	vst v45;
	v45 =	vld.idx.msk [tilespmem:v60+s12+$0x0], $0xffff  }
0x306: {  	s2 =	sor.u32 s2, s0;
	v63 =	vor.u32 v8, v35;
	[tilespmem:s13+$0xE460] =	vst v46;
	v44 =	vld.idx.msk [tilespmem:v56+s12+$0x0], $0xffff  }
0x307: {  	s2 =	sor.u32 $0x4C00, s2;
	v60 =	vor.u32 v23, v38;
	[tilespmem:s14+$0x4050] =	vst v47;
	v42 =	vld.idx.msk [tilespmem:v61+s12+$0x0], $0xffff  }
0x308: {  	v47 =	vld.idx.msk [tilespmem:v62+s12+$0x0], $0xffff;
	[tilespmem:s2+$0xE400] =	vst v57;
	v57 =	vor.u32 v7, v32  }
0x309: {  	[tilespmem:s10+$0xE460] =	vst v49;
	v61 =	vor.u32 v8, v36;
	v51 =	vld.idx.msk [tilespmem:v58+s12+$0x0], $0xffff  }
0x30a: {  	v62 =	vor.u32 v23, v39;
	[tilespmem:s16+$0x4070] =	vst v53;
	v43 =	vld.idx.msk [tilespmem:v59+s12+$0x0], $0xffff  }
0x30b: {  	v58 =	vor.u32 v7, v33;
	v53 =	vld.idx.msk [tilespmem:v63+s12+$0x0], $0xffff;
	[tilespmem:s15+$0x4060] =	vst v44  }
0x30c: {  	v59 =	vor.u32 v26, v41;
	[tilespmem:s19+$0x4070] =	vst v42;
	v42 =	vld.idx.msk [tilespmem:v60+s12+$0x0], $0xffff  }
0x30d: {  	v63 =	vor.u32 v9, v35;
	[tilespmem:s7+$0xE460] =	vst v45;
	v50 =	vld.idx.msk [tilespmem:v57+s12+$0x0], $0xffff  }
0x30e: {  	v60 =	vor.u32 v24, v37;
	[tilespmem:s13+$0xE470] =	vst v47;
	v44 =	vld.idx.msk [tilespmem:v61+s12+$0x0], $0xffff  }
0x30f: {  	[tilespmem:s14+$0x4060] =	vst v51;
	v57 =	vor.u32 v8, v32;
	v51 =	vld.idx.msk [tilespmem:v62+s12+$0x0], $0xffff  }
0x310: {  	v61 =	vor.u32 v9, v36;
	v48 =	vld.idx.msk [tilespmem:v58+s12+$0x0], $0xffff;
	[tilespmem:s2+$0xE410] =	vst v43  }
0x311: {  	v62 =	vor.u32 v24, v38;
	[tilespmem:s16+$0x4400] =	vst v53;
	v46 =	vld.idx.msk [tilespmem:v59+s12+$0x0], $0xffff  }
0x312: {  	v58 =	vor.u32 v8, v33;
	v53 =	vld.idx.msk [tilespmem:v63+s12+$0x0], $0xffff;
	[tilespmem:s15+$0x4070] =	vst v50  }
0x313: {  	v59 =	vor.u32 v27, v41;
	[tilespmem:s19+$0x4400] =	vst v44;
	v44 =	vld.idx.msk [tilespmem:v60+s12+$0x0], $0xffff  }
0x314: {  	v63 =	vor.u32 v10, v35;
	[tilespmem:s10+$0xE470] =	vst v42;
	v43 =	vld.idx.msk [tilespmem:v57+s12+$0x0], $0xffff  }
0x315: {  	v60 =	vor.u32 v24, v39;
	[tilespmem:s7+$0xE470] =	vst v51;
	v50 =	vld.idx.msk [tilespmem:v61+s12+$0x0], $0xffff  }
0x316: {  	[tilespmem:s14+$0x4070] =	vst v48;
	v57 =	vor.u32 v9, v32;
	v48 =	vld.idx.msk [tilespmem:v62+s12+$0x0], $0xffff  }
0x317: {  	v61 =	vor.u32 v10, v36;
	v49 =	vld.idx.msk [tilespmem:v58+s12+$0x0], $0xffff;
	[tilespmem:s2+$0xE420] =	vst v46  }
0x318: {  	v58 =	vor.u32 v9, v33;
	[tilespmem:s16+$0x4410] =	vst v53;
	v45 =	vld.idx.msk [tilespmem:v59+s12+$0x0], $0xffff  }
0x319: {  	v62 =	vor.u32 v25, v37;
	v53 =	vld.idx.msk [tilespmem:v63+s12+$0x0], $0xffff;
	[tilespmem:s15+$0x4400] =	vst v43  }
0x31a: {  	v59 =	vor.u32 v28, v41;
	[tilespmem:s19+$0x4410] =	vst v50;
	v50 =	vld.idx.msk [tilespmem:v60+s12+$0x0], $0xffff  }
0x31b: {  	s5 =	sor.u32 s5, s0;
	v63 =	vor.u32 v11, v35;
	v46 =	vld.idx.msk [tilespmem:v57+s12+$0x0], $0xffff  }
0x31c: {  	s7 =	sor.u32 $0x4C00, s5;
	[tilespmem:s14+$0x4400] =	vst v49;
	v57 =	vor.u32 v10, v32;
	v43 =	vld.idx.msk [tilespmem:v61+s12+$0x0], $0xffff  }
0x31d: {  	[tilespmem:s7+$0xE400] =	vst v44;
	v61 =	vor.u32 v11, v36;
	v47 =	vld.idx.msk [tilespmem:v58+s12+$0x0], $0xffff  }
0x31e: {  	v49 =	vld.idx.msk [tilespmem:v62+s12+$0x0], $0xffff;
	[tilespmem:s2+$0xE430] =	vst v45;
	v58 =	vor.u32 v10, v33  }
0x31f: {  	v60 =	vor.u32 v25, v38;
	[tilespmem:s16+$0x4420] =	vst v53;
	v42 =	vld.idx.msk [tilespmem:v59+s12+$0x0], $0xffff  }
0x320: {  	v62 =	vor.u32 v25, v39;
	v53 =	vld.idx.msk [tilespmem:v63+s12+$0x0], $0xffff;
	[tilespmem:s15+$0x4410] =	vst v46  }
0x321: {  	s3 =	sor.u32 s3, s0;
	v59 =	vor.u32 v29, v41;
	[tilespmem:s19+$0x4420] =	vst v43;
	v45 =	vld.idx.msk [tilespmem:v57+s12+$0x0], $0xffff  }
0x322: {  	s0 =	sor.u32 s1, s0;
	s10 =	sor.u32 $0x4C00, s3;
	v63 =	vor.u32 v12, v35;
	[tilespmem:s14+$0x4410] =	vst v47;
	v46 =	vld.idx.msk [tilespmem:v61+s12+$0x0], $0xffff  }
0x323: {  	v56 =	vor.u32 v11, v32;
	s5 =	sor.u32 $0x4C00, s0;
	[tilespmem:s10+$0xE400] =	vst v48;
	v51 =	vld.idx.msk [tilespmem:v58+s12+$0x0], $0xffff  }
0x324: {  	[tilespmem:s5+$0xE400] =	vst v50;
	v58 =	vld.idx.msk [tilespmem:v60+s12+$0x0], $0xffff;
	v60 =	vor.u32 v26, v37  }
0x325: {  	v47 =	vld.idx.msk [tilespmem:v62+s12+$0x0], $0xffff;
	v61 =	vor.u32 v12, v36;
	[tilespmem:s2+$0xE440] =	vst v42  }
0x326: {  	v57 =	vor.u32 v11, v33;
	[tilespmem:s16+$0x4430] =	vst v53;
	v44 =	vld.idx.msk [tilespmem:v59+s12+$0x0], $0xffff  }
0x327: {  	v62 =	vor.u32 v26, v38;
	v53 =	vld.idx.msk [tilespmem:v63+s12+$0x0], $0xffff;
	[tilespmem:s15+$0x4420] =	vst v45  }
0x328: {  	[tilespmem:s7+$0xE410] =	vst v49;
	v59 =	vor.u32 v30, v41;
	v42 =	vld.idx.msk [tilespmem:v56+s12+$0x0], $0xffff  }
0x329: {  	v63 =	vor.u32 v13, v35;
	[tilespmem:s19+$0x4430] =	vst v46;
	v46 =	vld.idx.msk [tilespmem:v60+s12+$0x0], $0xffff  }
0x32a: {  	[tilespmem:s14+$0x4420] =	vst v51;
	v56 =	vor.u32 v12, v32;
	v45 =	vld.idx.msk [tilespmem:v61+s12+$0x0], $0xffff  }
0x32b: {  	[tilespmem:s10+$0xE410] =	vst v58;
	v60 =	vor.u32 v13, v36;
	v48 =	vld.idx.msk [tilespmem:v57+s12+$0x0], $0xffff  }
0x32c: {  	[tilespmem:s2+$0xE450] =	vst v44;
	v51 =	vld.idx.msk [tilespmem:v62+s12+$0x0], $0xffff;
	v62 =	vor.u32 v27, v37  }
0x32d: {  	v57 =	vor.u32 v12, v33;
	[tilespmem:s16+$0x4440] =	vst v53;
	v49 =	vld.idx.msk [tilespmem:v59+s12+$0x0], $0xffff  }
0x32e: {  	s1 =	simm.s32 $0xA;
	v59 =	vor.u32 v26, v39;
	v53 =	vld.idx.msk [tilespmem:v63+s12+$0x0], $0xffff;
	[tilespmem:s15+$0x4430] =	vst v42  }
0x32f: {  	v58 =	vor.u32 v31, v41;
	v61 =	vmov s1;
	[tilespmem:s19+$0x4440] =	vst v45;
	v44 =	vld.idx.msk [tilespmem:v56+s12+$0x0], $0xffff  }
0x330: {  	v41 =	vand.u32 $0x1E, v61;
	v63 =	vor.u32 v14, v35;
	[tilespmem:s7+$0xE420] =	vst v46;
	v55 =	vld.idx.msk [tilespmem:v60+s12+$0x0], $0xffff  }
0x331: {  	v41 =	vbroadcast v41, $0x0;
	[tilespmem:s14+$0x4430] =	vst v48;
	v46 =	vld.idx.msk [tilespmem:v62+s12+$0x0], $0xffff;
	v60 =	vor.u32 v27, v38  }
0x332: {  	[tilespmem:s5+$0xE410] =	vst v47;
	v50 =	vld.idx.msk [tilespmem:v57+s12+$0x0], $0xffff;
	v57 =	vor.u32 v13, v32  }
0x333: {  	[tilespmem:s2+$0xE460] =	vst v49;
	v45 =	vld.idx.msk [tilespmem:v59+s12+$0x0], $0xffff;
	v59 =	vor.u32 v0, v41  }
0x334: {  	v61 =	vor.u32 v14, v36;
	[tilespmem:s16+$0x4450] =	vst v53;
	v43 =	vld.idx.msk [tilespmem:v58+s12+$0x0], $0xffff  }
0x335: {  	[tilespmem:s10+$0xE420] =	vst v51;
	v58 =	vor.u32 v13, v33;
	v53 =	vld.idx.msk [tilespmem:v63+s12+$0x0], $0xffff  }
0x336: {  	v62 =	vor.u32 v27, v39;
	[tilespmem:s15+$0x4440] =	vst v44;
	v48 =	vld.idx.msk [tilespmem:v60+s12+$0x0], $0xffff  }
0x337: {  	v63 =	vor.u32 v15, v35;
	[tilespmem:s19+$0x4450] =	vst v55;
	v49 =	vld.idx.msk [tilespmem:v57+s12+$0x0], $0xffff  }
0x338: {  	[tilespmem:s7+$0xE430] =	vst v46;
	v42 =	vld.idx.msk [tilespmem:v59+s12+$0x0], $0xffff;
	v59 =	vor.u32 v28, v37  }
0x339: {  	[tilespmem:s14+$0x4440] =	vst v50;
	v57 =	vor.u32 v14, v32;
	v44 =	vld.idx.msk [tilespmem:v61+s12+$0x0], $0xffff  }
0x33a: {  	[tilespmem:s5+$0xE420] =	vst v45;
	v61 =	vor.u32 v15, v36;
	v47 =	vld.idx.msk [tilespmem:v58+s12+$0x0], $0xffff  }
0x33b: {  	v58 =	vor.u32 v14, v33;
	v50 =	vld.idx.msk [tilespmem:v62+s12+$0x0], $0xffff;
	[tilespmem:s16+$0x4460] =	vst v53  }
0x33c: {  	v60 =	vor.u32 v28, v38;
	[tilespmem:s2+$0xE470] =	vst v43;
	v53 =	vld.idx.msk [tilespmem:v63+s12+$0x0], $0xffff  }
0x33d: {  	v62 =	vor.u32 v28, v39;
	[tilespmem:s15+$0x4450] =	vst v49;
	v45 =	vld.idx.msk [tilespmem:v59+s12+$0x0], $0xffff  }
0x33e: {  	[tilespmem:s19+$0x4460] =	vst v44;
	v43 =	vld.idx.msk [tilespmem:v57+s12+$0x0], $0xffff  }
0x33f: {  	[tilespmem:s14+$0x4450] =	vst v47;
	v49 =	vld.idx.msk [tilespmem:v61+s12+$0x0], $0xffff  }
0x340: {  	[tilespmem:s10+$0xE430] =	vst v48;
	v59 =	vor.u32 v29, v37;
	v51 =	vld.idx.msk [tilespmem:v58+s12+$0x0], $0xffff  }
0x341: {  	v56 =	vor.u32 v15, v32;
	[tilespmem:s5+$0xE430] =	vst v50;
	v58 =	vld.idx.msk [tilespmem:v60+s12+$0x0], $0xffff  }
0x342: {  	v61 =	vor.u32 v16, v35;
	v47 =	vld.idx.msk [tilespmem:v62+s12+$0x0], $0xffff;
	[tilespmem:s16+$0x4470] =	vst v53  }
0x343: {  	v57 =	vor.u32 v15, v33;
	[tilespmem:s7+$0xE440] =	vst v45  }
0x344: {  	v52 =	vor.u32 v29, v38;
	[tilespmem:s15+$0x4460] =	vst v43  }
0x345: {  	v43 =	vor.u32 v16, v36;
	v63 =	vld.idx.msk [tilespmem:v59+s12+$0x0], $0xffff;
	[tilespmem:s14+$0x4460] =	vst v51  }
0x346: {  	p0 =	por !p0, !p0;
	s20 =	simm.s32 $0x8;
	v60 =	vor.u32 v29, v39;
	v46 =	vld.idx.msk [tilespmem:v56+s12+$0x0], $0xffff;
	[tilespmem:s10+$0xE440] =	vst v58  }
0x347: {  	s4 =	sor.u32 s21, s30;
	s9 =	sor.u32 s17, s30;
	s17 =	sand.u32 $0x7, s25;
	[tilespmem:s5+$0xE440] =	vst v47;
	v58 =	vor.u32 v30, v37;
	v47 =	vld.idx.msk [tilespmem:v61+s12+$0x0], $0xffff  }
0x348: {  	s26 =	sor.u32 $0x4C00, s4;
	s29 =	sor.u32 $0x4C00, s9;
	s1 =	simm.s32 $0x1;
	v62 =	vor.u32 v16, v32;
	v48 =	vld.idx.msk [tilespmem:v57+s12+$0x0], $0xffff  }
0x349: {  	s9 =	simm.s32 $0x800;
	s3 =	sand.u32 $0x3, s24;
	s1 =	simm.s32 @!p0 $0x0;
	[tilespmem:s19+$0x4470] =	vst v49;
	v56 =	vor.u32 v16, v33;
	v52 =	vld.idx.msk [tilespmem:v52+s12+$0x0], $0xffff  }
0x34a: {  	s18 =	sshll.u32 s17, $0x7;
	s0 =	sshll.u32 s3, $0x8;
	s1 =	sshll.u32 s1, $0x9;
	v59 =	vor.u32 v30, v38;
	v57 =	vld.idx.msk [tilespmem:v43+s12+$0x0], $0xffff  }
0x34b: {  	s3 =	simm.s32 $0x380;
	s0 =	sadd.s32 $0x800, s0;
	s1 =	sadd.s32 $0x800, s1;
	v49 =	vor.u32 v17, v36;
	v50 =	vld.idx.msk [tilespmem:v60+s12+$0x0], $0xffff;
	[tilespmem:s7+$0xE450] =	vst v63  }
0x34c: {  	s13 =	sadd.s32 $0x100, s0;
	s0 =	sor.u32 $0x4800, s1;
	s2 =	sadd.s32 $0x800, s18;
	v53 =	vor.u32 v30, v39;
	[tilespmem:s15+$0x4470] =	vst v46;
	v51 =	vld.idx.msk [tilespmem:v58+s12+$0x0], $0xffff  }
0x34d: {  	s1 =	sor.u32 $0x4800, s13;
	s21 =	sadd.s32 $0x80, s2;
	s2 =	sadd.s32 $0x180, s2;
	[tilespmem:s14+$0x4470] =	vst v48;
	v44 =	vld.idx.msk [tilespmem:v62+s12+$0x0], $0xffff;
	v48 =	vor.u32 v17, v35  }
0x34e: {  	s16 =	sor.u32 $0x4800, s21;
	s19 =	sor.u32 s8, s30;
	s15 =	sor.u32 $0x4800, s2;
	v46 =	vor.u32 v17, v32;
	[tilespmem:s10+$0xE450] =	vst v52;
	v43 =	vld.idx.msk [tilespmem:v56+s12+$0x0], $0xffff  }
0x34f: {  	s21 =	simm.s32 $0xC;
	v45 =	vor.u32 v17, v33;
	s28 =	sor.u32 $0x4C00, s19;
	s2 =	simm.s32 $0xB;
	v52 =	vld.idx.msk [tilespmem:v59+s12+$0x0], $0xffff;
	[tilespmem:s15+$0xE400] =	vst v57  }
.LBB2_9:
0x350: {  	p1 =	slt.u32 s21, $0x1C;
	v54 =	vmov s2;
	v49 =	vld.idx.msk [tilespmem:v49+s12+$0x0], $0xffff;
	[tilespmem:s5+$0xE450] =	vst v50;
	v50 =	vor.u32 v31, v37;
	v37 =	vmovc v35;
	v35 =	vmov v34  }
0x351: {  	v34 =	vand.u32 $0x1F, v54;
	[tilespmem:s16+$0xE400] =	vst v47;
	v47 =	vld.idx.msk [tilespmem:v53+s12+$0x0], $0xffff;
	v53 =	vor.u32 v31, v38;
	v38 =	vmovc v32;
	v32 =	vmov v41  }
0x352: {  	v41 =	vbroadcast v34, $0x0;
	v48 =	vld.idx.msk [tilespmem:v48+s12+$0x0], $0xffff;
	[tilespmem:s1+$0xE400] =	vst v44;
	v34 =	vor.u32 v18, v36  }
0x353: {  	v44 =	vor.u32 v31, v39;
	v39 =	vmov v33;
	[tilespmem:s0+$0xE400] =	vst v43;
	v43 =	vld.idx.msk [tilespmem:v46+s12+$0x0], $0xffff  }
0x354: {  	v33 =	vmov s20;
	s20 =	smov.u32 s21;
	v46 =	vor.u32 v0, v41;
	v45 =	vld.idx.msk [tilespmem:v45+s12+$0x0], $0xffff;
	[tilespmem:s7+$0xE460] =	vst v51  }
0x355: {  	s2 =	sadd.s32 $0x1, s21;
	v33 =	vand.u32 $0x1C, v33;
	v51 =	vor.u32 v18, v37;
	v50 =	vld.idx.msk [tilespmem:v50+s12+$0x0], $0xffff;
	[tilespmem:s10+$0xE460] =	vst v52  }
0x356: {  	v54 =	vor.u32 v18, v38;
	v33 =	vbroadcast v33, $0x0;
	v52 =	vmov s2;
	[tilespmem:s15+$0xE410] =	vst v49;
	v49 =	vld.idx.msk [tilespmem:v53+s12+$0x0], $0xffff  }
0x357: {  	v52 =	vand.u32 $0x1D, v52;
	v53 =	vor.u32 v18, v39;
	v55 =	vld.idx.msk [tilespmem:v34+s12+$0x0], $0xffff;
	[tilespmem:s5+$0xE460] =	vst v47  }
0x358: {  	v34 =	vbroadcast v52, $0x0;
	v47 =	vor.u32 v0, v33;
	[tilespmem:s16+$0xE410] =	vst v48;
	v44 =	vld.idx.msk [tilespmem:v44+s12+$0x0], $0xffff  }
0x359: {  	s24 =	sadd.s32 $0x2, s24;
	p0 =	por !p0, !p0;
	s8 =	simm.s32 $0x1;
	v46 =	vld.idx.msk [tilespmem:v46+s12+$0x0], $0xffff;
	[tilespmem:s1+$0xE410] =	vst v43;
	v43 =	vor.u32 v19, v36  }
0x35a: {  	s8 =	simm.s32 @!p0 $0x0;
	s2 =	sand.u32 $0x3, s24;
	v48 =	vor.u32 v0, v34;
	[tilespmem:s0+$0xE410] =	vst v45;
	v45 =	vld.idx.msk [tilespmem:v51+s12+$0x0], $0xffff  }
0x35b: {  	s30 =	sadd.s32 $0x800, s30;
	s13 =	sshll.u32 s8, $0x9;
	s2 =	sshll.u32 s2, $0x8;
	v51 =	vor.u32 v1, v41;
	v52 =	vld.idx.msk [tilespmem:v54+s12+$0x0], $0xffff;
	[tilespmem:s7+$0xE470] =	vst v50  }
0x35c: {  	s31 =	sadd.s32 $0x200, s31;
	s7 =	sadd.s32 s30, s2;
	s2 =	sand.u32 $0x3000, s30;
	v50 =	vld.idx.msk [tilespmem:v53+s12+$0x0], $0xffff;
	v53 =	vor.u32 v19, v37;
	[tilespmem:s10+$0xE470] =	vst v49  }
0x35d: {  	s10 =	sadd.s32 $0xFFFFFE80, s31;
	s8 =	sadd.s32 $0xE400, s2;
	v49 =	vor.u32 v1, v35;
	s2 =	sand.u32 $0x380, s31;
	v47 =	vld.idx.msk [tilespmem:v47+s12+$0x0], $0xffff;
	[tilespmem:s15+$0xE420] =	vst v55  }
0x35e: {  	s17 =	sadd.s32 $0xFFFFFF00, s31;
	s4 =	sadd.s32 $0xFFFFFF80, s31;
	v54 =	vor.u32 v1, v32;
	s2 =	sor.u32 s2, s8;
	v43 =	vld.idx.msk [tilespmem:v43+s12+$0x0], $0xffff;
	[tilespmem:s5+$0xE470] =	vst v44  }
0x35f: {  	s14 =	sand.u32 $0x280, s17;
	s18 =	sand.u32 $0x300, s4;
	s5 =	sand.u32 $0x200, s10;
	v44 =	vld.idx.msk [tilespmem:v48+s12+$0x0], $0xffff;
	v48 =	vor.u32 v1, v33;
	[tilespmem:s2+$0x4000] =	vst v46  }
0x360: {  	s14 =	sor.u32 s14, s8;
	s19 =	sor.u32 s5, s8;
	s8 =	sor.u32 s18, s8;
	v46 =	vld.idx.msk [tilespmem:v51+s12+$0x0], $0xffff;
	[tilespmem:s16+$0xE420] =	vst v45;
	v45 =	vor.u32 v20, v36  }
0x361: {  	s7 =	sadd.s32 $0x100, s7;
	s10 =	sor.u32 s10, s30;
	s5 =	sadd.s32 s13, s30;
	[tilespmem:s14+$0x4000] =	vst v40;
	v51 =	vld.idx.msk [tilespmem:v53+s12+$0x0], $0xffff;
	v53 =	vor.u32 v19, v38  }
0x362: {  	s13 =	sor.u32 $0x4800, s7;
	s18 =	sor.u32 $0x4800, s5;
	s5 =	sor.u32 s17, s30;
	v49 =	vld.idx.msk [tilespmem:v49+s12+$0x0], $0xffff;
	[tilespmem:s8+$0x4000] =	vst v42;
	v42 =	vor.u32 v2, v41  }
0x363: {  	s4 =	sor.u32 s4, s30;
	s7 =	sor.u32 $0x4C00, s10;
	s10 =	sor.u32 $0x4C00, s5;
	[tilespmem:s19+$0x4000] =	vst v47;
	v47 =	vld.idx.msk [tilespmem:v54+s12+$0x0], $0xffff;
	v54 =	vor.u32 v19, v39  }
0x364: {  	s4 =	sor.u32 $0x4C00, s4;
	v55 =	vor.u32 v2, v35;
	s5 =	smov.u32 s26;
	s26 =	smov.u32 s7;
	v48 =	vld.idx.msk [tilespmem:v48+s12+$0x0], $0xffff;
	[tilespmem:s15+$0xE430] =	vst v43  }
0x365: {  	s7 =	smov.u32 s29;
	s29 =	smov.u32 s10;
	s10 =	smov.u32 s28;
	v43 =	vor.u32 v2, v32;
	v40 =	vmov v44;
	[tilespmem:s1+$0xE420] =	vst v52;
	v45 =	vld.idx.msk [tilespmem:v45+s12+$0x0], $0xffff  }
0x366: {  	s28 =	smov.u32 s4;
	v44 =	vor.u32 v2, v33;
	[tilespmem:s2+$0x4010] =	vst v46;
	v46 =	vld.idx.msk [tilespmem:v53+s12+$0x0], $0xffff  }
0x367: {  	v42 =	vld.idx.msk [tilespmem:v42+s12+$0x0], $0xffff;
	[tilespmem:s0+$0xE420] =	vst v50;
	v50 =	vor.u32 v21, v36  }
0x368: {  	v52 =	vor.u32 v20, v37;
	[tilespmem:s14+$0x4010] =	vst v49;
	v49 =	vld.idx.msk [tilespmem:v54+s12+$0x0], $0xffff  }
0x369: {  	v53 =	vld.idx.msk [tilespmem:v55+s12+$0x0], $0xffff;
	[tilespmem:s8+$0x4010] =	vst v47;
	v47 =	vor.u32 v3, v41  }
0x36a: {  	[tilespmem:s19+$0x4010] =	vst v48;
	v43 =	vld.idx.msk [tilespmem:v43+s12+$0x0], $0xffff;
	v48 =	vor.u32 v20, v38  }
0x36b: {  	v54 =	vor.u32 v3, v35;
	v44 =	vld.idx.msk [tilespmem:v44+s12+$0x0], $0xffff;
	[tilespmem:s15+$0xE440] =	vst v45  }
0x36c: {  	v45 =	vor.u32 v3, v32;
	[tilespmem:s16+$0xE430] =	vst v51;
	v50 =	vld.idx.msk [tilespmem:v50+s12+$0x0], $0xffff  }
0x36d: {  	v51 =	vor.u32 v3, v33;
	[tilespmem:s2+$0x4020] =	vst v42;
	v42 =	vld.idx.msk [tilespmem:v52+s12+$0x0], $0xffff  }
0x36e: {  	v47 =	vld.idx.msk [tilespmem:v47+s12+$0x0], $0xffff;
	[tilespmem:s1+$0xE430] =	vst v46;
	v46 =	vor.u32 v22, v36  }
0x36f: {  	v52 =	vor.u32 v20, v39;
	[tilespmem:s14+$0x4020] =	vst v53;
	v48 =	vld.idx.msk [tilespmem:v48+s12+$0x0], $0xffff  }
0x370: {  	v53 =	vld.idx.msk [tilespmem:v54+s12+$0x0], $0xffff;
	[tilespmem:s8+$0x4020] =	vst v43;
	v43 =	vor.u32 v4, v41  }
0x371: {  	[tilespmem:s19+$0x4020] =	vst v44;
	v44 =	vld.idx.msk [tilespmem:v45+s12+$0x0], $0xffff;
	v45 =	vor.u32 v21, v37  }
0x372: {  	v54 =	vor.u32 v4, v35;
	v51 =	vld.idx.msk [tilespmem:v51+s12+$0x0], $0xffff;
	[tilespmem:s15+$0xE450] =	vst v50  }
0x373: {  	v50 =	vor.u32 v4, v32;
	[tilespmem:s0+$0xE430] =	vst v49;
	v46 =	vld.idx.msk [tilespmem:v46+s12+$0x0], $0xffff  }
0x374: {  	v49 =	vor.u32 v4, v33;
	[tilespmem:s2+$0x4030] =	vst v47;
	v47 =	vld.idx.msk [tilespmem:v52+s12+$0x0], $0xffff  }
0x375: {  	v43 =	vld.idx.msk [tilespmem:v43+s12+$0x0], $0xffff;
	[tilespmem:s16+$0xE440] =	vst v42;
	v42 =	vor.u32 v23, v36  }
0x376: {  	v52 =	vor.u32 v21, v38;
	[tilespmem:s14+$0x4030] =	vst v53;
	v45 =	vld.idx.msk [tilespmem:v45+s12+$0x0], $0xffff  }
0x377: {  	v53 =	vld.idx.msk [tilespmem:v54+s12+$0x0], $0xffff;
	[tilespmem:s8+$0x4030] =	vst v44;
	v44 =	vor.u32 v5, v41  }
0x378: {  	[tilespmem:s19+$0x4030] =	vst v51;
	v50 =	vld.idx.msk [tilespmem:v50+s12+$0x0], $0xffff;
	v51 =	vor.u32 v21, v39  }
0x379: {  	v54 =	vor.u32 v5, v35;
	v49 =	vld.idx.msk [tilespmem:v49+s12+$0x0], $0xffff;
	[tilespmem:s15+$0xE460] =	vst v46  }
0x37a: {  	v46 =	vor.u32 v5, v32;
	[tilespmem:s1+$0xE440] =	vst v48;
	v42 =	vld.idx.msk [tilespmem:v42+s12+$0x0], $0xffff  }
0x37b: {  	v48 =	vor.u32 v5, v33;
	[tilespmem:s2+$0x4040] =	vst v43;
	v43 =	vld.idx.msk [tilespmem:v52+s12+$0x0], $0xffff  }
0x37c: {  	v44 =	vld.idx.msk [tilespmem:v44+s12+$0x0], $0xffff;
	[tilespmem:s0+$0xE440] =	vst v47;
	v47 =	vor.u32 v24, v36  }
0x37d: {  	v52 =	vor.u32 v22, v37;
	[tilespmem:s14+$0x4040] =	vst v53;
	v51 =	vld.idx.msk [tilespmem:v51+s12+$0x0], $0xffff  }
0x37e: {  	v53 =	vld.idx.msk [tilespmem:v54+s12+$0x0], $0xffff;
	[tilespmem:s8+$0x4040] =	vst v50;
	v50 =	vor.u32 v6, v41  }
0x37f: {  	[tilespmem:s19+$0x4040] =	vst v49;
	v46 =	vld.idx.msk [tilespmem:v46+s12+$0x0], $0xffff;
	v49 =	vor.u32 v22, v38  }
0x380: {  	v54 =	vor.u32 v6, v35;
	v48 =	vld.idx.msk [tilespmem:v48+s12+$0x0], $0xffff;
	[tilespmem:s15+$0xE470] =	vst v42  }
0x381: {  	v42 =	vor.u32 v6, v32;
	[tilespmem:s16+$0xE450] =	vst v45;
	v45 =	vld.idx.msk [tilespmem:v47+s12+$0x0], $0xffff  }
0x382: {  	v47 =	vor.u32 v6, v33;
	[tilespmem:s2+$0x4050] =	vst v44;
	v44 =	vld.idx.msk [tilespmem:v52+s12+$0x0], $0xffff  }
0x383: {  	v50 =	vld.idx.msk [tilespmem:v50+s12+$0x0], $0xffff;
	[tilespmem:s1+$0xE450] =	vst v43;
	v43 =	vor.u32 v25, v36  }
0x384: {  	v52 =	vor.u32 v22, v39;
	[tilespmem:s14+$0x4050] =	vst v53;
	v49 =	vld.idx.msk [tilespmem:v49+s12+$0x0], $0xffff  }
0x385: {  	s4 =	sor.u32 s3, s9;
	s9 =	smov.u32 s30;
	s3 =	smov.u32 s31;
	v53 =	vld.idx.msk [tilespmem:v54+s12+$0x0], $0xffff;
	[tilespmem:s8+$0x4050] =	vst v46;
	v46 =	vor.u32 v7, v41  }
0x386: {  	s15 =	sor.u32 $0x4C00, s4;
	[tilespmem:s19+$0x4050] =	vst v48;
	v42 =	vld.idx.msk [tilespmem:v42+s12+$0x0], $0xffff;
	v48 =	vor.u32 v23, v37  }
0x387: {  	v54 =	vor.u32 v7, v35;
	v47 =	vld.idx.msk [tilespmem:v47+s12+$0x0], $0xffff;
	[tilespmem:s15+$0xE400] =	vst v45  }
0x388: {  	v45 =	vor.u32 v7, v32;
	[tilespmem:s0+$0xE450] =	vst v51;
	v43 =	vld.idx.msk [tilespmem:v43+s12+$0x0], $0xffff  }
0x389: {  	v51 =	vor.u32 v7, v33;
	[tilespmem:s2+$0x4060] =	vst v50;
	v50 =	vld.idx.msk [tilespmem:v52+s12+$0x0], $0xffff  }
0x38a: {  	v46 =	vld.idx.msk [tilespmem:v46+s12+$0x0], $0xffff;
	[tilespmem:s16+$0xE460] =	vst v44;
	v44 =	vor.u32 v26, v36  }
0x38b: {  	v52 =	vor.u32 v23, v38;
	[tilespmem:s14+$0x4060] =	vst v53;
	v48 =	vld.idx.msk [tilespmem:v48+s12+$0x0], $0xffff  }
0x38c: {  	v53 =	vld.idx.msk [tilespmem:v54+s12+$0x0], $0xffff;
	[tilespmem:s8+$0x4060] =	vst v42;
	v42 =	vor.u32 v8, v41  }
0x38d: {  	[tilespmem:s19+$0x4060] =	vst v47;
	v45 =	vld.idx.msk [tilespmem:v45+s12+$0x0], $0xffff;
	v47 =	vor.u32 v23, v39  }
0x38e: {  	v54 =	vor.u32 v8, v35;
	v51 =	vld.idx.msk [tilespmem:v51+s12+$0x0], $0xffff;
	[tilespmem:s15+$0xE410] =	vst v43  }
0x38f: {  	v43 =	vor.u32 v8, v32;
	[tilespmem:s1+$0xE460] =	vst v49;
	v44 =	vld.idx.msk [tilespmem:v44+s12+$0x0], $0xffff  }
0x390: {  	v49 =	vor.u32 v8, v33;
	[tilespmem:s2+$0x4070] =	vst v46;
	v46 =	vld.idx.msk [tilespmem:v52+s12+$0x0], $0xffff  }
0x391: {  	v42 =	vld.idx.msk [tilespmem:v42+s12+$0x0], $0xffff;
	[tilespmem:s0+$0xE460] =	vst v50;
	v50 =	vor.u32 v27, v36  }
0x392: {  	v52 =	vor.u32 v24, v37;
	[tilespmem:s14+$0x4070] =	vst v53;
	v47 =	vld.idx.msk [tilespmem:v47+s12+$0x0], $0xffff  }
0x393: {  	v53 =	vld.idx.msk [tilespmem:v54+s12+$0x0], $0xffff;
	[tilespmem:s8+$0x4070] =	vst v45;
	v45 =	vor.u32 v9, v41  }
0x394: {  	[tilespmem:s19+$0x4070] =	vst v51;
	v43 =	vld.idx.msk [tilespmem:v43+s12+$0x0], $0xffff;
	v51 =	vor.u32 v24, v38  }
0x395: {  	v54 =	vor.u32 v9, v35;
	v49 =	vld.idx.msk [tilespmem:v49+s12+$0x0], $0xffff;
	[tilespmem:s15+$0xE420] =	vst v44  }
0x396: {  	v44 =	vor.u32 v9, v32;
	[tilespmem:s16+$0xE470] =	vst v48;
	v48 =	vld.idx.msk [tilespmem:v50+s12+$0x0], $0xffff  }
0x397: {  	v50 =	vor.u32 v9, v33;
	[tilespmem:s2+$0x4400] =	vst v42;
	v42 =	vld.idx.msk [tilespmem:v52+s12+$0x0], $0xffff  }
0x398: {  	v45 =	vld.idx.msk [tilespmem:v45+s12+$0x0], $0xffff;
	[tilespmem:s1+$0xE470] =	vst v46;
	v46 =	vor.u32 v28, v36;
	s1 =	smov.u32 s13  }
0x399: {  	v52 =	vor.u32 v24, v39;
	[tilespmem:s14+$0x4400] =	vst v53;
	v51 =	vld.idx.msk [tilespmem:v51+s12+$0x0], $0xffff  }
0x39a: {  	v53 =	vld.idx.msk [tilespmem:v54+s12+$0x0], $0xffff;
	[tilespmem:s8+$0x4400] =	vst v43;
	v43 =	vor.u32 v10, v41  }
0x39b: {  	[tilespmem:s19+$0x4400] =	vst v49;
	v44 =	vld.idx.msk [tilespmem:v44+s12+$0x0], $0xffff;
	v49 =	vor.u32 v25, v37  }
0x39c: {  	v54 =	vor.u32 v10, v35;
	v50 =	vld.idx.msk [tilespmem:v50+s12+$0x0], $0xffff;
	[tilespmem:s15+$0xE430] =	vst v48  }
0x39d: {  	v48 =	vor.u32 v10, v32;
	[tilespmem:s0+$0xE470] =	vst v47;
	v46 =	vld.idx.msk [tilespmem:v46+s12+$0x0], $0xffff;
	s0 =	smov.u32 s18  }
0x39e: {  	v47 =	vor.u32 v10, v33;
	[tilespmem:s2+$0x4410] =	vst v45;
	v45 =	vld.idx.msk [tilespmem:v52+s12+$0x0], $0xffff  }
0x39f: {  	v43 =	vld.idx.msk [tilespmem:v43+s12+$0x0], $0xffff;
	[tilespmem:s7+$0xE400] =	vst v42;
	v42 =	vor.u32 v29, v36  }
0x3a0: {  	v52 =	vor.u32 v25, v38;
	[tilespmem:s14+$0x4410] =	vst v53;
	v49 =	vld.idx.msk [tilespmem:v49+s12+$0x0], $0xffff  }
0x3a1: {  	v53 =	vld.idx.msk [tilespmem:v54+s12+$0x0], $0xffff;
	[tilespmem:s8+$0x4410] =	vst v44;
	v44 =	vor.u32 v11, v41  }
0x3a2: {  	[tilespmem:s19+$0x4410] =	vst v50;
	v48 =	vld.idx.msk [tilespmem:v48+s12+$0x0], $0xffff;
	v50 =	vor.u32 v25, v39  }
0x3a3: {  	v54 =	vor.u32 v11, v35;
	v47 =	vld.idx.msk [tilespmem:v47+s12+$0x0], $0xffff;
	[tilespmem:s15+$0xE440] =	vst v46  }
0x3a4: {  	v46 =	vor.u32 v11, v32;
	[tilespmem:s10+$0xE400] =	vst v51;
	v42 =	vld.idx.msk [tilespmem:v42+s12+$0x0], $0xffff  }
0x3a5: {  	v51 =	vor.u32 v11, v33;
	[tilespmem:s2+$0x4420] =	vst v43;
	v43 =	vld.idx.msk [tilespmem:v52+s12+$0x0], $0xffff  }
0x3a6: {  	v44 =	vld.idx.msk [tilespmem:v44+s12+$0x0], $0xffff;
	[tilespmem:s5+$0xE400] =	vst v45;
	v45 =	vor.u32 v30, v36  }
0x3a7: {  	v52 =	vor.u32 v26, v37;
	[tilespmem:s14+$0x4420] =	vst v53;
	v50 =	vld.idx.msk [tilespmem:v50+s12+$0x0], $0xffff  }
0x3a8: {  	v53 =	vld.idx.msk [tilespmem:v54+s12+$0x0], $0xffff;
	[tilespmem:s8+$0x4420] =	vst v48;
	v48 =	vor.u32 v12, v41  }
0x3a9: {  	[tilespmem:s19+$0x4420] =	vst v47;
	v46 =	vld.idx.msk [tilespmem:v46+s12+$0x0], $0xffff;
	v47 =	vor.u32 v26, v38  }
0x3aa: {  	v54 =	vor.u32 v12, v35;
	v51 =	vld.idx.msk [tilespmem:v51+s12+$0x0], $0xffff;
	[tilespmem:s15+$0xE450] =	vst v42  }
0x3ab: {  	v42 =	vor.u32 v12, v32;
	[tilespmem:s7+$0xE410] =	vst v49;
	v45 =	vld.idx.msk [tilespmem:v45+s12+$0x0], $0xffff  }
0x3ac: {  	v49 =	vor.u32 v12, v33;
	[tilespmem:s2+$0x4430] =	vst v44;
	v44 =	vld.idx.msk [tilespmem:v52+s12+$0x0], $0xffff  }
0x3ad: {  	v48 =	vld.idx.msk [tilespmem:v48+s12+$0x0], $0xffff;
	[tilespmem:s10+$0xE410] =	vst v43;
	v43 =	vor.u32 v31, v36;
	v36 =	vmov v41  }
0x3ae: {  	v52 =	vor.u32 v26, v39;
	[tilespmem:s14+$0x4430] =	vst v53;
	v47 =	vld.idx.msk [tilespmem:v47+s12+$0x0], $0xffff  }
0x3af: {  	s4 =	sadd.s32 $0x2, s21;
	v53 =	vld.idx.msk [tilespmem:v54+s12+$0x0], $0xffff;
	[tilespmem:s8+$0x4430] =	vst v46;
	v46 =	vor.u32 v13, v36  }
0x3b0: {  	v41 =	vmov s4;
	[tilespmem:s19+$0x4430] =	vst v51;
	v42 =	vld.idx.msk [tilespmem:v42+s12+$0x0], $0xffff;
	v51 =	vor.u32 v27, v37  }
0x3b1: {  	v41 =	vand.u32 $0x1E, v41;
	v54 =	vor.u32 v13, v35;
	v49 =	vld.idx.msk [tilespmem:v49+s12+$0x0], $0xffff;
	[tilespmem:s15+$0xE460] =	vst v45  }
0x3b2: {  	v41 =	vbroadcast v41, $0x0;
	v45 =	vor.u32 v13, v32;
	[tilespmem:s5+$0xE410] =	vst v50;
	v43 =	vld.idx.msk [tilespmem:v43+s12+$0x0], $0xffff  }
0x3b3: {  	v50 =	vor.u32 v13, v33;
	[tilespmem:s2+$0x4440] =	vst v48;
	v48 =	vld.idx.msk [tilespmem:v52+s12+$0x0], $0xffff  }
0x3b4: {  	v52 =	vor.u32 v0, v41;
	v46 =	vld.idx.msk [tilespmem:v46+s12+$0x0], $0xffff;
	[tilespmem:s7+$0xE420] =	vst v44  }
0x3b5: {  	[tilespmem:s14+$0x4440] =	vst v53;
	v44 =	vld.idx.msk [tilespmem:v51+s12+$0x0], $0xffff;
	v51 =	vor.u32 v27, v38  }
0x3b6: {  	v53 =	vld.idx.msk [tilespmem:v54+s12+$0x0], $0xffff;
	[tilespmem:s8+$0x4440] =	vst v42;
	v54 =	vor.u32 v14, v36  }
0x3b7: {  	[tilespmem:s19+$0x4440] =	vst v49;
	v45 =	vld.idx.msk [tilespmem:v45+s12+$0x0], $0xffff;
	v49 =	vor.u32 v27, v39  }
0x3b8: {  	v55 =	vor.u32 v14, v35;
	v50 =	vld.idx.msk [tilespmem:v50+s12+$0x0], $0xffff;
	[tilespmem:s15+$0xE470] =	vst v43  }
0x3b9: {  	v43 =	vor.u32 v14, v32;
	v42 =	vld.idx.msk [tilespmem:v52+s12+$0x0], $0xffff;
	[tilespmem:s10+$0xE420] =	vst v47  }
0x3ba: {  	v47 =	vor.u32 v14, v33;
	[tilespmem:s2+$0x4450] =	vst v46;
	v46 =	vld.idx.msk [tilespmem:v51+s12+$0x0], $0xffff  }
0x3bb: {  	v51 =	vld.idx.msk [tilespmem:v54+s12+$0x0], $0xffff;
	[tilespmem:s5+$0xE420] =	vst v48;
	v48 =	vor.u32 v28, v37  }
0x3bc: {  	v52 =	vor.u32 v28, v38;
	[tilespmem:s14+$0x4450] =	vst v53;
	v49 =	vld.idx.msk [tilespmem:v49+s12+$0x0], $0xffff  }
0x3bd: {  	v53 =	vld.idx.msk [tilespmem:v55+s12+$0x0], $0xffff;
	[tilespmem:s8+$0x4450] =	vst v45;
	v45 =	vor.u32 v15, v36  }
0x3be: {  	[tilespmem:s19+$0x4450] =	vst v50;
	v43 =	vld.idx.msk [tilespmem:v43+s12+$0x0], $0xffff;
	v50 =	vor.u32 v28, v39  }
0x3bf: {  	v54 =	vor.u32 v15, v35;
	v47 =	vld.idx.msk [tilespmem:v47+s12+$0x0], $0xffff;
	[tilespmem:s7+$0xE430] =	vst v44  }
0x3c0: {  	v44 =	vor.u32 v15, v32;
	v48 =	vld.idx.msk [tilespmem:v48+s12+$0x0], $0xffff;
	[tilespmem:s10+$0xE430] =	vst v46  }
0x3c1: {  	v46 =	vor.u32 v15, v33;
	[tilespmem:s2+$0x4460] =	vst v51;
	v51 =	vld.idx.msk [tilespmem:v52+s12+$0x0], $0xffff  }
0x3c2: {  	v45 =	vld.idx.msk [tilespmem:v45+s12+$0x0], $0xffff;
	[tilespmem:s5+$0xE430] =	vst v49;
	v49 =	vor.u32 v29, v37  }
0x3c3: {  	v52 =	vor.u32 v29, v38;
	[tilespmem:s14+$0x4460] =	vst v53;
	v50 =	vld.idx.msk [tilespmem:v50+s12+$0x0], $0xffff  }
0x3c4: {  	v53 =	vld.idx.msk [tilespmem:v54+s12+$0x0], $0xffff;
	[tilespmem:s8+$0x4460] =	vst v43;
	v43 =	vor.u32 v16, v36  }
0x3c5: {  	[tilespmem:s19+$0x4460] =	vst v47;
	v44 =	vld.idx.msk [tilespmem:v44+s12+$0x0], $0xffff;
	v47 =	vor.u32 v29, v39  }
0x3c6: {  	v54 =	vor.u32 v16, v35;
	v46 =	vld.idx.msk [tilespmem:v46+s12+$0x0], $0xffff;
	[tilespmem:s7+$0xE440] =	vst v48  }
0x3c7: {  	v48 =	vor.u32 v16, v32;
	v55 =	vld.idx.msk [tilespmem:v49+s12+$0x0], $0xffff;
	[tilespmem:s10+$0xE440] =	vst v51  }
0x3c8: {  	v51 =	vor.u32 v16, v33;
	[tilespmem:s2+$0x4470] =	vst v45;
	v45 =	vld.idx.msk [tilespmem:v52+s12+$0x0], $0xffff  }
0x3c9: {  	s25 =	sadd.s32 $0x4, s25;
	v56 =	vor.u32 v30, v37;
	v52 =	vld.idx.msk [tilespmem:v43+s12+$0x0], $0xffff;
	[tilespmem:s5+$0xE440] =	vst v50  }
0x3ca: {  	v57 =	vor.u32 v30, v38;
	s2 =	sand.u32 $0x7, s25;
	[tilespmem:s14+$0x4470] =	vst v53;
	v50 =	vld.idx.msk [tilespmem:v47+s12+$0x0], $0xffff  }
.Ltmp4:
0x3cb: {  	v49 =	vor.u32 v17, v36;
	s2 =	sshll.u32 s2, $0x7;
	v47 =	vld.idx.msk [tilespmem:v54+s12+$0x0], $0xffff;
	[tilespmem:s8+$0x4470] =	vst v44;
	(pc) =	sbr.rel @p1 .LBB2_9-.Ltmp4, $4  }
0x3cc: {  	s2 =	sadd.s32 s30, s2;
	v53 =	vor.u32 v30, v39;
	[tilespmem:s19+$0x4470] =	vst v46;
	v44 =	vld.idx.msk [tilespmem:v48+s12+$0x0], $0xffff  }
0x3cd: {  	s4 =	sadd.s32 $0x80, s2;
	s2 =	sadd.s32 $0x180, s2;
	v48 =	vor.u32 v17, v35;
	v43 =	vld.idx.msk [tilespmem:v51+s12+$0x0], $0xffff;
	[tilespmem:s7+$0xE450] =	vst v55  }
0x3ce: {  	s16 =	sor.u32 $0x4800, s4;
	v46 =	vor.u32 v17, v32;
	s15 =	sor.u32 $0x4800, s2;
	v51 =	vld.idx.msk [tilespmem:v56+s12+$0x0], $0xffff;
	[tilespmem:s10+$0xE450] =	vst v45  }
0x3cf: {  	s21 =	sadd.s32 $0x4, s21;
	s2 =	sadd.s32 $0x3, s20;
	v45 =	vor.u32 v17, v33;
	[tilespmem:s15+$0xE400] =	vst v52;
	v52 =	vld.idx.msk [tilespmem:v57+s12+$0x0], $0xffff  }
0x3d0: {  	v54 =	vmov s2  }
0x3d1: {  	v61 =	vor.u32 v31, v37;
	v62 =	vand.u32 $0x1F, v54  }
0x3d2: {  	v63 =	vor.u32 v31, v38;
	v38 =	vbroadcast v62, $0x0  }
0x3d3: {  	v57 =	vmov s20  }
0x3d4: {  	v37 =	vand.u32 $0x1C, v57;
	v55 =	vor.u32 v0, v38  }
0x3d5: {  	v49 =	vld.idx.msk [tilespmem:v49+s12+$0x0], $0xffff;
	v37 =	vbroadcast v37, $0x0;
	[tilespmem:s7+$0xE460] =	vst v51  }
0x3d6: {  	[tilespmem:s5+$0xE450] =	vst v50;
	v50 =	vld.idx.msk [tilespmem:v61+s12+$0x0], $0xffff  }
0x3d7: {  	v53 =	vld.idx.msk [tilespmem:v53+s12+$0x0], $0xffff;
	[tilespmem:s10+$0xE460] =	vst v52;
	v59 =	vor.u32 v0, v37  }
0x3d8: {  	v39 =	vor.u32 v31, v39;
	v58 =	vld.idx.msk [tilespmem:v63+s12+$0x0], $0xffff  }
0x3d9: {  	v60 =	vld.idx.msk [tilespmem:v55+s12+$0x0], $0xffff  }
0x3da: {  	s20 =	sadd.s32 $0x800, s30;
	v61 =	vor.u32 v1, v38;
	[tilespmem:s15+$0xE410] =	vst v49  }
0x3db: {  	s19 =	sand.u32 $0x3000, s20;
	v62 =	vor.u32 v1, v34;
	[tilespmem:s7+$0xE470] =	vst v50;
	s7 =	sadd.s32 $0x200, s31  }
0x3dc: {  	v57 =	vor.u32 v1, v41;
	s2 =	sadd.s32 $0xE400, s19;
	[tilespmem:s5+$0xE460] =	vst v53;
	v63 =	vld.idx.msk [tilespmem:v59+s12+$0x0], $0xffff;
	s4 =	sand.u32 $0x380, s7;
	s8 =	sadd.s32 $0xFFFFFF00, s7  }
0x3dd: {  	v39 =	vld.idx.msk [tilespmem:v39+s12+$0x0], $0xffff;
	[tilespmem:s10+$0xE470] =	vst v58;
	v58 =	vor.u32 v1, v37;
	s10 =	sadd.s32 $0xFFFFFF80, s7;
	s14 =	sor.u32 s4, s2;
	s21 =	sand.u32 $0x280, s8  }
0x3de: {  	v59 =	vor.u32 v18, v36;
	s30 =	sadd.s32 $0xFFFFFE80, s7;
	s13 =	sand.u32 $0x300, s10;
	s21 =	sor.u32 s21, s2;
	[tilespmem:s14+$0x4000] =	vst v60  }
0x3df: {  	s31 =	sand.u32 $0x200, s30;
	s19 =	sor.u32 s13, s2;
	[tilespmem:s21+$0x4000] =	vst v40;
	v54 =	vld.idx.msk [tilespmem:v61+s12+$0x0], $0xffff  }
0x3e0: {  	s2 =	sor.u32 s31, s2;
	[tilespmem:s19+$0x4000] =	vst v42;
	v42 =	vor.u32 v2, v38;
	v40 =	vld.idx.msk [tilespmem:v62+s12+$0x0], $0xffff  }
0x3e1: {  	[tilespmem:s2+$0x4000] =	vst v63;
	v60 =	vld.idx.msk [tilespmem:v57+s12+$0x0], $0xffff;
	v61 =	vor.u32 v2, v34  }
0x3e2: {  	[tilespmem:s5+$0xE470] =	vst v39;
	v39 =	vld.idx.msk [tilespmem:v58+s12+$0x0], $0xffff;
	v62 =	vor.u32 v2, v41  }
0x3e3: {  	[tilespmem:s16+$0xE400] =	vst v47;
	v63 =	vld.idx.msk [tilespmem:v59+s12+$0x0], $0xffff;
	v57 =	vor.u32 v2, v37  }
0x3e4: {  	v48 =	vld.idx.msk [tilespmem:v48+s12+$0x0], $0xffff;
	v58 =	vor.u32 v19, v36;
	[tilespmem:s14+$0x4010] =	vst v54  }
0x3e5: {  	v59 =	vor.u32 v18, v35;
	[tilespmem:s21+$0x4010] =	vst v40;
	v42 =	vld.idx.msk [tilespmem:v42+s12+$0x0], $0xffff  }
0x3e6: {  	v50 =	vor.u32 v3, v38;
	[tilespmem:s19+$0x4010] =	vst v60;
	v40 =	vld.idx.msk [tilespmem:v61+s12+$0x0], $0xffff  }
0x3e7: {  	v49 =	vor.u32 v3, v34;
	[tilespmem:s2+$0x4010] =	vst v39;
	v39 =	vld.idx.msk [tilespmem:v62+s12+$0x0], $0xffff  }
0x3e8: {  	[tilespmem:s15+$0xE420] =	vst v63;
	v60 =	vld.idx.msk [tilespmem:v57+s12+$0x0], $0xffff;
	v61 =	vor.u32 v3, v41  }
0x3e9: {  	[tilespmem:s16+$0xE410] =	vst v48;
	v63 =	vor.u32 v3, v37;
	v62 =	vld.idx.msk [tilespmem:v58+s12+$0x0], $0xffff  }
0x3ea: {  	v57 =	vld.idx.msk [tilespmem:v59+s12+$0x0], $0xffff;
	[tilespmem:s14+$0x4020] =	vst v42  }
0x3eb: {  	v58 =	vor.u32 v20, v36;
	[tilespmem:s21+$0x4020] =	vst v40;
	v50 =	vld.idx.msk [tilespmem:v50+s12+$0x0], $0xffff  }
0x3ec: {  	[tilespmem:s19+$0x4020] =	vst v39;
	v39 =	vor.u32 v4, v38;
	v40 =	vld.idx.msk [tilespmem:v49+s12+$0x0], $0xffff  }
0x3ed: {  	[tilespmem:s2+$0x4020] =	vst v60;
	v60 =	vor.u32 v4, v34;
	v47 =	vld.idx.msk [tilespmem:v61+s12+$0x0], $0xffff  }
0x3ee: {  	[tilespmem:s15+$0xE430] =	vst v62;
	v62 =	vor.u32 v4, v41;
	v61 =	vld.idx.msk [tilespmem:v63+s12+$0x0], $0xffff  }
0x3ef: {  	[tilespmem:s16+$0xE420] =	vst v57;
	v57 =	vor.u32 v4, v37  }
0x3f0: {  	v59 =	vor.u32 v19, v35;
	v63 =	vld.idx.msk [tilespmem:v58+s12+$0x0], $0xffff;
	[tilespmem:s14+$0x4030] =	vst v50  }
0x3f1: {  	v58 =	vor.u32 v21, v36;
	[tilespmem:s21+$0x4030] =	vst v40;
	v39 =	vld.idx.msk [tilespmem:v39+s12+$0x0], $0xffff  }
0x3f2: {  	[tilespmem:s19+$0x4030] =	vst v47;
	v47 =	vor.u32 v5, v38;
	v40 =	vld.idx.msk [tilespmem:v60+s12+$0x0], $0xffff  }
0x3f3: {  	[tilespmem:s2+$0x4030] =	vst v61;
	v48 =	vld.idx.msk [tilespmem:v62+s12+$0x0], $0xffff;
	v60 =	vor.u32 v5, v34  }
0x3f4: {  	v61 =	vld.idx.msk [tilespmem:v57+s12+$0x0], $0xffff;
	v62 =	vor.u32 v5, v41  }
0x3f5: {  	v42 =	vld.idx.msk [tilespmem:v59+s12+$0x0], $0xffff;
	[tilespmem:s15+$0xE440] =	vst v63;
	v57 =	vor.u32 v5, v37  }
0x3f6: {  	v59 =	vor.u32 v20, v35;
	v63 =	vld.idx.msk [tilespmem:v58+s12+$0x0], $0xffff;
	[tilespmem:s14+$0x4040] =	vst v39  }
0x3f7: {  	v58 =	vor.u32 v22, v36;
	[tilespmem:s21+$0x4040] =	vst v40;
	v47 =	vld.idx.msk [tilespmem:v47+s12+$0x0], $0xffff  }
0x3f8: {  	[tilespmem:s19+$0x4040] =	vst v48;
	v48 =	vor.u32 v6, v38;
	v40 =	vld.idx.msk [tilespmem:v60+s12+$0x0], $0xffff  }
0x3f9: {  	[tilespmem:s2+$0x4040] =	vst v61;
	v49 =	vld.idx.msk [tilespmem:v62+s12+$0x0], $0xffff;
	v60 =	vor.u32 v6, v34  }
0x3fa: {  	[tilespmem:s16+$0xE430] =	vst v42;
	v61 =	vld.idx.msk [tilespmem:v57+s12+$0x0], $0xffff;
	v62 =	vor.u32 v6, v41  }
0x3fb: {  	v50 =	vld.idx.msk [tilespmem:v59+s12+$0x0], $0xffff;
	[tilespmem:s15+$0xE450] =	vst v63;
	v57 =	vor.u32 v6, v37  }
0x3fc: {  	v59 =	vor.u32 v21, v35;
	v63 =	vld.idx.msk [tilespmem:v58+s12+$0x0], $0xffff;
	[tilespmem:s14+$0x4050] =	vst v47  }
0x3fd: {  	[tilespmem:s21+$0x4050] =	vst v40;
	v48 =	vld.idx.msk [tilespmem:v48+s12+$0x0], $0xffff  }
0x3fe: {  	v58 =	vor.u32 v23, v36;
	[tilespmem:s19+$0x4050] =	vst v49;
	v40 =	vld.idx.msk [tilespmem:v60+s12+$0x0], $0xffff  }
0x3ff: {  	[tilespmem:s2+$0x4050] =	vst v61;
	v60 =	vor.u32 v7, v38;
	v61 =	vld.idx.msk [tilespmem:v62+s12+$0x0], $0xffff  }
0x400: {  	[tilespmem:s16+$0xE440] =	vst v50;
	v62 =	vor.u32 v7, v34;
	v50 =	vld.idx.msk [tilespmem:v57+s12+$0x0], $0xffff  }
0x401: {  	v56 =	vor.u32 v7, v37;
	v39 =	vld.idx.msk [tilespmem:v59+s12+$0x0], $0xffff  }
0x402: {  	v59 =	vor.u32 v22, v35;
	[tilespmem:s15+$0xE460] =	vst v63  }
0x403: {  	v63 =	vor.u32 v7, v41;
	v53 =	vld.idx.msk [tilespmem:v58+s12+$0x0], $0xffff;
	[tilespmem:s14+$0x4060] =	vst v48  }
0x404: {  	[tilespmem:s21+$0x4060] =	vst v40;
	v49 =	vld.idx.msk [tilespmem:v60+s12+$0x0], $0xffff  }
0x405: {  	v58 =	vor.u32 v8, v38;
	[tilespmem:s2+$0x4060] =	vst v50;
	v40 =	vld.idx.msk [tilespmem:v62+s12+$0x0], $0xffff  }
0x406: {  	[tilespmem:s16+$0xE450] =	vst v39;
	v60 =	vor.u32 v8, v34;
	v39 =	vld.idx.msk [tilespmem:v56+s12+$0x0], $0xffff  }
0x407: {  	v47 =	vld.idx.msk [tilespmem:v59+s12+$0x0], $0xffff;
	[tilespmem:s19+$0x4060] =	vst v61;
	v62 =	vor.u32 v8, v37  }
0x408: {  	[tilespmem:s1+$0xE400] =	vst v44;
	v59 =	vld.idx.msk [tilespmem:v63+s12+$0x0], $0xffff  }
0x409: {  	v61 =	vor.u32 v8, v41;
	[tilespmem:s14+$0x4070] =	vst v49  }
0x40a: {  	v57 =	vor.u32 v23, v35;
	[tilespmem:s21+$0x4070] =	vst v40;
	v42 =	vld.idx.msk [tilespmem:v58+s12+$0x0], $0xffff  }
0x40b: {  	v63 =	vor.u32 v9, v38;
	[tilespmem:s2+$0x4070] =	vst v39;
	v40 =	vld.idx.msk [tilespmem:v60+s12+$0x0], $0xffff  }
0x40c: {  	[tilespmem:s0+$0xE400] =	vst v43;
	v55 =	vor.u32 v9, v34;
	v56 =	vld.idx.msk [tilespmem:v62+s12+$0x0], $0xffff  }
0x40d: {  	v46 =	vld.idx.msk [tilespmem:v46+s12+$0x0], $0xffff;
	[tilespmem:s19+$0x4070] =	vst v59;
	v58 =	vor.u32 v9, v37  }
0x40e: {  	[tilespmem:s16+$0xE460] =	vst v47;
	v54 =	vld.idx.msk [tilespmem:v61+s12+$0x0], $0xffff  }
0x40f: {  	v48 =	vld.idx.msk [tilespmem:v57+s12+$0x0], $0xffff;
	v57 =	vor.u32 v9, v41;
	[tilespmem:s14+$0x4400] =	vst v42  }
0x410: {  	v59 =	vor.u32 v18, v32;
	[tilespmem:s21+$0x4400] =	vst v40;
	v42 =	vld.idx.msk [tilespmem:v63+s12+$0x0], $0xffff  }
0x411: {  	v60 =	vor.u32 v10, v38;
	[tilespmem:s2+$0x4400] =	vst v56;
	v40 =	vld.idx.msk [tilespmem:v55+s12+$0x0], $0xffff  }
0x412: {  	[tilespmem:s1+$0xE410] =	vst v46;
	v62 =	vor.u32 v10, v34;
	v63 =	vld.idx.msk [tilespmem:v58+s12+$0x0], $0xffff  }
0x413: {  	v45 =	vld.idx.msk [tilespmem:v45+s12+$0x0], $0xffff;
	[tilespmem:s19+$0x4400] =	vst v54;
	v54 =	vor.u32 v10, v37  }
0x414: {  	[tilespmem:s15+$0xE470] =	vst v53;
	v56 =	vor.u32 v18, v33;
	v61 =	vld.idx.msk [tilespmem:v57+s12+$0x0], $0xffff  }
0x415: {  	v52 =	vor.u32 v10, v41;
	v53 =	vld.idx.msk [tilespmem:v59+s12+$0x0], $0xffff;
	[tilespmem:s14+$0x4410] =	vst v42  }
0x416: {  	v55 =	vor.u32 v19, v32;
	[tilespmem:s21+$0x4410] =	vst v40;
	v39 =	vld.idx.msk [tilespmem:v60+s12+$0x0], $0xffff  }
0x417: {  	v57 =	vor.u32 v11, v38;
	[tilespmem:s2+$0x4410] =	vst v63;
	v40 =	vld.idx.msk [tilespmem:v62+s12+$0x0], $0xffff  }
0x418: {  	[tilespmem:s0+$0xE410] =	vst v45;
	v59 =	vor.u32 v11, v34;
	v60 =	vld.idx.msk [tilespmem:v54+s12+$0x0], $0xffff  }
0x419: {  	[tilespmem:s19+$0x4410] =	vst v61;
	v63 =	vor.u32 v11, v37;
	v42 =	vld.idx.msk [tilespmem:v56+s12+$0x0], $0xffff  }
0x41a: {  	[tilespmem:s1+$0xE420] =	vst v53;
	v53 =	vor.u32 v19, v33;
	v58 =	vld.idx.msk [tilespmem:v52+s12+$0x0], $0xffff  }
0x41b: {  	v61 =	vor.u32 v11, v41;
	v62 =	vld.idx.msk [tilespmem:v55+s12+$0x0], $0xffff;
	[tilespmem:s14+$0x4420] =	vst v39  }
0x41c: {  	v52 =	vor.u32 v20, v32;
	[tilespmem:s21+$0x4420] =	vst v40;
	v44 =	vld.idx.msk [tilespmem:v57+s12+$0x0], $0xffff  }
0x41d: {  	v54 =	vor.u32 v12, v38;
	[tilespmem:s2+$0x4420] =	vst v60;
	v40 =	vld.idx.msk [tilespmem:v59+s12+$0x0], $0xffff  }
0x41e: {  	v56 =	vor.u32 v12, v34;
	[tilespmem:s0+$0xE420] =	vst v42;
	v57 =	vld.idx.msk [tilespmem:v63+s12+$0x0], $0xffff  }
0x41f: {  	[tilespmem:s19+$0x4420] =	vst v58;
	v60 =	vor.u32 v12, v37;
	v39 =	vld.idx.msk [tilespmem:v53+s12+$0x0], $0xffff  }
0x420: {  	[tilespmem:s1+$0xE430] =	vst v62;
	v62 =	vor.u32 v20, v33;
	v55 =	vld.idx.msk [tilespmem:v61+s12+$0x0], $0xffff  }
0x421: {  	v58 =	vor.u32 v12, v41;
	v59 =	vld.idx.msk [tilespmem:v52+s12+$0x0], $0xffff;
	[tilespmem:s14+$0x4430] =	vst v44  }
0x422: {  	v61 =	vor.u32 v21, v32;
	[tilespmem:s21+$0x4430] =	vst v40;
	v46 =	vld.idx.msk [tilespmem:v54+s12+$0x0], $0xffff  }
0x423: {  	v63 =	vor.u32 v13, v38;
	[tilespmem:s2+$0x4430] =	vst v57;
	v40 =	vld.idx.msk [tilespmem:v56+s12+$0x0], $0xffff  }
0x424: {  	v53 =	vor.u32 v13, v34;
	[tilespmem:s0+$0xE430] =	vst v39;
	v54 =	vld.idx.msk [tilespmem:v60+s12+$0x0], $0xffff  }
0x425: {  	[tilespmem:s19+$0x4430] =	vst v55;
	v57 =	vor.u32 v13, v37;
	v44 =	vld.idx.msk [tilespmem:v62+s12+$0x0], $0xffff  }
0x426: {  	[tilespmem:s1+$0xE440] =	vst v59;
	v59 =	vor.u32 v21, v33;
	v52 =	vld.idx.msk [tilespmem:v58+s12+$0x0], $0xffff  }
0x427: {  	v55 =	vor.u32 v13, v41;
	v56 =	vld.idx.msk [tilespmem:v61+s12+$0x0], $0xffff;
	[tilespmem:s14+$0x4440] =	vst v46  }
0x428: {  	v58 =	vor.u32 v22, v32;
	[tilespmem:s21+$0x4440] =	vst v40;
	v43 =	vld.idx.msk [tilespmem:v63+s12+$0x0], $0xffff  }
0x429: {  	v60 =	vor.u32 v14, v38;
	[tilespmem:s2+$0x4440] =	vst v54;
	v40 =	vld.idx.msk [tilespmem:v53+s12+$0x0], $0xffff  }
0x42a: {  	v62 =	vor.u32 v14, v34;
	[tilespmem:s0+$0xE440] =	vst v44;
	v63 =	vld.idx.msk [tilespmem:v57+s12+$0x0], $0xffff  }
0x42b: {  	[tilespmem:s19+$0x4440] =	vst v52;
	v54 =	vor.u32 v14, v37;
	v46 =	vld.idx.msk [tilespmem:v59+s12+$0x0], $0xffff  }
0x42c: {  	[tilespmem:s1+$0xE450] =	vst v56;
	v61 =	vld.idx.msk [tilespmem:v55+s12+$0x0], $0xffff  }
0x42d: {  	v52 =	vor.u32 v14, v41;
	v53 =	vld.idx.msk [tilespmem:v58+s12+$0x0], $0xffff;
	[tilespmem:s14+$0x4450] =	vst v43  }
0x42e: {  	v56 =	vor.u32 v22, v33;
	[tilespmem:s21+$0x4450] =	vst v40;
	v45 =	vld.idx.msk [tilespmem:v60+s12+$0x0], $0xffff  }
0x42f: {  	v55 =	vor.u32 v23, v32;
	[tilespmem:s2+$0x4450] =	vst v63;
	v40 =	vld.idx.msk [tilespmem:v62+s12+$0x0], $0xffff  }
0x430: {  	[tilespmem:s16+$0xE470] =	vst v48;
	v60 =	vld.idx.msk [tilespmem:v54+s12+$0x0], $0xffff;
	v54 =	vor.u32 v24, v35  }
0x431: {  	v57 =	vor.u32 v15, v38;
	[tilespmem:s19+$0x4450] =	vst v61  }
0x432: {  	v59 =	vor.u32 v15, v34;
	[tilespmem:s0+$0xE450] =	vst v46;
	v58 =	vld.idx.msk [tilespmem:v52+s12+$0x0], $0xffff  }
0x433: {  	[tilespmem:s1+$0xE460] =	vst v53;
	v61 =	vor.u32 v15, v41;
	v43 =	vld.idx.msk [tilespmem:v56+s12+$0x0], $0xffff  }
0x434: {  	v63 =	vor.u32 v15, v37;
	v62 =	vld.idx.msk [tilespmem:v55+s12+$0x0], $0xffff;
	[tilespmem:s14+$0x4460] =	vst v45  }
0x435: {  	v52 =	vor.u32 v24, v36;
	[tilespmem:s21+$0x4460] =	vst v40;
	v40 =	vld.idx.msk [tilespmem:v54+s12+$0x0], $0xffff  }
0x436: {  	v42 =	vld.idx.msk [tilespmem:v57+s12+$0x0], $0xffff  }
0x437: {  	v53 =	vor.u32 v23, v33;
	[tilespmem:s19+$0x4460] =	vst v58;
	v47 =	vld.idx.msk [tilespmem:v59+s12+$0x0], $0xffff  }
0x438: {  	v55 =	vor.u32 v16, v38;
	[tilespmem:s2+$0x4460] =	vst v60;
	v56 =	vld.idx.msk [tilespmem:v61+s12+$0x0], $0xffff  }
0x439: {  	[tilespmem:s0+$0xE460] =	vst v43;
	v58 =	vor.u32 v16, v34;
	v57 =	vld.idx.msk [tilespmem:v63+s12+$0x0], $0xffff  }
0x43a: {  	[tilespmem:s1+$0xE470] =	vst v62;
	v59 =	vld.idx.msk [tilespmem:v52+s12+$0x0], $0xffff;
	v52 =	vor.u32 v25, v35  }
0x43b: {  	v60 =	vor.u32 v16, v41;
	[tilespmem:s29+$0xE400] =	vst v40  }
0x43c: {  	s4 =	sadd.s32 $0x4, s25;
	v62 =	vor.u32 v16, v37;
	v61 =	vld.idx.msk [tilespmem:v53+s12+$0x0], $0xffff;
	[tilespmem:s14+$0x4470] =	vst v42  }
0x43d: {  	v63 =	vor.u32 v25, v36;
	[tilespmem:s21+$0x4470] =	vst v47;
	s14 =	sand.u32 $0x7, s4;
	v39 =	vld.idx.msk [tilespmem:v55+s12+$0x0], $0xffff  }
0x43e: {  	s3 =	sor.u32 s3, s9;
	p0 =	por !p0, !p0;
	v53 =	vor.u32 v17, v38;
	[tilespmem:s19+$0x4470] =	vst v56;
	s16 =	sshll.u32 s14, $0x7;
	v48 =	vld.idx.msk [tilespmem:v58+s12+$0x0], $0xffff  }
0x43f: {  	s13 =	sadd.s32 $0x2, s24;
	s15 =	sor.u32 $0x4C00, s3;
	v54 =	vor.u32 v17, v34;
	[tilespmem:s2+$0x4470] =	vst v57;
	v44 =	vld.idx.msk [tilespmem:v52+s12+$0x0], $0xffff;
	s3 =	sadd.s32 s20, s16  }
0x440: {  	s17 =	sand.u32 $0x3, s13;
	s4 =	simm.s32 $0x1;
	[tilespmem:s15+$0xE400] =	vst v59;
	v59 =	vor.u32 v26, v35;
	v43 =	vld.idx.msk [tilespmem:v60+s12+$0x0], $0xffff;
	s18 =	sadd.s32 $0x180, s3  }
0x441: {  	s2 =	sshll.u32 s17, $0x8;
	[tilespmem:s0+$0xE470] =	vst v61;
	v56 =	vor.u32 v17, v41;
	v55 =	vld.idx.msk [tilespmem:v62+s12+$0x0], $0xffff;
	s3 =	sadd.s32 $0x80, s3;
	s0 =	sor.u32 $0x4800, s18  }
0x442: {  	v57 =	vor.u32 v17, v37;
	s4 =	simm.s32 @!p0 $0x0;
	s2 =	sadd.s32 s20, s2;
	v47 =	vld.idx.msk [tilespmem:v63+s12+$0x0], $0xffff;
	s3 =	sor.u32 $0x4800, s3;
	[tilespmem:s0+$0xE400] =	vst v39  }
0x443: {  	v58 =	vor.u32 v26, v36;
	s4 =	sshll.u32 s4, $0x9;
	s2 =	sadd.s32 $0x100, s2;
	[tilespmem:s3+$0xE400] =	vst v48;
	v50 =	vld.idx.msk [tilespmem:v53+s12+$0x0], $0xffff  }
0x444: {  	v60 =	vor.u32 v18, v38;
	s4 =	sadd.s32 s4, s20;
	s2 =	sor.u32 $0x4800, s2;
	[tilespmem:s29+$0xE410] =	vst v44;
	v46 =	vld.idx.msk [tilespmem:v54+s12+$0x0], $0xffff  }
0x445: {  	v62 =	vor.u32 v18, v34;
	s19 =	sor.u32 $0x4800, s4;
	[tilespmem:s2+$0xE400] =	vst v43;
	v39 =	vld.idx.msk [tilespmem:v59+s12+$0x0], $0xffff  }
0x446: {  	[tilespmem:s19+$0xE400] =	vst v55;
	v55 =	vor.u32 v27, v35;
	v61 =	vld.idx.msk [tilespmem:v56+s12+$0x0], $0xffff  }
0x447: {  	v63 =	vor.u32 v18, v41;
	[tilespmem:s15+$0xE410] =	vst v47;
	v40 =	vld.idx.msk [tilespmem:v57+s12+$0x0], $0xffff  }
0x448: {  	v52 =	vld.idx.msk [tilespmem:v58+s12+$0x0], $0xffff;
	v53 =	vor.u32 v18, v37;
	[tilespmem:s0+$0xE410] =	vst v50  }
0x449: {  	v54 =	vor.u32 v27, v36;
	[tilespmem:s3+$0xE410] =	vst v46;
	v43 =	vld.idx.msk [tilespmem:v60+s12+$0x0], $0xffff  }
0x44a: {  	v56 =	vor.u32 v19, v38;
	[tilespmem:s29+$0xE420] =	vst v39;
	v45 =	vld.idx.msk [tilespmem:v62+s12+$0x0], $0xffff  }
0x44b: {  	v58 =	vor.u32 v19, v34;
	[tilespmem:s2+$0xE410] =	vst v61;
	v50 =	vld.idx.msk [tilespmem:v55+s12+$0x0], $0xffff  }
0x44c: {  	[tilespmem:s19+$0xE410] =	vst v40;
	v57 =	vld.idx.msk [tilespmem:v63+s12+$0x0], $0xffff;
	v62 =	vor.u32 v28, v35  }
0x44d: {  	v59 =	vor.u32 v19, v41;
	[tilespmem:s15+$0xE420] =	vst v52;
	v44 =	vld.idx.msk [tilespmem:v53+s12+$0x0], $0xffff  }
0x44e: {  	v48 =	vld.idx.msk [tilespmem:v54+s12+$0x0], $0xffff;
	v60 =	vor.u32 v19, v37;
	[tilespmem:s0+$0xE420] =	vst v43  }
0x44f: {  	v61 =	vor.u32 v28, v36;
	[tilespmem:s3+$0xE420] =	vst v45;
	v42 =	vld.idx.msk [tilespmem:v56+s12+$0x0], $0xffff  }
0x450: {  	v63 =	vor.u32 v20, v38;
	[tilespmem:s29+$0xE430] =	vst v50;
	v46 =	vld.idx.msk [tilespmem:v58+s12+$0x0], $0xffff  }
0x451: {  	v52 =	vor.u32 v20, v34;
	[tilespmem:s2+$0xE420] =	vst v57;
	v43 =	vld.idx.msk [tilespmem:v62+s12+$0x0], $0xffff  }
0x452: {  	[tilespmem:s19+$0xE420] =	vst v44;
	v40 =	vld.idx.msk [tilespmem:v59+s12+$0x0], $0xffff;
	v56 =	vor.u32 v29, v35  }
0x453: {  	v53 =	vor.u32 v20, v41;
	[tilespmem:s15+$0xE430] =	vst v48;
	v39 =	vld.idx.msk [tilespmem:v60+s12+$0x0], $0xffff  }
0x454: {  	v54 =	vor.u32 v20, v37;
	v48 =	vld.idx.msk [tilespmem:v61+s12+$0x0], $0xffff;
	[tilespmem:s0+$0xE430] =	vst v42  }
0x455: {  	v55 =	vor.u32 v29, v36;
	[tilespmem:s3+$0xE430] =	vst v46;
	v45 =	vld.idx.msk [tilespmem:v63+s12+$0x0], $0xffff  }
0x456: {  	v57 =	vor.u32 v21, v38;
	[tilespmem:s29+$0xE440] =	vst v43;
	v44 =	vld.idx.msk [tilespmem:v52+s12+$0x0], $0xffff  }
0x457: {  	v58 =	vor.u32 v21, v34;
	[tilespmem:s2+$0xE430] =	vst v40;
	v42 =	vld.idx.msk [tilespmem:v56+s12+$0x0], $0xffff  }
0x458: {  	[tilespmem:s19+$0xE430] =	vst v39;
	v40 =	vld.idx.msk [tilespmem:v53+s12+$0x0], $0xffff;
	v63 =	vor.u32 v30, v35  }
0x459: {  	v59 =	vor.u32 v21, v41;
	[tilespmem:s15+$0xE440] =	vst v48;
	v39 =	vld.idx.msk [tilespmem:v54+s12+$0x0], $0xffff  }
0x45a: {  	v61 =	vor.u32 v21, v37;
	v60 =	vld.idx.msk [tilespmem:v55+s12+$0x0], $0xffff;
	[tilespmem:s0+$0xE440] =	vst v45  }
0x45b: {  	v62 =	vor.u32 v30, v36;
	[tilespmem:s3+$0xE440] =	vst v44;
	v46 =	vld.idx.msk [tilespmem:v57+s12+$0x0], $0xffff  }
0x45c: {  	v52 =	vor.u32 v22, v38;
	[tilespmem:s29+$0xE450] =	vst v42;
	v47 =	vld.idx.msk [tilespmem:v58+s12+$0x0], $0xffff  }
0x45d: {  	v53 =	vor.u32 v22, v34;
	[tilespmem:s2+$0xE440] =	vst v40;
	v45 =	vld.idx.msk [tilespmem:v63+s12+$0x0], $0xffff  }
0x45e: {  	[tilespmem:s19+$0xE440] =	vst v39;
	v40 =	vld.idx.msk [tilespmem:v59+s12+$0x0], $0xffff;
	v57 =	vor.u32 v31, v35  }
0x45f: {  	v54 =	vor.u32 v22, v41;
	[tilespmem:s15+$0xE450] =	vst v60;
	v43 =	vld.idx.msk [tilespmem:v61+s12+$0x0], $0xffff  }
0x460: {  	v55 =	vor.u32 v22, v37;
	v49 =	vld.idx.msk [tilespmem:v62+s12+$0x0], $0xffff;
	[tilespmem:s0+$0xE450] =	vst v46  }
0x461: {  	v56 =	vor.u32 v31, v36;
	[tilespmem:s3+$0xE450] =	vst v47;
	v44 =	vld.idx.msk [tilespmem:v52+s12+$0x0], $0xffff  }
0x462: {  	v58 =	vor.u32 v23, v38;
	[tilespmem:s29+$0xE460] =	vst v45;
	v39 =	vld.idx.msk [tilespmem:v53+s12+$0x0], $0xffff  }
0x463: {  	v59 =	vor.u32 v23, v34;
	[tilespmem:s2+$0xE450] =	vst v40;
	v35 =	vld.idx.msk [tilespmem:v57+s12+$0x0], $0xffff  }
0x464: {  	v62 =	vor.u32 v24, v32;
	[tilespmem:s19+$0xE450] =	vst v43;
	v40 =	vld.idx.msk [tilespmem:v54+s12+$0x0], $0xffff  }
0x465: {  	v63 =	vor.u32 v24, v33;
	[tilespmem:s15+$0xE460] =	vst v49;
	v42 =	vld.idx.msk [tilespmem:v55+s12+$0x0], $0xffff  }
0x466: {  	v60 =	vor.u32 v23, v41;
	v36 =	vld.idx.msk [tilespmem:v56+s12+$0x0], $0xffff;
	[tilespmem:s0+$0xE460] =	vst v44  }
0x467: {  	v61 =	vor.u32 v23, v37;
	[tilespmem:s3+$0xE460] =	vst v39;
	v46 =	vld.idx.msk [tilespmem:v58+s12+$0x0], $0xffff  }
0x468: {  	v49 =	vor.u32 v24, v38;
	[tilespmem:s29+$0xE470] =	vst v35;
	v47 =	vld.idx.msk [tilespmem:v59+s12+$0x0], $0xffff  }
0x469: {  	v50 =	vor.u32 v24, v34;
	v53 =	vld.idx.msk [tilespmem:v62+s12+$0x0], $0xffff;
	[tilespmem:s2+$0xE460] =	vst v40  }
0x46a: {  	v55 =	vor.u32 v25, v32;
	[tilespmem:s19+$0xE460] =	vst v42;
	v44 =	vld.idx.msk [tilespmem:v63+s12+$0x0], $0xffff  }
0x46b: {  	v56 =	vor.u32 v25, v33;
	[tilespmem:s15+$0xE470] =	vst v36;
	v40 =	vld.idx.msk [tilespmem:v60+s12+$0x0], $0xffff  }
0x46c: {  	v52 =	vor.u32 v24, v41;
	v51 =	vld.idx.msk [tilespmem:v61+s12+$0x0], $0xffff;
	[tilespmem:s0+$0xE470] =	vst v46  }
0x46d: {  	v54 =	vor.u32 v24, v37;
	[tilespmem:s3+$0xE470] =	vst v47;
	v39 =	vld.idx.msk [tilespmem:v49+s12+$0x0], $0xffff  }
0x46e: {  	v57 =	vor.u32 v25, v38;
	[tilespmem:s28+$0xE400] =	vst v53;
	v42 =	vld.idx.msk [tilespmem:v50+s12+$0x0], $0xffff  }
0x46f: {  	v59 =	vor.u32 v25, v34;
	[tilespmem:s26+$0xE400] =	vst v44;
	v46 =	vld.idx.msk [tilespmem:v55+s12+$0x0], $0xffff  }
0x470: {  	s21 =	sor.u32 s7, s20;
	v63 =	vor.u32 v26, v32;
	[tilespmem:s2+$0xE470] =	vst v40;
	v47 =	vld.idx.msk [tilespmem:v56+s12+$0x0], $0xffff  }
0x471: {  	s24 =	sor.u32 s8, s20;
	[tilespmem:s19+$0xE470] =	vst v51;
	s0 =	sor.u32 $0x4C00, s21;
	v51 =	vor.u32 v26, v33;
	v58 =	vld.idx.msk [tilespmem:v52+s12+$0x0], $0xffff  }
0x472: {  	s1 =	sor.u32 $0x4C00, s24;
	v61 =	vor.u32 v25, v41;
	v60 =	vld.idx.msk [tilespmem:v54+s12+$0x0], $0xffff;
	[tilespmem:s0+$0xE400] =	vst v39  }
0x473: {  	v62 =	vor.u32 v25, v37;
	[tilespmem:s1+$0xE400] =	vst v42;
	v40 =	vld.idx.msk [tilespmem:v57+s12+$0x0], $0xffff  }
0x474: {  	s25 =	sor.u32 s10, s20;
	v52 =	vor.u32 v26, v38;
	[tilespmem:s28+$0xE410] =	vst v46;
	v43 =	vld.idx.msk [tilespmem:v59+s12+$0x0], $0xffff  }
0x475: {  	s29 =	sor.u32 s30, s20;
	v53 =	vor.u32 v26, v34;
	s2 =	sor.u32 $0x4C00, s25;
	[tilespmem:s26+$0xE410] =	vst v47;
	v46 =	vld.idx.msk [tilespmem:v63+s12+$0x0], $0xffff  }
0x476: {  	s3 =	sor.u32 $0x4C00, s29;
	v56 =	vor.u32 v27, v32;
	[tilespmem:s2+$0xE400] =	vst v58;
	v39 =	vld.idx.msk [tilespmem:v51+s12+$0x0], $0xffff  }
0x477: {  	[tilespmem:s3+$0xE400] =	vst v60;
	v36 =	vld.idx.msk [tilespmem:v61+s12+$0x0], $0xffff;
	v57 =	vor.u32 v27, v33  }
0x478: {  	v54 =	vor.u32 v26, v41;
	v44 =	vld.idx.msk [tilespmem:v62+s12+$0x0], $0xffff;
	[tilespmem:s0+$0xE410] =	vst v40  }
0x479: {  	v55 =	vor.u32 v26, v37;
	[tilespmem:s1+$0xE410] =	vst v43;
	v42 =	vld.idx.msk [tilespmem:v52+s12+$0x0], $0xffff  }
0x47a: {  	v58 =	vor.u32 v27, v38;
	[tilespmem:s28+$0xE420] =	vst v46;
	v35 =	vld.idx.msk [tilespmem:v53+s12+$0x0], $0xffff  }
0x47b: {  	v59 =	vor.u32 v27, v34;
	[tilespmem:s26+$0xE420] =	vst v39;
	v61 =	vld.idx.msk [tilespmem:v56+s12+$0x0], $0xffff  }
0x47c: {  	v63 =	vor.u32 v28, v32;
	[tilespmem:s2+$0xE410] =	vst v36;
	v40 =	vld.idx.msk [tilespmem:v57+s12+$0x0], $0xffff  }
0x47d: {  	[tilespmem:s3+$0xE410] =	vst v44;
	v36 =	vld.idx.msk [tilespmem:v54+s12+$0x0], $0xffff;
	v52 =	vor.u32 v28, v33  }
0x47e: {  	v60 =	vor.u32 v27, v41;
	v44 =	vld.idx.msk [tilespmem:v55+s12+$0x0], $0xffff;
	[tilespmem:s0+$0xE420] =	vst v42  }
0x47f: {  	v62 =	vor.u32 v27, v37;
	[tilespmem:s1+$0xE420] =	vst v35;
	v43 =	vld.idx.msk [tilespmem:v58+s12+$0x0], $0xffff  }
0x480: {  	v53 =	vor.u32 v28, v38;
	[tilespmem:s28+$0xE430] =	vst v61;
	v45 =	vld.idx.msk [tilespmem:v59+s12+$0x0], $0xffff  }
0x481: {  	v54 =	vor.u32 v28, v34;
	[tilespmem:s26+$0xE430] =	vst v40;
	v47 =	vld.idx.msk [tilespmem:v63+s12+$0x0], $0xffff  }
0x482: {  	v57 =	vor.u32 v29, v32;
	[tilespmem:s2+$0xE420] =	vst v36;
	v42 =	vld.idx.msk [tilespmem:v52+s12+$0x0], $0xffff  }
0x483: {  	[tilespmem:s3+$0xE420] =	vst v44;
	v36 =	vld.idx.msk [tilespmem:v60+s12+$0x0], $0xffff;
	v58 =	vor.u32 v29, v33  }
0x484: {  	v55 =	vor.u32 v28, v41;
	v39 =	vld.idx.msk [tilespmem:v62+s12+$0x0], $0xffff;
	[tilespmem:s0+$0xE430] =	vst v43  }
0x485: {  	v56 =	vor.u32 v28, v37;
	[tilespmem:s1+$0xE430] =	vst v45;
	v35 =	vld.idx.msk [tilespmem:v53+s12+$0x0], $0xffff  }
0x486: {  	v59 =	vor.u32 v29, v38;
	[tilespmem:s28+$0xE440] =	vst v47;
	v44 =	vld.idx.msk [tilespmem:v54+s12+$0x0], $0xffff  }
0x487: {  	v60 =	vor.u32 v29, v34;
	[tilespmem:s26+$0xE440] =	vst v42;
	v47 =	vld.idx.msk [tilespmem:v57+s12+$0x0], $0xffff  }
0x488: {  	v63 =	vor.u32 v30, v32;
	[tilespmem:s2+$0xE430] =	vst v36;
	v43 =	vld.idx.msk [tilespmem:v58+s12+$0x0], $0xffff  }
0x489: {  	v51 =	vor.u32 v30, v33;
	[tilespmem:s3+$0xE430] =	vst v39;
	v36 =	vld.idx.msk [tilespmem:v55+s12+$0x0], $0xffff  }
0x48a: {  	v61 =	vor.u32 v29, v41;
	v40 =	vld.idx.msk [tilespmem:v56+s12+$0x0], $0xffff;
	[tilespmem:s0+$0xE440] =	vst v35  }
0x48b: {  	v62 =	vor.u32 v29, v37;
	[tilespmem:s1+$0xE440] =	vst v44;
	v45 =	vld.idx.msk [tilespmem:v59+s12+$0x0], $0xffff  }
0x48c: {  	v52 =	vor.u32 v30, v38;
	[tilespmem:s28+$0xE450] =	vst v47;
	v39 =	vld.idx.msk [tilespmem:v60+s12+$0x0], $0xffff  }
0x48d: {  	v53 =	vor.u32 v30, v34;
	[tilespmem:s26+$0xE450] =	vst v43;
	v47 =	vld.idx.msk [tilespmem:v63+s12+$0x0], $0xffff  }
0x48e: {  	v56 =	vor.u32 v31, v32;
	[tilespmem:s2+$0xE440] =	vst v36;
	v35 =	vld.idx.msk [tilespmem:v51+s12+$0x0], $0xffff  }
0x48f: {  	v57 =	vor.u32 v31, v33;
	[tilespmem:s3+$0xE440] =	vst v40;
	v36 =	vld.idx.msk [tilespmem:v61+s12+$0x0], $0xffff  }
0x490: {  	v54 =	vor.u32 v30, v41;
	v42 =	vld.idx.msk [tilespmem:v62+s12+$0x0], $0xffff;
	[tilespmem:s0+$0xE450] =	vst v45  }
0x491: {  	v55 =	vor.u32 v30, v37;
	[tilespmem:s1+$0xE450] =	vst v39;
	v44 =	vld.idx.msk [tilespmem:v52+s12+$0x0], $0xffff  }
0x492: {  	v38 =	vor.u32 v31, v38;
	[tilespmem:s28+$0xE460] =	vst v47;
	v39 =	vld.idx.msk [tilespmem:v53+s12+$0x0], $0xffff  }
0x493: {  	v58 =	vor.u32 v31, v34;
	[tilespmem:s26+$0xE460] =	vst v35;
	v32 =	vld.idx.msk [tilespmem:v56+s12+$0x0], $0xffff  }
0x494: {  	[tilespmem:s2+$0xE450] =	vst v36;
	v33 =	vld.idx.msk [tilespmem:v57+s12+$0x0], $0xffff  }
0x495: {  	[tilespmem:s3+$0xE450] =	vst v42;
	v36 =	vld.idx.msk [tilespmem:v54+s12+$0x0], $0xffff  }
0x496: {  	v60 =	vor.u32 v31, v41;
	v59 =	vld.idx.msk [tilespmem:v55+s12+$0x0], $0xffff;
	[tilespmem:s0+$0xE460] =	vst v44  }
0x497: {  	v61 =	vor.u32 v31, v37;
	[tilespmem:s1+$0xE460] =	vst v39;
	v62 =	vld.idx.msk [tilespmem:v38+s12+$0x0], $0xffff  }
0x498: {  	[tilespmem:s28+$0xE470] =	vst v32;
	v34 =	vld.idx.msk [tilespmem:v58+s12+$0x0], $0xffff  }
0x499: {  	[tilespmem:s26+$0xE470] =	vst v33  }
0x49a: {  	[tilespmem:s2+$0xE460] =	vst v36  }
0x49b: {  	[tilespmem:s3+$0xE460] =	vst v59;
	v36 =	vld.idx.msk [tilespmem:v60+s12+$0x0], $0xffff  }
0x49c: {  	s22 =	sadd.s32 $0x1, s22;
	v63 =	vld.idx.msk [tilespmem:v61+s12+$0x0], $0xffff;
	[tilespmem:s0+$0xE470] =	vst v62  }
0x49d: {  	p0 =	sne.s32 s22, $0x19;
	[tilespmem:s1+$0xE470] =	vst v34  }
.Ltmp5:
0x49e: {  	s30 =	sshll.u32 s23, $0x13;
	s13 =	rddreg [dreg:$0x5];
	(pc) =	sbr.rel @p0 .LBB2_2-.Ltmp5, $4  }
0x49f: {  	s0 =	sor.u32 s13, s30  }
0x4a0: {  	s31 =	simm.s32 $0x12400;
	s14 =	simm.s32 $0x20000;
	[tilespmem:s2+$0xE470] =	vst v36;
	s0 =	sshrl.u32 s0, $0x3  }
0x4a1: {  	s4 =	smov.u32 s6;
	[tilespmem:s3+$0xE470] =	vst v63;
	s0 =	sadd.s32 s6, s0;
	s6 =	simm.s32 $0x1000  }
0x4a2: {  	[hbm4b:s0+s6] =	stream.strided.scatter [tilespmem:s31], [sflag:$0x4], $0x4000, s14, s6, $0x38;
	[tilespmem:$0x16400] =	vst v63  }
0x4a3: {  	s0 =	simm.s32 $0x3  }
0x4a4: {  	_ =	swait.ge [sflag:s0], $0x4000  }
0x4a5: {  	[sflag:s0] =	ssyncset.done $0x0  }
0x4a6: {  	s1 =	simm.s32 $0x4;
	[sflag:s0] =	ssyncadd.s32 $0xFFFFC000  }
0x4a7: {  	_ =	swait.ge [sflag:s1], $0x4000  }
0x4a8: {  	s2 =	rddreg [dreg:$0x7]  }
0x4a9: {  	s31 =	rddreg [dreg:$0x6];
	s2 =	sadd.s32 $0x1, s2  }
0x4aa: {  	p0 =	sne.s32 s2, s31  }
.Ltmp6:
0x4ab: {  	_ = 	snop;
	(pc) =	sbr.rel @p0 .LBB2_1-.Ltmp6, $3  }
0x4ac: {  	_ =	sdelay $0x1  }
0x4ad: {  	[sflag:s1] =	ssyncset.done $0x0  }
0x4ae: {  	[sflag:s1] =	ssyncadd.s32 $0xFFFFC000  }
0x4af: {  	_ =	sfence.sel $0x180000  }
0x4b0: {  	[bflag:$0x0] =	sbarrier.arrive $0xFFFF  }
0x4b1: {  	_ =	strace $0x9000004A  }
0x4b2: {  	s0 =	stileid.u32;
	[bflag:$0x2] =	sbarrier.arrive $0xFFFF  }
0x4b3: {  	p0 =	sne.s32 s0, $0x0;
	s0 =	rddreg [dreg:$0x2]  }
0x4b4: {  	s0 =	sadd.s32 @!p0 $0x100000, s0  }
0x4b5: {  	[sflag:s0] =	ssyncadd.tile.s32 @!p0 $0x1;
	_ =	shalt  }
.Lfunc_end2:
_tile_overlayer_lowered:
.L_overlay_start_2:
0x4b6: {  	(tag) =	ssettag $0x2  }
0x4b7: {  	s0 =	rddreg [dreg:$0x0];
	s2 =	stileid.u32  }
0x4b8: {  	s1 =	rddreg [dreg:$0x1];
	p0 =	sne.s32 s2, $0x0  }
0x4b9: {  	s3 =	rddreg [dreg:$0x2];
	[bflag:$0x3] =	sbarrier.arrive $0xFFFF;
	s2 =	simm.s32 @!p0 $0x1C05  }
0x4ba: {  	[timem:s3], [sflag:s2] =	dma.local @!p0 [hbm:s0], s1  }
0x4bb: {  	s0 =	simm.s32 @!p0 $0x5  }
0x4bc: {  	_ =	swait.ge @!p0 [sflag:s0], s1  }
0x4bd: {  	s1 =	ssub.s32 @!p0 $0x0, s1;
	[sflag:s0] =	ssyncset.done @!p0 $0x0  }
0x4be: {  	[sflag:s0] =	ssyncadd.s32 @!p0 s1  }
0x4bf: {  	[bflag:$0x3] =	sbarrier.arrive $0xFFFF  }
0x4c0: {  	_ =	shalt  }

</sc_bundles>
